<compile_context>
chip_gen: v7x
topology: tpu7x:2x2x1
jax: 0.10.2.dev20260603
libtpu: 0.0.44.dev20260713+nightly
codegen_flags: <defaults>
</compile_context>

<pallas_src>
import functools

import jax
import jax.numpy as jnp
from jax import lax
from jax.experimental import pallas as pl
from jax.experimental.pallas import tpu as pltpu
from jax.experimental.pallas import tpu_sc as plsc

N = 10000
N_PAD = 10240
E = 160000
E_PAD = 163840
EROWS = E_PAD // 128
D_IN = 256
D_H = 512
D_OUT = 64

_MESH = plsc.VectorSubcoreMesh(core_axis_name="c", subcore_axis_name="s")
_CHUNK = N_PAD // 16



def _sc_degree(dst2d):
    rows_per_tile = EROWS // 32

    @functools.partial(
        pl.kernel,
        out_type=jax.ShapeDtypeStruct((2 * N_PAD, 128), jnp.float32),
        mesh=_MESH,
        scratch_types=[
            pltpu.VMEM((rows_per_tile, 128), jnp.int32),
            pltpu.VMEM((128, 128), jnp.float32),
            pltpu.VMEM((128, 128), jnp.float32),
            pltpu.VMEM_SHARED((N_PAD, 128), jnp.float32),
        ],
    )
    def k(dst_hbm, out_hbm, dstbuf, ones_v, zeros_v, acc):
        c = lax.axis_index("c")
        s = lax.axis_index("s")

        one = jnp.full((16,), 1.0, jnp.float32)
        zero = jnp.full((16,), 0.0, jnp.float32)

        @pl.loop(0, 128)
        def _(i):
            @pl.loop(0, 128, step=16)
            def _(j):
                ones_v[i, pl.ds(j, 16)] = one
                zeros_v[i, pl.ds(j, 16)] = zero

        @pl.loop(0, _CHUNK // 128)
        def _(j):
            pltpu.sync_copy(zeros_v, acc.at[pl.ds(s * _CHUNK + j * 128, 128)])
        plsc.subcore_barrier()

        row0 = (c * 16 + s) * rows_per_tile
        pltpu.sync_copy(dst_hbm.at[pl.ds(row0, rows_per_tile)], dstbuf)

        @pl.loop(0, rows_per_tile)
        def _(j):
            pltpu.sync_copy(ones_v, acc.at[dstbuf.at[j]], add=True)
        plsc.subcore_barrier()

        pltpu.sync_copy(acc.at[pl.ds(s * _CHUNK, _CHUNK)],
                        out_hbm.at[pl.ds(c * N_PAD + s * _CHUNK, _CHUNK)])

    return k(dst2d)


def _sc_propagate128(u_flat, src2d, dst2d, T):
    passes = T // 2
    rows_per_tile = EROWS // 16
    idx_rows = rows_per_tile // 2

    @functools.partial(
        pl.kernel,
        out_type=jax.ShapeDtypeStruct((T * N_PAD, 128), jnp.float32),
        mesh=_MESH,
        scratch_types=[
            pltpu.VMEM((idx_rows, 128), jnp.int32),
            pltpu.VMEM((idx_rows, 128), jnp.int32),
            pltpu.VMEM((128, 128), jnp.float32),
            pltpu.VMEM((128, 128), jnp.float32),
            pltpu.VMEM_SHARED((N_PAD, 128), jnp.float32),
            pltpu.SemaphoreType.DMA,
            pltpu.SemaphoreType.DMA,
        ],
    )
    def k(u_hbm, src_hbm, dst_hbm, out_hbm, srcbuf, dstbuf, rows0, rows1,
          acc, sem0, sem1):
        c = lax.axis_index("c")
        s = lax.axis_index("s")

        def gat(j, buf, sem):
            pltpu.async_copy(u_hbm.at[srcbuf.at[j]], buf, sem)

        def drain(buf, sem):
            pltpu.make_async_copy(u_hbm.at[srcbuf.at[0]], buf, sem).wait()

        def scat(j, buf):
            pltpu.sync_copy(buf, acc.at[dstbuf.at[j]], add=True)

        for t in range(passes):
            tile_id = c + 2 * t
            off = tile_id * N_PAD
            offv = jnp.full((16,), 0, jnp.int32) + off

            pltpu.sync_copy(u_hbm.at[pl.ds(off + s * _CHUNK, _CHUNK)],
                            acc.at[pl.ds(s * _CHUNK, _CHUNK)])
            plsc.subcore_barrier()

            for ci in range(rows_per_tile // idx_rows):
                erow0 = s * rows_per_tile + ci * idx_rows
                pltpu.sync_copy(src_hbm.at[pl.ds(erow0, idx_rows)], srcbuf)
                pltpu.sync_copy(dst_hbm.at[pl.ds(erow0, idx_rows)], dstbuf)

                @pl.loop(0, idx_rows)
                def _(r):
                    @pl.loop(0, 128, step=16)
                    def _(j):
                        srcbuf[r, pl.ds(j, 16)] = (
                            srcbuf[r, pl.ds(j, 16)] + offv)

                gat(0, rows0, sem0)

                @pl.loop(0, idx_rows - 2, step=2)
                def _(j):
                    gat(j + 1, rows1, sem1)
                    drain(rows0, sem0)
                    scat(j, rows0)
                    gat(j + 2, rows0, sem0)
                    drain(rows1, sem1)
                    scat(j + 1, rows1)

                gat(idx_rows - 1, rows1, sem1)
                drain(rows0, sem0)
                scat(idx_rows - 2, rows0)
                drain(rows1, sem1)
                scat(idx_rows - 1, rows1)
            plsc.subcore_barrier()

            pltpu.sync_copy(acc.at[pl.ds(s * _CHUNK, _CHUNK)],
                            out_hbm.at[pl.ds(off + s * _CHUNK, _CHUNK)])
            if t + 1 < passes:
                plsc.subcore_barrier()

    return k(u_flat, src2d, dst2d)


def _sc_propagate_l3(u3, src2d, dst2d):
    rows_per_tile = EROWS // 32

    @functools.partial(
        pl.kernel,
        out_type=jax.ShapeDtypeStruct((2 * N_PAD, 128), jnp.float32),
        mesh=_MESH,
        scratch_types=[
            pltpu.VMEM((rows_per_tile, 128), jnp.int32),
            pltpu.VMEM((rows_per_tile, 128), jnp.int32),
            pltpu.VMEM((128, 128), jnp.float32),
            pltpu.VMEM((128, 128), jnp.float32),
            pltpu.VMEM_SHARED((N_PAD, 128), jnp.float32),
            pltpu.SemaphoreType.DMA,
            pltpu.SemaphoreType.DMA,
        ],
    )
    def k(u_hbm, src_hbm, dst_hbm, out_hbm, srcbuf, dstbuf, rows0, rows1,
          acc, sem0, sem1):
        c = lax.axis_index("c")
        s = lax.axis_index("s")
        erow0 = (c * 16 + s) * rows_per_tile
        pltpu.sync_copy(src_hbm.at[pl.ds(erow0, rows_per_tile)], srcbuf)
        pltpu.sync_copy(dst_hbm.at[pl.ds(erow0, rows_per_tile)], dstbuf)
        pltpu.sync_copy(u_hbm.at[pl.ds(s * _CHUNK, _CHUNK)],
                        acc.at[pl.ds(s * _CHUNK, _CHUNK)])
        plsc.subcore_barrier()

        def gat(j, buf, sem):
            pltpu.async_copy(u_hbm.at[srcbuf.at[j]], buf, sem)

        def drain(buf, sem):
            pltpu.make_async_copy(u_hbm.at[srcbuf.at[0]], buf, sem).wait()

        def scat(j, buf):
            pltpu.sync_copy(buf, acc.at[dstbuf.at[j]], add=True)

        gat(0, rows0, sem0)

        @pl.loop(0, rows_per_tile - 2, step=2)
        def _(j):
            gat(j + 1, rows1, sem1)
            drain(rows0, sem0)
            scat(j, rows0)
            gat(j + 2, rows0, sem0)
            drain(rows1, sem1)
            scat(j + 1, rows1)

        gat(rows_per_tile - 1, rows1, sem1)
        drain(rows0, sem0)
        scat(rows_per_tile - 2, rows0)
        drain(rows1, sem1)
        scat(rows_per_tile - 1, rows1)
        plsc.subcore_barrier()

        pltpu.sync_copy(acc.at[pl.ds(s * _CHUNK, _CHUNK)],
                        out_hbm.at[pl.ds(c * N_PAD + s * _CHUNK, _CHUNK)])

    return k(u3, src2d, dst2d)



_BN = 512


def _tc_prescale(deg_parts, x_pad):
    grid = (N_PAD // _BN,)

    def body(deg_ref, x_ref, dinv_ref, u0_ref):
        deg = deg_ref[0, :, 0:1] + deg_ref[1, :, 0:1] + 1.0
        dinv = jnp.where(deg > 0, lax.rsqrt(deg), 0.0)
        dinv_ref[...] = dinv
        u = x_ref[...] * dinv
        u0_ref[0] = u[:, :128]
        u0_ref[1] = u[:, 128:]

    return pl.pallas_call(
        body,
        grid=grid,
        in_specs=[
            pl.BlockSpec((2, _BN, 128), lambda i: (0, i, 0)),
            pl.BlockSpec((_BN, D_IN), lambda i: (i, 0)),
        ],
        out_specs=[
            pl.BlockSpec((_BN, 1), lambda i: (i, 0)),
            pl.BlockSpec((2, _BN, 128), lambda i: (0, i, 0)),
        ],
        out_shape=[
            jax.ShapeDtypeStruct((N_PAD, 1), jnp.float32),
            jax.ShapeDtypeStruct((2, N_PAD, 128), jnp.float32),
        ],
    )(deg_parts, x_pad)


def _tc_layer12(acc0, dinv, W1, b1, W2):
    grid = (N_PAD // _BN,)

    def body(a_ref, dinv_ref, w1_ref, b1_ref, w2_ref, u2_ref):
        dinv = dinv_ref[...]
        v = jnp.concatenate([a_ref[0], a_ref[1]], axis=1) * dinv
        h1 = jnp.maximum(
            jnp.dot(v, w1_ref[...], preferred_element_type=jnp.float32)
            + b1_ref[...], 0.0)
        u2 = jnp.dot(h1, w2_ref[...], preferred_element_type=jnp.float32) * dinv
        for t in range(4):
            u2_ref[t] = u2[:, t * 128:(t + 1) * 128]

    return pl.pallas_call(
        body,
        grid=grid,
        in_specs=[
            pl.BlockSpec((2, _BN, 128), lambda i: (0, i, 0)),
            pl.BlockSpec((_BN, 1), lambda i: (i, 0)),
            pl.BlockSpec((D_IN, D_H), lambda i: (0, 0)),
            pl.BlockSpec((1, D_H), lambda i: (0, 0)),
            pl.BlockSpec((D_H, D_H), lambda i: (0, 0)),
        ],
        out_specs=pl.BlockSpec((4, _BN, 128), lambda i: (0, i, 0)),
        out_shape=jax.ShapeDtypeStruct((4, N_PAD, 128), jnp.float32),
    )(acc0, dinv, W1, b1, W2)


def _tc_layer3(acc2, dinv, b2, W3):
    grid = (N_PAD // _BN,)

    def body(a_ref, dinv_ref, b2_ref, w3_ref, u3_ref):
        dinv = dinv_ref[...]
        v = jnp.concatenate([a_ref[0], a_ref[1], a_ref[2], a_ref[3]], axis=1)
        h2 = jnp.maximum(v * dinv + b2_ref[...], 0.0)
        z = jnp.dot(h2, w3_ref[...], preferred_element_type=jnp.float32) * dinv
        u3_ref[...] = jnp.concatenate([z, jnp.zeros_like(z)], axis=1)

    return pl.pallas_call(
        body,
        grid=grid,
        in_specs=[
            pl.BlockSpec((4, _BN, 128), lambda i: (0, i, 0)),
            pl.BlockSpec((_BN, 1), lambda i: (i, 0)),
            pl.BlockSpec((1, D_H), lambda i: (0, 0)),
            pl.BlockSpec((D_H, D_OUT), lambda i: (0, 0)),
        ],
        out_specs=pl.BlockSpec((_BN, 128), lambda i: (i, 0)),
        out_shape=jax.ShapeDtypeStruct((N_PAD, 128), jnp.float32),
    )(acc2, dinv, b2, W3)


def _tc_final(acc3, u3, dinv, b3):
    grid = (N_PAD // _BN,)

    def body(a_ref, u3_ref, dinv_ref, b3_ref, o_ref):
        v = (a_ref[0] + a_ref[1] - u3_ref[...])[:, :D_OUT]
        s = dinv_ref[...] * v + b3_ref[...]
        m = jnp.max(s, axis=1, keepdims=True)
        e = jnp.exp(s - m)
        lse = jnp.log(jnp.sum(e, axis=1, keepdims=True))
        o_ref[...] = s - m - lse

    return pl.pallas_call(
        body,
        grid=grid,
        in_specs=[
            pl.BlockSpec((2, _BN, 128), lambda i: (0, i, 0)),
            pl.BlockSpec((_BN, 128), lambda i: (i, 0)),
            pl.BlockSpec((_BN, 1), lambda i: (i, 0)),
            pl.BlockSpec((1, D_OUT), lambda i: (0, 0)),
        ],
        out_specs=pl.BlockSpec((_BN, D_OUT), lambda i: (i, 0)),
        out_shape=jax.ShapeDtypeStruct((N_PAD, D_OUT), jnp.float32),
    )(acc3, u3, dinv, b3)



def kernel(x, edge_index, W1, b1, W2, b2, W3, b3):
    x_pad = jnp.pad(x, ((0, N_PAD - N), (0, 0)))
    pad_e = jnp.full((E_PAD - E,), N, jnp.int32)
    src2d = jnp.concatenate([edge_index[0], pad_e]).reshape(EROWS, 128)
    dst2d = jnp.concatenate([edge_index[1], pad_e]).reshape(EROWS, 128)
    b1r = b1.reshape(1, D_H)
    b2r = b2.reshape(1, D_H)
    b3r = b3.reshape(1, D_OUT)

    deg_parts = _sc_degree(dst2d).reshape(2, N_PAD, 128)
    dinv, u0 = _tc_prescale(deg_parts, x_pad)

    acc0 = _sc_propagate128(u0.reshape(2 * N_PAD, 128), src2d, dst2d, T=2)
    u2 = _tc_layer12(acc0.reshape(2, N_PAD, 128), dinv, W1, b1r, W2)

    acc2 = _sc_propagate128(u2.reshape(4 * N_PAD, 128), src2d, dst2d, T=4)
    u3 = _tc_layer3(acc2.reshape(4, N_PAD, 128), dinv, b2r, W3)

    acc3 = _sc_propagate_l3(u3, src2d, dst2d)
    out = _tc_final(acc3.reshape(2, N_PAD, 128), u3, dinv, b3r)
    return out[:N]

# --- scband reference (transcript-rebuilt; emitter-appended) ---
"""Pipeline reference for scband-building-gnnwrapper-41918880809417 (READ-ONLY COPY).

The authoritative reference and input builder live on the scoring server;
editing this copy changes nothing except your own understanding.
"""

import jax, jax.numpy as jnp
import numpy as np

N = 10000
E = 160000
D_IN = 256
D_H = 512
D_OUT = 64


def setup_inputs(seed: int = 0) -> dict:
    key = jax.random.key(seed)
    ks = jax.random.split(key, 9)
    x = jax.random.normal(ks[0], (N, D_IN), dtype=jnp.float32)
    edge_index = jax.random.randint(ks[1], (2, E), 0, N, dtype=jnp.int32)
    W1 = jax.random.normal(ks[2], (D_IN, D_H), dtype=jnp.float32) * (1.0 / np.sqrt(D_IN))
    b1 = jnp.zeros((D_H,), dtype=jnp.float32)
    W2 = jax.random.normal(ks[3], (D_H, D_H), dtype=jnp.float32) * (1.0 / np.sqrt(D_H))
    b2 = jnp.zeros((D_H,), dtype=jnp.float32)
    W3 = jax.random.normal(ks[4], (D_H, D_OUT), dtype=jnp.float32) * (1.0 / np.sqrt(D_H))
    b3 = jnp.zeros((D_OUT,), dtype=jnp.float32)
    return {"x": x, "edge_index": edge_index, "W1": W1, "b1": b1, "W2": W2, "b2": b2, "W3": W3, "b3": b3}


def _gcn_layer(x, src, dst, W, b):
    # GCNConv with self-loops and symmetric normalization (PyG defaults)
    n = x.shape[0]
    loop = jnp.arange(n, dtype=src.dtype)
    s = jnp.concatenate([src, loop])
    d = jnp.concatenate([dst, loop])
    ones = jnp.ones(s.shape[0], dtype=x.dtype)
    deg = jax.ops.segment_sum(ones, d, num_segments=n)
    dinv = jnp.where(deg > 0, 1.0 / jnp.sqrt(deg), 0.0)
    norm = dinv[s] * dinv[d]
    xw = x @ W
    msg = xw[s] * norm[:, None]
    out = jax.ops.segment_sum(msg, d, num_segments=n)
    return out + b


def reference(x, edge_index, W1, b1, W2, b2, W3, b3):
    src = edge_index[0]
    dst = edge_index[1]
    h = _gcn_layer(x, src, dst, W1, b1)
    h = jax.nn.relu(h)
    # dropout is identity in eval mode (GNNExplainer usage)
    h = _gcn_layer(h, src, dst, W2, b2)
    h = jax.nn.relu(h)
    h = _gcn_layer(h, src, dst, W3, b3)
    return jax.nn.log_softmax(h, axis=1)

if __name__ == "__main__":
    import jax
    _d = setup_inputs()
    print(jax.jit(kernel)(*tuple(_d.values())))

</pallas_src>

<mosaic_0001>
#map = affine_map<(d0, d1) -> (0, 0)>
module attributes {stable_mosaic.version = 14 : i64} {
  func.func @k(%arg0: i32, %arg1: i32, %arg2: memref<1280x128xi32, #tpu.memory_space<hbm>>, %arg3: memref<20480x128xf32, #tpu.memory_space<hbm>>, %arg4: memref<40x128xi32, #tpu.memory_space<vmem>>, %arg5: memref<128x128xf32, #tpu.memory_space<vmem>>, %arg6: memref<128x128xf32, #tpu.memory_space<vmem>>, %arg7: memref<10240x128xf32, #tpu.memory_space<vmem_shared>>) attributes {dimension_semantics = [#tpu.dimension_semantics<core_parallel>, #tpu.dimension_semantics<subcore_parallel>], iteration_bounds = array<i64: 2, 16>, scalar_prefetch = 0 : i64, scratch_operands = 4 : i64, tpu.core_type = #tpu.core_type<sc_vector_subcore>, window_params = [{transform_indices = #map}, {transform_indices = #map}]} {
    %broadcast_in_dim3A = arith.constant 1.000000e+00 : f32
    %broadcast_in_dim3A_0 = vector.broadcast %broadcast_in_dim3A : f32 to vector<16xf32>
    %broadcast_in_dim3A_1 = arith.constant 0.000000e+00 : f32
    %broadcast_in_dim3A_2 = vector.broadcast %broadcast_in_dim3A_1 : f32 to vector<16xf32>
    %scan3A = arith.constant 0 : i32
    %scan3A_3 = arith.constant 128 : i32
    %scan3A_4 = arith.addi %scan3A, %scan3A_3 : i32
    %scan3A_5 = arith.constant 1 : i32
    scf.for %scan3A_28 = %scan3A to %scan3A_4 step %scan3A_5  : i32 {
      %mul3A_29 = arith.constant 1 : i32
      %mul3A_30 = arith.muli %scan3A_28, %mul3A_29 : i32
      %add3A_31 = arith.constant 0 : i32
      %add3A_32 = arith.addi %add3A_31, %mul3A_30 : i32
      %scan3A_33 = arith.constant 0 : i32
      %scan3A_34 = arith.constant 8 : i32
      %scan3A_35 = arith.addi %scan3A_33, %scan3A_34 : i32
      %scan3A_36 = arith.constant 1 : i32
      scf.for %scan3A_38 = %scan3A_33 to %scan3A_35 step %scan3A_36  : i32 {
        %mul3A_39 = arith.constant 16 : i32
        %mul3A_40 = arith.muli %scan3A_38, %mul3A_39 : i32
        %add3A_41 = arith.constant 0 : i32
        %add3A_42 = arith.addi %add3A_41, %mul3A_40 : i32
        %swap3A = arith.index_cast %add3A_32 : i32 to index
        %swap3A_43 = arith.index_cast %add3A_42 : i32 to index
        %swap3A_44 = tpu.vector_load %arg5[%swap3A, %swap3A_43] {strides = array<i32>} : memref<128x128xf32, #tpu.memory_space<vmem>>, vector<1x16xf32>,
        %swap3A_45 = vector.shape_cast %swap3A_44 : vector<1x16xf32> to vector<16xf32>
        %swap3A_46 = vector.shape_cast %broadcast_in_dim3A_0 : vector<16xf32> to vector<1x16xf32>
        tpu.vector_store %arg5[%swap3A, %swap3A_43], %swap3A_46 {strides = array<i32>} : memref<128x128xf32, #tpu.memory_space<vmem>>, vector<1x16xf32>,
        %swap3A_47 = arith.index_cast %add3A_32 : i32 to index
        %swap3A_48 = arith.index_cast %add3A_42 : i32 to index
        %swap3A_49 = tpu.vector_load %arg6[%swap3A_47, %swap3A_48] {strides = array<i32>} : memref<128x128xf32, #tpu.memory_space<vmem>>, vector<1x16xf32>,
        %swap3A_50 = vector.shape_cast %swap3A_49 : vector<1x16xf32> to vector<16xf32>
        %swap3A_51 = vector.shape_cast %broadcast_in_dim3A_2 : vector<16xf32> to vector<1x16xf32>
        tpu.vector_store %arg6[%swap3A_47, %swap3A_48], %swap3A_51 {strides = array<i32>} : memref<128x128xf32, #tpu.memory_space<vmem>>, vector<1x16xf32>,
      }
      %scan3A_37 = arith.constant 8 : i32
    }
    %scan3A_6 = arith.constant 128 : i32
    %scan3A_7 = arith.constant 0 : i32
    %scan3A_8 = arith.constant 5 : i32
    %scan3A_9 = arith.addi %scan3A_7, %scan3A_8 : i32
    %scan3A_10 = arith.constant 1 : i32
    scf.for %scan3A_28 = %scan3A_7 to %scan3A_9 step %scan3A_10  : i32 {
      %mul3A_29 = arith.constant 1 : i32
      %mul3A_30 = arith.muli %scan3A_28, %mul3A_29 : i32
      %add3A_31 = arith.constant 0 : i32
      %add3A_32 = arith.addi %add3A_31, %mul3A_30 : i32
      %mul3A_33 = arith.constant 640 : i32
      %mul3A_34 = arith.muli %arg1, %mul3A_33 : i32
      %mul3A_35 = arith.constant 128 : i32
      %mul3A_36 = arith.muli %add3A_32, %mul3A_35 : i32
      %add3A_37 = arith.addi %mul3A_34, %mul3A_36 : i32
      "tpu.region"() ({
        %run_scoped3A = tpu.sem_alloc : memref<!tpu.dma_semaphore, #tpu.memory_space<semaphore_mem>>
        %dma_start3A = arith.constant 0 : i32
        %dma_start3A_38 = tpu.memref_slice %arg7[%add3A_37, %dma_start3A] : memref<10240x128xf32, #tpu.memory_space<vmem_shared>> -> memref<128x128xf32, #tpu.memory_space<vmem_shared>>
        %dma_start3A_39 = arith.constant 0 : i32
        %dma_start3A_40 = tpu.memref_slice %arg7[%add3A_37, %dma_start3A_39] : memref<10240x128xf32, #tpu.memory_space<vmem_shared>> -> memref<128x128xf32, #tpu.memory_space<vmem_shared>>
        tpu.enqueue_dma source(%arg6 : memref<128x128xf32, #tpu.memory_space<vmem>>) target(%dma_start3A_40 : memref<128x128xf32, #tpu.memory_space<vmem_shared>>) target_semaphore(%run_scoped3A : memref<!tpu.dma_semaphore, #tpu.memory_space<semaphore_mem>>)
        %dma_wait3A = arith.constant 0 : i32
        %dma_wait3A_41 = tpu.memref_slice %arg7[%add3A_37, %dma_wait3A] : memref<10240x128xf32, #tpu.memory_space<vmem_shared>> -> memref<128x128xf32, #tpu.memory_space<vmem_shared>>
        %dma_wait3A_42 = arith.constant 0 : i32
        %dma_wait3A_43 = tpu.memref_slice %arg7[%add3A_37, %dma_wait3A_42] : memref<10240x128xf32, #tpu.memory_space<vmem_shared>> -> memref<128x128xf32, #tpu.memory_space<vmem_shared>>
        tpu.wait_dma2 semaphore(%run_scoped3A : memref<!tpu.dma_semaphore, #tpu.memory_space<semaphore_mem>>) src(%arg6 : memref<128x128xf32, #tpu.memory_space<vmem>>) dst(%dma_wait3A_43 : memref<128x128xf32, #tpu.memory_space<vmem_shared>>)
        tpu.yield
      }) : () -> ()
    }
    %scan3A_11 = arith.constant 5 : i32
    %barrier3A = arith.constant 0 : index
    tpu.barrier barrier_id(%barrier3A)
    %mul3A = arith.constant 16 : i32
    %mul3A_12 = arith.muli %arg0, %mul3A : i32
    %add3A = arith.addi %mul3A_12, %arg1 : i32
    %mul3A_13 = arith.constant 40 : i32
    %mul3A_14 = arith.muli %add3A, %mul3A_13 : i32
    "tpu.region"() ({
      %run_scoped3A = tpu.sem_alloc : memref<!tpu.dma_semaphore, #tpu.memory_space<semaphore_mem>>
      %dma_start3A = arith.constant 0 : i32
      %dma_start3A_28 = tpu.memref_slice %arg2[%mul3A_14, %dma_start3A] : memref<1280x128xi32, #tpu.memory_space<hbm>> -> memref<40x128xi32, #tpu.memory_space<hbm>>
      %dma_start3A_29 = arith.constant 0 : i32
      %dma_start3A_30 = tpu.memref_slice %arg2[%mul3A_14, %dma_start3A_29] : memref<1280x128xi32, #tpu.memory_space<hbm>> -> memref<40x128xi32, #tpu.memory_space<hbm>>
      tpu.enqueue_dma source(%dma_start3A_30 : memref<40x128xi32, #tpu.memory_space<hbm>>) target(%arg4 : memref<40x128xi32, #tpu.memory_space<vmem>>) target_semaphore(%run_scoped3A : memref<!tpu.dma_semaphore, #tpu.memory_space<semaphore_mem>>)
      %dma_wait3A = arith.constant 0 : i32
      %dma_wait3A_31 = tpu.memref_slice %arg2[%mul3A_14, %dma_wait3A] : memref<1280x128xi32, #tpu.memory_space<hbm>> -> memref<40x128xi32, #tpu.memory_space<hbm>>
      %dma_wait3A_32 = arith.constant 0 : i32
      %dma_wait3A_33 = tpu.memref_slice %arg2[%mul3A_14, %dma_wait3A_32] : memref<1280x128xi32, #tpu.memory_space<hbm>> -> memref<40x128xi32, #tpu.memory_space<hbm>>
      tpu.wait_dma2 semaphore(%run_scoped3A : memref<!tpu.dma_semaphore, #tpu.memory_space<semaphore_mem>>) src(%dma_wait3A_33 : memref<40x128xi32, #tpu.memory_space<hbm>>) dst(%arg4 : memref<40x128xi32, #tpu.memory_space<vmem>>)
      tpu.yield
    }) : () -> ()
    %scan3A_15 = arith.constant 0 : i32
    %scan3A_16 = arith.constant 40 : i32
    %scan3A_17 = arith.addi %scan3A_15, %scan3A_16 : i32
    %scan3A_18 = arith.constant 1 : i32
    scf.for %scan3A_28 = %scan3A_15 to %scan3A_17 step %scan3A_18  : i32 {
      %mul3A_29 = arith.constant 1 : i32
      %mul3A_30 = arith.muli %scan3A_28, %mul3A_29 : i32
      %add3A_31 = arith.constant 0 : i32
      %add3A_32 = arith.addi %add3A_31, %mul3A_30 : i32
      "tpu.region"() ({
        %run_scoped3A = tpu.sem_alloc : memref<!tpu.dma_semaphore, #tpu.memory_space<semaphore_mem>>
        %dma_start3A = arith.constant 0 : i32
        %dma_start3A_33 = tpu.memref_slice %arg4[%add3A_32, %dma_start3A] : memref<40x128xi32, #tpu.memory_space<vmem>> -> memref<1x128xi32, #tpu.memory_space<vmem>>
        %dma_start3A_34 = tpu.memref_squeeze %dma_start3A_33 : memref<1x128xi32, #tpu.memory_space<vmem>> -> memref<128xi32, #tpu.memory_space<vmem>>
        %dma_start3A_35 = arith.constant 0 : i32
        %dma_start3A_36 = arith.constant 0 : i32
        %dma_start3A_37 = tpu.memref_slice %arg7[%dma_start3A_35, %dma_start3A_36] : memref<10240x128xf32, #tpu.memory_space<vmem_shared>> -> memref<10240x128xf32, #tpu.memory_space<vmem_shared>>
        tpu.enqueue_indirect_dma source(%arg5 : memref<128x128xf32, #tpu.memory_space<vmem>>) target(%dma_start3A_37 : memref<10240x128xf32, #tpu.memory_space<vmem_shared>>) offsets(%dma_start3A_34 : memref<128xi32, #tpu.memory_space<vmem>>) semaphore(%run_scoped3A : memref<!tpu.dma_semaphore, #tpu.memory_space<semaphore_mem>>) {add = true}
        %dma_wait3A = arith.constant 0 : i32
        %dma_wait3A_38 = tpu.memref_slice %arg4[%add3A_32, %dma_wait3A] : memref<40x128xi32, #tpu.memory_space<vmem>> -> memref<1x128xi32, #tpu.memory_space<vmem>>
        %dma_wait3A_39 = tpu.memref_squeeze %dma_wait3A_38 : memref<1x128xi32, #tpu.memory_space<vmem>> -> memref<128xi32, #tpu.memory_space<vmem>>
        %dma_wait3A_40 = arith.constant 0 : i32
        %dma_wait3A_41 = arith.constant 0 : i32
        %dma_wait3A_42 = tpu.memref_slice %arg7[%dma_wait3A_40, %dma_wait3A_41] : memref<10240x128xf32, #tpu.memory_space<vmem_shared>> -> memref<10240x128xf32, #tpu.memory_space<vmem_shared>>
        tpu.wait_indirect_dma semaphore(%run_scoped3A : memref<!tpu.dma_semaphore, #tpu.memory_space<semaphore_mem>>) src(%arg5 : memref<128x128xf32, #tpu.memory_space<vmem>>) dst(%dma_wait3A_42 : memref<10240x128xf32, #tpu.memory_space<vmem_shared>>)
        tpu.yield
      }) : () -> ()
    }
    %scan3A_19 = arith.constant 40 : i32
    %barrier3A_20 = arith.constant 0 : index
    tpu.barrier barrier_id(%barrier3A_20)
    %mul3A_21 = arith.constant 640 : i32
    %mul3A_22 = arith.muli %arg1, %mul3A_21 : i32
    %mul3A_23 = arith.constant 10240 : i32
    %mul3A_24 = arith.muli %arg0, %mul3A_23 : i32
    %mul3A_25 = arith.constant 640 : i32
    %mul3A_26 = arith.muli %arg1, %mul3A_25 : i32
    %add3A_27 = arith.addi %mul3A_24, %mul3A_26 : i32
    "tpu.region"() ({
      %run_scoped3A = tpu.sem_alloc : memref<!tpu.dma_semaphore, #tpu.memory_space<semaphore_mem>>
      %dma_start3A = arith.constant 0 : i32
      %dma_start3A_28 = tpu.memref_slice %arg3[%add3A_27, %dma_start3A] : memref<20480x128xf32, #tpu.memory_space<hbm>> -> memref<640x128xf32, #tpu.memory_space<hbm>>
      %dma_start3A_29 = arith.constant 0 : i32
      %dma_start3A_30 = tpu.memref_slice %arg7[%mul3A_22, %dma_start3A_29] : memref<10240x128xf32, #tpu.memory_space<vmem_shared>> -> memref<640x128xf32, #tpu.memory_space<vmem_shared>>
      tpu.enqueue_dma source(%dma_start3A_30 : memref<640x128xf32, #tpu.memory_space<vmem_shared>>) target(%dma_start3A_28 : memref<640x128xf32, #tpu.memory_space<hbm>>) target_semaphore(%run_scoped3A : memref<!tpu.dma_semaphore, #tpu.memory_space<semaphore_mem>>)
      %dma_wait3A = arith.constant 0 : i32
      %dma_wait3A_31 = tpu.memref_slice %arg3[%add3A_27, %dma_wait3A] : memref<20480x128xf32, #tpu.memory_space<hbm>> -> memref<640x128xf32, #tpu.memory_space<hbm>>
      %dma_wait3A_32 = arith.constant 0 : i32
      %dma_wait3A_33 = tpu.memref_slice %arg7[%mul3A_22, %dma_wait3A_32] : memref<10240x128xf32, #tpu.memory_space<vmem_shared>> -> memref<640x128xf32, #tpu.memory_space<vmem_shared>>
      tpu.wait_dma2 semaphore(%run_scoped3A : memref<!tpu.dma_semaphore, #tpu.memory_space<semaphore_mem>>) src(%dma_wait3A_33 : memref<640x128xf32, #tpu.memory_space<vmem_shared>>) dst(%dma_wait3A_31 : memref<640x128xf32, #tpu.memory_space<hbm>>)
      tpu.yield
    }) : () -> ()
    return
  }
}

#map = affine_map<(d0, d1) -> (0, 0)>
module attributes {stable_mosaic.version = 14 : i64} {
  func.func @k(%arg0: i32, %arg1: i32, %arg2: memref<40960x128xf32, #tpu.memory_space<hbm>>, %arg3: memref<1280x128xi32, #tpu.memory_space<hbm>>, %arg4: memref<1280x128xi32, #tpu.memory_space<hbm>>, %arg5: memref<40960x128xf32, #tpu.memory_space<hbm>>, %arg6: memref<40x128xi32, #tpu.memory_space<vmem>>, %arg7: memref<40x128xi32, #tpu.memory_space<vmem>>, %arg8: memref<128x128xf32, #tpu.memory_space<vmem>>, %arg9: memref<128x128xf32, #tpu.memory_space<vmem>>, %arg10: memref<10240x128xf32, #tpu.memory_space<vmem_shared>>, %arg11: memref<!tpu.dma_semaphore, #tpu.memory_space<semaphore_mem>>, %arg12: memref<!tpu.dma_semaphore, #tpu.memory_space<semaphore_mem>>) attributes {dimension_semantics = [#tpu.dimension_semantics<core_parallel>, #tpu.dimension_semantics<subcore_parallel>], iteration_bounds = array<i64: 2, 16>, scalar_prefetch = 0 : i64, scratch_operands = 7 : i64, tpu.core_type = #tpu.core_type<sc_vector_subcore>, window_params = [{transform_indices = #map}, {transform_indices = #map}, {transform_indices = #map}, {transform_indices = #map}]} {
    %add3A = arith.constant 0 : i32
    %add3A_0 = arith.addi %arg0, %add3A : i32
    %mul3A = arith.constant 10240 : i32
    %mul3A_1 = arith.muli %add3A_0, %mul3A : i32
    %broadcast_in_dim3A = arith.constant 0 : i32
    %broadcast_in_dim3A_2 = vector.broadcast %broadcast_in_dim3A : i32 to vector<16xi32>
    %add3A_3 = vector.broadcast %mul3A_1 : i32 to vector<16xi32>
    %add3A_4 = arith.addi %broadcast_in_dim3A_2, %add3A_3 : vector<16xi32>
    %mul3A_5 = arith.constant 640 : i32
    %mul3A_6 = arith.muli %arg1, %mul3A_5 : i32
    %add3A_7 = arith.addi %mul3A_1, %mul3A_6 : i32
    %mul3A_8 = arith.constant 640 : i32
    %mul3A_9 = arith.muli %arg1, %mul3A_8 : i32
    "tpu.region"() ({
      %run_scoped3A_209 = tpu.sem_alloc : memref<!tpu.dma_semaphore, #tpu.memory_space<semaphore_mem>>
      %dma_start3A_210 = arith.constant 0 : i32
      %dma_start3A_211 = tpu.memref_slice %arg10[%mul3A_9, %dma_start3A_210] : memref<10240x128xf32, #tpu.memory_space<vmem_shared>> -> memref<640x128xf32, #tpu.memory_space<vmem_shared>>
      %dma_start3A_212 = arith.constant 0 : i32
      %dma_start3A_213 = tpu.memref_slice %arg2[%add3A_7, %dma_start3A_212] : memref<40960x128xf32, #tpu.memory_space<hbm>> -> memref<640x128xf32, #tpu.memory_space<hbm>>
      tpu.enqueue_dma source(%dma_start3A_213 : memref<640x128xf32, #tpu.memory_space<hbm>>) target(%dma_start3A_211 : memref<640x128xf32, #tpu.memory_space<vmem_shared>>) target_semaphore(%run_scoped3A_209 : memref<!tpu.dma_semaphore, #tpu.memory_space<semaphore_mem>>)
      %dma_wait3A_214 = arith.constant 0 : i32
      %dma_wait3A_215 = tpu.memref_slice %arg10[%mul3A_9, %dma_wait3A_214] : memref<10240x128xf32, #tpu.memory_space<vmem_shared>> -> memref<640x128xf32, #tpu.memory_space<vmem_shared>>
      %dma_wait3A_216 = arith.constant 0 : i32
      %dma_wait3A_217 = tpu.memref_slice %arg2[%add3A_7, %dma_wait3A_216] : memref<40960x128xf32, #tpu.memory_space<hbm>> -> memref<640x128xf32, #tpu.memory_space<hbm>>
      tpu.wait_dma2 semaphore(%run_scoped3A_209 : memref<!tpu.dma_semaphore, #tpu.memory_space<semaphore_mem>>) src(%dma_wait3A_217 : memref<640x128xf32, #tpu.memory_space<hbm>>) dst(%dma_wait3A_215 : memref<640x128xf32, #tpu.memory_space<vmem_shared>>)
      tpu.yield
    }) : () -> ()
    %barrier3A = arith.constant 0 : index
    tpu.barrier barrier_id(%barrier3A)
    %mul3A_10 = arith.constant 80 : i32
    %mul3A_11 = arith.muli %arg1, %mul3A_10 : i32
    %add3A_12 = arith.constant 0 : i32
    %add3A_13 = arith.addi %mul3A_11, %add3A_12 : i32
    "tpu.region"() ({
      %run_scoped3A_209 = tpu.sem_alloc : memref<!tpu.dma_semaphore, #tpu.memory_space<semaphore_mem>>
      %dma_start3A_210 = arith.constant 0 : i32
      %dma_start3A_211 = tpu.memref_slice %arg3[%add3A_13, %dma_start3A_210] : memref<1280x128xi32, #tpu.memory_space<hbm>> -> memref<40x128xi32, #tpu.memory_space<hbm>>
      %dma_start3A_212 = arith.constant 0 : i32
      %dma_start3A_213 = tpu.memref_slice %arg3[%add3A_13, %dma_start3A_212] : memref<1280x128xi32, #tpu.memory_space<hbm>> -> memref<40x128xi32, #tpu.memory_space<hbm>>
      tpu.enqueue_dma source(%dma_start3A_213 : memref<40x128xi32, #tpu.memory_space<hbm>>) target(%arg6 : memref<40x128xi32, #tpu.memory_space<vmem>>) target_semaphore(%run_scoped3A_209 : memref<!tpu.dma_semaphore, #tpu.memory_space<semaphore_mem>>)
      %dma_wait3A_214 = arith.constant 0 : i32
      %dma_wait3A_215 = tpu.memref_slice %arg3[%add3A_13, %dma_wait3A_214] : memref<1280x128xi32, #tpu.memory_space<hbm>> -> memref<40x128xi32, #tpu.memory_space<hbm>>
      %dma_wait3A_216 = arith.constant 0 : i32
      %dma_wait3A_217 = tpu.memref_slice %arg3[%add3A_13, %dma_wait3A_216] : memref<1280x128xi32, #tpu.memory_space<hbm>> -> memref<40x128xi32, #tpu.memory_space<hbm>>
      tpu.wait_dma2 semaphore(%run_scoped3A_209 : memref<!tpu.dma_semaphore, #tpu.memory_space<semaphore_mem>>) src(%dma_wait3A_217 : memref<40x128xi32, #tpu.memory_space<hbm>>) dst(%arg6 : memref<40x128xi32, #tpu.memory_space<vmem>>)
      tpu.yield
    }) : () -> ()
    "tpu.region"() ({
      %run_scoped3A_209 = tpu.sem_alloc : memref<!tpu.dma_semaphore, #tpu.memory_space<semaphore_mem>>
      %dma_start3A_210 = arith.constant 0 : i32
      %dma_start3A_211 = tpu.memref_slice %arg4[%add3A_13, %dma_start3A_210] : memref<1280x128xi32, #tpu.memory_space<hbm>> -> memref<40x128xi32, #tpu.memory_space<hbm>>
      %dma_start3A_212 = arith.constant 0 : i32
      %dma_start3A_213 = tpu.memref_slice %arg4[%add3A_13, %dma_start3A_212] : memref<1280x128xi32, #tpu.memory_space<hbm>> -> memref<40x128xi32, #tpu.memory_space<hbm>>
      tpu.enqueue_dma source(%dma_start3A_213 : memref<40x128xi32, #tpu.memory_space<hbm>>) target(%arg7 : memref<40x128xi32, #tpu.memory_space<vmem>>) target_semaphore(%run_scoped3A_209 : memref<!tpu.dma_semaphore, #tpu.memory_space<semaphore_mem>>)
      %dma_wait3A_214 = arith.constant 0 : i32
      %dma_wait3A_215 = tpu.memref_slice %arg4[%add3A_13, %dma_wait3A_214] : memref<1280x128xi32, #tpu.memory_space<hbm>> -> memref<40x128xi32, #tpu.memory_space<hbm>>
      %dma_wait3A_216 = arith.constant 0 : i32
      %dma_wait3A_217 = tpu.memref_slice %arg4[%add3A_13, %dma_wait3A_216] : memref<1280x128xi32, #tpu.memory_space<hbm>> -> memref<40x128xi32, #tpu.memory_space<hbm>>
      tpu.wait_dma2 semaphore(%run_scoped3A_209 : memref<!tpu.dma_semaphore, #tpu.memory_space<semaphore_mem>>) src(%dma_wait3A_217 : memref<40x128xi32, #tpu.memory_space<hbm>>) dst(%arg7 : memref<40x128xi32, #tpu.memory_space<vmem>>)
      tpu.yield
    }) : () -> ()
    %scan3A = arith.constant 0 : i32
    %scan3A_14 = arith.constant 40 : i32
    %scan3A_15 = arith.addi %scan3A, %scan3A_14 : i32
    %scan3A_16 = arith.constant 1 : i32
    scf.for %scan3A_209 = %scan3A to %scan3A_15 step %scan3A_16  : i32 {
      %mul3A_210 = arith.constant 1 : i32
      %mul3A_211 = arith.muli %scan3A_209, %mul3A_210 : i32
      %add3A_212 = arith.constant 0 : i32
      %add3A_213 = arith.addi %add3A_212, %mul3A_211 : i32
      %scan3A_214 = arith.constant 0 : i32
      %scan3A_215 = arith.constant 8 : i32
      %scan3A_216 = arith.addi %scan3A_214, %scan3A_215 : i32
      %scan3A_217 = arith.constant 1 : i32
      scf.for %scan3A_219 = %scan3A_214 to %scan3A_216 step %scan3A_217  : i32 {
        %mul3A_220 = arith.constant 16 : i32
        %mul3A_221 = arith.muli %scan3A_219, %mul3A_220 : i32
        %add3A_222 = arith.constant 0 : i32
        %add3A_223 = arith.addi %add3A_222, %mul3A_221 : i32
        %get3A = arith.index_cast %add3A_213 : i32 to index
        %get3A_224 = arith.index_cast %add3A_223 : i32 to index
        %get3A_225 = tpu.vector_load %arg6[%get3A, %get3A_224] {strides = array<i32>} : memref<40x128xi32, #tpu.memory_space<vmem>>, vector<1x16xi32>,
        %get3A_226 = vector.shape_cast %get3A_225 : vector<1x16xi32> to vector<16xi32>
        %add3A_227 = arith.addi %get3A_226, %add3A_4 : vector<16xi32>
        %swap3A = arith.index_cast %add3A_213 : i32 to index
        %swap3A_228 = arith.index_cast %add3A_223 : i32 to index
        %swap3A_229 = tpu.vector_load %arg6[%swap3A, %swap3A_228] {strides = array<i32>} : memref<40x128xi32, #tpu.memory_space<vmem>>, vector<1x16xi32>,
        %swap3A_230 = vector.shape_cast %swap3A_229 : vector<1x16xi32> to vector<16xi32>
        %swap3A_231 = vector.shape_cast %add3A_227 : vector<16xi32> to vector<1x16xi32>
        tpu.vector_store %arg6[%swap3A, %swap3A_228], %swap3A_231 {strides = array<i32>} : memref<40x128xi32, #tpu.memory_space<vmem>>, vector<1x16xi32>,
      }
      %scan3A_218 = arith.constant 8 : i32
    }
    %scan3A_17 = arith.constant 40 : i32
    %dma_start3A = arith.constant 0 : i32
    %dma_start3A_18 = arith.constant 0 : i32
    %dma_start3A_19 = tpu.memref_slice %arg6[%dma_start3A, %dma_start3A_18] : memref<40x128xi32, #tpu.memory_space<vmem>> -> memref<1x128xi32, #tpu.memory_space<vmem>>
    %dma_start3A_20 = tpu.memref_squeeze %dma_start3A_19 : memref<1x128xi32, #tpu.memory_space<vmem>> -> memref<128xi32, #tpu.memory_space<vmem>>
    %dma_start3A_21 = arith.constant 0 : i32
    %dma_start3A_22 = arith.constant 0 : i32
    %dma_start3A_23 = tpu.memref_slice %arg2[%dma_start3A_21, %dma_start3A_22] : memref<40960x128xf32, #tpu.memory_space<hbm>> -> memref<40960x128xf32, #tpu.memory_space<hbm>>
    tpu.enqueue_indirect_dma source(%dma_start3A_23 : memref<40960x128xf32, #tpu.memory_space<hbm>>) target(%arg8 : memref<128x128xf32, #tpu.memory_space<vmem>>) offsets(%dma_start3A_20 : memref<128xi32, #tpu.memory_space<vmem>>) semaphore(%arg11 : memref<!tpu.dma_semaphore, #tpu.memory_space<semaphore_mem>>)
    %scan3A_24 = arith.constant 0 : i32
    %scan3A_25 = arith.constant 19 : i32
    %scan3A_26 = arith.addi %scan3A_24, %scan3A_25 : i32
    %scan3A_27 = arith.constant 1 : i32
    scf.for %scan3A_209 = %scan3A_24 to %scan3A_26 step %scan3A_27  : i32 {
      %mul3A_210 = arith.constant 2 : i32
      %mul3A_211 = arith.muli %scan3A_209, %mul3A_210 : i32
      %add3A_212 = arith.constant 0 : i32
      %add3A_213 = arith.addi %add3A_212, %mul3A_211 : i32
      %add3A_214 = arith.constant 1 : i32
      %add3A_215 = arith.addi %add3A_213, %add3A_214 : i32
      %dma_start3A_216 = arith.constant 0 : i32
      %dma_start3A_217 = tpu.memref_slice %arg6[%add3A_215, %dma_start3A_216] : memref<40x128xi32, #tpu.memory_space<vmem>> -> memref<1x128xi32, #tpu.memory_space<vmem>>
      %dma_start3A_218 = tpu.memref_squeeze %dma_start3A_217 : memref<1x128xi32, #tpu.memory_space<vmem>> -> memref<128xi32, #tpu.memory_space<vmem>>
      %dma_start3A_219 = arith.constant 0 : i32
      %dma_start3A_220 = arith.constant 0 : i32
      %dma_start3A_221 = tpu.memref_slice %arg2[%dma_start3A_219, %dma_start3A_220] : memref<40960x128xf32, #tpu.memory_space<hbm>> -> memref<40960x128xf32, #tpu.memory_space<hbm>>
      tpu.enqueue_indirect_dma source(%dma_start3A_221 : memref<40960x128xf32, #tpu.memory_space<hbm>>) target(%arg9 : memref<128x128xf32, #tpu.memory_space<vmem>>) offsets(%dma_start3A_218 : memref<128xi32, #tpu.memory_space<vmem>>) semaphore(%arg12 : memref<!tpu.dma_semaphore, #tpu.memory_space<semaphore_mem>>)
      %dma_wait3A_222 = arith.constant 0 : i32
      %dma_wait3A_223 = arith.constant 0 : i32
      %dma_wait3A_224 = tpu.memref_slice %arg6[%dma_wait3A_222, %dma_wait3A_223] : memref<40x128xi32, #tpu.memory_space<vmem>> -> memref<1x128xi32, #tpu.memory_space<vmem>>
      %dma_wait3A_225 = tpu.memref_squeeze %dma_wait3A_224 : memref<1x128xi32, #tpu.memory_space<vmem>> -> memref<128xi32, #tpu.memory_space<vmem>>
      %dma_wait3A_226 = arith.constant 0 : i32
      %dma_wait3A_227 = arith.constant 0 : i32
      %dma_wait3A_228 = tpu.memref_slice %arg2[%dma_wait3A_226, %dma_wait3A_227] : memref<40960x128xf32, #tpu.memory_space<hbm>> -> memref<40960x128xf32, #tpu.memory_space<hbm>>
      tpu.wait_indirect_dma semaphore(%arg11 : memref<!tpu.dma_semaphore, #tpu.memory_space<semaphore_mem>>) src(%dma_wait3A_228 : memref<40960x128xf32, #tpu.memory_space<hbm>>) dst(%arg8 : memref<128x128xf32, #tpu.memory_space<vmem>>)
      "tpu.region"() ({
        %run_scoped3A_246 = tpu.sem_alloc : memref<!tpu.dma_semaphore, #tpu.memory_space<semaphore_mem>>
        %dma_start3A_247 = arith.constant 0 : i32
        %dma_start3A_248 = tpu.memref_slice %arg7[%add3A_213, %dma_start3A_247] : memref<40x128xi32, #tpu.memory_space<vmem>> -> memref<1x128xi32, #tpu.memory_space<vmem>>
        %dma_start3A_249 = tpu.memref_squeeze %dma_start3A_248 : memref<1x128xi32, #tpu.memory_space<vmem>> -> memref<128xi32, #tpu.memory_space<vmem>>
        %dma_start3A_250 = arith.constant 0 : i32
        %dma_start3A_251 = arith.constant 0 : i32
        %dma_start3A_252 = tpu.memref_slice %arg10[%dma_start3A_250, %dma_start3A_251] : memref<10240x128xf32, #tpu.memory_space<vmem_shared>> -> memref<10240x128xf32, #tpu.memory_space<vmem_shared>>
        tpu.enqueue_indirect_dma source(%arg8 : memref<128x128xf32, #tpu.memory_space<vmem>>) target(%dma_start3A_252 : memref<10240x128xf32, #tpu.memory_space<vmem_shared>>) offsets(%dma_start3A_249 : memref<128xi32, #tpu.memory_space<vmem>>) semaphore(%run_scoped3A_246 : memref<!tpu.dma_semaphore, #tpu.memory_space<semaphore_mem>>) {add = true}
        %dma_wait3A_253 = arith.constant 0 : i32
        %dma_wait3A_254 = tpu.memref_slice %arg7[%add3A_213, %dma_wait3A_253] : memref<40x128xi32, #tpu.memory_space<vmem>> -> memref<1x128xi32, #tpu.memory_space<vmem>>
        %dma_wait3A_255 = tpu.memref_squeeze %dma_wait3A_254 : memref<1x128xi32, #tpu.memory_space<vmem>> -> memref<128xi32, #tpu.memory_space<vmem>>
        %dma_wait3A_256 = arith.constant 0 : i32
        %dma_wait3A_257 = arith.constant 0 : i32
        %dma_wait3A_258 = tpu.memref_slice %arg10[%dma_wait3A_256, %dma_wait3A_257] : memref<10240x128xf32, #tpu.memory_space<vmem_shared>> -> memref<10240x128xf32, #tpu.memory_space<vmem_shared>>
        tpu.wait_indirect_dma semaphore(%run_scoped3A_246 : memref<!tpu.dma_semaphore, #tpu.memory_space<semaphore_mem>>) src(%arg8 : memref<128x128xf32, #tpu.memory_space<vmem>>) dst(%dma_wait3A_258 : memref<10240x128xf32, #tpu.memory_space<vmem_shared>>)
        tpu.yield
      }) : () -> ()
      %add3A_229 = arith.constant 2 : i32
      %add3A_230 = arith.addi %add3A_213, %add3A_229 : i32
      %dma_start3A_231 = arith.constant 0 : i32
      %dma_start3A_232 = tpu.memref_slice %arg6[%add3A_230, %dma_start3A_231] : memref<40x128xi32, #tpu.memory_space<vmem>> -> memref<1x128xi32, #tpu.memory_space<vmem>>
      %dma_start3A_233 = tpu.memref_squeeze %dma_start3A_232 : memref<1x128xi32, #tpu.memory_space<vmem>> -> memref<128xi32, #tpu.memory_space<vmem>>
      %dma_start3A_234 = arith.constant 0 : i32
      %dma_start3A_235 = arith.constant 0 : i32
      %dma_start3A_236 = tpu.memref_slice %arg2[%dma_start3A_234, %dma_start3A_235] : memref<40960x128xf32, #tpu.memory_space<hbm>> -> memref<40960x128xf32, #tpu.memory_space<hbm>>
      tpu.enqueue_indirect_dma source(%dma_start3A_236 : memref<40960x128xf32, #tpu.memory_space<hbm>>) target(%arg8 : memref<128x128xf32, #tpu.memory_space<vmem>>) offsets(%dma_start3A_233 : memref<128xi32, #tpu.memory_space<vmem>>) semaphore(%arg11 : memref<!tpu.dma_semaphore, #tpu.memory_space<semaphore_mem>>)
      %dma_wait3A_237 = arith.constant 0 : i32
      %dma_wait3A_238 = arith.constant 0 : i32
      %dma_wait3A_239 = tpu.memref_slice %arg6[%dma_wait3A_237, %dma_wait3A_238] : memref<40x128xi32, #tpu.memory_space<vmem>> -> memref<1x128xi32, #tpu.memory_space<vmem>>
      %dma_wait3A_240 = tpu.memref_squeeze %dma_wait3A_239 : memref<1x128xi32, #tpu.memory_space<vmem>> -> memref<128xi32, #tpu.memory_space<vmem>>
      %dma_wait3A_241 = arith.constant 0 : i32
      %dma_wait3A_242 = arith.constant 0 : i32
      %dma_wait3A_243 = tpu.memref_slice %arg2[%dma_wait3A_241, %dma_wait3A_242] : memref<40960x128xf32, #tpu.memory_space<hbm>> -> memref<40960x128xf32, #tpu.memory_space<hbm>>
      tpu.wait_indirect_dma semaphore(%arg12 : memref<!tpu.dma_semaphore, #tpu.memory_space<semaphore_mem>>) src(%dma_wait3A_243 : memref<40960x128xf32, #tpu.memory_space<hbm>>) dst(%arg9 : memref<128x128xf32, #tpu.memory_space<vmem>>)
      %add3A_244 = arith.constant 1 : i32
      %add3A_245 = arith.addi %add3A_213, %add3A_244 : i32
      "tpu.region"() ({
        %run_scoped3A_246 = tpu.sem_alloc : memref<!tpu.dma_semaphore, #tpu.memory_space<semaphore_mem>>
        %dma_start3A_247 = arith.constant 0 : i32
        %dma_start3A_248 = tpu.memref_slice %arg7[%add3A_245, %dma_start3A_247] : memref<40x128xi32, #tpu.memory_space<vmem>> -> memref<1x128xi32, #tpu.memory_space<vmem>>
        %dma_start3A_249 = tpu.memref_squeeze %dma_start3A_248 : memref<1x128xi32, #tpu.memory_space<vmem>> -> memref<128xi32, #tpu.memory_space<vmem>>
        %dma_start3A_250 = arith.constant 0 : i32
        %dma_start3A_251 = arith.constant 0 : i32
        %dma_start3A_252 = tpu.memref_slice %arg10[%dma_start3A_250, %dma_start3A_251] : memref<10240x128xf32, #tpu.memory_space<vmem_shared>> -> memref<10240x128xf32, #tpu.memory_space<vmem_shared>>
        tpu.enqueue_indirect_dma source(%arg9 : memref<128x128xf32, #tpu.memory_space<vmem>>) target(%dma_start3A_252 : memref<10240x128xf32, #tpu.memory_space<vmem_shared>>) offsets(%dma_start3A_249 : memref<128xi32, #tpu.memory_space<vmem>>) semaphore(%run_scoped3A_246 : memref<!tpu.dma_semaphore, #tpu.memory_space<semaphore_mem>>) {add = true}
        %dma_wait3A_253 = arith.constant 0 : i32
        %dma_wait3A_254 = tpu.memref_slice %arg7[%add3A_245, %dma_wait3A_253] : memref<40x128xi32, #tpu.memory_space<vmem>> -> memref<1x128xi32, #tpu.memory_space<vmem>>
        %dma_wait3A_255 = tpu.memref_squeeze %dma_wait3A_254 : memref<1x128xi32, #tpu.memory_space<vmem>> -> memref<128xi32, #tpu.memory_space<vmem>>
        %dma_wait3A_256 = arith.constant 0 : i32
        %dma_wait3A_257 = arith.constant 0 : i32
        %dma_wait3A_258 = tpu.memref_slice %arg10[%dma_wait3A_256, %dma_wait3A_257] : memref<10240x128xf32, #tpu.memory_space<vmem_shared>> -> memref<10240x128xf32, #tpu.memory_space<vmem_shared>>
        tpu.wait_indirect_dma semaphore(%run_scoped3A_246 : memref<!tpu.dma_semaphore, #tpu.memory_space<semaphore_mem>>) src(%arg9 : memref<128x128xf32, #tpu.memory_space<vmem>>) dst(%dma_wait3A_258 : memref<10240x128xf32, #tpu.memory_space<vmem_shared>>)
        tpu.yield
      }) : () -> ()
    }
    %scan3A_28 = arith.constant 19 : i32
    %dma_start3A_29 = arith.constant 39 : i32
    %dma_start3A_30 = arith.constant 0 : i32
    %dma_start3A_31 = tpu.memref_slice %arg6[%dma_start3A_29, %dma_start3A_30] : memref<40x128xi32, #tpu.memory_space<vmem>> -> memref<1x128xi32, #tpu.memory_space<vmem>>
    %dma_start3A_32 = tpu.memref_squeeze %dma_start3A_31 : memref<1x128xi32, #tpu.memory_space<vmem>> -> memref<128xi32, #tpu.memory_space<vmem>>
    %dma_start3A_33 = arith.constant 0 : i32
    %dma_start3A_34 = arith.constant 0 : i32
    %dma_start3A_35 = tpu.memref_slice %arg2[%dma_start3A_33, %dma_start3A_34] : memref<40960x128xf32, #tpu.memory_space<hbm>> -> memref<40960x128xf32, #tpu.memory_space<hbm>>
    tpu.enqueue_indirect_dma source(%dma_start3A_35 : memref<40960x128xf32, #tpu.memory_space<hbm>>) target(%arg9 : memref<128x128xf32, #tpu.memory_space<vmem>>) offsets(%dma_start3A_32 : memref<128xi32, #tpu.memory_space<vmem>>) semaphore(%arg12 : memref<!tpu.dma_semaphore, #tpu.memory_space<semaphore_mem>>)
    %dma_wait3A = arith.constant 0 : i32
    %dma_wait3A_36 = arith.constant 0 : i32
    %dma_wait3A_37 = tpu.memref_slice %arg6[%dma_wait3A, %dma_wait3A_36] : memref<40x128xi32, #tpu.memory_space<vmem>> -> memref<1x128xi32, #tpu.memory_space<vmem>>
    %dma_wait3A_38 = tpu.memref_squeeze %dma_wait3A_37 : memref<1x128xi32, #tpu.memory_space<vmem>> -> memref<128xi32, #tpu.memory_space<vmem>>
    %dma_wait3A_39 = arith.constant 0 : i32
    %dma_wait3A_40 = arith.constant 0 : i32
    %dma_wait3A_41 = tpu.memref_slice %arg2[%dma_wait3A_39, %dma_wait3A_40] : memref<40960x128xf32, #tpu.memory_space<hbm>> -> memref<40960x128xf32, #tpu.memory_space<hbm>>
    tpu.wait_indirect_dma semaphore(%arg11 : memref<!tpu.dma_semaphore, #tpu.memory_space<semaphore_mem>>) src(%dma_wait3A_41 : memref<40960x128xf32, #tpu.memory_space<hbm>>) dst(%arg8 : memref<128x128xf32, #tpu.memory_space<vmem>>)
    %run_scoped3A = arith.constant 38 : i32
    "tpu.region"() ({
      %run_scoped3A_209 = tpu.sem_alloc : memref<!tpu.dma_semaphore, #tpu.memory_space<semaphore_mem>>
      %dma_start3A_210 = arith.constant 0 : i32
      %dma_start3A_211 = tpu.memref_slice %arg7[%run_scoped3A, %dma_start3A_210] : memref<40x128xi32, #tpu.memory_space<vmem>> -> memref<1x128xi32, #tpu.memory_space<vmem>>
      %dma_start3A_212 = tpu.memref_squeeze %dma_start3A_211 : memref<1x128xi32, #tpu.memory_space<vmem>> -> memref<128xi32, #tpu.memory_space<vmem>>
      %dma_start3A_213 = arith.constant 0 : i32
      %dma_start3A_214 = arith.constant 0 : i32
      %dma_start3A_215 = tpu.memref_slice %arg10[%dma_start3A_213, %dma_start3A_214] : memref<10240x128xf32, #tpu.memory_space<vmem_shared>> -> memref<10240x128xf32, #tpu.memory_space<vmem_shared>>
      tpu.enqueue_indirect_dma source(%arg8 : memref<128x128xf32, #tpu.memory_space<vmem>>) target(%dma_start3A_215 : memref<10240x128xf32, #tpu.memory_space<vmem_shared>>) offsets(%dma_start3A_212 : memref<128xi32, #tpu.memory_space<vmem>>) semaphore(%run_scoped3A_209 : memref<!tpu.dma_semaphore, #tpu.memory_space<semaphore_mem>>) {add = true}
      %dma_wait3A_216 = arith.constant 0 : i32
      %dma_wait3A_217 = tpu.memref_slice %arg7[%run_scoped3A, %dma_wait3A_216] : memref<40x128xi32, #tpu.memory_space<vmem>> -> memref<1x128xi32, #tpu.memory_space<vmem>>
      %dma_wait3A_218 = tpu.memref_squeeze %dma_wait3A_217 : memref<1x128xi32, #tpu.memory_space<vmem>> -> memref<128xi32, #tpu.memory_space<vmem>>
      %dma_wait3A_219 = arith.constant 0 : i32
      %dma_wait3A_220 = arith.constant 0 : i32
      %dma_wait3A_221 = tpu.memref_slice %arg10[%dma_wait3A_219, %dma_wait3A_220] : memref<10240x128xf32, #tpu.memory_space<vmem_shared>> -> memref<10240x128xf32, #tpu.memory_space<vmem_shared>>
      tpu.wait_indirect_dma semaphore(%run_scoped3A_209 : memref<!tpu.dma_semaphore, #tpu.memory_space<semaphore_mem>>) src(%arg8 : memref<128x128xf32, #tpu.memory_space<vmem>>) dst(%dma_wait3A_221 : memref<10240x128xf32, #tpu.memory_space<vmem_shared>>)
      tpu.yield
    }) : () -> ()
    %dma_wait3A_42 = arith.constant 0 : i32
    %dma_wait3A_43 = arith.constant 0 : i32
    %dma_wait3A_44 = tpu.memref_slice %arg6[%dma_wait3A_42, %dma_wait3A_43] : memref<40x128xi32, #tpu.memory_space<vmem>> -> memref<1x128xi32, #tpu.memory_space<vmem>>
    %dma_wait3A_45 = tpu.memref_squeeze %dma_wait3A_44 : memref<1x128xi32, #tpu.memory_space<vmem>> -> memref<128xi32, #tpu.memory_space<vmem>>
    %dma_wait3A_46 = arith.constant 0 : i32
    %dma_wait3A_47 = arith.constant 0 : i32
    %dma_wait3A_48 = tpu.memref_slice %arg2[%dma_wait3A_46, %dma_wait3A_47] : memref<40960x128xf32, #tpu.memory_space<hbm>> -> memref<40960x128xf32, #tpu.memory_space<hbm>>
    tpu.wait_indirect_dma semaphore(%arg12 : memref<!tpu.dma_semaphore, #tpu.memory_space<semaphore_mem>>) src(%dma_wait3A_48 : memref<40960x128xf32, #tpu.memory_space<hbm>>) dst(%arg9 : memref<128x128xf32, #tpu.memory_space<vmem>>)
    %run_scoped3A_49 = arith.constant 39 : i32
    "tpu.region"() ({
      %run_scoped3A_209 = tpu.sem_alloc : memref<!tpu.dma_semaphore, #tpu.memory_space<semaphore_mem>>
      %dma_start3A_210 = arith.constant 0 : i32
      %dma_start3A_211 = tpu.memref_slice %arg7[%run_scoped3A_49, %dma_start3A_210] : memref<40x128xi32, #tpu.memory_space<vmem>> -> memref<1x128xi32, #tpu.memory_space<vmem>>
      %dma_start3A_212 = tpu.memref_squeeze %dma_start3A_211 : memref<1x128xi32, #tpu.memory_space<vmem>> -> memref<128xi32, #tpu.memory_space<vmem>>
      %dma_start3A_213 = arith.constant 0 : i32
      %dma_start3A_214 = arith.constant 0 : i32
      %dma_start3A_215 = tpu.memref_slice %arg10[%dma_start3A_213, %dma_start3A_214] : memref<10240x128xf32, #tpu.memory_space<vmem_shared>> -> memref<10240x128xf32, #tpu.memory_space<vmem_shared>>
      tpu.enqueue_indirect_dma source(%arg9 : memref<128x128xf32, #tpu.memory_space<vmem>>) target(%dma_start3A_215 : memref<10240x128xf32, #tpu.memory_space<vmem_shared>>) offsets(%dma_start3A_212 : memref<128xi32, #tpu.memory_space<vmem>>) semaphore(%run_scoped3A_209 : memref<!tpu.dma_semaphore, #tpu.memory_space<semaphore_mem>>) {add = true}
      %dma_wait3A_216 = arith.constant 0 : i32
      %dma_wait3A_217 = tpu.memref_slice %arg7[%run_scoped3A_49, %dma_wait3A_216] : memref<40x128xi32, #tpu.memory_space<vmem>> -> memref<1x128xi32, #tpu.memory_space<vmem>>
      %dma_wait3A_218 = tpu.memref_squeeze %dma_wait3A_217 : memref<1x128xi32, #tpu.memory_space<vmem>> -> memref<128xi32, #tpu.memory_space<vmem>>
      %dma_wait3A_219 = arith.constant 0 : i32
      %dma_wait3A_220 = arith.constant 0 : i32
      %dma_wait3A_221 = tpu.memref_slice %arg10[%dma_wait3A_219, %dma_wait3A_220] : memref<10240x128xf32, #tpu.memory_space<vmem_shared>> -> memref<10240x128xf32, #tpu.memory_space<vmem_shared>>
      tpu.wait_indirect_dma semaphore(%run_scoped3A_209 : memref<!tpu.dma_semaphore, #tpu.memory_space<semaphore_mem>>) src(%arg9 : memref<128x128xf32, #tpu.memory_space<vmem>>) dst(%dma_wait3A_221 : memref<10240x128xf32, #tpu.memory_space<vmem_shared>>)
      tpu.yield
    }) : () -> ()
    %mul3A_50 = arith.constant 80 : i32
    %mul3A_51 = arith.muli %arg1, %mul3A_50 : i32
    %add3A_52 = arith.constant 40 : i32
    %add3A_53 = arith.addi %mul3A_51, %add3A_52 : i32
    "tpu.region"() ({
      %run_scoped3A_209 = tpu.sem_alloc : memref<!tpu.dma_semaphore, #tpu.memory_space<semaphore_mem>>
      %dma_start3A_210 = arith.constant 0 : i32
      %dma_start3A_211 = tpu.memref_slice %arg3[%add3A_53, %dma_start3A_210] : memref<1280x128xi32, #tpu.memory_space<hbm>> -> memref<40x128xi32, #tpu.memory_space<hbm>>
      %dma_start3A_212 = arith.constant 0 : i32
      %dma_start3A_213 = tpu.memref_slice %arg3[%add3A_53, %dma_start3A_212] : memref<1280x128xi32, #tpu.memory_space<hbm>> -> memref<40x128xi32, #tpu.memory_space<hbm>>
      tpu.enqueue_dma source(%dma_start3A_213 : memref<40x128xi32, #tpu.memory_space<hbm>>) target(%arg6 : memref<40x128xi32, #tpu.memory_space<vmem>>) target_semaphore(%run_scoped3A_209 : memref<!tpu.dma_semaphore, #tpu.memory_space<semaphore_mem>>)
      %dma_wait3A_214 = arith.constant 0 : i32
      %dma_wait3A_215 = tpu.memref_slice %arg3[%add3A_53, %dma_wait3A_214] : memref<1280x128xi32, #tpu.memory_space<hbm>> -> memref<40x128xi32, #tpu.memory_space<hbm>>
      %dma_wait3A_216 = arith.constant 0 : i32
      %dma_wait3A_217 = tpu.memref_slice %arg3[%add3A_53, %dma_wait3A_216] : memref<1280x128xi32, #tpu.memory_space<hbm>> -> memref<40x128xi32, #tpu.memory_space<hbm>>
      tpu.wait_dma2 semaphore(%run_scoped3A_209 : memref<!tpu.dma_semaphore, #tpu.memory_space<semaphore_mem>>) src(%dma_wait3A_217 : memref<40x128xi32, #tpu.memory_space<hbm>>) dst(%arg6 : memref<40x128xi32, #tpu.memory_space<vmem>>)
      tpu.yield
    }) : () -> ()
    "tpu.region"() ({
      %run_scoped3A_209 = tpu.sem_alloc : memref<!tpu.dma_semaphore, #tpu.memory_space<semaphore_mem>>
      %dma_start3A_210 = arith.constant 0 : i32
      %dma_start3A_211 = tpu.memref_slice %arg4[%add3A_53, %dma_start3A_210] : memref<1280x128xi32, #tpu.memory_space<hbm>> -> memref<40x128xi32, #tpu.memory_space<hbm>>
      %dma_start3A_212 = arith.constant 0 : i32
      %dma_start3A_213 = tpu.memref_slice %arg4[%add3A_53, %dma_start3A_212] : memref<1280x128xi32, #tpu.memory_space<hbm>> -> memref<40x128xi32, #tpu.memory_space<hbm>>
      tpu.enqueue_dma source(%dma_start3A_213 : memref<40x128xi32, #tpu.memory_space<hbm>>) target(%arg7 : memref<40x128xi32, #tpu.memory_space<vmem>>) target_semaphore(%run_scoped3A_209 : memref<!tpu.dma_semaphore, #tpu.memory_space<semaphore_mem>>)
      %dma_wait3A_214 = arith.constant 0 : i32
      %dma_wait3A_215 = tpu.memref_slice %arg4[%add3A_53, %dma_wait3A_214] : memref<1280x128xi32, #tpu.memory_space<hbm>> -> memref<40x128xi32, #tpu.memory_space<hbm>>
      %dma_wait3A_216 = arith.constant 0 : i32
      %dma_wait3A_217 = tpu.memref_slice %arg4[%add3A_53, %dma_wait3A_216] : memref<1280x128xi32, #tpu.memory_space<hbm>> -> memref<40x128xi32, #tpu.memory_space<hbm>>
      tpu.wait_dma2 semaphore(%run_scoped3A_209 : memref<!tpu.dma_semaphore, #tpu.memory_space<semaphore_mem>>) src(%dma_wait3A_217 : memref<40x128xi32, #tpu.memory_space<hbm>>) dst(%arg7 : memref<40x128xi32, #tpu.memory_space<vmem>>)
      tpu.yield
    }) : () -> ()
    %scan3A_54 = arith.constant 0 : i32
    %scan3A_55 = arith.constant 40 : i32
    %scan3A_56 = arith.addi %scan3A_54, %scan3A_55 : i32
    %scan3A_57 = arith.constant 1 : i32
    scf.for %scan3A_209 = %scan3A_54 to %scan3A_56 step %scan3A_57  : i32 {
      %mul3A_210 = arith.constant 1 : i32
      %mul3A_211 = arith.muli %scan3A_209, %mul3A_210 : i32
      %add3A_212 = arith.constant 0 : i32
      %add3A_213 = arith.addi %add3A_212, %mul3A_211 : i32
      %scan3A_214 = arith.constant 0 : i32
      %scan3A_215 = arith.constant 8 : i32
      %scan3A_216 = arith.addi %scan3A_214, %scan3A_215 : i32
      %scan3A_217 = arith.constant 1 : i32
      scf.for %scan3A_219 = %scan3A_214 to %scan3A_216 step %scan3A_217  : i32 {
        %mul3A_220 = arith.constant 16 : i32
        %mul3A_221 = arith.muli %scan3A_219, %mul3A_220 : i32
        %add3A_222 = arith.constant 0 : i32
        %add3A_223 = arith.addi %add3A_222, %mul3A_221 : i32
        %get3A = arith.index_cast %add3A_213 : i32 to index
        %get3A_224 = arith.index_cast %add3A_223 : i32 to index
        %get3A_225 = tpu.vector_load %arg6[%get3A, %get3A_224] {strides = array<i32>} : memref<40x128xi32, #tpu.memory_space<vmem>>, vector<1x16xi32>,
        %get3A_226 = vector.shape_cast %get3A_225 : vector<1x16xi32> to vector<16xi32>
        %add3A_227 = arith.addi %get3A_226, %add3A_4 : vector<16xi32>
        %swap3A = arith.index_cast %add3A_213 : i32 to index
        %swap3A_228 = arith.index_cast %add3A_223 : i32 to index
        %swap3A_229 = tpu.vector_load %arg6[%swap3A, %swap3A_228] {strides = array<i32>} : memref<40x128xi32, #tpu.memory_space<vmem>>, vector<1x16xi32>,
        %swap3A_230 = vector.shape_cast %swap3A_229 : vector<1x16xi32> to vector<16xi32>
        %swap3A_231 = vector.shape_cast %add3A_227 : vector<16xi32> to vector<1x16xi32>
        tpu.vector_store %arg6[%swap3A, %swap3A_228], %swap3A_231 {strides = array<i32>} : memref<40x128xi32, #tpu.memory_space<vmem>>, vector<1x16xi32>,
      }
      %scan3A_218 = arith.constant 8 : i32
    }
    %scan3A_58 = arith.constant 40 : i32
    %dma_start3A_59 = arith.constant 0 : i32
    %dma_start3A_60 = arith.constant 0 : i32
    %dma_start3A_61 = tpu.memref_slice %arg6[%dma_start3A_59, %dma_start3A_60] : memref<40x128xi32, #tpu.memory_space<vmem>> -> memref<1x128xi32, #tpu.memory_space<vmem>>
    %dma_start3A_62 = tpu.memref_squeeze %dma_start3A_61 : memref<1x128xi32, #tpu.memory_space<vmem>> -> memref<128xi32, #tpu.memory_space<vmem>>
    %dma_start3A_63 = arith.constant 0 : i32
    %dma_start3A_64 = arith.constant 0 : i32
    %dma_start3A_65 = tpu.memref_slice %arg2[%dma_start3A_63, %dma_start3A_64] : memref<40960x128xf32, #tpu.memory_space<hbm>> -> memref<40960x128xf32, #tpu.memory_space<hbm>>
    tpu.enqueue_indirect_dma source(%dma_start3A_65 : memref<40960x128xf32, #tpu.memory_space<hbm>>) target(%arg8 : memref<128x128xf32, #tpu.memory_space<vmem>>) offsets(%dma_start3A_62 : memref<128xi32, #tpu.memory_space<vmem>>) semaphore(%arg11 : memref<!tpu.dma_semaphore, #tpu.memory_space<semaphore_mem>>)
    %scan3A_66 = arith.constant 0 : i32
    %scan3A_67 = arith.constant 19 : i32
    %scan3A_68 = arith.addi %scan3A_66, %scan3A_67 : i32
    %scan3A_69 = arith.constant 1 : i32
    scf.for %scan3A_209 = %scan3A_66 to %scan3A_68 step %scan3A_69  : i32 {
      %mul3A_210 = arith.constant 2 : i32
      %mul3A_211 = arith.muli %scan3A_209, %mul3A_210 : i32
      %add3A_212 = arith.constant 0 : i32
      %add3A_213 = arith.addi %add3A_212, %mul3A_211 : i32
      %add3A_214 = arith.constant 1 : i32
      %add3A_215 = arith.addi %add3A_213, %add3A_214 : i32
      %dma_start3A_216 = arith.constant 0 : i32
      %dma_start3A_217 = tpu.memref_slice %arg6[%add3A_215, %dma_start3A_216] : memref<40x128xi32, #tpu.memory_space<vmem>> -> memref<1x128xi32, #tpu.memory_space<vmem>>
      %dma_start3A_218 = tpu.memref_squeeze %dma_start3A_217 : memref<1x128xi32, #tpu.memory_space<vmem>> -> memref<128xi32, #tpu.memory_space<vmem>>
      %dma_start3A_219 = arith.constant 0 : i32
      %dma_start3A_220 = arith.constant 0 : i32
      %dma_start3A_221 = tpu.memref_slice %arg2[%dma_start3A_219, %dma_start3A_220] : memref<40960x128xf32, #tpu.memory_space<hbm>> -> memref<40960x128xf32, #tpu.memory_space<hbm>>
      tpu.enqueue_indirect_dma source(%dma_start3A_221 : memref<40960x128xf32, #tpu.memory_space<hbm>>) target(%arg9 : memref<128x128xf32, #tpu.memory_space<vmem>>) offsets(%dma_start3A_218 : memref<128xi32, #tpu.memory_space<vmem>>) semaphore(%arg12 : memref<!tpu.dma_semaphore, #tpu.memory_space<semaphore_mem>>)
      %dma_wait3A_222 = arith.constant 0 : i32
      %dma_wait3A_223 = arith.constant 0 : i32
      %dma_wait3A_224 = tpu.memref_slice %arg6[%dma_wait3A_222, %dma_wait3A_223] : memref<40x128xi32, #tpu.memory_space<vmem>> -> memref<1x128xi32, #tpu.memory_space<vmem>>
      %dma_wait3A_225 = tpu.memref_squeeze %dma_wait3A_224 : memref<1x128xi32, #tpu.memory_space<vmem>> -> memref<128xi32, #tpu.memory_space<vmem>>
      %dma_wait3A_226 = arith.constant 0 : i32
      %dma_wait3A_227 = arith.constant 0 : i32
      %dma_wait3A_228 = tpu.memref_slice %arg2[%dma_wait3A_226, %dma_wait3A_227] : memref<40960x128xf32, #tpu.memory_space<hbm>> -> memref<40960x128xf32, #tpu.memory_space<hbm>>
      tpu.wait_indirect_dma semaphore(%arg11 : memref<!tpu.dma_semaphore, #tpu.memory_space<semaphore_mem>>) src(%dma_wait3A_228 : memref<40960x128xf32, #tpu.memory_space<hbm>>) dst(%arg8 : memref<128x128xf32, #tpu.memory_space<vmem>>)
      "tpu.region"() ({
        %run_scoped3A_246 = tpu.sem_alloc : memref<!tpu.dma_semaphore, #tpu.memory_space<semaphore_mem>>
        %dma_start3A_247 = arith.constant 0 : i32
        %dma_start3A_248 = tpu.memref_slice %arg7[%add3A_213, %dma_start3A_247] : memref<40x128xi32, #tpu.memory_space<vmem>> -> memref<1x128xi32, #tpu.memory_space<vmem>>
        %dma_start3A_249 = tpu.memref_squeeze %dma_start3A_248 : memref<1x128xi32, #tpu.memory_space<vmem>> -> memref<128xi32, #tpu.memory_space<vmem>>
        %dma_start3A_250 = arith.constant 0 : i32
        %dma_start3A_251 = arith.constant 0 : i32
        %dma_start3A_252 = tpu.memref_slice %arg10[%dma_start3A_250, %dma_start3A_251] : memref<10240x128xf32, #tpu.memory_space<vmem_shared>> -> memref<10240x128xf32, #tpu.memory_space<vmem_shared>>
        tpu.enqueue_indirect_dma source(%arg8 : memref<128x128xf32, #tpu.memory_space<vmem>>) target(%dma_start3A_252 : memref<10240x128xf32, #tpu.memory_space<vmem_shared>>) offsets(%dma_start3A_249 : memref<128xi32, #tpu.memory_space<vmem>>) semaphore(%run_scoped3A_246 : memref<!tpu.dma_semaphore, #tpu.memory_space<semaphore_mem>>) {add = true}
        %dma_wait3A_253 = arith.constant 0 : i32
        %dma_wait3A_254 = tpu.memref_slice %arg7[%add3A_213, %dma_wait3A_253] : memref<40x128xi32, #tpu.memory_space<vmem>> -> memref<1x128xi32, #tpu.memory_space<vmem>>
        %dma_wait3A_255 = tpu.memref_squeeze %dma_wait3A_254 : memref<1x128xi32, #tpu.memory_space<vmem>> -> memref<128xi32, #tpu.memory_space<vmem>>
        %dma_wait3A_256 = arith.constant 0 : i32
        %dma_wait3A_257 = arith.constant 0 : i32
        %dma_wait3A_258 = tpu.memref_slice %arg10[%dma_wait3A_256, %dma_wait3A_257] : memref<10240x128xf32, #tpu.memory_space<vmem_shared>> -> memref<10240x128xf32, #tpu.memory_space<vmem_shared>>
        tpu.wait_indirect_dma semaphore(%run_scoped3A_246 : memref<!tpu.dma_semaphore, #tpu.memory_space<semaphore_mem>>) src(%arg8 : memref<128x128xf32, #tpu.memory_space<vmem>>) dst(%dma_wait3A_258 : memref<10240x128xf32, #tpu.memory_space<vmem_shared>>)
        tpu.yield
      }) : () -> ()
      %add3A_229 = arith.constant 2 : i32
      %add3A_230 = arith.addi %add3A_213, %add3A_229 : i32
      %dma_start3A_231 = arith.constant 0 : i32
      %dma_start3A_232 = tpu.memref_slice %arg6[%add3A_230, %dma_start3A_231] : memref<40x128xi32, #tpu.memory_space<vmem>> -> memref<1x128xi32, #tpu.memory_space<vmem>>
      %dma_start3A_233 = tpu.memref_squeeze %dma_start3A_232 : memref<1x128xi32, #tpu.memory_space<vmem>> -> memref<128xi32, #tpu.memory_space<vmem>>
      %dma_start3A_234 = arith.constant 0 : i32
      %dma_start3A_235 = arith.constant 0 : i32
      %dma_start3A_236 = tpu.memref_slice %arg2[%dma_start3A_234, %dma_start3A_235] : memref<40960x128xf32, #tpu.memory_space<hbm>> -> memref<40960x128xf32, #tpu.memory_space<hbm>>
      tpu.enqueue_indirect_dma source(%dma_start3A_236 : memref<40960x128xf32, #tpu.memory_space<hbm>>) target(%arg8 : memref<128x128xf32, #tpu.memory_space<vmem>>) offsets(%dma_start3A_233 : memref<128xi32, #tpu.memory_space<vmem>>) semaphore(%arg11 : memref<!tpu.dma_semaphore, #tpu.memory_space<semaphore_mem>>)
      %dma_wait3A_237 = arith.constant 0 : i32
      %dma_wait3A_238 = arith.constant 0 : i32
      %dma_wait3A_239 = tpu.memref_slice %arg6[%dma_wait3A_237, %dma_wait3A_238] : memref<40x128xi32, #tpu.memory_space<vmem>> -> memref<1x128xi32, #tpu.memory_space<vmem>>
      %dma_wait3A_240 = tpu.memref_squeeze %dma_wait3A_239 : memref<1x128xi32, #tpu.memory_space<vmem>> -> memref<128xi32, #tpu.memory_space<vmem>>
      %dma_wait3A_241 = arith.constant 0 : i32
      %dma_wait3A_242 = arith.constant 0 : i32
      %dma_wait3A_243 = tpu.memref_slice %arg2[%dma_wait3A_241, %dma_wait3A_242] : memref<40960x128xf32, #tpu.memory_space<hbm>> -> memref<40960x128xf32, #tpu.memory_space<hbm>>
      tpu.wait_indirect_dma semaphore(%arg12 : memref<!tpu.dma_semaphore, #tpu.memory_space<semaphore_mem>>) src(%dma_wait3A_243 : memref<40960x128xf32, #tpu.memory_space<hbm>>) dst(%arg9 : memref<128x128xf32, #tpu.memory_space<vmem>>)
      %add3A_244 = arith.constant 1 : i32
      %add3A_245 = arith.addi %add3A_213, %add3A_244 : i32
      "tpu.region"() ({
        %run_scoped3A_246 = tpu.sem_alloc : memref<!tpu.dma_semaphore, #tpu.memory_space<semaphore_mem>>
        %dma_start3A_247 = arith.constant 0 : i32
        %dma_start3A_248 = tpu.memref_slice %arg7[%add3A_245, %dma_start3A_247] : memref<40x128xi32, #tpu.memory_space<vmem>> -> memref<1x128xi32, #tpu.memory_space<vmem>>
        %dma_start3A_249 = tpu.memref_squeeze %dma_start3A_248 : memref<1x128xi32, #tpu.memory_space<vmem>> -> memref<128xi32, #tpu.memory_space<vmem>>
        %dma_start3A_250 = arith.constant 0 : i32
        %dma_start3A_251 = arith.constant 0 : i32
        %dma_start3A_252 = tpu.memref_slice %arg10[%dma_start3A_250, %dma_start3A_251] : memref<10240x128xf32, #tpu.memory_space<vmem_shared>> -> memref<10240x128xf32, #tpu.memory_space<vmem_shared>>
        tpu.enqueue_indirect_dma source(%arg9 : memref<128x128xf32, #tpu.memory_space<vmem>>) target(%dma_start3A_252 : memref<10240x128xf32, #tpu.memory_space<vmem_shared>>) offsets(%dma_start3A_249 : memref<128xi32, #tpu.memory_space<vmem>>) semaphore(%run_scoped3A_246 : memref<!tpu.dma_semaphore, #tpu.memory_space<semaphore_mem>>) {add = true}
        %dma_wait3A_253 = arith.constant 0 : i32
        %dma_wait3A_254 = tpu.memref_slice %arg7[%add3A_245, %dma_wait3A_253] : memref<40x128xi32, #tpu.memory_space<vmem>> -> memref<1x128xi32, #tpu.memory_space<vmem>>
        %dma_wait3A_255 = tpu.memref_squeeze %dma_wait3A_254 : memref<1x128xi32, #tpu.memory_space<vmem>> -> memref<128xi32, #tpu.memory_space<vmem>>
        %dma_wait3A_256 = arith.constant 0 : i32
        %dma_wait3A_257 = arith.constant 0 : i32
        %dma_wait3A_258 = tpu.memref_slice %arg10[%dma_wait3A_256, %dma_wait3A_257] : memref<10240x128xf32, #tpu.memory_space<vmem_shared>> -> memref<10240x128xf32, #tpu.memory_space<vmem_shared>>
        tpu.wait_indirect_dma semaphore(%run_scoped3A_246 : memref<!tpu.dma_semaphore, #tpu.memory_space<semaphore_mem>>) src(%arg9 : memref<128x128xf32, #tpu.memory_space<vmem>>) dst(%dma_wait3A_258 : memref<10240x128xf32, #tpu.memory_space<vmem_shared>>)
        tpu.yield
      }) : () -> ()
    }
    %scan3A_70 = arith.constant 19 : i32
    %dma_start3A_71 = arith.constant 39 : i32
    %dma_start3A_72 = arith.constant 0 : i32
    %dma_start3A_73 = tpu.memref_slice %arg6[%dma_start3A_71, %dma_start3A_72] : memref<40x128xi32, #tpu.memory_space<vmem>> -> memref<1x128xi32, #tpu.memory_space<vmem>>
    %dma_start3A_74 = tpu.memref_squeeze %dma_start3A_73 : memref<1x128xi32, #tpu.memory_space<vmem>> -> memref<128xi32, #tpu.memory_space<vmem>>
    %dma_start3A_75 = arith.constant 0 : i32
    %dma_start3A_76 = arith.constant 0 : i32
    %dma_start3A_77 = tpu.memref_slice %arg2[%dma_start3A_75, %dma_start3A_76] : memref<40960x128xf32, #tpu.memory_space<hbm>> -> memref<40960x128xf32, #tpu.memory_space<hbm>>
    tpu.enqueue_indirect_dma source(%dma_start3A_77 : memref<40960x128xf32, #tpu.memory_space<hbm>>) target(%arg9 : memref<128x128xf32, #tpu.memory_space<vmem>>) offsets(%dma_start3A_74 : memref<128xi32, #tpu.memory_space<vmem>>) semaphore(%arg12 : memref<!tpu.dma_semaphore, #tpu.memory_space<semaphore_mem>>)
    %dma_wait3A_78 = arith.constant 0 : i32
    %dma_wait3A_79 = arith.constant 0 : i32
    %dma_wait3A_80 = tpu.memref_slice %arg6[%dma_wait3A_78, %dma_wait3A_79] : memref<40x128xi32, #tpu.memory_space<vmem>> -> memref<1x128xi32, #tpu.memory_space<vmem>>
    %dma_wait3A_81 = tpu.memref_squeeze %dma_wait3A_80 : memref<1x128xi32, #tpu.memory_space<vmem>> -> memref<128xi32, #tpu.memory_space<vmem>>
    %dma_wait3A_82 = arith.constant 0 : i32
    %dma_wait3A_83 = arith.constant 0 : i32
    %dma_wait3A_84 = tpu.memref_slice %arg2[%dma_wait3A_82, %dma_wait3A_83] : memref<40960x128xf32, #tpu.memory_space<hbm>> -> memref<40960x128xf32, #tpu.memory_space<hbm>>
    tpu.wait_indirect_dma semaphore(%arg11 : memref<!tpu.dma_semaphore, #tpu.memory_space<semaphore_mem>>) src(%dma_wait3A_84 : memref<40960x128xf32, #tpu.memory_space<hbm>>) dst(%arg8 : memref<128x128xf32, #tpu.memory_space<vmem>>)
    %run_scoped3A_85 = arith.constant 38 : i32
    "tpu.region"() ({
      %run_scoped3A_209 = tpu.sem_alloc : memref<!tpu.dma_semaphore, #tpu.memory_space<semaphore_mem>>
      %dma_start3A_210 = arith.constant 0 : i32
      %dma_start3A_211 = tpu.memref_slice %arg7[%run_scoped3A_85, %dma_start3A_210] : memref<40x128xi32, #tpu.memory_space<vmem>> -> memref<1x128xi32, #tpu.memory_space<vmem>>
      %dma_start3A_212 = tpu.memref_squeeze %dma_start3A_211 : memref<1x128xi32, #tpu.memory_space<vmem>> -> memref<128xi32, #tpu.memory_space<vmem>>
      %dma_start3A_213 = arith.constant 0 : i32
      %dma_start3A_214 = arith.constant 0 : i32
      %dma_start3A_215 = tpu.memref_slice %arg10[%dma_start3A_213, %dma_start3A_214] : memref<10240x128xf32, #tpu.memory_space<vmem_shared>> -> memref<10240x128xf32, #tpu.memory_space<vmem_shared>>
      tpu.enqueue_indirect_dma source(%arg8 : memref<128x128xf32, #tpu.memory_space<vmem>>) target(%dma_start3A_215 : memref<10240x128xf32, #tpu.memory_space<vmem_shared>>) offsets(%dma_start3A_212 : memref<128xi32, #tpu.memory_space<vmem>>) semaphore(%run_scoped3A_209 : memref<!tpu.dma_semaphore, #tpu.memory_space<semaphore_mem>>) {add = true}
      %dma_wait3A_216 = arith.constant 0 : i32
      %dma_wait3A_217 = tpu.memref_slice %arg7[%run_scoped3A_85, %dma_wait3A_216] : memref<40x128xi32, #tpu.memory_space<vmem>> -> memref<1x128xi32, #tpu.memory_space<vmem>>
      %dma_wait3A_218 = tpu.memref_squeeze %dma_wait3A_217 : memref<1x128xi32, #tpu.memory_space<vmem>> -> memref<128xi32, #tpu.memory_space<vmem>>
      %dma_wait3A_219 = arith.constant 0 : i32
      %dma_wait3A_220 = arith.constant 0 : i32
      %dma_wait3A_221 = tpu.memref_slice %arg10[%dma_wait3A_219, %dma_wait3A_220] : memref<10240x128xf32, #tpu.memory_space<vmem_shared>> -> memref<10240x128xf32, #tpu.memory_space<vmem_shared>>
      tpu.wait_indirect_dma semaphore(%run_scoped3A_209 : memref<!tpu.dma_semaphore, #tpu.memory_space<semaphore_mem>>) src(%arg8 : memref<128x128xf32, #tpu.memory_space<vmem>>) dst(%dma_wait3A_221 : memref<10240x128xf32, #tpu.memory_space<vmem_shared>>)
      tpu.yield
    }) : () -> ()
    %dma_wait3A_86 = arith.constant 0 : i32
    %dma_wait3A_87 = arith.constant 0 : i32
    %dma_wait3A_88 = tpu.memref_slice %arg6[%dma_wait3A_86, %dma_wait3A_87] : memref<40x128xi32, #tpu.memory_space<vmem>> -> memref<1x128xi32, #tpu.memory_space<vmem>>
    %dma_wait3A_89 = tpu.memref_squeeze %dma_wait3A_88 : memref<1x128xi32, #tpu.memory_space<vmem>> -> memref<128xi32, #tpu.memory_space<vmem>>
    %dma_wait3A_90 = arith.constant 0 : i32
    %dma_wait3A_91 = arith.constant 0 : i32
    %dma_wait3A_92 = tpu.memref_slice %arg2[%dma_wait3A_90, %dma_wait3A_91] : memref<40960x128xf32, #tpu.memory_space<hbm>> -> memref<40960x128xf32, #tpu.memory_space<hbm>>
    tpu.wait_indirect_dma semaphore(%arg12 : memref<!tpu.dma_semaphore, #tpu.memory_space<semaphore_mem>>) src(%dma_wait3A_92 : memref<40960x128xf32, #tpu.memory_space<hbm>>) dst(%arg9 : memref<128x128xf32, #tpu.memory_space<vmem>>)
    %run_scoped3A_93 = arith.constant 39 : i32
    "tpu.region"() ({
      %run_scoped3A_209 = tpu.sem_alloc : memref<!tpu.dma_semaphore, #tpu.memory_space<semaphore_mem>>
      %dma_start3A_210 = arith.constant 0 : i32
      %dma_start3A_211 = tpu.memref_slice %arg7[%run_scoped3A_93, %dma_start3A_210] : memref<40x128xi32, #tpu.memory_space<vmem>> -> memref<1x128xi32, #tpu.memory_space<vmem>>
      %dma_start3A_212 = tpu.memref_squeeze %dma_start3A_211 : memref<1x128xi32, #tpu.memory_space<vmem>> -> memref<128xi32, #tpu.memory_space<vmem>>
      %dma_start3A_213 = arith.constant 0 : i32
      %dma_start3A_214 = arith.constant 0 : i32
      %dma_start3A_215 = tpu.memref_slice %arg10[%dma_start3A_213, %dma_start3A_214] : memref<10240x128xf32, #tpu.memory_space<vmem_shared>> -> memref<10240x128xf32, #tpu.memory_space<vmem_shared>>
      tpu.enqueue_indirect_dma source(%arg9 : memref<128x128xf32, #tpu.memory_space<vmem>>) target(%dma_start3A_215 : memref<10240x128xf32, #tpu.memory_space<vmem_shared>>) offsets(%dma_start3A_212 : memref<128xi32, #tpu.memory_space<vmem>>) semaphore(%run_scoped3A_209 : memref<!tpu.dma_semaphore, #tpu.memory_space<semaphore_mem>>) {add = true}
      %dma_wait3A_216 = arith.constant 0 : i32
      %dma_wait3A_217 = tpu.memref_slice %arg7[%run_scoped3A_93, %dma_wait3A_216] : memref<40x128xi32, #tpu.memory_space<vmem>> -> memref<1x128xi32, #tpu.memory_space<vmem>>
      %dma_wait3A_218 = tpu.memref_squeeze %dma_wait3A_217 : memref<1x128xi32, #tpu.memory_space<vmem>> -> memref<128xi32, #tpu.memory_space<vmem>>
      %dma_wait3A_219 = arith.constant 0 : i32
      %dma_wait3A_220 = arith.constant 0 : i32
      %dma_wait3A_221 = tpu.memref_slice %arg10[%dma_wait3A_219, %dma_wait3A_220] : memref<10240x128xf32, #tpu.memory_space<vmem_shared>> -> memref<10240x128xf32, #tpu.memory_space<vmem_shared>>
      tpu.wait_indirect_dma semaphore(%run_scoped3A_209 : memref<!tpu.dma_semaphore, #tpu.memory_space<semaphore_mem>>) src(%arg9 : memref<128x128xf32, #tpu.memory_space<vmem>>) dst(%dma_wait3A_221 : memref<10240x128xf32, #tpu.memory_space<vmem_shared>>)
      tpu.yield
    }) : () -> ()
    %barrier3A_94 = arith.constant 0 : index
    tpu.barrier barrier_id(%barrier3A_94)
    %mul3A_95 = arith.constant 640 : i32
    %mul3A_96 = arith.muli %arg1, %mul3A_95 : i32
    %mul3A_97 = arith.constant 640 : i32
    %mul3A_98 = arith.muli %arg1, %mul3A_97 : i32
    %add3A_99 = arith.addi %mul3A_1, %mul3A_98 : i32
    "tpu.region"() ({
      %run_scoped3A_209 = tpu.sem_alloc : memref<!tpu.dma_semaphore, #tpu.memory_space<semaphore_mem>>
      %dma_start3A_210 = arith.constant 0 : i32
      %dma_start3A_211 = tpu.memref_slice %arg5[%add3A_99, %dma_start3A_210] : memref<40960x128xf32, #tpu.memory_space<hbm>> -> memref<640x128xf32, #tpu.memory_space<hbm>>
      %dma_start3A_212 = arith.constant 0 : i32
      %dma_start3A_213 = tpu.memref_slice %arg10[%mul3A_96, %dma_start3A_212] : memref<10240x128xf32, #tpu.memory_space<vmem_shared>> -> memref<640x128xf32, #tpu.memory_space<vmem_shared>>
      tpu.enqueue_dma source(%dma_start3A_213 : memref<640x128xf32, #tpu.memory_space<vmem_shared>>) target(%dma_start3A_211 : memref<640x128xf32, #tpu.memory_space<hbm>>) target_semaphore(%run_scoped3A_209 : memref<!tpu.dma_semaphore, #tpu.memory_space<semaphore_mem>>)
      %dma_wait3A_214 = arith.constant 0 : i32
      %dma_wait3A_215 = tpu.memref_slice %arg5[%add3A_99, %dma_wait3A_214] : memref<40960x128xf32, #tpu.memory_space<hbm>> -> memref<640x128xf32, #tpu.memory_space<hbm>>
      %dma_wait3A_216 = arith.constant 0 : i32
      %dma_wait3A_217 = tpu.memref_slice %arg10[%mul3A_96, %dma_wait3A_216] : memref<10240x128xf32, #tpu.memory_space<vmem_shared>> -> memref<640x128xf32, #tpu.memory_space<vmem_shared>>
      tpu.wait_dma2 semaphore(%run_scoped3A_209 : memref<!tpu.dma_semaphore, #tpu.memory_space<semaphore_mem>>) src(%dma_wait3A_217 : memref<640x128xf32, #tpu.memory_space<vmem_shared>>) dst(%dma_wait3A_215 : memref<640x128xf32, #tpu.memory_space<hbm>>)
      tpu.yield
    }) : () -> ()
    %barrier3A_100 = arith.constant 0 : index
    tpu.barrier barrier_id(%barrier3A_100)
    %add3A_101 = arith.constant 2 : i32
    %add3A_102 = arith.addi %arg0, %add3A_101 : i32
    %mul3A_103 = arith.constant 10240 : i32
    %mul3A_104 = arith.muli %add3A_102, %mul3A_103 : i32
    %broadcast_in_dim3A_105 = arith.constant 0 : i32
    %broadcast_in_dim3A_106 = vector.broadcast %broadcast_in_dim3A_105 : i32 to vector<16xi32>
    %add3A_107 = vector.broadcast %mul3A_104 : i32 to vector<16xi32>
    %add3A_108 = arith.addi %broadcast_in_dim3A_106, %add3A_107 : vector<16xi32>
    %mul3A_109 = arith.constant 640 : i32
    %mul3A_110 = arith.muli %arg1, %mul3A_109 : i32
    %add3A_111 = arith.addi %mul3A_104, %mul3A_110 : i32
    %mul3A_112 = arith.constant 640 : i32
    %mul3A_113 = arith.muli %arg1, %mul3A_112 : i32
    "tpu.region"() ({
      %run_scoped3A_209 = tpu.sem_alloc : memref<!tpu.dma_semaphore, #tpu.memory_space<semaphore_mem>>
      %dma_start3A_210 = arith.constant 0 : i32
      %dma_start3A_211 = tpu.memref_slice %arg10[%mul3A_113, %dma_start3A_210] : memref<10240x128xf32, #tpu.memory_space<vmem_shared>> -> memref<640x128xf32, #tpu.memory_space<vmem_shared>>
      %dma_start3A_212 = arith.constant 0 : i32
      %dma_start3A_213 = tpu.memref_slice %arg2[%add3A_111, %dma_start3A_212] : memref<40960x128xf32, #tpu.memory_space<hbm>> -> memref<640x128xf32, #tpu.memory_space<hbm>>
      tpu.enqueue_dma source(%dma_start3A_213 : memref<640x128xf32, #tpu.memory_space<hbm>>) target(%dma_start3A_211 : memref<640x128xf32, #tpu.memory_space<vmem_shared>>) target_semaphore(%run_scoped3A_209 : memref<!tpu.dma_semaphore, #tpu.memory_space<semaphore_mem>>)
      %dma_wait3A_214 = arith.constant 0 : i32
      %dma_wait3A_215 = tpu.memref_slice %arg10[%mul3A_113, %dma_wait3A_214] : memref<10240x128xf32, #tpu.memory_space<vmem_shared>> -> memref<640x128xf32, #tpu.memory_space<vmem_shared>>
      %dma_wait3A_216 = arith.constant 0 : i32
      %dma_wait3A_217 = tpu.memref_slice %arg2[%add3A_111, %dma_wait3A_216] : memref<40960x128xf32, #tpu.memory_space<hbm>> -> memref<640x128xf32, #tpu.memory_space<hbm>>
      tpu.wait_dma2 semaphore(%run_scoped3A_209 : memref<!tpu.dma_semaphore, #tpu.memory_space<semaphore_mem>>) src(%dma_wait3A_217 : memref<640x128xf32, #tpu.memory_space<hbm>>) dst(%dma_wait3A_215 : memref<640x128xf32, #tpu.memory_space<vmem_shared>>)
      tpu.yield
    }) : () -> ()
    %barrier3A_114 = arith.constant 0 : index
    tpu.barrier barrier_id(%barrier3A_114)
    %mul3A_115 = arith.constant 80 : i32
    %mul3A_116 = arith.muli %arg1, %mul3A_115 : i32
    %add3A_117 = arith.constant 0 : i32
    %add3A_118 = arith.addi %mul3A_116, %add3A_117 : i32
    "tpu.region"() ({
      %run_scoped3A_209 = tpu.sem_alloc : memref<!tpu.dma_semaphore, #tpu.memory_space<semaphore_mem>>
      %dma_start3A_210 = arith.constant 0 : i32
      %dma_start3A_211 = tpu.memref_slice %arg3[%add3A_118, %dma_start3A_210] : memref<1280x128xi32, #tpu.memory_space<hbm>> -> memref<40x128xi32, #tpu.memory_space<hbm>>
      %dma_start3A_212 = arith.constant 0 : i32
      %dma_start3A_213 = tpu.memref_slice %arg3[%add3A_118, %dma_start3A_212] : memref<1280x128xi32, #tpu.memory_space<hbm>> -> memref<40x128xi32, #tpu.memory_space<hbm>>
      tpu.enqueue_dma source(%dma_start3A_213 : memref<40x128xi32, #tpu.memory_space<hbm>>) target(%arg6 : memref<40x128xi32, #tpu.memory_space<vmem>>) target_semaphore(%run_scoped3A_209 : memref<!tpu.dma_semaphore, #tpu.memory_space<semaphore_mem>>)
      %dma_wait3A_214 = arith.constant 0 : i32
      %dma_wait3A_215 = tpu.memref_slice %arg3[%add3A_118, %dma_wait3A_214] : memref<1280x128xi32, #tpu.memory_space<hbm>> -> memref<40x128xi32, #tpu.memory_space<hbm>>
      %dma_wait3A_216 = arith.constant 0 : i32
      %dma_wait3A_217 = tpu.memref_slice %arg3[%add3A_118, %dma_wait3A_216] : memref<1280x128xi32, #tpu.memory_space<hbm>> -> memref<40x128xi32, #tpu.memory_space<hbm>>
      tpu.wait_dma2 semaphore(%run_scoped3A_209 : memref<!tpu.dma_semaphore, #tpu.memory_space<semaphore_mem>>) src(%dma_wait3A_217 : memref<40x128xi32, #tpu.memory_space<hbm>>) dst(%arg6 : memref<40x128xi32, #tpu.memory_space<vmem>>)
      tpu.yield
    }) : () -> ()
    "tpu.region"() ({
      %run_scoped3A_209 = tpu.sem_alloc : memref<!tpu.dma_semaphore, #tpu.memory_space<semaphore_mem>>
      %dma_start3A_210 = arith.constant 0 : i32
      %dma_start3A_211 = tpu.memref_slice %arg4[%add3A_118, %dma_start3A_210] : memref<1280x128xi32, #tpu.memory_space<hbm>> -> memref<40x128xi32, #tpu.memory_space<hbm>>
      %dma_start3A_212 = arith.constant 0 : i32
      %dma_start3A_213 = tpu.memref_slice %arg4[%add3A_118, %dma_start3A_212] : memref<1280x128xi32, #tpu.memory_space<hbm>> -> memref<40x128xi32, #tpu.memory_space<hbm>>
      tpu.enqueue_dma source(%dma_start3A_213 : memref<40x128xi32, #tpu.memory_space<hbm>>) target(%arg7 : memref<40x128xi32, #tpu.memory_space<vmem>>) target_semaphore(%run_scoped3A_209 : memref<!tpu.dma_semaphore, #tpu.memory_space<semaphore_mem>>)
      %dma_wait3A_214 = arith.constant 0 : i32
      %dma_wait3A_215 = tpu.memref_slice %arg4[%add3A_118, %dma_wait3A_214] : memref<1280x128xi32, #tpu.memory_space<hbm>> -> memref<40x128xi32, #tpu.memory_space<hbm>>
      %dma_wait3A_216 = arith.constant 0 : i32
      %dma_wait3A_217 = tpu.memref_slice %arg4[%add3A_118, %dma_wait3A_216] : memref<1280x128xi32, #tpu.memory_space<hbm>> -> memref<40x128xi32, #tpu.memory_space<hbm>>
      tpu.wait_dma2 semaphore(%run_scoped3A_209 : memref<!tpu.dma_semaphore, #tpu.memory_space<semaphore_mem>>) src(%dma_wait3A_217 : memref<40x128xi32, #tpu.memory_space<hbm>>) dst(%arg7 : memref<40x128xi32, #tpu.memory_space<vmem>>)
      tpu.yield
    }) : () -> ()
    %scan3A_119 = arith.constant 0 : i32
    %scan3A_120 = arith.constant 40 : i32
    %scan3A_121 = arith.addi %scan3A_119, %scan3A_120 : i32
    %scan3A_122 = arith.constant 1 : i32
    scf.for %scan3A_209 = %scan3A_119 to %scan3A_121 step %scan3A_122  : i32 {
      %mul3A_210 = arith.constant 1 : i32
      %mul3A_211 = arith.muli %scan3A_209, %mul3A_210 : i32
      %add3A_212 = arith.constant 0 : i32
      %add3A_213 = arith.addi %add3A_212, %mul3A_211 : i32
      %scan3A_214 = arith.constant 0 : i32
      %scan3A_215 = arith.constant 8 : i32
      %scan3A_216 = arith.addi %scan3A_214, %scan3A_215 : i32
      %scan3A_217 = arith.constant 1 : i32
      scf.for %scan3A_219 = %scan3A_214 to %scan3A_216 step %scan3A_217  : i32 {
        %mul3A_220 = arith.constant 16 : i32
        %mul3A_221 = arith.muli %scan3A_219, %mul3A_220 : i32
        %add3A_222 = arith.constant 0 : i32
        %add3A_223 = arith.addi %add3A_222, %mul3A_221 : i32
        %get3A = arith.index_cast %add3A_213 : i32 to index
        %get3A_224 = arith.index_cast %add3A_223 : i32 to index
        %get3A_225 = tpu.vector_load %arg6[%get3A, %get3A_224] {strides = array<i32>} : memref<40x128xi32, #tpu.memory_space<vmem>>, vector<1x16xi32>,
        %get3A_226 = vector.shape_cast %get3A_225 : vector<1x16xi32> to vector<16xi32>
        %add3A_227 = arith.addi %get3A_226, %add3A_108 : vector<16xi32>
        %swap3A = arith.index_cast %add3A_213 : i32 to index
        %swap3A_228 = arith.index_cast %add3A_223 : i32 to index
        %swap3A_229 = tpu.vector_load %arg6[%swap3A, %swap3A_228] {strides = array<i32>} : memref<40x128xi32, #tpu.memory_space<vmem>>, vector<1x16xi32>,
        %swap3A_230 = vector.shape_cast %swap3A_229 : vector<1x16xi32> to vector<16xi32>
        %swap3A_231 = vector.shape_cast %add3A_227 : vector<16xi32> to vector<1x16xi32>
        tpu.vector_store %arg6[%swap3A, %swap3A_228], %swap3A_231 {strides = array<i32>} : memref<40x128xi32, #tpu.memory_space<vmem>>, vector<1x16xi32>,
      }
      %scan3A_218 = arith.constant 8 : i32
    }
    %scan3A_123 = arith.constant 40 : i32
    %dma_start3A_124 = arith.constant 0 : i32
    %dma_start3A_125 = arith.constant 0 : i32
    %dma_start3A_126 = tpu.memref_slice %arg6[%dma_start3A_124, %dma_start3A_125] : memref<40x128xi32, #tpu.memory_space<vmem>> -> memref<1x128xi32, #tpu.memory_space<vmem>>
    %dma_start3A_127 = tpu.memref_squeeze %dma_start3A_126 : memref<1x128xi32, #tpu.memory_space<vmem>> -> memref<128xi32, #tpu.memory_space<vmem>>
    %dma_start3A_128 = arith.constant 0 : i32
    %dma_start3A_129 = arith.constant 0 : i32
    %dma_start3A_130 = tpu.memref_slice %arg2[%dma_start3A_128, %dma_start3A_129] : memref<40960x128xf32, #tpu.memory_space<hbm>> -> memref<40960x128xf32, #tpu.memory_space<hbm>>
    tpu.enqueue_indirect_dma source(%dma_start3A_130 : memref<40960x128xf32, #tpu.memory_space<hbm>>) target(%arg8 : memref<128x128xf32, #tpu.memory_space<vmem>>) offsets(%dma_start3A_127 : memref<128xi32, #tpu.memory_space<vmem>>) semaphore(%arg11 : memref<!tpu.dma_semaphore, #tpu.memory_space<semaphore_mem>>)
    %scan3A_131 = arith.constant 0 : i32
    %scan3A_132 = arith.constant 19 : i32
    %scan3A_133 = arith.addi %scan3A_131, %scan3A_132 : i32
    %scan3A_134 = arith.constant 1 : i32
    scf.for %scan3A_209 = %scan3A_131 to %scan3A_133 step %scan3A_134  : i32 {
      %mul3A_210 = arith.constant 2 : i32
      %mul3A_211 = arith.muli %scan3A_209, %mul3A_210 : i32
      %add3A_212 = arith.constant 0 : i32
      %add3A_213 = arith.addi %add3A_212, %mul3A_211 : i32
      %add3A_214 = arith.constant 1 : i32
      %add3A_215 = arith.addi %add3A_213, %add3A_214 : i32
      %dma_start3A_216 = arith.constant 0 : i32
      %dma_start3A_217 = tpu.memref_slice %arg6[%add3A_215, %dma_start3A_216] : memref<40x128xi32, #tpu.memory_space<vmem>> -> memref<1x128xi32, #tpu.memory_space<vmem>>
      %dma_start3A_218 = tpu.memref_squeeze %dma_start3A_217 : memref<1x128xi32, #tpu.memory_space<vmem>> -> memref<128xi32, #tpu.memory_space<vmem>>
      %dma_start3A_219 = arith.constant 0 : i32
      %dma_start3A_220 = arith.constant 0 : i32
      %dma_start3A_221 = tpu.memref_slice %arg2[%dma_start3A_219, %dma_start3A_220] : memref<40960x128xf32, #tpu.memory_space<hbm>> -> memref<40960x128xf32, #tpu.memory_space<hbm>>
      tpu.enqueue_indirect_dma source(%dma_start3A_221 : memref<40960x128xf32, #tpu.memory_space<hbm>>) target(%arg9 : memref<128x128xf32, #tpu.memory_space<vmem>>) offsets(%dma_start3A_218 : memref<128xi32, #tpu.memory_space<vmem>>) semaphore(%arg12 : memref<!tpu.dma_semaphore, #tpu.memory_space<semaphore_mem>>)
      %dma_wait3A_222 = arith.constant 0 : i32
      %dma_wait3A_223 = arith.constant 0 : i32
      %dma_wait3A_224 = tpu.memref_slice %arg6[%dma_wait3A_222, %dma_wait3A_223] : memref<40x128xi32, #tpu.memory_space<vmem>> -> memref<1x128xi32, #tpu.memory_space<vmem>>
      %dma_wait3A_225 = tpu.memref_squeeze %dma_wait3A_224 : memref<1x128xi32, #tpu.memory_space<vmem>> -> memref<128xi32, #tpu.memory_space<vmem>>
      %dma_wait3A_226 = arith.constant 0 : i32
      %dma_wait3A_227 = arith.constant 0 : i32
      %dma_wait3A_228 = tpu.memref_slice %arg2[%dma_wait3A_226, %dma_wait3A_227] : memref<40960x128xf32, #tpu.memory_space<hbm>> -> memref<40960x128xf32, #tpu.memory_space<hbm>>
      tpu.wait_indirect_dma semaphore(%arg11 : memref<!tpu.dma_semaphore, #tpu.memory_space<semaphore_mem>>) src(%dma_wait3A_228 : memref<40960x128xf32, #tpu.memory_space<hbm>>) dst(%arg8 : memref<128x128xf32, #tpu.memory_space<vmem>>)
      "tpu.region"() ({
        %run_scoped3A_246 = tpu.sem_alloc : memref<!tpu.dma_semaphore, #tpu.memory_space<semaphore_mem>>
        %dma_start3A_247 = arith.constant 0 : i32
        %dma_start3A_248 = tpu.memref_slice %arg7[%add3A_213, %dma_start3A_247] : memref<40x128xi32, #tpu.memory_space<vmem>> -> memref<1x128xi32, #tpu.memory_space<vmem>>
        %dma_start3A_249 = tpu.memref_squeeze %dma_start3A_248 : memref<1x128xi32, #tpu.memory_space<vmem>> -> memref<128xi32, #tpu.memory_space<vmem>>
        %dma_start3A_250 = arith.constant 0 : i32
        %dma_start3A_251 = arith.constant 0 : i32
        %dma_start3A_252 = tpu.memref_slice %arg10[%dma_start3A_250, %dma_start3A_251] : memref<10240x128xf32, #tpu.memory_space<vmem_shared>> -> memref<10240x128xf32, #tpu.memory_space<vmem_shared>>
        tpu.enqueue_indirect_dma source(%arg8 : memref<128x128xf32, #tpu.memory_space<vmem>>) target(%dma_start3A_252 : memref<10240x128xf32, #tpu.memory_space<vmem_shared>>) offsets(%dma_start3A_249 : memref<128xi32, #tpu.memory_space<vmem>>) semaphore(%run_scoped3A_246 : memref<!tpu.dma_semaphore, #tpu.memory_space<semaphore_mem>>) {add = true}
        %dma_wait3A_253 = arith.constant 0 : i32
        %dma_wait3A_254 = tpu.memref_slice %arg7[%add3A_213, %dma_wait3A_253] : memref<40x128xi32, #tpu.memory_space<vmem>> -> memref<1x128xi32, #tpu.memory_space<vmem>>
        %dma_wait3A_255 = tpu.memref_squeeze %dma_wait3A_254 : memref<1x128xi32, #tpu.memory_space<vmem>> -> memref<128xi32, #tpu.memory_space<vmem>>
        %dma_wait3A_256 = arith.constant 0 : i32
        %dma_wait3A_257 = arith.constant 0 : i32
        %dma_wait3A_258 = tpu.memref_slice %arg10[%dma_wait3A_256, %dma_wait3A_257] : memref<10240x128xf32, #tpu.memory_space<vmem_shared>> -> memref<10240x128xf32, #tpu.memory_space<vmem_shared>>
        tpu.wait_indirect_dma semaphore(%run_scoped3A_246 : memref<!tpu.dma_semaphore, #tpu.memory_space<semaphore_mem>>) src(%arg8 : memref<128x128xf32, #tpu.memory_space<vmem>>) dst(%dma_wait3A_258 : memref<10240x128xf32, #tpu.memory_space<vmem_shared>>)
        tpu.yield
      }) : () -> ()
      %add3A_229 = arith.constant 2 : i32
      %add3A_230 = arith.addi %add3A_213, %add3A_229 : i32
      %dma_start3A_231 = arith.constant 0 : i32
      %dma_start3A_232 = tpu.memref_slice %arg6[%add3A_230, %dma_start3A_231] : memref<40x128xi32, #tpu.memory_space<vmem>> -> memref<1x128xi32, #tpu.memory_space<vmem>>
      %dma_start3A_233 = tpu.memref_squeeze %dma_start3A_232 : memref<1x128xi32, #tpu.memory_space<vmem>> -> memref<128xi32, #tpu.memory_space<vmem>>
      %dma_start3A_234 = arith.constant 0 : i32
      %dma_start3A_235 = arith.constant 0 : i32
      %dma_start3A_236 = tpu.memref_slice %arg2[%dma_start3A_234, %dma_start3A_235] : memref<40960x128xf32, #tpu.memory_space<hbm>> -> memref<40960x128xf32, #tpu.memory_space<hbm>>
      tpu.enqueue_indirect_dma source(%dma_start3A_236 : memref<40960x128xf32, #tpu.memory_space<hbm>>) target(%arg8 : memref<128x128xf32, #tpu.memory_space<vmem>>) offsets(%dma_start3A_233 : memref<128xi32, #tpu.memory_space<vmem>>) semaphore(%arg11 : memref<!tpu.dma_semaphore, #tpu.memory_space<semaphore_mem>>)
      %dma_wait3A_237 = arith.constant 0 : i32
      %dma_wait3A_238 = arith.constant 0 : i32
      %dma_wait3A_239 = tpu.memref_slice %arg6[%dma_wait3A_237, %dma_wait3A_238] : memref<40x128xi32, #tpu.memory_space<vmem>> -> memref<1x128xi32, #tpu.memory_space<vmem>>
      %dma_wait3A_240 = tpu.memref_squeeze %dma_wait3A_239 : memref<1x128xi32, #tpu.memory_space<vmem>> -> memref<128xi32, #tpu.memory_space<vmem>>
      %dma_wait3A_241 = arith.constant 0 : i32
      %dma_wait3A_242 = arith.constant 0 : i32
      %dma_wait3A_243 = tpu.memref_slice %arg2[%dma_wait3A_241, %dma_wait3A_242] : memref<40960x128xf32, #tpu.memory_space<hbm>> -> memref<40960x128xf32, #tpu.memory_space<hbm>>
      tpu.wait_indirect_dma semaphore(%arg12 : memref<!tpu.dma_semaphore, #tpu.memory_space<semaphore_mem>>) src(%dma_wait3A_243 : memref<40960x128xf32, #tpu.memory_space<hbm>>) dst(%arg9 : memref<128x128xf32, #tpu.memory_space<vmem>>)
      %add3A_244 = arith.constant 1 : i32
      %add3A_245 = arith.addi %add3A_213, %add3A_244 : i32
      "tpu.region"() ({
        %run_scoped3A_246 = tpu.sem_alloc : memref<!tpu.dma_semaphore, #tpu.memory_space<semaphore_mem>>
        %dma_start3A_247 = arith.constant 0 : i32
        %dma_start3A_248 = tpu.memref_slice %arg7[%add3A_245, %dma_start3A_247] : memref<40x128xi32, #tpu.memory_space<vmem>> -> memref<1x128xi32, #tpu.memory_space<vmem>>
        %dma_start3A_249 = tpu.memref_squeeze %dma_start3A_248 : memref<1x128xi32, #tpu.memory_space<vmem>> -> memref<128xi32, #tpu.memory_space<vmem>>
        %dma_start3A_250 = arith.constant 0 : i32
        %dma_start3A_251 = arith.constant 0 : i32
        %dma_start3A_252 = tpu.memref_slice %arg10[%dma_start3A_250, %dma_start3A_251] : memref<10240x128xf32, #tpu.memory_space<vmem_shared>> -> memref<10240x128xf32, #tpu.memory_space<vmem_shared>>
        tpu.enqueue_indirect_dma source(%arg9 : memref<128x128xf32, #tpu.memory_space<vmem>>) target(%dma_start3A_252 : memref<10240x128xf32, #tpu.memory_space<vmem_shared>>) offsets(%dma_start3A_249 : memref<128xi32, #tpu.memory_space<vmem>>) semaphore(%run_scoped3A_246 : memref<!tpu.dma_semaphore, #tpu.memory_space<semaphore_mem>>) {add = true}
        %dma_wait3A_253 = arith.constant 0 : i32
        %dma_wait3A_254 = tpu.memref_slice %arg7[%add3A_245, %dma_wait3A_253] : memref<40x128xi32, #tpu.memory_space<vmem>> -> memref<1x128xi32, #tpu.memory_space<vmem>>
        %dma_wait3A_255 = tpu.memref_squeeze %dma_wait3A_254 : memref<1x128xi32, #tpu.memory_space<vmem>> -> memref<128xi32, #tpu.memory_space<vmem>>
        %dma_wait3A_256 = arith.constant 0 : i32
        %dma_wait3A_257 = arith.constant 0 : i32
        %dma_wait3A_258 = tpu.memref_slice %arg10[%dma_wait3A_256, %dma_wait3A_257] : memref<10240x128xf32, #tpu.memory_space<vmem_shared>> -> memref<10240x128xf32, #tpu.memory_space<vmem_shared>>
        tpu.wait_indirect_dma semaphore(%run_scoped3A_246 : memref<!tpu.dma_semaphore, #tpu.memory_space<semaphore_mem>>) src(%arg9 : memref<128x128xf32, #tpu.memory_space<vmem>>) dst(%dma_wait3A_258 : memref<10240x128xf32, #tpu.memory_space<vmem_shared>>)
        tpu.yield
      }) : () -> ()
    }
    %scan3A_135 = arith.constant 19 : i32
    %dma_start3A_136 = arith.constant 39 : i32
    %dma_start3A_137 = arith.constant 0 : i32
    %dma_start3A_138 = tpu.memref_slice %arg6[%dma_start3A_136, %dma_start3A_137] : memref<40x128xi32, #tpu.memory_space<vmem>> -> memref<1x128xi32, #tpu.memory_space<vmem>>
    %dma_start3A_139 = tpu.memref_squeeze %dma_start3A_138 : memref<1x128xi32, #tpu.memory_space<vmem>> -> memref<128xi32, #tpu.memory_space<vmem>>
    %dma_start3A_140 = arith.constant 0 : i32
    %dma_start3A_141 = arith.constant 0 : i32
    %dma_start3A_142 = tpu.memref_slice %arg2[%dma_start3A_140, %dma_start3A_141] : memref<40960x128xf32, #tpu.memory_space<hbm>> -> memref<40960x128xf32, #tpu.memory_space<hbm>>
    tpu.enqueue_indirect_dma source(%dma_start3A_142 : memref<40960x128xf32, #tpu.memory_space<hbm>>) target(%arg9 : memref<128x128xf32, #tpu.memory_space<vmem>>) offsets(%dma_start3A_139 : memref<128xi32, #tpu.memory_space<vmem>>) semaphore(%arg12 : memref<!tpu.dma_semaphore, #tpu.memory_space<semaphore_mem>>)
    %dma_wait3A_143 = arith.constant 0 : i32
    %dma_wait3A_144 = arith.constant 0 : i32
    %dma_wait3A_145 = tpu.memref_slice %arg6[%dma_wait3A_143, %dma_wait3A_144] : memref<40x128xi32, #tpu.memory_space<vmem>> -> memref<1x128xi32, #tpu.memory_space<vmem>>
    %dma_wait3A_146 = tpu.memref_squeeze %dma_wait3A_145 : memref<1x128xi32, #tpu.memory_space<vmem>> -> memref<128xi32, #tpu.memory_space<vmem>>
    %dma_wait3A_147 = arith.constant 0 : i32
    %dma_wait3A_148 = arith.constant 0 : i32
    %dma_wait3A_149 = tpu.memref_slice %arg2[%dma_wait3A_147, %dma_wait3A_148] : memref<40960x128xf32, #tpu.memory_space<hbm>> -> memref<40960x128xf32, #tpu.memory_space<hbm>>
    tpu.wait_indirect_dma semaphore(%arg11 : memref<!tpu.dma_semaphore, #tpu.memory_space<semaphore_mem>>) src(%dma_wait3A_149 : memref<40960x128xf32, #tpu.memory_space<hbm>>) dst(%arg8 : memref<128x128xf32, #tpu.memory_space<vmem>>)
    %run_scoped3A_150 = arith.constant 38 : i32
    "tpu.region"() ({
      %run_scoped3A_209 = tpu.sem_alloc : memref<!tpu.dma_semaphore, #tpu.memory_space<semaphore_mem>>
      %dma_start3A_210 = arith.constant 0 : i32
      %dma_start3A_211 = tpu.memref_slice %arg7[%run_scoped3A_150, %dma_start3A_210] : memref<40x128xi32, #tpu.memory_space<vmem>> -> memref<1x128xi32, #tpu.memory_space<vmem>>
      %dma_start3A_212 = tpu.memref_squeeze %dma_start3A_211 : memref<1x128xi32, #tpu.memory_space<vmem>> -> memref<128xi32, #tpu.memory_space<vmem>>
      %dma_start3A_213 = arith.constant 0 : i32
      %dma_start3A_214 = arith.constant 0 : i32
      %dma_start3A_215 = tpu.memref_slice %arg10[%dma_start3A_213, %dma_start3A_214] : memref<10240x128xf32, #tpu.memory_space<vmem_shared>> -> memref<10240x128xf32, #tpu.memory_space<vmem_shared>>
      tpu.enqueue_indirect_dma source(%arg8 : memref<128x128xf32, #tpu.memory_space<vmem>>) target(%dma_start3A_215 : memref<10240x128xf32, #tpu.memory_space<vmem_shared>>) offsets(%dma_start3A_212 : memref<128xi32, #tpu.memory_space<vmem>>) semaphore(%run_scoped3A_209 : memref<!tpu.dma_semaphore, #tpu.memory_space<semaphore_mem>>) {add = true}
      %dma_wait3A_216 = arith.constant 0 : i32
      %dma_wait3A_217 = tpu.memref_slice %arg7[%run_scoped3A_150, %dma_wait3A_216] : memref<40x128xi32, #tpu.memory_space<vmem>> -> memref<1x128xi32, #tpu.memory_space<vmem>>
      %dma_wait3A_218 = tpu.memref_squeeze %dma_wait3A_217 : memref<1x128xi32, #tpu.memory_space<vmem>> -> memref<128xi32, #tpu.memory_space<vmem>>
      %dma_wait3A_219 = arith.constant 0 : i32
      %dma_wait3A_220 = arith.constant 0 : i32
      %dma_wait3A_221 = tpu.memref_slice %arg10[%dma_wait3A_219, %dma_wait3A_220] : memref<10240x128xf32, #tpu.memory_space<vmem_shared>> -> memref<10240x128xf32, #tpu.memory_space<vmem_shared>>
      tpu.wait_indirect_dma semaphore(%run_scoped3A_209 : memref<!tpu.dma_semaphore, #tpu.memory_space<semaphore_mem>>) src(%arg8 : memref<128x128xf32, #tpu.memory_space<vmem>>) dst(%dma_wait3A_221 : memref<10240x128xf32, #tpu.memory_space<vmem_shared>>)
      tpu.yield
    }) : () -> ()
    %dma_wait3A_151 = arith.constant 0 : i32
    %dma_wait3A_152 = arith.constant 0 : i32
    %dma_wait3A_153 = tpu.memref_slice %arg6[%dma_wait3A_151, %dma_wait3A_152] : memref<40x128xi32, #tpu.memory_space<vmem>> -> memref<1x128xi32, #tpu.memory_space<vmem>>
    %dma_wait3A_154 = tpu.memref_squeeze %dma_wait3A_153 : memref<1x128xi32, #tpu.memory_space<vmem>> -> memref<128xi32, #tpu.memory_space<vmem>>
    %dma_wait3A_155 = arith.constant 0 : i32
    %dma_wait3A_156 = arith.constant 0 : i32
    %dma_wait3A_157 = tpu.memref_slice %arg2[%dma_wait3A_155, %dma_wait3A_156] : memref<40960x128xf32, #tpu.memory_space<hbm>> -> memref<40960x128xf32, #tpu.memory_space<hbm>>
    tpu.wait_indirect_dma semaphore(%arg12 : memref<!tpu.dma_semaphore, #tpu.memory_space<semaphore_mem>>) src(%dma_wait3A_157 : memref<40960x128xf32, #tpu.memory_space<hbm>>) dst(%arg9 : memref<128x128xf32, #tpu.memory_space<vmem>>)
    %run_scoped3A_158 = arith.constant 39 : i32
    "tpu.region"() ({
      %run_scoped3A_209 = tpu.sem_alloc : memref<!tpu.dma_semaphore, #tpu.memory_space<semaphore_mem>>
      %dma_start3A_210 = arith.constant 0 : i32
      %dma_start3A_211 = tpu.memref_slice %arg7[%run_scoped3A_158, %dma_start3A_210] : memref<40x128xi32, #tpu.memory_space<vmem>> -> memref<1x128xi32, #tpu.memory_space<vmem>>
      %dma_start3A_212 = tpu.memref_squeeze %dma_start3A_211 : memref<1x128xi32, #tpu.memory_space<vmem>> -> memref<128xi32, #tpu.memory_space<vmem>>
      %dma_start3A_213 = arith.constant 0 : i32
      %dma_start3A_214 = arith.constant 0 : i32
      %dma_start3A_215 = tpu.memref_slice %arg10[%dma_start3A_213, %dma_start3A_214] : memref<10240x128xf32, #tpu.memory_space<vmem_shared>> -> memref<10240x128xf32, #tpu.memory_space<vmem_shared>>
      tpu.enqueue_indirect_dma source(%arg9 : memref<128x128xf32, #tpu.memory_space<vmem>>) target(%dma_start3A_215 : memref<10240x128xf32, #tpu.memory_space<vmem_shared>>) offsets(%dma_start3A_212 : memref<128xi32, #tpu.memory_space<vmem>>) semaphore(%run_scoped3A_209 : memref<!tpu.dma_semaphore, #tpu.memory_space<semaphore_mem>>) {add = true}
      %dma_wait3A_216 = arith.constant 0 : i32
      %dma_wait3A_217 = tpu.memref_slice %arg7[%run_scoped3A_158, %dma_wait3A_216] : memref<40x128xi32, #tpu.memory_space<vmem>> -> memref<1x128xi32, #tpu.memory_space<vmem>>
      %dma_wait3A_218 = tpu.memref_squeeze %dma_wait3A_217 : memref<1x128xi32, #tpu.memory_space<vmem>> -> memref<128xi32, #tpu.memory_space<vmem>>
      %dma_wait3A_219 = arith.constant 0 : i32
      %dma_wait3A_220 = arith.constant 0 : i32
      %dma_wait3A_221 = tpu.memref_slice %arg10[%dma_wait3A_219, %dma_wait3A_220] : memref<10240x128xf32, #tpu.memory_space<vmem_shared>> -> memref<10240x128xf32, #tpu.memory_space<vmem_shared>>
      tpu.wait_indirect_dma semaphore(%run_scoped3A_209 : memref<!tpu.dma_semaphore, #tpu.memory_space<semaphore_mem>>) src(%arg9 : memref<128x128xf32, #tpu.memory_space<vmem>>) dst(%dma_wait3A_221 : memref<10240x128xf32, #tpu.memory_space<vmem_shared>>)
      tpu.yield
    }) : () -> ()
    %mul3A_159 = arith.constant 80 : i32
    %mul3A_160 = arith.muli %arg1, %mul3A_159 : i32
    %add3A_161 = arith.constant 40 : i32
    %add3A_162 = arith.addi %mul3A_160, %add3A_161 : i32
    "tpu.region"() ({
      %run_scoped3A_209 = tpu.sem_alloc : memref<!tpu.dma_semaphore, #tpu.memory_space<semaphore_mem>>
      %dma_start3A_210 = arith.constant 0 : i32
      %dma_start3A_211 = tpu.memref_slice %arg3[%add3A_162, %dma_start3A_210] : memref<1280x128xi32, #tpu.memory_space<hbm>> -> memref<40x128xi32, #tpu.memory_space<hbm>>
      %dma_start3A_212 = arith.constant 0 : i32
      %dma_start3A_213 = tpu.memref_slice %arg3[%add3A_162, %dma_start3A_212] : memref<1280x128xi32, #tpu.memory_space<hbm>> -> memref<40x128xi32, #tpu.memory_space<hbm>>
      tpu.enqueue_dma source(%dma_start3A_213 : memref<40x128xi32, #tpu.memory_space<hbm>>) target(%arg6 : memref<40x128xi32, #tpu.memory_space<vmem>>) target_semaphore(%run_scoped3A_209 : memref<!tpu.dma_semaphore, #tpu.memory_space<semaphore_mem>>)
      %dma_wait3A_214 = arith.constant 0 : i32
      %dma_wait3A_215 = tpu.memref_slice %arg3[%add3A_162, %dma_wait3A_214] : memref<1280x128xi32, #tpu.memory_space<hbm>> -> memref<40x128xi32, #tpu.memory_space<hbm>>
      %dma_wait3A_216 = arith.constant 0 : i32
      %dma_wait3A_217 = tpu.memref_slice %arg3[%add3A_162, %dma_wait3A_216] : memref<1280x128xi32, #tpu.memory_space<hbm>> -> memref<40x128xi32, #tpu.memory_space<hbm>>
      tpu.wait_dma2 semaphore(%run_scoped3A_209 : memref<!tpu.dma_semaphore, #tpu.memory_space<semaphore_mem>>) src(%dma_wait3A_217 : memref<40x128xi32, #tpu.memory_space<hbm>>) dst(%arg6 : memref<40x128xi32, #tpu.memory_space<vmem>>)
      tpu.yield
    }) : () -> ()
    "tpu.region"() ({
      %run_scoped3A_209 = tpu.sem_alloc : memref<!tpu.dma_semaphore, #tpu.memory_space<semaphore_mem>>
      %dma_start3A_210 = arith.constant 0 : i32
      %dma_start3A_211 = tpu.memref_slice %arg4[%add3A_162, %dma_start3A_210] : memref<1280x128xi32, #tpu.memory_space<hbm>> -> memref<40x128xi32, #tpu.memory_space<hbm>>
      %dma_start3A_212 = arith.constant 0 : i32
      %dma_start3A_213 = tpu.memref_slice %arg4[%add3A_162, %dma_start3A_212] : memref<1280x128xi32, #tpu.memory_space<hbm>> -> memref<40x128xi32, #tpu.memory_space<hbm>>
      tpu.enqueue_dma source(%dma_start3A_213 : memref<40x128xi32, #tpu.memory_space<hbm>>) target(%arg7 : memref<40x128xi32, #tpu.memory_space<vmem>>) target_semaphore(%run_scoped3A_209 : memref<!tpu.dma_semaphore, #tpu.memory_space<semaphore_mem>>)
      %dma_wait3A_214 = arith.constant 0 : i32
      %dma_wait3A_215 = tpu.memref_slice %arg4[%add3A_162, %dma_wait3A_214] : memref<1280x128xi32, #tpu.memory_space<hbm>> -> memref<40x128xi32, #tpu.memory_space<hbm>>
      %dma_wait3A_216 = arith.constant 0 : i32
      %dma_wait3A_217 = tpu.memref_slice %arg4[%add3A_162, %dma_wait3A_216] : memref<1280x128xi32, #tpu.memory_space<hbm>> -> memref<40x128xi32, #tpu.memory_space<hbm>>
      tpu.wait_dma2 semaphore(%run_scoped3A_209 : memref<!tpu.dma_semaphore, #tpu.memory_space<semaphore_mem>>) src(%dma_wait3A_217 : memref<40x128xi32, #tpu.memory_space<hbm>>) dst(%arg7 : memref<40x128xi32, #tpu.memory_space<vmem>>)
      tpu.yield
    }) : () -> ()
    %scan3A_163 = arith.constant 0 : i32
    %scan3A_164 = arith.constant 40 : i32
    %scan3A_165 = arith.addi %scan3A_163, %scan3A_164 : i32
    %scan3A_166 = arith.constant 1 : i32
    scf.for %scan3A_209 = %scan3A_163 to %scan3A_165 step %scan3A_166  : i32 {
      %mul3A_210 = arith.constant 1 : i32
      %mul3A_211 = arith.muli %scan3A_209, %mul3A_210 : i32
      %add3A_212 = arith.constant 0 : i32
      %add3A_213 = arith.addi %add3A_212, %mul3A_211 : i32
      %scan3A_214 = arith.constant 0 : i32
      %scan3A_215 = arith.constant 8 : i32
      %scan3A_216 = arith.addi %scan3A_214, %scan3A_215 : i32
      %scan3A_217 = arith.constant 1 : i32
      scf.for %scan3A_219 = %scan3A_214 to %scan3A_216 step %scan3A_217  : i32 {
        %mul3A_220 = arith.constant 16 : i32
        %mul3A_221 = arith.muli %scan3A_219, %mul3A_220 : i32
        %add3A_222 = arith.constant 0 : i32
        %add3A_223 = arith.addi %add3A_222, %mul3A_221 : i32
        %get3A = arith.index_cast %add3A_213 : i32 to index
        %get3A_224 = arith.index_cast %add3A_223 : i32 to index
        %get3A_225 = tpu.vector_load %arg6[%get3A, %get3A_224] {strides = array<i32>} : memref<40x128xi32, #tpu.memory_space<vmem>>, vector<1x16xi32>,
        %get3A_226 = vector.shape_cast %get3A_225 : vector<1x16xi32> to vector<16xi32>
        %add3A_227 = arith.addi %get3A_226, %add3A_108 : vector<16xi32>
        %swap3A = arith.index_cast %add3A_213 : i32 to index
        %swap3A_228 = arith.index_cast %add3A_223 : i32 to index
        %swap3A_229 = tpu.vector_load %arg6[%swap3A, %swap3A_228] {strides = array<i32>} : memref<40x128xi32, #tpu.memory_space<vmem>>, vector<1x16xi32>,
        %swap3A_230 = vector.shape_cast %swap3A_229 : vector<1x16xi32> to vector<16xi32>
        %swap3A_231 = vector.shape_cast %add3A_227 : vector<16xi32> to vector<1x16xi32>
        tpu.vector_store %arg6[%swap3A, %swap3A_228], %swap3A_231 {strides = array<i32>} : memref<40x128xi32, #tpu.memory_space<vmem>>, vector<1x16xi32>,
      }
      %scan3A_218 = arith.constant 8 : i32
    }
    %scan3A_167 = arith.constant 40 : i32
    %dma_start3A_168 = arith.constant 0 : i32
    %dma_start3A_169 = arith.constant 0 : i32
    %dma_start3A_170 = tpu.memref_slice %arg6[%dma_start3A_168, %dma_start3A_169] : memref<40x128xi32, #tpu.memory_space<vmem>> -> memref<1x128xi32, #tpu.memory_space<vmem>>
    %dma_start3A_171 = tpu.memref_squeeze %dma_start3A_170 : memref<1x128xi32, #tpu.memory_space<vmem>> -> memref<128xi32, #tpu.memory_space<vmem>>
    %dma_start3A_172 = arith.constant 0 : i32
    %dma_start3A_173 = arith.constant 0 : i32
    %dma_start3A_174 = tpu.memref_slice %arg2[%dma_start3A_172, %dma_start3A_173] : memref<40960x128xf32, #tpu.memory_space<hbm>> -> memref<40960x128xf32, #tpu.memory_space<hbm>>
    tpu.enqueue_indirect_dma source(%dma_start3A_174 : memref<40960x128xf32, #tpu.memory_space<hbm>>) target(%arg8 : memref<128x128xf32, #tpu.memory_space<vmem>>) offsets(%dma_start3A_171 : memref<128xi32, #tpu.memory_space<vmem>>) semaphore(%arg11 : memref<!tpu.dma_semaphore, #tpu.memory_space<semaphore_mem>>)
    %scan3A_175 = arith.constant 0 : i32
    %scan3A_176 = arith.constant 19 : i32
    %scan3A_177 = arith.addi %scan3A_175, %scan3A_176 : i32
    %scan3A_178 = arith.constant 1 : i32
    scf.for %scan3A_209 = %scan3A_175 to %scan3A_177 step %scan3A_178  : i32 {
      %mul3A_210 = arith.constant 2 : i32
      %mul3A_211 = arith.muli %scan3A_209, %mul3A_210 : i32
      %add3A_212 = arith.constant 0 : i32
      %add3A_213 = arith.addi %add3A_212, %mul3A_211 : i32
      %add3A_214 = arith.constant 1 : i32
      %add3A_215 = arith.addi %add3A_213, %add3A_214 : i32
      %dma_start3A_216 = arith.constant 0 : i32
      %dma_start3A_217 = tpu.memref_slice %arg6[%add3A_215, %dma_start3A_216] : memref<40x128xi32, #tpu.memory_space<vmem>> -> memref<1x128xi32, #tpu.memory_space<vmem>>
      %dma_start3A_218 = tpu.memref_squeeze %dma_start3A_217 : memref<1x128xi32, #tpu.memory_space<vmem>> -> memref<128xi32, #tpu.memory_space<vmem>>
      %dma_start3A_219 = arith.constant 0 : i32
      %dma_start3A_220 = arith.constant 0 : i32
      %dma_start3A_221 = tpu.memref_slice %arg2[%dma_start3A_219, %dma_start3A_220] : memref<40960x128xf32, #tpu.memory_space<hbm>> -> memref<40960x128xf32, #tpu.memory_space<hbm>>
      tpu.enqueue_indirect_dma source(%dma_start3A_221 : memref<40960x128xf32, #tpu.memory_space<hbm>>) target(%arg9 : memref<128x128xf32, #tpu.memory_space<vmem>>) offsets(%dma_start3A_218 : memref<128xi32, #tpu.memory_space<vmem>>) semaphore(%arg12 : memref<!tpu.dma_semaphore, #tpu.memory_space<semaphore_mem>>)
      %dma_wait3A_222 = arith.constant 0 : i32
      %dma_wait3A_223 = arith.constant 0 : i32
      %dma_wait3A_224 = tpu.memref_slice %arg6[%dma_wait3A_222, %dma_wait3A_223] : memref<40x128xi32, #tpu.memory_space<vmem>> -> memref<1x128xi32, #tpu.memory_space<vmem>>
      %dma_wait3A_225 = tpu.memref_squeeze %dma_wait3A_224 : memref<1x128xi32, #tpu.memory_space<vmem>> -> memref<128xi32, #tpu.memory_space<vmem>>
      %dma_wait3A_226 = arith.constant 0 : i32
      %dma_wait3A_227 = arith.constant 0 : i32
      %dma_wait3A_228 = tpu.memref_slice %arg2[%dma_wait3A_226, %dma_wait3A_227] : memref<40960x128xf32, #tpu.memory_space<hbm>> -> memref<40960x128xf32, #tpu.memory_space<hbm>>
      tpu.wait_indirect_dma semaphore(%arg11 : memref<!tpu.dma_semaphore, #tpu.memory_space<semaphore_mem>>) src(%dma_wait3A_228 : memref<40960x128xf32, #tpu.memory_space<hbm>>) dst(%arg8 : memref<128x128xf32, #tpu.memory_space<vmem>>)
      "tpu.region"() ({
        %run_scoped3A_246 = tpu.sem_alloc : memref<!tpu.dma_semaphore, #tpu.memory_space<semaphore_mem>>
        %dma_start3A_247 = arith.constant 0 : i32
        %dma_start3A_248 = tpu.memref_slice %arg7[%add3A_213, %dma_start3A_247] : memref<40x128xi32, #tpu.memory_space<vmem>> -> memref<1x128xi32, #tpu.memory_space<vmem>>
        %dma_start3A_249 = tpu.memref_squeeze %dma_start3A_248 : memref<1x128xi32, #tpu.memory_space<vmem>> -> memref<128xi32, #tpu.memory_space<vmem>>
        %dma_start3A_250 = arith.constant 0 : i32
        %dma_start3A_251 = arith.constant 0 : i32
        %dma_start3A_252 = tpu.memref_slice %arg10[%dma_start3A_250, %dma_start3A_251] : memref<10240x128xf32, #tpu.memory_space<vmem_shared>> -> memref<10240x128xf32, #tpu.memory_space<vmem_shared>>
        tpu.enqueue_indirect_dma source(%arg8 : memref<128x128xf32, #tpu.memory_space<vmem>>) target(%dma_start3A_252 : memref<10240x128xf32, #tpu.memory_space<vmem_shared>>) offsets(%dma_start3A_249 : memref<128xi32, #tpu.memory_space<vmem>>) semaphore(%run_scoped3A_246 : memref<!tpu.dma_semaphore, #tpu.memory_space<semaphore_mem>>) {add = true}
        %dma_wait3A_253 = arith.constant 0 : i32
        %dma_wait3A_254 = tpu.memref_slice %arg7[%add3A_213, %dma_wait3A_253] : memref<40x128xi32, #tpu.memory_space<vmem>> -> memref<1x128xi32, #tpu.memory_space<vmem>>
        %dma_wait3A_255 = tpu.memref_squeeze %dma_wait3A_254 : memref<1x128xi32, #tpu.memory_space<vmem>> -> memref<128xi32, #tpu.memory_space<vmem>>
        %dma_wait3A_256 = arith.constant 0 : i32
        %dma_wait3A_257 = arith.constant 0 : i32
        %dma_wait3A_258 = tpu.memref_slice %arg10[%dma_wait3A_256, %dma_wait3A_257] : memref<10240x128xf32, #tpu.memory_space<vmem_shared>> -> memref<10240x128xf32, #tpu.memory_space<vmem_shared>>
        tpu.wait_indirect_dma semaphore(%run_scoped3A_246 : memref<!tpu.dma_semaphore, #tpu.memory_space<semaphore_mem>>) src(%arg8 : memref<128x128xf32, #tpu.memory_space<vmem>>) dst(%dma_wait3A_258 : memref<10240x128xf32, #tpu.memory_space<vmem_shared>>)
        tpu.yield
      }) : () -> ()
      %add3A_229 = arith.constant 2 : i32
      %add3A_230 = arith.addi %add3A_213, %add3A_229 : i32
      %dma_start3A_231 = arith.constant 0 : i32
      %dma_start3A_232 = tpu.memref_slice %arg6[%add3A_230, %dma_start3A_231] : memref<40x128xi32, #tpu.memory_space<vmem>> -> memref<1x128xi32, #tpu.memory_space<vmem>>
      %dma_start3A_233 = tpu.memref_squeeze %dma_start3A_232 : memref<1x128xi32, #tpu.memory_space<vmem>> -> memref<128xi32, #tpu.memory_space<vmem>>
      %dma_start3A_234 = arith.constant 0 : i32
      %dma_start3A_235 = arith.constant 0 : i32
      %dma_start3A_236 = tpu.memref_slice %arg2[%dma_start3A_234, %dma_start3A_235] : memref<40960x128xf32, #tpu.memory_space<hbm>> -> memref<40960x128xf32, #tpu.memory_space<hbm>>
      tpu.enqueue_indirect_dma source(%dma_start3A_236 : memref<40960x128xf32, #tpu.memory_space<hbm>>) target(%arg8 : memref<128x128xf32, #tpu.memory_space<vmem>>) offsets(%dma_start3A_233 : memref<128xi32, #tpu.memory_space<vmem>>) semaphore(%arg11 : memref<!tpu.dma_semaphore, #tpu.memory_space<semaphore_mem>>)
      %dma_wait3A_237 = arith.constant 0 : i32
      %dma_wait3A_238 = arith.constant 0 : i32
      %dma_wait3A_239 = tpu.memref_slice %arg6[%dma_wait3A_237, %dma_wait3A_238] : memref<40x128xi32, #tpu.memory_space<vmem>> -> memref<1x128xi32, #tpu.memory_space<vmem>>
      %dma_wait3A_240 = tpu.memref_squeeze %dma_wait3A_239 : memref<1x128xi32, #tpu.memory_space<vmem>> -> memref<128xi32, #tpu.memory_space<vmem>>
      %dma_wait3A_241 = arith.constant 0 : i32
      %dma_wait3A_242 = arith.constant 0 : i32
      %dma_wait3A_243 = tpu.memref_slice %arg2[%dma_wait3A_241, %dma_wait3A_242] : memref<40960x128xf32, #tpu.memory_space<hbm>> -> memref<40960x128xf32, #tpu.memory_space<hbm>>
      tpu.wait_indirect_dma semaphore(%arg12 : memref<!tpu.dma_semaphore, #tpu.memory_space<semaphore_mem>>) src(%dma_wait3A_243 : memref<40960x128xf32, #tpu.memory_space<hbm>>) dst(%arg9 : memref<128x128xf32, #tpu.memory_space<vmem>>)
      %add3A_244 = arith.constant 1 : i32
      %add3A_245 = arith.addi %add3A_213, %add3A_244 : i32
      "tpu.region"() ({
        %run_scoped3A_246 = tpu.sem_alloc : memref<!tpu.dma_semaphore, #tpu.memory_space<semaphore_mem>>
        %dma_start3A_247 = arith.constant 0 : i32
        %dma_start3A_248 = tpu.memref_slice %arg7[%add3A_245, %dma_start3A_247] : memref<40x128xi32, #tpu.memory_space<vmem>> -> memref<1x128xi32, #tpu.memory_space<vmem>>
        %dma_start3A_249 = tpu.memref_squeeze %dma_start3A_248 : memref<1x128xi32, #tpu.memory_space<vmem>> -> memref<128xi32, #tpu.memory_space<vmem>>
        %dma_start3A_250 = arith.constant 0 : i32
        %dma_start3A_251 = arith.constant 0 : i32
        %dma_start3A_252 = tpu.memref_slice %arg10[%dma_start3A_250, %dma_start3A_251] : memref<10240x128xf32, #tpu.memory_space<vmem_shared>> -> memref<10240x128xf32, #tpu.memory_space<vmem_shared>>
        tpu.enqueue_indirect_dma source(%arg9 : memref<128x128xf32, #tpu.memory_space<vmem>>) target(%dma_start3A_252 : memref<10240x128xf32, #tpu.memory_space<vmem_shared>>) offsets(%dma_start3A_249 : memref<128xi32, #tpu.memory_space<vmem>>) semaphore(%run_scoped3A_246 : memref<!tpu.dma_semaphore, #tpu.memory_space<semaphore_mem>>) {add = true}
        %dma_wait3A_253 = arith.constant 0 : i32
        %dma_wait3A_254 = tpu.memref_slice %arg7[%add3A_245, %dma_wait3A_253] : memref<40x128xi32, #tpu.memory_space<vmem>> -> memref<1x128xi32, #tpu.memory_space<vmem>>
        %dma_wait3A_255 = tpu.memref_squeeze %dma_wait3A_254 : memref<1x128xi32, #tpu.memory_space<vmem>> -> memref<128xi32, #tpu.memory_space<vmem>>
        %dma_wait3A_256 = arith.constant 0 : i32
        %dma_wait3A_257 = arith.constant 0 : i32
        %dma_wait3A_258 = tpu.memref_slice %arg10[%dma_wait3A_256, %dma_wait3A_257] : memref<10240x128xf32, #tpu.memory_space<vmem_shared>> -> memref<10240x128xf32, #tpu.memory_space<vmem_shared>>
        tpu.wait_indirect_dma semaphore(%run_scoped3A_246 : memref<!tpu.dma_semaphore, #tpu.memory_space<semaphore_mem>>) src(%arg9 : memref<128x128xf32, #tpu.memory_space<vmem>>) dst(%dma_wait3A_258 : memref<10240x128xf32, #tpu.memory_space<vmem_shared>>)
        tpu.yield
      }) : () -> ()
    }
    %scan3A_179 = arith.constant 19 : i32
    %dma_start3A_180 = arith.constant 39 : i32
    %dma_start3A_181 = arith.constant 0 : i32
    %dma_start3A_182 = tpu.memref_slice %arg6[%dma_start3A_180, %dma_start3A_181] : memref<40x128xi32, #tpu.memory_space<vmem>> -> memref<1x128xi32, #tpu.memory_space<vmem>>
    %dma_start3A_183 = tpu.memref_squeeze %dma_start3A_182 : memref<1x128xi32, #tpu.memory_space<vmem>> -> memref<128xi32, #tpu.memory_space<vmem>>
    %dma_start3A_184 = arith.constant 0 : i32
    %dma_start3A_185 = arith.constant 0 : i32
    %dma_start3A_186 = tpu.memref_slice %arg2[%dma_start3A_184, %dma_start3A_185] : memref<40960x128xf32, #tpu.memory_space<hbm>> -> memref<40960x128xf32, #tpu.memory_space<hbm>>
    tpu.enqueue_indirect_dma source(%dma_start3A_186 : memref<40960x128xf32, #tpu.memory_space<hbm>>) target(%arg9 : memref<128x128xf32, #tpu.memory_space<vmem>>) offsets(%dma_start3A_183 : memref<128xi32, #tpu.memory_space<vmem>>) semaphore(%arg12 : memref<!tpu.dma_semaphore, #tpu.memory_space<semaphore_mem>>)
    %dma_wait3A_187 = arith.constant 0 : i32
    %dma_wait3A_188 = arith.constant 0 : i32
    %dma_wait3A_189 = tpu.memref_slice %arg6[%dma_wait3A_187, %dma_wait3A_188] : memref<40x128xi32, #tpu.memory_space<vmem>> -> memref<1x128xi32, #tpu.memory_space<vmem>>
    %dma_wait3A_190 = tpu.memref_squeeze %dma_wait3A_189 : memref<1x128xi32, #tpu.memory_space<vmem>> -> memref<128xi32, #tpu.memory_space<vmem>>
    %dma_wait3A_191 = arith.constant 0 : i32
    %dma_wait3A_192 = arith.constant 0 : i32
    %dma_wait3A_193 = tpu.memref_slice %arg2[%dma_wait3A_191, %dma_wait3A_192] : memref<40960x128xf32, #tpu.memory_space<hbm>> -> memref<40960x128xf32, #tpu.memory_space<hbm>>
    tpu.wait_indirect_dma semaphore(%arg11 : memref<!tpu.dma_semaphore, #tpu.memory_space<semaphore_mem>>) src(%dma_wait3A_193 : memref<40960x128xf32, #tpu.memory_space<hbm>>) dst(%arg8 : memref<128x128xf32, #tpu.memory_space<vmem>>)
    %run_scoped3A_194 = arith.constant 38 : i32
    "tpu.region"() ({
      %run_scoped3A_209 = tpu.sem_alloc : memref<!tpu.dma_semaphore, #tpu.memory_space<semaphore_mem>>
      %dma_start3A_210 = arith.constant 0 : i32
      %dma_start3A_211 = tpu.memref_slice %arg7[%run_scoped3A_194, %dma_start3A_210] : memref<40x128xi32, #tpu.memory_space<vmem>> -> memref<1x128xi32, #tpu.memory_space<vmem>>
      %dma_start3A_212 = tpu.memref_squeeze %dma_start3A_211 : memref<1x128xi32, #tpu.memory_space<vmem>> -> memref<128xi32, #tpu.memory_space<vmem>>
      %dma_start3A_213 = arith.constant 0 : i32
      %dma_start3A_214 = arith.constant 0 : i32
      %dma_start3A_215 = tpu.memref_slice %arg10[%dma_start3A_213, %dma_start3A_214] : memref<10240x128xf32, #tpu.memory_space<vmem_shared>> -> memref<10240x128xf32, #tpu.memory_space<vmem_shared>>
      tpu.enqueue_indirect_dma source(%arg8 : memref<128x128xf32, #tpu.memory_space<vmem>>) target(%dma_start3A_215 : memref<10240x128xf32, #tpu.memory_space<vmem_shared>>) offsets(%dma_start3A_212 : memref<128xi32, #tpu.memory_space<vmem>>) semaphore(%run_scoped3A_209 : memref<!tpu.dma_semaphore, #tpu.memory_space<semaphore_mem>>) {add = true}
      %dma_wait3A_216 = arith.constant 0 : i32
      %dma_wait3A_217 = tpu.memref_slice %arg7[%run_scoped3A_194, %dma_wait3A_216] : memref<40x128xi32, #tpu.memory_space<vmem>> -> memref<1x128xi32, #tpu.memory_space<vmem>>
      %dma_wait3A_218 = tpu.memref_squeeze %dma_wait3A_217 : memref<1x128xi32, #tpu.memory_space<vmem>> -> memref<128xi32, #tpu.memory_space<vmem>>
      %dma_wait3A_219 = arith.constant 0 : i32
      %dma_wait3A_220 = arith.constant 0 : i32
      %dma_wait3A_221 = tpu.memref_slice %arg10[%dma_wait3A_219, %dma_wait3A_220] : memref<10240x128xf32, #tpu.memory_space<vmem_shared>> -> memref<10240x128xf32, #tpu.memory_space<vmem_shared>>
      tpu.wait_indirect_dma semaphore(%run_scoped3A_209 : memref<!tpu.dma_semaphore, #tpu.memory_space<semaphore_mem>>) src(%arg8 : memref<128x128xf32, #tpu.memory_space<vmem>>) dst(%dma_wait3A_221 : memref<10240x128xf32, #tpu.memory_space<vmem_shared>>)
      tpu.yield
    }) : () -> ()
    %dma_wait3A_195 = arith.constant 0 : i32
    %dma_wait3A_196 = arith.constant 0 : i32
    %dma_wait3A_197 = tpu.memref_slice %arg6[%dma_wait3A_195, %dma_wait3A_196] : memref<40x128xi32, #tpu.memory_space<vmem>> -> memref<1x128xi32, #tpu.memory_space<vmem>>
    %dma_wait3A_198 = tpu.memref_squeeze %dma_wait3A_197 : memref<1x128xi32, #tpu.memory_space<vmem>> -> memref<128xi32, #tpu.memory_space<vmem>>
    %dma_wait3A_199 = arith.constant 0 : i32
    %dma_wait3A_200 = arith.constant 0 : i32
    %dma_wait3A_201 = tpu.memref_slice %arg2[%dma_wait3A_199, %dma_wait3A_200] : memref<40960x128xf32, #tpu.memory_space<hbm>> -> memref<40960x128xf32, #tpu.memory_space<hbm>>
    tpu.wait_indirect_dma semaphore(%arg12 : memref<!tpu.dma_semaphore, #tpu.memory_space<semaphore_mem>>) src(%dma_wait3A_201 : memref<40960x128xf32, #tpu.memory_space<hbm>>) dst(%arg9 : memref<128x128xf32, #tpu.memory_space<vmem>>)
    %run_scoped3A_202 = arith.constant 39 : i32
    "tpu.region"() ({
      %run_scoped3A_209 = tpu.sem_alloc : memref<!tpu.dma_semaphore, #tpu.memory_space<semaphore_mem>>
      %dma_start3A_210 = arith.constant 0 : i32
      %dma_start3A_211 = tpu.memref_slice %arg7[%run_scoped3A_202, %dma_start3A_210] : memref<40x128xi32, #tpu.memory_space<vmem>> -> memref<1x128xi32, #tpu.memory_space<vmem>>
      %dma_start3A_212 = tpu.memref_squeeze %dma_start3A_211 : memref<1x128xi32, #tpu.memory_space<vmem>> -> memref<128xi32, #tpu.memory_space<vmem>>
      %dma_start3A_213 = arith.constant 0 : i32
      %dma_start3A_214 = arith.constant 0 : i32
      %dma_start3A_215 = tpu.memref_slice %arg10[%dma_start3A_213, %dma_start3A_214] : memref<10240x128xf32, #tpu.memory_space<vmem_shared>> -> memref<10240x128xf32, #tpu.memory_space<vmem_shared>>
      tpu.enqueue_indirect_dma source(%arg9 : memref<128x128xf32, #tpu.memory_space<vmem>>) target(%dma_start3A_215 : memref<10240x128xf32, #tpu.memory_space<vmem_shared>>) offsets(%dma_start3A_212 : memref<128xi32, #tpu.memory_space<vmem>>) semaphore(%run_scoped3A_209 : memref<!tpu.dma_semaphore, #tpu.memory_space<semaphore_mem>>) {add = true}
      %dma_wait3A_216 = arith.constant 0 : i32
      %dma_wait3A_217 = tpu.memref_slice %arg7[%run_scoped3A_202, %dma_wait3A_216] : memref<40x128xi32, #tpu.memory_space<vmem>> -> memref<1x128xi32, #tpu.memory_space<vmem>>
      %dma_wait3A_218 = tpu.memref_squeeze %dma_wait3A_217 : memref<1x128xi32, #tpu.memory_space<vmem>> -> memref<128xi32, #tpu.memory_space<vmem>>
      %dma_wait3A_219 = arith.constant 0 : i32
      %dma_wait3A_220 = arith.constant 0 : i32
      %dma_wait3A_221 = tpu.memref_slice %arg10[%dma_wait3A_219, %dma_wait3A_220] : memref<10240x128xf32, #tpu.memory_space<vmem_shared>> -> memref<10240x128xf32, #tpu.memory_space<vmem_shared>>
      tpu.wait_indirect_dma semaphore(%run_scoped3A_209 : memref<!tpu.dma_semaphore, #tpu.memory_space<semaphore_mem>>) src(%arg9 : memref<128x128xf32, #tpu.memory_space<vmem>>) dst(%dma_wait3A_221 : memref<10240x128xf32, #tpu.memory_space<vmem_shared>>)
      tpu.yield
    }) : () -> ()
    %barrier3A_203 = arith.constant 0 : index
    tpu.barrier barrier_id(%barrier3A_203)
    %mul3A_204 = arith.constant 640 : i32
    %mul3A_205 = arith.muli %arg1, %mul3A_204 : i32
    %mul3A_206 = arith.constant 640 : i32
    %mul3A_207 = arith.muli %arg1, %mul3A_206 : i32
    %add3A_208 = arith.addi %mul3A_104, %mul3A_207 : i32
    "tpu.region"() ({
      %run_scoped3A_209 = tpu.sem_alloc : memref<!tpu.dma_semaphore, #tpu.memory_space<semaphore_mem>>
      %dma_start3A_210 = arith.constant 0 : i32
      %dma_start3A_211 = tpu.memref_slice %arg5[%add3A_208, %dma_start3A_210] : memref<40960x128xf32, #tpu.memory_space<hbm>> -> memref<640x128xf32, #tpu.memory_space<hbm>>
      %dma_start3A_212 = arith.constant 0 : i32
      %dma_start3A_213 = tpu.memref_slice %arg10[%mul3A_205, %dma_start3A_212] : memref<10240x128xf32, #tpu.memory_space<vmem_shared>> -> memref<640x128xf32, #tpu.memory_space<vmem_shared>>
      tpu.enqueue_dma source(%dma_start3A_213 : memref<640x128xf32, #tpu.memory_space<vmem_shared>>) target(%dma_start3A_211 : memref<640x128xf32, #tpu.memory_space<hbm>>) target_semaphore(%run_scoped3A_209 : memref<!tpu.dma_semaphore, #tpu.memory_space<semaphore_mem>>)
      %dma_wait3A_214 = arith.constant 0 : i32
      %dma_wait3A_215 = tpu.memref_slice %arg5[%add3A_208, %dma_wait3A_214] : memref<40960x128xf32, #tpu.memory_space<hbm>> -> memref<640x128xf32, #tpu.memory_space<hbm>>
      %dma_wait3A_216 = arith.constant 0 : i32
      %dma_wait3A_217 = tpu.memref_slice %arg10[%mul3A_205, %dma_wait3A_216] : memref<10240x128xf32, #tpu.memory_space<vmem_shared>> -> memref<640x128xf32, #tpu.memory_space<vmem_shared>>
      tpu.wait_dma2 semaphore(%run_scoped3A_209 : memref<!tpu.dma_semaphore, #tpu.memory_space<semaphore_mem>>) src(%dma_wait3A_217 : memref<640x128xf32, #tpu.memory_space<vmem_shared>>) dst(%dma_wait3A_215 : memref<640x128xf32, #tpu.memory_space<hbm>>)
      tpu.yield
    }) : () -> ()
    return
  }
}

#map = affine_map<(d0, d1) -> (0, 0)>
module attributes {stable_mosaic.version = 14 : i64} {
  func.func @k(%arg0: i32, %arg1: i32, %arg2: memref<20480x128xf32, #tpu.memory_space<hbm>>, %arg3: memref<1280x128xi32, #tpu.memory_space<hbm>>, %arg4: memref<1280x128xi32, #tpu.memory_space<hbm>>, %arg5: memref<20480x128xf32, #tpu.memory_space<hbm>>, %arg6: memref<40x128xi32, #tpu.memory_space<vmem>>, %arg7: memref<40x128xi32, #tpu.memory_space<vmem>>, %arg8: memref<128x128xf32, #tpu.memory_space<vmem>>, %arg9: memref<128x128xf32, #tpu.memory_space<vmem>>, %arg10: memref<10240x128xf32, #tpu.memory_space<vmem_shared>>, %arg11: memref<!tpu.dma_semaphore, #tpu.memory_space<semaphore_mem>>, %arg12: memref<!tpu.dma_semaphore, #tpu.memory_space<semaphore_mem>>) attributes {dimension_semantics = [#tpu.dimension_semantics<core_parallel>, #tpu.dimension_semantics<subcore_parallel>], iteration_bounds = array<i64: 2, 16>, scalar_prefetch = 0 : i64, scratch_operands = 7 : i64, tpu.core_type = #tpu.core_type<sc_vector_subcore>, window_params = [{transform_indices = #map}, {transform_indices = #map}, {transform_indices = #map}, {transform_indices = #map}]} {
    %add3A = arith.constant 0 : i32
    %add3A_0 = arith.addi %arg0, %add3A : i32
    %mul3A = arith.constant 10240 : i32
    %mul3A_1 = arith.muli %add3A_0, %mul3A : i32
    %broadcast_in_dim3A = arith.constant 0 : i32
    %broadcast_in_dim3A_2 = vector.broadcast %broadcast_in_dim3A : i32 to vector<16xi32>
    %add3A_3 = vector.broadcast %mul3A_1 : i32 to vector<16xi32>
    %add3A_4 = arith.addi %broadcast_in_dim3A_2, %add3A_3 : vector<16xi32>
    %mul3A_5 = arith.constant 640 : i32
    %mul3A_6 = arith.muli %arg1, %mul3A_5 : i32
    %add3A_7 = arith.addi %mul3A_1, %mul3A_6 : i32
    %mul3A_8 = arith.constant 640 : i32
    %mul3A_9 = arith.muli %arg1, %mul3A_8 : i32
    "tpu.region"() ({
      %run_scoped3A_100 = tpu.sem_alloc : memref<!tpu.dma_semaphore, #tpu.memory_space<semaphore_mem>>
      %dma_start3A_101 = arith.constant 0 : i32
      %dma_start3A_102 = tpu.memref_slice %arg10[%mul3A_9, %dma_start3A_101] : memref<10240x128xf32, #tpu.memory_space<vmem_shared>> -> memref<640x128xf32, #tpu.memory_space<vmem_shared>>
      %dma_start3A_103 = arith.constant 0 : i32
      %dma_start3A_104 = tpu.memref_slice %arg2[%add3A_7, %dma_start3A_103] : memref<20480x128xf32, #tpu.memory_space<hbm>> -> memref<640x128xf32, #tpu.memory_space<hbm>>
      tpu.enqueue_dma source(%dma_start3A_104 : memref<640x128xf32, #tpu.memory_space<hbm>>) target(%dma_start3A_102 : memref<640x128xf32, #tpu.memory_space<vmem_shared>>) target_semaphore(%run_scoped3A_100 : memref<!tpu.dma_semaphore, #tpu.memory_space<semaphore_mem>>)
      %dma_wait3A_105 = arith.constant 0 : i32
      %dma_wait3A_106 = tpu.memref_slice %arg10[%mul3A_9, %dma_wait3A_105] : memref<10240x128xf32, #tpu.memory_space<vmem_shared>> -> memref<640x128xf32, #tpu.memory_space<vmem_shared>>
      %dma_wait3A_107 = arith.constant 0 : i32
      %dma_wait3A_108 = tpu.memref_slice %arg2[%add3A_7, %dma_wait3A_107] : memref<20480x128xf32, #tpu.memory_space<hbm>> -> memref<640x128xf32, #tpu.memory_space<hbm>>
      tpu.wait_dma2 semaphore(%run_scoped3A_100 : memref<!tpu.dma_semaphore, #tpu.memory_space<semaphore_mem>>) src(%dma_wait3A_108 : memref<640x128xf32, #tpu.memory_space<hbm>>) dst(%dma_wait3A_106 : memref<640x128xf32, #tpu.memory_space<vmem_shared>>)
      tpu.yield
    }) : () -> ()
    %barrier3A = arith.constant 0 : index
    tpu.barrier barrier_id(%barrier3A)
    %mul3A_10 = arith.constant 80 : i32
    %mul3A_11 = arith.muli %arg1, %mul3A_10 : i32
    %add3A_12 = arith.constant 0 : i32
    %add3A_13 = arith.addi %mul3A_11, %add3A_12 : i32
    "tpu.region"() ({
      %run_scoped3A_100 = tpu.sem_alloc : memref<!tpu.dma_semaphore, #tpu.memory_space<semaphore_mem>>
      %dma_start3A_101 = arith.constant 0 : i32
      %dma_start3A_102 = tpu.memref_slice %arg3[%add3A_13, %dma_start3A_101] : memref<1280x128xi32, #tpu.memory_space<hbm>> -> memref<40x128xi32, #tpu.memory_space<hbm>>
      %dma_start3A_103 = arith.constant 0 : i32
      %dma_start3A_104 = tpu.memref_slice %arg3[%add3A_13, %dma_start3A_103] : memref<1280x128xi32, #tpu.memory_space<hbm>> -> memref<40x128xi32, #tpu.memory_space<hbm>>
      tpu.enqueue_dma source(%dma_start3A_104 : memref<40x128xi32, #tpu.memory_space<hbm>>) target(%arg6 : memref<40x128xi32, #tpu.memory_space<vmem>>) target_semaphore(%run_scoped3A_100 : memref<!tpu.dma_semaphore, #tpu.memory_space<semaphore_mem>>)
      %dma_wait3A_105 = arith.constant 0 : i32
      %dma_wait3A_106 = tpu.memref_slice %arg3[%add3A_13, %dma_wait3A_105] : memref<1280x128xi32, #tpu.memory_space<hbm>> -> memref<40x128xi32, #tpu.memory_space<hbm>>
      %dma_wait3A_107 = arith.constant 0 : i32
      %dma_wait3A_108 = tpu.memref_slice %arg3[%add3A_13, %dma_wait3A_107] : memref<1280x128xi32, #tpu.memory_space<hbm>> -> memref<40x128xi32, #tpu.memory_space<hbm>>
      tpu.wait_dma2 semaphore(%run_scoped3A_100 : memref<!tpu.dma_semaphore, #tpu.memory_space<semaphore_mem>>) src(%dma_wait3A_108 : memref<40x128xi32, #tpu.memory_space<hbm>>) dst(%arg6 : memref<40x128xi32, #tpu.memory_space<vmem>>)
      tpu.yield
    }) : () -> ()
    "tpu.region"() ({
      %run_scoped3A_100 = tpu.sem_alloc : memref<!tpu.dma_semaphore, #tpu.memory_space<semaphore_mem>>
      %dma_start3A_101 = arith.constant 0 : i32
      %dma_start3A_102 = tpu.memref_slice %arg4[%add3A_13, %dma_start3A_101] : memref<1280x128xi32, #tpu.memory_space<hbm>> -> memref<40x128xi32, #tpu.memory_space<hbm>>
      %dma_start3A_103 = arith.constant 0 : i32
      %dma_start3A_104 = tpu.memref_slice %arg4[%add3A_13, %dma_start3A_103] : memref<1280x128xi32, #tpu.memory_space<hbm>> -> memref<40x128xi32, #tpu.memory_space<hbm>>
      tpu.enqueue_dma source(%dma_start3A_104 : memref<40x128xi32, #tpu.memory_space<hbm>>) target(%arg7 : memref<40x128xi32, #tpu.memory_space<vmem>>) target_semaphore(%run_scoped3A_100 : memref<!tpu.dma_semaphore, #tpu.memory_space<semaphore_mem>>)
      %dma_wait3A_105 = arith.constant 0 : i32
      %dma_wait3A_106 = tpu.memref_slice %arg4[%add3A_13, %dma_wait3A_105] : memref<1280x128xi32, #tpu.memory_space<hbm>> -> memref<40x128xi32, #tpu.memory_space<hbm>>
      %dma_wait3A_107 = arith.constant 0 : i32
      %dma_wait3A_108 = tpu.memref_slice %arg4[%add3A_13, %dma_wait3A_107] : memref<1280x128xi32, #tpu.memory_space<hbm>> -> memref<40x128xi32, #tpu.memory_space<hbm>>
      tpu.wait_dma2 semaphore(%run_scoped3A_100 : memref<!tpu.dma_semaphore, #tpu.memory_space<semaphore_mem>>) src(%dma_wait3A_108 : memref<40x128xi32, #tpu.memory_space<hbm>>) dst(%arg7 : memref<40x128xi32, #tpu.memory_space<vmem>>)
      tpu.yield
    }) : () -> ()
    %scan3A = arith.constant 0 : i32
    %scan3A_14 = arith.constant 40 : i32
    %scan3A_15 = arith.addi %scan3A, %scan3A_14 : i32
    %scan3A_16 = arith.constant 1 : i32
    scf.for %scan3A_100 = %scan3A to %scan3A_15 step %scan3A_16  : i32 {
      %mul3A_101 = arith.constant 1 : i32
      %mul3A_102 = arith.muli %scan3A_100, %mul3A_101 : i32
      %add3A_103 = arith.constant 0 : i32
      %add3A_104 = arith.addi %add3A_103, %mul3A_102 : i32
      %scan3A_105 = arith.constant 0 : i32
      %scan3A_106 = arith.constant 8 : i32
      %scan3A_107 = arith.addi %scan3A_105, %scan3A_106 : i32
      %scan3A_108 = arith.constant 1 : i32
      scf.for %scan3A_110 = %scan3A_105 to %scan3A_107 step %scan3A_108  : i32 {
        %mul3A_111 = arith.constant 16 : i32
        %mul3A_112 = arith.muli %scan3A_110, %mul3A_111 : i32
        %add3A_113 = arith.constant 0 : i32
        %add3A_114 = arith.addi %add3A_113, %mul3A_112 : i32
        %get3A = arith.index_cast %add3A_104 : i32 to index
        %get3A_115 = arith.index_cast %add3A_114 : i32 to index
        %get3A_116 = tpu.vector_load %arg6[%get3A, %get3A_115] {strides = array<i32>} : memref<40x128xi32, #tpu.memory_space<vmem>>, vector<1x16xi32>,
        %get3A_117 = vector.shape_cast %get3A_116 : vector<1x16xi32> to vector<16xi32>
        %add3A_118 = arith.addi %get3A_117, %add3A_4 : vector<16xi32>
        %swap3A = arith.index_cast %add3A_104 : i32 to index
        %swap3A_119 = arith.index_cast %add3A_114 : i32 to index
        %swap3A_120 = tpu.vector_load %arg6[%swap3A, %swap3A_119] {strides = array<i32>} : memref<40x128xi32, #tpu.memory_space<vmem>>, vector<1x16xi32>,
        %swap3A_121 = vector.shape_cast %swap3A_120 : vector<1x16xi32> to vector<16xi32>
        %swap3A_122 = vector.shape_cast %add3A_118 : vector<16xi32> to vector<1x16xi32>
        tpu.vector_store %arg6[%swap3A, %swap3A_119], %swap3A_122 {strides = array<i32>} : memref<40x128xi32, #tpu.memory_space<vmem>>, vector<1x16xi32>,
      }
      %scan3A_109 = arith.constant 8 : i32
    }
    %scan3A_17 = arith.constant 40 : i32
    %dma_start3A = arith.constant 0 : i32
    %dma_start3A_18 = arith.constant 0 : i32
    %dma_start3A_19 = tpu.memref_slice %arg6[%dma_start3A, %dma_start3A_18] : memref<40x128xi32, #tpu.memory_space<vmem>> -> memref<1x128xi32, #tpu.memory_space<vmem>>
    %dma_start3A_20 = tpu.memref_squeeze %dma_start3A_19 : memref<1x128xi32, #tpu.memory_space<vmem>> -> memref<128xi32, #tpu.memory_space<vmem>>
    %dma_start3A_21 = arith.constant 0 : i32
    %dma_start3A_22 = arith.constant 0 : i32
    %dma_start3A_23 = tpu.memref_slice %arg2[%dma_start3A_21, %dma_start3A_22] : memref<20480x128xf32, #tpu.memory_space<hbm>> -> memref<20480x128xf32, #tpu.memory_space<hbm>>
    tpu.enqueue_indirect_dma source(%dma_start3A_23 : memref<20480x128xf32, #tpu.memory_space<hbm>>) target(%arg8 : memref<128x128xf32, #tpu.memory_space<vmem>>) offsets(%dma_start3A_20 : memref<128xi32, #tpu.memory_space<vmem>>) semaphore(%arg11 : memref<!tpu.dma_semaphore, #tpu.memory_space<semaphore_mem>>)
    %scan3A_24 = arith.constant 0 : i32
    %scan3A_25 = arith.constant 19 : i32
    %scan3A_26 = arith.addi %scan3A_24, %scan3A_25 : i32
    %scan3A_27 = arith.constant 1 : i32
    scf.for %scan3A_100 = %scan3A_24 to %scan3A_26 step %scan3A_27  : i32 {
      %mul3A_101 = arith.constant 2 : i32
      %mul3A_102 = arith.muli %scan3A_100, %mul3A_101 : i32
      %add3A_103 = arith.constant 0 : i32
      %add3A_104 = arith.addi %add3A_103, %mul3A_102 : i32
      %add3A_105 = arith.constant 1 : i32
      %add3A_106 = arith.addi %add3A_104, %add3A_105 : i32
      %dma_start3A_107 = arith.constant 0 : i32
      %dma_start3A_108 = tpu.memref_slice %arg6[%add3A_106, %dma_start3A_107] : memref<40x128xi32, #tpu.memory_space<vmem>> -> memref<1x128xi32, #tpu.memory_space<vmem>>
      %dma_start3A_109 = tpu.memref_squeeze %dma_start3A_108 : memref<1x128xi32, #tpu.memory_space<vmem>> -> memref<128xi32, #tpu.memory_space<vmem>>
      %dma_start3A_110 = arith.constant 0 : i32
      %dma_start3A_111 = arith.constant 0 : i32
      %dma_start3A_112 = tpu.memref_slice %arg2[%dma_start3A_110, %dma_start3A_111] : memref<20480x128xf32, #tpu.memory_space<hbm>> -> memref<20480x128xf32, #tpu.memory_space<hbm>>
      tpu.enqueue_indirect_dma source(%dma_start3A_112 : memref<20480x128xf32, #tpu.memory_space<hbm>>) target(%arg9 : memref<128x128xf32, #tpu.memory_space<vmem>>) offsets(%dma_start3A_109 : memref<128xi32, #tpu.memory_space<vmem>>) semaphore(%arg12 : memref<!tpu.dma_semaphore, #tpu.memory_space<semaphore_mem>>)
      %dma_wait3A_113 = arith.constant 0 : i32
      %dma_wait3A_114 = arith.constant 0 : i32
      %dma_wait3A_115 = tpu.memref_slice %arg6[%dma_wait3A_113, %dma_wait3A_114] : memref<40x128xi32, #tpu.memory_space<vmem>> -> memref<1x128xi32, #tpu.memory_space<vmem>>
      %dma_wait3A_116 = tpu.memref_squeeze %dma_wait3A_115 : memref<1x128xi32, #tpu.memory_space<vmem>> -> memref<128xi32, #tpu.memory_space<vmem>>
      %dma_wait3A_117 = arith.constant 0 : i32
      %dma_wait3A_118 = arith.constant 0 : i32
      %dma_wait3A_119 = tpu.memref_slice %arg2[%dma_wait3A_117, %dma_wait3A_118] : memref<20480x128xf32, #tpu.memory_space<hbm>> -> memref<20480x128xf32, #tpu.memory_space<hbm>>
      tpu.wait_indirect_dma semaphore(%arg11 : memref<!tpu.dma_semaphore, #tpu.memory_space<semaphore_mem>>) src(%dma_wait3A_119 : memref<20480x128xf32, #tpu.memory_space<hbm>>) dst(%arg8 : memref<128x128xf32, #tpu.memory_space<vmem>>)
      "tpu.region"() ({
        %run_scoped3A_137 = tpu.sem_alloc : memref<!tpu.dma_semaphore, #tpu.memory_space<semaphore_mem>>
        %dma_start3A_138 = arith.constant 0 : i32
        %dma_start3A_139 = tpu.memref_slice %arg7[%add3A_104, %dma_start3A_138] : memref<40x128xi32, #tpu.memory_space<vmem>> -> memref<1x128xi32, #tpu.memory_space<vmem>>
        %dma_start3A_140 = tpu.memref_squeeze %dma_start3A_139 : memref<1x128xi32, #tpu.memory_space<vmem>> -> memref<128xi32, #tpu.memory_space<vmem>>
        %dma_start3A_141 = arith.constant 0 : i32
        %dma_start3A_142 = arith.constant 0 : i32
        %dma_start3A_143 = tpu.memref_slice %arg10[%dma_start3A_141, %dma_start3A_142] : memref<10240x128xf32, #tpu.memory_space<vmem_shared>> -> memref<10240x128xf32, #tpu.memory_space<vmem_shared>>
        tpu.enqueue_indirect_dma source(%arg8 : memref<128x128xf32, #tpu.memory_space<vmem>>) target(%dma_start3A_143 : memref<10240x128xf32, #tpu.memory_space<vmem_shared>>) offsets(%dma_start3A_140 : memref<128xi32, #tpu.memory_space<vmem>>) semaphore(%run_scoped3A_137 : memref<!tpu.dma_semaphore, #tpu.memory_space<semaphore_mem>>) {add = true}
        %dma_wait3A_144 = arith.constant 0 : i32
        %dma_wait3A_145 = tpu.memref_slice %arg7[%add3A_104, %dma_wait3A_144] : memref<40x128xi32, #tpu.memory_space<vmem>> -> memref<1x128xi32, #tpu.memory_space<vmem>>
        %dma_wait3A_146 = tpu.memref_squeeze %dma_wait3A_145 : memref<1x128xi32, #tpu.memory_space<vmem>> -> memref<128xi32, #tpu.memory_space<vmem>>
        %dma_wait3A_147 = arith.constant 0 : i32
        %dma_wait3A_148 = arith.constant 0 : i32
        %dma_wait3A_149 = tpu.memref_slice %arg10[%dma_wait3A_147, %dma_wait3A_148] : memref<10240x128xf32, #tpu.memory_space<vmem_shared>> -> memref<10240x128xf32, #tpu.memory_space<vmem_shared>>
        tpu.wait_indirect_dma semaphore(%run_scoped3A_137 : memref<!tpu.dma_semaphore, #tpu.memory_space<semaphore_mem>>) src(%arg8 : memref<128x128xf32, #tpu.memory_space<vmem>>) dst(%dma_wait3A_149 : memref<10240x128xf32, #tpu.memory_space<vmem_shared>>)
        tpu.yield
      }) : () -> ()
      %add3A_120 = arith.constant 2 : i32
      %add3A_121 = arith.addi %add3A_104, %add3A_120 : i32
      %dma_start3A_122 = arith.constant 0 : i32
      %dma_start3A_123 = tpu.memref_slice %arg6[%add3A_121, %dma_start3A_122] : memref<40x128xi32, #tpu.memory_space<vmem>> -> memref<1x128xi32, #tpu.memory_space<vmem>>
      %dma_start3A_124 = tpu.memref_squeeze %dma_start3A_123 : memref<1x128xi32, #tpu.memory_space<vmem>> -> memref<128xi32, #tpu.memory_space<vmem>>
      %dma_start3A_125 = arith.constant 0 : i32
      %dma_start3A_126 = arith.constant 0 : i32
      %dma_start3A_127 = tpu.memref_slice %arg2[%dma_start3A_125, %dma_start3A_126] : memref<20480x128xf32, #tpu.memory_space<hbm>> -> memref<20480x128xf32, #tpu.memory_space<hbm>>
      tpu.enqueue_indirect_dma source(%dma_start3A_127 : memref<20480x128xf32, #tpu.memory_space<hbm>>) target(%arg8 : memref<128x128xf32, #tpu.memory_space<vmem>>) offsets(%dma_start3A_124 : memref<128xi32, #tpu.memory_space<vmem>>) semaphore(%arg11 : memref<!tpu.dma_semaphore, #tpu.memory_space<semaphore_mem>>)
      %dma_wait3A_128 = arith.constant 0 : i32
      %dma_wait3A_129 = arith.constant 0 : i32
      %dma_wait3A_130 = tpu.memref_slice %arg6[%dma_wait3A_128, %dma_wait3A_129] : memref<40x128xi32, #tpu.memory_space<vmem>> -> memref<1x128xi32, #tpu.memory_space<vmem>>
      %dma_wait3A_131 = tpu.memref_squeeze %dma_wait3A_130 : memref<1x128xi32, #tpu.memory_space<vmem>> -> memref<128xi32, #tpu.memory_space<vmem>>
      %dma_wait3A_132 = arith.constant 0 : i32
      %dma_wait3A_133 = arith.constant 0 : i32
      %dma_wait3A_134 = tpu.memref_slice %arg2[%dma_wait3A_132, %dma_wait3A_133] : memref<20480x128xf32, #tpu.memory_space<hbm>> -> memref<20480x128xf32, #tpu.memory_space<hbm>>
      tpu.wait_indirect_dma semaphore(%arg12 : memref<!tpu.dma_semaphore, #tpu.memory_space<semaphore_mem>>) src(%dma_wait3A_134 : memref<20480x128xf32, #tpu.memory_space<hbm>>) dst(%arg9 : memref<128x128xf32, #tpu.memory_space<vmem>>)
      %add3A_135 = arith.constant 1 : i32
      %add3A_136 = arith.addi %add3A_104, %add3A_135 : i32
      "tpu.region"() ({
        %run_scoped3A_137 = tpu.sem_alloc : memref<!tpu.dma_semaphore, #tpu.memory_space<semaphore_mem>>
        %dma_start3A_138 = arith.constant 0 : i32
        %dma_start3A_139 = tpu.memref_slice %arg7[%add3A_136, %dma_start3A_138] : memref<40x128xi32, #tpu.memory_space<vmem>> -> memref<1x128xi32, #tpu.memory_space<vmem>>
        %dma_start3A_140 = tpu.memref_squeeze %dma_start3A_139 : memref<1x128xi32, #tpu.memory_space<vmem>> -> memref<128xi32, #tpu.memory_space<vmem>>
        %dma_start3A_141 = arith.constant 0 : i32
        %dma_start3A_142 = arith.constant 0 : i32
        %dma_start3A_143 = tpu.memref_slice %arg10[%dma_start3A_141, %dma_start3A_142] : memref<10240x128xf32, #tpu.memory_space<vmem_shared>> -> memref<10240x128xf32, #tpu.memory_space<vmem_shared>>
        tpu.enqueue_indirect_dma source(%arg9 : memref<128x128xf32, #tpu.memory_space<vmem>>) target(%dma_start3A_143 : memref<10240x128xf32, #tpu.memory_space<vmem_shared>>) offsets(%dma_start3A_140 : memref<128xi32, #tpu.memory_space<vmem>>) semaphore(%run_scoped3A_137 : memref<!tpu.dma_semaphore, #tpu.memory_space<semaphore_mem>>) {add = true}
        %dma_wait3A_144 = arith.constant 0 : i32
        %dma_wait3A_145 = tpu.memref_slice %arg7[%add3A_136, %dma_wait3A_144] : memref<40x128xi32, #tpu.memory_space<vmem>> -> memref<1x128xi32, #tpu.memory_space<vmem>>
        %dma_wait3A_146 = tpu.memref_squeeze %dma_wait3A_145 : memref<1x128xi32, #tpu.memory_space<vmem>> -> memref<128xi32, #tpu.memory_space<vmem>>
        %dma_wait3A_147 = arith.constant 0 : i32
        %dma_wait3A_148 = arith.constant 0 : i32
        %dma_wait3A_149 = tpu.memref_slice %arg10[%dma_wait3A_147, %dma_wait3A_148] : memref<10240x128xf32, #tpu.memory_space<vmem_shared>> -> memref<10240x128xf32, #tpu.memory_space<vmem_shared>>
        tpu.wait_indirect_dma semaphore(%run_scoped3A_137 : memref<!tpu.dma_semaphore, #tpu.memory_space<semaphore_mem>>) src(%arg9 : memref<128x128xf32, #tpu.memory_space<vmem>>) dst(%dma_wait3A_149 : memref<10240x128xf32, #tpu.memory_space<vmem_shared>>)
        tpu.yield
      }) : () -> ()
    }
    %scan3A_28 = arith.constant 19 : i32
    %dma_start3A_29 = arith.constant 39 : i32
    %dma_start3A_30 = arith.constant 0 : i32
    %dma_start3A_31 = tpu.memref_slice %arg6[%dma_start3A_29, %dma_start3A_30] : memref<40x128xi32, #tpu.memory_space<vmem>> -> memref<1x128xi32, #tpu.memory_space<vmem>>
    %dma_start3A_32 = tpu.memref_squeeze %dma_start3A_31 : memref<1x128xi32, #tpu.memory_space<vmem>> -> memref<128xi32, #tpu.memory_space<vmem>>
    %dma_start3A_33 = arith.constant 0 : i32
    %dma_start3A_34 = arith.constant 0 : i32
    %dma_start3A_35 = tpu.memref_slice %arg2[%dma_start3A_33, %dma_start3A_34] : memref<20480x128xf32, #tpu.memory_space<hbm>> -> memref<20480x128xf32, #tpu.memory_space<hbm>>
    tpu.enqueue_indirect_dma source(%dma_start3A_35 : memref<20480x128xf32, #tpu.memory_space<hbm>>) target(%arg9 : memref<128x128xf32, #tpu.memory_space<vmem>>) offsets(%dma_start3A_32 : memref<128xi32, #tpu.memory_space<vmem>>) semaphore(%arg12 : memref<!tpu.dma_semaphore, #tpu.memory_space<semaphore_mem>>)
    %dma_wait3A = arith.constant 0 : i32
    %dma_wait3A_36 = arith.constant 0 : i32
    %dma_wait3A_37 = tpu.memref_slice %arg6[%dma_wait3A, %dma_wait3A_36] : memref<40x128xi32, #tpu.memory_space<vmem>> -> memref<1x128xi32, #tpu.memory_space<vmem>>
    %dma_wait3A_38 = tpu.memref_squeeze %dma_wait3A_37 : memref<1x128xi32, #tpu.memory_space<vmem>> -> memref<128xi32, #tpu.memory_space<vmem>>
    %dma_wait3A_39 = arith.constant 0 : i32
    %dma_wait3A_40 = arith.constant 0 : i32
    %dma_wait3A_41 = tpu.memref_slice %arg2[%dma_wait3A_39, %dma_wait3A_40] : memref<20480x128xf32, #tpu.memory_space<hbm>> -> memref<20480x128xf32, #tpu.memory_space<hbm>>
    tpu.wait_indirect_dma semaphore(%arg11 : memref<!tpu.dma_semaphore, #tpu.memory_space<semaphore_mem>>) src(%dma_wait3A_41 : memref<20480x128xf32, #tpu.memory_space<hbm>>) dst(%arg8 : memref<128x128xf32, #tpu.memory_space<vmem>>)
    %run_scoped3A = arith.constant 38 : i32
    "tpu.region"() ({
      %run_scoped3A_100 = tpu.sem_alloc : memref<!tpu.dma_semaphore, #tpu.memory_space<semaphore_mem>>
      %dma_start3A_101 = arith.constant 0 : i32
      %dma_start3A_102 = tpu.memref_slice %arg7[%run_scoped3A, %dma_start3A_101] : memref<40x128xi32, #tpu.memory_space<vmem>> -> memref<1x128xi32, #tpu.memory_space<vmem>>
      %dma_start3A_103 = tpu.memref_squeeze %dma_start3A_102 : memref<1x128xi32, #tpu.memory_space<vmem>> -> memref<128xi32, #tpu.memory_space<vmem>>
      %dma_start3A_104 = arith.constant 0 : i32
      %dma_start3A_105 = arith.constant 0 : i32
      %dma_start3A_106 = tpu.memref_slice %arg10[%dma_start3A_104, %dma_start3A_105] : memref<10240x128xf32, #tpu.memory_space<vmem_shared>> -> memref<10240x128xf32, #tpu.memory_space<vmem_shared>>
      tpu.enqueue_indirect_dma source(%arg8 : memref<128x128xf32, #tpu.memory_space<vmem>>) target(%dma_start3A_106 : memref<10240x128xf32, #tpu.memory_space<vmem_shared>>) offsets(%dma_start3A_103 : memref<128xi32, #tpu.memory_space<vmem>>) semaphore(%run_scoped3A_100 : memref<!tpu.dma_semaphore, #tpu.memory_space<semaphore_mem>>) {add = true}
      %dma_wait3A_107 = arith.constant 0 : i32
      %dma_wait3A_108 = tpu.memref_slice %arg7[%run_scoped3A, %dma_wait3A_107] : memref<40x128xi32, #tpu.memory_space<vmem>> -> memref<1x128xi32, #tpu.memory_space<vmem>>
      %dma_wait3A_109 = tpu.memref_squeeze %dma_wait3A_108 : memref<1x128xi32, #tpu.memory_space<vmem>> -> memref<128xi32, #tpu.memory_space<vmem>>
      %dma_wait3A_110 = arith.constant 0 : i32
      %dma_wait3A_111 = arith.constant 0 : i32
      %dma_wait3A_112 = tpu.memref_slice %arg10[%dma_wait3A_110, %dma_wait3A_111] : memref<10240x128xf32, #tpu.memory_space<vmem_shared>> -> memref<10240x128xf32, #tpu.memory_space<vmem_shared>>
      tpu.wait_indirect_dma semaphore(%run_scoped3A_100 : memref<!tpu.dma_semaphore, #tpu.memory_space<semaphore_mem>>) src(%arg8 : memref<128x128xf32, #tpu.memory_space<vmem>>) dst(%dma_wait3A_112 : memref<10240x128xf32, #tpu.memory_space<vmem_shared>>)
      tpu.yield
    }) : () -> ()
    %dma_wait3A_42 = arith.constant 0 : i32
    %dma_wait3A_43 = arith.constant 0 : i32
    %dma_wait3A_44 = tpu.memref_slice %arg6[%dma_wait3A_42, %dma_wait3A_43] : memref<40x128xi32, #tpu.memory_space<vmem>> -> memref<1x128xi32, #tpu.memory_space<vmem>>
    %dma_wait3A_45 = tpu.memref_squeeze %dma_wait3A_44 : memref<1x128xi32, #tpu.memory_space<vmem>> -> memref<128xi32, #tpu.memory_space<vmem>>
    %dma_wait3A_46 = arith.constant 0 : i32
    %dma_wait3A_47 = arith.constant 0 : i32
    %dma_wait3A_48 = tpu.memref_slice %arg2[%dma_wait3A_46, %dma_wait3A_47] : memref<20480x128xf32, #tpu.memory_space<hbm>> -> memref<20480x128xf32, #tpu.memory_space<hbm>>
    tpu.wait_indirect_dma semaphore(%arg12 : memref<!tpu.dma_semaphore, #tpu.memory_space<semaphore_mem>>) src(%dma_wait3A_48 : memref<20480x128xf32, #tpu.memory_space<hbm>>) dst(%arg9 : memref<128x128xf32, #tpu.memory_space<vmem>>)
    %run_scoped3A_49 = arith.constant 39 : i32
    "tpu.region"() ({
      %run_scoped3A_100 = tpu.sem_alloc : memref<!tpu.dma_semaphore, #tpu.memory_space<semaphore_mem>>
      %dma_start3A_101 = arith.constant 0 : i32
      %dma_start3A_102 = tpu.memref_slice %arg7[%run_scoped3A_49, %dma_start3A_101] : memref<40x128xi32, #tpu.memory_space<vmem>> -> memref<1x128xi32, #tpu.memory_space<vmem>>
      %dma_start3A_103 = tpu.memref_squeeze %dma_start3A_102 : memref<1x128xi32, #tpu.memory_space<vmem>> -> memref<128xi32, #tpu.memory_space<vmem>>
      %dma_start3A_104 = arith.constant 0 : i32
      %dma_start3A_105 = arith.constant 0 : i32
      %dma_start3A_106 = tpu.memref_slice %arg10[%dma_start3A_104, %dma_start3A_105] : memref<10240x128xf32, #tpu.memory_space<vmem_shared>> -> memref<10240x128xf32, #tpu.memory_space<vmem_shared>>
      tpu.enqueue_indirect_dma source(%arg9 : memref<128x128xf32, #tpu.memory_space<vmem>>) target(%dma_start3A_106 : memref<10240x128xf32, #tpu.memory_space<vmem_shared>>) offsets(%dma_start3A_103 : memref<128xi32, #tpu.memory_space<vmem>>) semaphore(%run_scoped3A_100 : memref<!tpu.dma_semaphore, #tpu.memory_space<semaphore_mem>>) {add = true}
      %dma_wait3A_107 = arith.constant 0 : i32
      %dma_wait3A_108 = tpu.memref_slice %arg7[%run_scoped3A_49, %dma_wait3A_107] : memref<40x128xi32, #tpu.memory_space<vmem>> -> memref<1x128xi32, #tpu.memory_space<vmem>>
      %dma_wait3A_109 = tpu.memref_squeeze %dma_wait3A_108 : memref<1x128xi32, #tpu.memory_space<vmem>> -> memref<128xi32, #tpu.memory_space<vmem>>
      %dma_wait3A_110 = arith.constant 0 : i32
      %dma_wait3A_111 = arith.constant 0 : i32
      %dma_wait3A_112 = tpu.memref_slice %arg10[%dma_wait3A_110, %dma_wait3A_111] : memref<10240x128xf32, #tpu.memory_space<vmem_shared>> -> memref<10240x128xf32, #tpu.memory_space<vmem_shared>>
      tpu.wait_indirect_dma semaphore(%run_scoped3A_100 : memref<!tpu.dma_semaphore, #tpu.memory_space<semaphore_mem>>) src(%arg9 : memref<128x128xf32, #tpu.memory_space<vmem>>) dst(%dma_wait3A_112 : memref<10240x128xf32, #tpu.memory_space<vmem_shared>>)
      tpu.yield
    }) : () -> ()
    %mul3A_50 = arith.constant 80 : i32
    %mul3A_51 = arith.muli %arg1, %mul3A_50 : i32
    %add3A_52 = arith.constant 40 : i32
    %add3A_53 = arith.addi %mul3A_51, %add3A_52 : i32
    "tpu.region"() ({
      %run_scoped3A_100 = tpu.sem_alloc : memref<!tpu.dma_semaphore, #tpu.memory_space<semaphore_mem>>
      %dma_start3A_101 = arith.constant 0 : i32
      %dma_start3A_102 = tpu.memref_slice %arg3[%add3A_53, %dma_start3A_101] : memref<1280x128xi32, #tpu.memory_space<hbm>> -> memref<40x128xi32, #tpu.memory_space<hbm>>
      %dma_start3A_103 = arith.constant 0 : i32
      %dma_start3A_104 = tpu.memref_slice %arg3[%add3A_53, %dma_start3A_103] : memref<1280x128xi32, #tpu.memory_space<hbm>> -> memref<40x128xi32, #tpu.memory_space<hbm>>
      tpu.enqueue_dma source(%dma_start3A_104 : memref<40x128xi32, #tpu.memory_space<hbm>>) target(%arg6 : memref<40x128xi32, #tpu.memory_space<vmem>>) target_semaphore(%run_scoped3A_100 : memref<!tpu.dma_semaphore, #tpu.memory_space<semaphore_mem>>)
      %dma_wait3A_105 = arith.constant 0 : i32
      %dma_wait3A_106 = tpu.memref_slice %arg3[%add3A_53, %dma_wait3A_105] : memref<1280x128xi32, #tpu.memory_space<hbm>> -> memref<40x128xi32, #tpu.memory_space<hbm>>
      %dma_wait3A_107 = arith.constant 0 : i32
      %dma_wait3A_108 = tpu.memref_slice %arg3[%add3A_53, %dma_wait3A_107] : memref<1280x128xi32, #tpu.memory_space<hbm>> -> memref<40x128xi32, #tpu.memory_space<hbm>>
      tpu.wait_dma2 semaphore(%run_scoped3A_100 : memref<!tpu.dma_semaphore, #tpu.memory_space<semaphore_mem>>) src(%dma_wait3A_108 : memref<40x128xi32, #tpu.memory_space<hbm>>) dst(%arg6 : memref<40x128xi32, #tpu.memory_space<vmem>>)
      tpu.yield
    }) : () -> ()
    "tpu.region"() ({
      %run_scoped3A_100 = tpu.sem_alloc : memref<!tpu.dma_semaphore, #tpu.memory_space<semaphore_mem>>
      %dma_start3A_101 = arith.constant 0 : i32
      %dma_start3A_102 = tpu.memref_slice %arg4[%add3A_53, %dma_start3A_101] : memref<1280x128xi32, #tpu.memory_space<hbm>> -> memref<40x128xi32, #tpu.memory_space<hbm>>
      %dma_start3A_103 = arith.constant 0 : i32
      %dma_start3A_104 = tpu.memref_slice %arg4[%add3A_53, %dma_start3A_103] : memref<1280x128xi32, #tpu.memory_space<hbm>> -> memref<40x128xi32, #tpu.memory_space<hbm>>
      tpu.enqueue_dma source(%dma_start3A_104 : memref<40x128xi32, #tpu.memory_space<hbm>>) target(%arg7 : memref<40x128xi32, #tpu.memory_space<vmem>>) target_semaphore(%run_scoped3A_100 : memref<!tpu.dma_semaphore, #tpu.memory_space<semaphore_mem>>)
      %dma_wait3A_105 = arith.constant 0 : i32
      %dma_wait3A_106 = tpu.memref_slice %arg4[%add3A_53, %dma_wait3A_105] : memref<1280x128xi32, #tpu.memory_space<hbm>> -> memref<40x128xi32, #tpu.memory_space<hbm>>
      %dma_wait3A_107 = arith.constant 0 : i32
      %dma_wait3A_108 = tpu.memref_slice %arg4[%add3A_53, %dma_wait3A_107] : memref<1280x128xi32, #tpu.memory_space<hbm>> -> memref<40x128xi32, #tpu.memory_space<hbm>>
      tpu.wait_dma2 semaphore(%run_scoped3A_100 : memref<!tpu.dma_semaphore, #tpu.memory_space<semaphore_mem>>) src(%dma_wait3A_108 : memref<40x128xi32, #tpu.memory_space<hbm>>) dst(%arg7 : memref<40x128xi32, #tpu.memory_space<vmem>>)
      tpu.yield
    }) : () -> ()
    %scan3A_54 = arith.constant 0 : i32
    %scan3A_55 = arith.constant 40 : i32
    %scan3A_56 = arith.addi %scan3A_54, %scan3A_55 : i32
    %scan3A_57 = arith.constant 1 : i32
    scf.for %scan3A_100 = %scan3A_54 to %scan3A_56 step %scan3A_57  : i32 {
      %mul3A_101 = arith.constant 1 : i32
      %mul3A_102 = arith.muli %scan3A_100, %mul3A_101 : i32
      %add3A_103 = arith.constant 0 : i32
      %add3A_104 = arith.addi %add3A_103, %mul3A_102 : i32
      %scan3A_105 = arith.constant 0 : i32
      %scan3A_106 = arith.constant 8 : i32
      %scan3A_107 = arith.addi %scan3A_105, %scan3A_106 : i32
      %scan3A_108 = arith.constant 1 : i32
      scf.for %scan3A_110 = %scan3A_105 to %scan3A_107 step %scan3A_108  : i32 {
        %mul3A_111 = arith.constant 16 : i32
        %mul3A_112 = arith.muli %scan3A_110, %mul3A_111 : i32
        %add3A_113 = arith.constant 0 : i32
        %add3A_114 = arith.addi %add3A_113, %mul3A_112 : i32
        %get3A = arith.index_cast %add3A_104 : i32 to index
        %get3A_115 = arith.index_cast %add3A_114 : i32 to index
        %get3A_116 = tpu.vector_load %arg6[%get3A, %get3A_115] {strides = array<i32>} : memref<40x128xi32, #tpu.memory_space<vmem>>, vector<1x16xi32>,
        %get3A_117 = vector.shape_cast %get3A_116 : vector<1x16xi32> to vector<16xi32>
        %add3A_118 = arith.addi %get3A_117, %add3A_4 : vector<16xi32>
        %swap3A = arith.index_cast %add3A_104 : i32 to index
        %swap3A_119 = arith.index_cast %add3A_114 : i32 to index
        %swap3A_120 = tpu.vector_load %arg6[%swap3A, %swap3A_119] {strides = array<i32>} : memref<40x128xi32, #tpu.memory_space<vmem>>, vector<1x16xi32>,
        %swap3A_121 = vector.shape_cast %swap3A_120 : vector<1x16xi32> to vector<16xi32>
        %swap3A_122 = vector.shape_cast %add3A_118 : vector<16xi32> to vector<1x16xi32>
        tpu.vector_store %arg6[%swap3A, %swap3A_119], %swap3A_122 {strides = array<i32>} : memref<40x128xi32, #tpu.memory_space<vmem>>, vector<1x16xi32>,
      }
      %scan3A_109 = arith.constant 8 : i32
    }
    %scan3A_58 = arith.constant 40 : i32
    %dma_start3A_59 = arith.constant 0 : i32
    %dma_start3A_60 = arith.constant 0 : i32
    %dma_start3A_61 = tpu.memref_slice %arg6[%dma_start3A_59, %dma_start3A_60] : memref<40x128xi32, #tpu.memory_space<vmem>> -> memref<1x128xi32, #tpu.memory_space<vmem>>
    %dma_start3A_62 = tpu.memref_squeeze %dma_start3A_61 : memref<1x128xi32, #tpu.memory_space<vmem>> -> memref<128xi32, #tpu.memory_space<vmem>>
    %dma_start3A_63 = arith.constant 0 : i32
    %dma_start3A_64 = arith.constant 0 : i32
    %dma_start3A_65 = tpu.memref_slice %arg2[%dma_start3A_63, %dma_start3A_64] : memref<20480x128xf32, #tpu.memory_space<hbm>> -> memref<20480x128xf32, #tpu.memory_space<hbm>>
    tpu.enqueue_indirect_dma source(%dma_start3A_65 : memref<20480x128xf32, #tpu.memory_space<hbm>>) target(%arg8 : memref<128x128xf32, #tpu.memory_space<vmem>>) offsets(%dma_start3A_62 : memref<128xi32, #tpu.memory_space<vmem>>) semaphore(%arg11 : memref<!tpu.dma_semaphore, #tpu.memory_space<semaphore_mem>>)
    %scan3A_66 = arith.constant 0 : i32
    %scan3A_67 = arith.constant 19 : i32
    %scan3A_68 = arith.addi %scan3A_66, %scan3A_67 : i32
    %scan3A_69 = arith.constant 1 : i32
    scf.for %scan3A_100 = %scan3A_66 to %scan3A_68 step %scan3A_69  : i32 {
      %mul3A_101 = arith.constant 2 : i32
      %mul3A_102 = arith.muli %scan3A_100, %mul3A_101 : i32
      %add3A_103 = arith.constant 0 : i32
      %add3A_104 = arith.addi %add3A_103, %mul3A_102 : i32
      %add3A_105 = arith.constant 1 : i32
      %add3A_106 = arith.addi %add3A_104, %add3A_105 : i32
      %dma_start3A_107 = arith.constant 0 : i32
      %dma_start3A_108 = tpu.memref_slice %arg6[%add3A_106, %dma_start3A_107] : memref<40x128xi32, #tpu.memory_space<vmem>> -> memref<1x128xi32, #tpu.memory_space<vmem>>
      %dma_start3A_109 = tpu.memref_squeeze %dma_start3A_108 : memref<1x128xi32, #tpu.memory_space<vmem>> -> memref<128xi32, #tpu.memory_space<vmem>>
      %dma_start3A_110 = arith.constant 0 : i32
      %dma_start3A_111 = arith.constant 0 : i32
      %dma_start3A_112 = tpu.memref_slice %arg2[%dma_start3A_110, %dma_start3A_111] : memref<20480x128xf32, #tpu.memory_space<hbm>> -> memref<20480x128xf32, #tpu.memory_space<hbm>>
      tpu.enqueue_indirect_dma source(%dma_start3A_112 : memref<20480x128xf32, #tpu.memory_space<hbm>>) target(%arg9 : memref<128x128xf32, #tpu.memory_space<vmem>>) offsets(%dma_start3A_109 : memref<128xi32, #tpu.memory_space<vmem>>) semaphore(%arg12 : memref<!tpu.dma_semaphore, #tpu.memory_space<semaphore_mem>>)
      %dma_wait3A_113 = arith.constant 0 : i32
      %dma_wait3A_114 = arith.constant 0 : i32
      %dma_wait3A_115 = tpu.memref_slice %arg6[%dma_wait3A_113, %dma_wait3A_114] : memref<40x128xi32, #tpu.memory_space<vmem>> -> memref<1x128xi32, #tpu.memory_space<vmem>>
      %dma_wait3A_116 = tpu.memref_squeeze %dma_wait3A_115 : memref<1x128xi32, #tpu.memory_space<vmem>> -> memref<128xi32, #tpu.memory_space<vmem>>
      %dma_wait3A_117 = arith.constant 0 : i32
      %dma_wait3A_118 = arith.constant 0 : i32
      %dma_wait3A_119 = tpu.memref_slice %arg2[%dma_wait3A_117, %dma_wait3A_118] : memref<20480x128xf32, #tpu.memory_space<hbm>> -> memref<20480x128xf32, #tpu.memory_space<hbm>>
      tpu.wait_indirect_dma semaphore(%arg11 : memref<!tpu.dma_semaphore, #tpu.memory_space<semaphore_mem>>) src(%dma_wait3A_119 : memref<20480x128xf32, #tpu.memory_space<hbm>>) dst(%arg8 : memref<128x128xf32, #tpu.memory_space<vmem>>)
      "tpu.region"() ({
        %run_scoped3A_137 = tpu.sem_alloc : memref<!tpu.dma_semaphore, #tpu.memory_space<semaphore_mem>>
        %dma_start3A_138 = arith.constant 0 : i32
        %dma_start3A_139 = tpu.memref_slice %arg7[%add3A_104, %dma_start3A_138] : memref<40x128xi32, #tpu.memory_space<vmem>> -> memref<1x128xi32, #tpu.memory_space<vmem>>
        %dma_start3A_140 = tpu.memref_squeeze %dma_start3A_139 : memref<1x128xi32, #tpu.memory_space<vmem>> -> memref<128xi32, #tpu.memory_space<vmem>>
        %dma_start3A_141 = arith.constant 0 : i32
        %dma_start3A_142 = arith.constant 0 : i32
        %dma_start3A_143 = tpu.memref_slice %arg10[%dma_start3A_141, %dma_start3A_142] : memref<10240x128xf32, #tpu.memory_space<vmem_shared>> -> memref<10240x128xf32, #tpu.memory_space<vmem_shared>>
        tpu.enqueue_indirect_dma source(%arg8 : memref<128x128xf32, #tpu.memory_space<vmem>>) target(%dma_start3A_143 : memref<10240x128xf32, #tpu.memory_space<vmem_shared>>) offsets(%dma_start3A_140 : memref<128xi32, #tpu.memory_space<vmem>>) semaphore(%run_scoped3A_137 : memref<!tpu.dma_semaphore, #tpu.memory_space<semaphore_mem>>) {add = true}
        %dma_wait3A_144 = arith.constant 0 : i32
        %dma_wait3A_145 = tpu.memref_slice %arg7[%add3A_104, %dma_wait3A_144] : memref<40x128xi32, #tpu.memory_space<vmem>> -> memref<1x128xi32, #tpu.memory_space<vmem>>
        %dma_wait3A_146 = tpu.memref_squeeze %dma_wait3A_145 : memref<1x128xi32, #tpu.memory_space<vmem>> -> memref<128xi32, #tpu.memory_space<vmem>>
        %dma_wait3A_147 = arith.constant 0 : i32
        %dma_wait3A_148 = arith.constant 0 : i32
        %dma_wait3A_149 = tpu.memref_slice %arg10[%dma_wait3A_147, %dma_wait3A_148] : memref<10240x128xf32, #tpu.memory_space<vmem_shared>> -> memref<10240x128xf32, #tpu.memory_space<vmem_shared>>
        tpu.wait_indirect_dma semaphore(%run_scoped3A_137 : memref<!tpu.dma_semaphore, #tpu.memory_space<semaphore_mem>>) src(%arg8 : memref<128x128xf32, #tpu.memory_space<vmem>>) dst(%dma_wait3A_149 : memref<10240x128xf32, #tpu.memory_space<vmem_shared>>)
        tpu.yield
      }) : () -> ()
      %add3A_120 = arith.constant 2 : i32
      %add3A_121 = arith.addi %add3A_104, %add3A_120 : i32
      %dma_start3A_122 = arith.constant 0 : i32
      %dma_start3A_123 = tpu.memref_slice %arg6[%add3A_121, %dma_start3A_122] : memref<40x128xi32, #tpu.memory_space<vmem>> -> memref<1x128xi32, #tpu.memory_space<vmem>>
      %dma_start3A_124 = tpu.memref_squeeze %dma_start3A_123 : memref<1x128xi32, #tpu.memory_space<vmem>> -> memref<128xi32, #tpu.memory_space<vmem>>
      %dma_start3A_125 = arith.constant 0 : i32
      %dma_start3A_126 = arith.constant 0 : i32
      %dma_start3A_127 = tpu.memref_slice %arg2[%dma_start3A_125, %dma_start3A_126] : memref<20480x128xf32, #tpu.memory_space<hbm>> -> memref<20480x128xf32, #tpu.memory_space<hbm>>
      tpu.enqueue_indirect_dma source(%dma_start3A_127 : memref<20480x128xf32, #tpu.memory_space<hbm>>) target(%arg8 : memref<128x128xf32, #tpu.memory_space<vmem>>) offsets(%dma_start3A_124 : memref<128xi32, #tpu.memory_space<vmem>>) semaphore(%arg11 : memref<!tpu.dma_semaphore, #tpu.memory_space<semaphore_mem>>)
      %dma_wait3A_128 = arith.constant 0 : i32
      %dma_wait3A_129 = arith.constant 0 : i32
      %dma_wait3A_130 = tpu.memref_slice %arg6[%dma_wait3A_128, %dma_wait3A_129] : memref<40x128xi32, #tpu.memory_space<vmem>> -> memref<1x128xi32, #tpu.memory_space<vmem>>
      %dma_wait3A_131 = tpu.memref_squeeze %dma_wait3A_130 : memref<1x128xi32, #tpu.memory_space<vmem>> -> memref<128xi32, #tpu.memory_space<vmem>>
      %dma_wait3A_132 = arith.constant 0 : i32
      %dma_wait3A_133 = arith.constant 0 : i32
      %dma_wait3A_134 = tpu.memref_slice %arg2[%dma_wait3A_132, %dma_wait3A_133] : memref<20480x128xf32, #tpu.memory_space<hbm>> -> memref<20480x128xf32, #tpu.memory_space<hbm>>
      tpu.wait_indirect_dma semaphore(%arg12 : memref<!tpu.dma_semaphore, #tpu.memory_space<semaphore_mem>>) src(%dma_wait3A_134 : memref<20480x128xf32, #tpu.memory_space<hbm>>) dst(%arg9 : memref<128x128xf32, #tpu.memory_space<vmem>>)
      %add3A_135 = arith.constant 1 : i32
      %add3A_136 = arith.addi %add3A_104, %add3A_135 : i32
      "tpu.region"() ({
        %run_scoped3A_137 = tpu.sem_alloc : memref<!tpu.dma_semaphore, #tpu.memory_space<semaphore_mem>>
        %dma_start3A_138 = arith.constant 0 : i32
        %dma_start3A_139 = tpu.memref_slice %arg7[%add3A_136, %dma_start3A_138] : memref<40x128xi32, #tpu.memory_space<vmem>> -> memref<1x128xi32, #tpu.memory_space<vmem>>
        %dma_start3A_140 = tpu.memref_squeeze %dma_start3A_139 : memref<1x128xi32, #tpu.memory_space<vmem>> -> memref<128xi32, #tpu.memory_space<vmem>>
        %dma_start3A_141 = arith.constant 0 : i32
        %dma_start3A_142 = arith.constant 0 : i32
        %dma_start3A_143 = tpu.memref_slice %arg10[%dma_start3A_141, %dma_start3A_142] : memref<10240x128xf32, #tpu.memory_space<vmem_shared>> -> memref<10240x128xf32, #tpu.memory_space<vmem_shared>>
        tpu.enqueue_indirect_dma source(%arg9 : memref<128x128xf32, #tpu.memory_space<vmem>>) target(%dma_start3A_143 : memref<10240x128xf32, #tpu.memory_space<vmem_shared>>) offsets(%dma_start3A_140 : memref<128xi32, #tpu.memory_space<vmem>>) semaphore(%run_scoped3A_137 : memref<!tpu.dma_semaphore, #tpu.memory_space<semaphore_mem>>) {add = true}
        %dma_wait3A_144 = arith.constant 0 : i32
        %dma_wait3A_145 = tpu.memref_slice %arg7[%add3A_136, %dma_wait3A_144] : memref<40x128xi32, #tpu.memory_space<vmem>> -> memref<1x128xi32, #tpu.memory_space<vmem>>
        %dma_wait3A_146 = tpu.memref_squeeze %dma_wait3A_145 : memref<1x128xi32, #tpu.memory_space<vmem>> -> memref<128xi32, #tpu.memory_space<vmem>>
        %dma_wait3A_147 = arith.constant 0 : i32
        %dma_wait3A_148 = arith.constant 0 : i32
        %dma_wait3A_149 = tpu.memref_slice %arg10[%dma_wait3A_147, %dma_wait3A_148] : memref<10240x128xf32, #tpu.memory_space<vmem_shared>> -> memref<10240x128xf32, #tpu.memory_space<vmem_shared>>
        tpu.wait_indirect_dma semaphore(%run_scoped3A_137 : memref<!tpu.dma_semaphore, #tpu.memory_space<semaphore_mem>>) src(%arg9 : memref<128x128xf32, #tpu.memory_space<vmem>>) dst(%dma_wait3A_149 : memref<10240x128xf32, #tpu.memory_space<vmem_shared>>)
        tpu.yield
      }) : () -> ()
    }
    %scan3A_70 = arith.constant 19 : i32
    %dma_start3A_71 = arith.constant 39 : i32
    %dma_start3A_72 = arith.constant 0 : i32
    %dma_start3A_73 = tpu.memref_slice %arg6[%dma_start3A_71, %dma_start3A_72] : memref<40x128xi32, #tpu.memory_space<vmem>> -> memref<1x128xi32, #tpu.memory_space<vmem>>
    %dma_start3A_74 = tpu.memref_squeeze %dma_start3A_73 : memref<1x128xi32, #tpu.memory_space<vmem>> -> memref<128xi32, #tpu.memory_space<vmem>>
    %dma_start3A_75 = arith.constant 0 : i32
    %dma_start3A_76 = arith.constant 0 : i32
    %dma_start3A_77 = tpu.memref_slice %arg2[%dma_start3A_75, %dma_start3A_76] : memref<20480x128xf32, #tpu.memory_space<hbm>> -> memref<20480x128xf32, #tpu.memory_space<hbm>>
    tpu.enqueue_indirect_dma source(%dma_start3A_77 : memref<20480x128xf32, #tpu.memory_space<hbm>>) target(%arg9 : memref<128x128xf32, #tpu.memory_space<vmem>>) offsets(%dma_start3A_74 : memref<128xi32, #tpu.memory_space<vmem>>) semaphore(%arg12 : memref<!tpu.dma_semaphore, #tpu.memory_space<semaphore_mem>>)
    %dma_wait3A_78 = arith.constant 0 : i32
    %dma_wait3A_79 = arith.constant 0 : i32
    %dma_wait3A_80 = tpu.memref_slice %arg6[%dma_wait3A_78, %dma_wait3A_79] : memref<40x128xi32, #tpu.memory_space<vmem>> -> memref<1x128xi32, #tpu.memory_space<vmem>>
    %dma_wait3A_81 = tpu.memref_squeeze %dma_wait3A_80 : memref<1x128xi32, #tpu.memory_space<vmem>> -> memref<128xi32, #tpu.memory_space<vmem>>
    %dma_wait3A_82 = arith.constant 0 : i32
    %dma_wait3A_83 = arith.constant 0 : i32
    %dma_wait3A_84 = tpu.memref_slice %arg2[%dma_wait3A_82, %dma_wait3A_83] : memref<20480x128xf32, #tpu.memory_space<hbm>> -> memref<20480x128xf32, #tpu.memory_space<hbm>>
    tpu.wait_indirect_dma semaphore(%arg11 : memref<!tpu.dma_semaphore, #tpu.memory_space<semaphore_mem>>) src(%dma_wait3A_84 : memref<20480x128xf32, #tpu.memory_space<hbm>>) dst(%arg8 : memref<128x128xf32, #tpu.memory_space<vmem>>)
    %run_scoped3A_85 = arith.constant 38 : i32
    "tpu.region"() ({
      %run_scoped3A_100 = tpu.sem_alloc : memref<!tpu.dma_semaphore, #tpu.memory_space<semaphore_mem>>
      %dma_start3A_101 = arith.constant 0 : i32
      %dma_start3A_102 = tpu.memref_slice %arg7[%run_scoped3A_85, %dma_start3A_101] : memref<40x128xi32, #tpu.memory_space<vmem>> -> memref<1x128xi32, #tpu.memory_space<vmem>>
      %dma_start3A_103 = tpu.memref_squeeze %dma_start3A_102 : memref<1x128xi32, #tpu.memory_space<vmem>> -> memref<128xi32, #tpu.memory_space<vmem>>
      %dma_start3A_104 = arith.constant 0 : i32
      %dma_start3A_105 = arith.constant 0 : i32
      %dma_start3A_106 = tpu.memref_slice %arg10[%dma_start3A_104, %dma_start3A_105] : memref<10240x128xf32, #tpu.memory_space<vmem_shared>> -> memref<10240x128xf32, #tpu.memory_space<vmem_shared>>
      tpu.enqueue_indirect_dma source(%arg8 : memref<128x128xf32, #tpu.memory_space<vmem>>) target(%dma_start3A_106 : memref<10240x128xf32, #tpu.memory_space<vmem_shared>>) offsets(%dma_start3A_103 : memref<128xi32, #tpu.memory_space<vmem>>) semaphore(%run_scoped3A_100 : memref<!tpu.dma_semaphore, #tpu.memory_space<semaphore_mem>>) {add = true}
      %dma_wait3A_107 = arith.constant 0 : i32
      %dma_wait3A_108 = tpu.memref_slice %arg7[%run_scoped3A_85, %dma_wait3A_107] : memref<40x128xi32, #tpu.memory_space<vmem>> -> memref<1x128xi32, #tpu.memory_space<vmem>>
      %dma_wait3A_109 = tpu.memref_squeeze %dma_wait3A_108 : memref<1x128xi32, #tpu.memory_space<vmem>> -> memref<128xi32, #tpu.memory_space<vmem>>
      %dma_wait3A_110 = arith.constant 0 : i32
      %dma_wait3A_111 = arith.constant 0 : i32
      %dma_wait3A_112 = tpu.memref_slice %arg10[%dma_wait3A_110, %dma_wait3A_111] : memref<10240x128xf32, #tpu.memory_space<vmem_shared>> -> memref<10240x128xf32, #tpu.memory_space<vmem_shared>>
      tpu.wait_indirect_dma semaphore(%run_scoped3A_100 : memref<!tpu.dma_semaphore, #tpu.memory_space<semaphore_mem>>) src(%arg8 : memref<128x128xf32, #tpu.memory_space<vmem>>) dst(%dma_wait3A_112 : memref<10240x128xf32, #tpu.memory_space<vmem_shared>>)
      tpu.yield
    }) : () -> ()
    %dma_wait3A_86 = arith.constant 0 : i32
    %dma_wait3A_87 = arith.constant 0 : i32
    %dma_wait3A_88 = tpu.memref_slice %arg6[%dma_wait3A_86, %dma_wait3A_87] : memref<40x128xi32, #tpu.memory_space<vmem>> -> memref<1x128xi32, #tpu.memory_space<vmem>>
    %dma_wait3A_89 = tpu.memref_squeeze %dma_wait3A_88 : memref<1x128xi32, #tpu.memory_space<vmem>> -> memref<128xi32, #tpu.memory_space<vmem>>
    %dma_wait3A_90 = arith.constant 0 : i32
    %dma_wait3A_91 = arith.constant 0 : i32
    %dma_wait3A_92 = tpu.memref_slice %arg2[%dma_wait3A_90, %dma_wait3A_91] : memref<20480x128xf32, #tpu.memory_space<hbm>> -> memref<20480x128xf32, #tpu.memory_space<hbm>>
    tpu.wait_indirect_dma semaphore(%arg12 : memref<!tpu.dma_semaphore, #tpu.memory_space<semaphore_mem>>) src(%dma_wait3A_92 : memref<20480x128xf32, #tpu.memory_space<hbm>>) dst(%arg9 : memref<128x128xf32, #tpu.memory_space<vmem>>)
    %run_scoped3A_93 = arith.constant 39 : i32
    "tpu.region"() ({
      %run_scoped3A_100 = tpu.sem_alloc : memref<!tpu.dma_semaphore, #tpu.memory_space<semaphore_mem>>
      %dma_start3A_101 = arith.constant 0 : i32
      %dma_start3A_102 = tpu.memref_slice %arg7[%run_scoped3A_93, %dma_start3A_101] : memref<40x128xi32, #tpu.memory_space<vmem>> -> memref<1x128xi32, #tpu.memory_space<vmem>>
      %dma_start3A_103 = tpu.memref_squeeze %dma_start3A_102 : memref<1x128xi32, #tpu.memory_space<vmem>> -> memref<128xi32, #tpu.memory_space<vmem>>
      %dma_start3A_104 = arith.constant 0 : i32
      %dma_start3A_105 = arith.constant 0 : i32
      %dma_start3A_106 = tpu.memref_slice %arg10[%dma_start3A_104, %dma_start3A_105] : memref<10240x128xf32, #tpu.memory_space<vmem_shared>> -> memref<10240x128xf32, #tpu.memory_space<vmem_shared>>
      tpu.enqueue_indirect_dma source(%arg9 : memref<128x128xf32, #tpu.memory_space<vmem>>) target(%dma_start3A_106 : memref<10240x128xf32, #tpu.memory_space<vmem_shared>>) offsets(%dma_start3A_103 : memref<128xi32, #tpu.memory_space<vmem>>) semaphore(%run_scoped3A_100 : memref<!tpu.dma_semaphore, #tpu.memory_space<semaphore_mem>>) {add = true}
      %dma_wait3A_107 = arith.constant 0 : i32
      %dma_wait3A_108 = tpu.memref_slice %arg7[%run_scoped3A_93, %dma_wait3A_107] : memref<40x128xi32, #tpu.memory_space<vmem>> -> memref<1x128xi32, #tpu.memory_space<vmem>>
      %dma_wait3A_109 = tpu.memref_squeeze %dma_wait3A_108 : memref<1x128xi32, #tpu.memory_space<vmem>> -> memref<128xi32, #tpu.memory_space<vmem>>
      %dma_wait3A_110 = arith.constant 0 : i32
      %dma_wait3A_111 = arith.constant 0 : i32
      %dma_wait3A_112 = tpu.memref_slice %arg10[%dma_wait3A_110, %dma_wait3A_111] : memref<10240x128xf32, #tpu.memory_space<vmem_shared>> -> memref<10240x128xf32, #tpu.memory_space<vmem_shared>>
      tpu.wait_indirect_dma semaphore(%run_scoped3A_100 : memref<!tpu.dma_semaphore, #tpu.memory_space<semaphore_mem>>) src(%arg9 : memref<128x128xf32, #tpu.memory_space<vmem>>) dst(%dma_wait3A_112 : memref<10240x128xf32, #tpu.memory_space<vmem_shared>>)
      tpu.yield
    }) : () -> ()
    %barrier3A_94 = arith.constant 0 : index
    tpu.barrier barrier_id(%barrier3A_94)
    %mul3A_95 = arith.constant 640 : i32
    %mul3A_96 = arith.muli %arg1, %mul3A_95 : i32
    %mul3A_97 = arith.constant 640 : i32
    %mul3A_98 = arith.muli %arg1, %mul3A_97 : i32
    %add3A_99 = arith.addi %mul3A_1, %mul3A_98 : i32
    "tpu.region"() ({
      %run_scoped3A_100 = tpu.sem_alloc : memref<!tpu.dma_semaphore, #tpu.memory_space<semaphore_mem>>
      %dma_start3A_101 = arith.constant 0 : i32
      %dma_start3A_102 = tpu.memref_slice %arg5[%add3A_99, %dma_start3A_101] : memref<20480x128xf32, #tpu.memory_space<hbm>> -> memref<640x128xf32, #tpu.memory_space<hbm>>
      %dma_start3A_103 = arith.constant 0 : i32
      %dma_start3A_104 = tpu.memref_slice %arg10[%mul3A_96, %dma_start3A_103] : memref<10240x128xf32, #tpu.memory_space<vmem_shared>> -> memref<640x128xf32, #tpu.memory_space<vmem_shared>>
      tpu.enqueue_dma source(%dma_start3A_104 : memref<640x128xf32, #tpu.memory_space<vmem_shared>>) target(%dma_start3A_102 : memref<640x128xf32, #tpu.memory_space<hbm>>) target_semaphore(%run_scoped3A_100 : memref<!tpu.dma_semaphore, #tpu.memory_space<semaphore_mem>>)
      %dma_wait3A_105 = arith.constant 0 : i32
      %dma_wait3A_106 = tpu.memref_slice %arg5[%add3A_99, %dma_wait3A_105] : memref<20480x128xf32, #tpu.memory_space<hbm>> -> memref<640x128xf32, #tpu.memory_space<hbm>>
      %dma_wait3A_107 = arith.constant 0 : i32
      %dma_wait3A_108 = tpu.memref_slice %arg10[%mul3A_96, %dma_wait3A_107] : memref<10240x128xf32, #tpu.memory_space<vmem_shared>> -> memref<640x128xf32, #tpu.memory_space<vmem_shared>>
      tpu.wait_dma2 semaphore(%run_scoped3A_100 : memref<!tpu.dma_semaphore, #tpu.memory_space<semaphore_mem>>) src(%dma_wait3A_108 : memref<640x128xf32, #tpu.memory_space<vmem_shared>>) dst(%dma_wait3A_106 : memref<640x128xf32, #tpu.memory_space<hbm>>)
      tpu.yield
    }) : () -> ()
    return
  }
}

#map = affine_map<(d0, d1) -> (0, 0)>
module attributes {stable_mosaic.version = 14 : i64} {
  func.func @k(%arg0: i32, %arg1: i32, %arg2: memref<10240x128xf32, #tpu.memory_space<hbm>>, %arg3: memref<1280x128xi32, #tpu.memory_space<hbm>>, %arg4: memref<1280x128xi32, #tpu.memory_space<hbm>>, %arg5: memref<20480x128xf32, #tpu.memory_space<hbm>>, %arg6: memref<40x128xi32, #tpu.memory_space<vmem>>, %arg7: memref<40x128xi32, #tpu.memory_space<vmem>>, %arg8: memref<128x128xf32, #tpu.memory_space<vmem>>, %arg9: memref<128x128xf32, #tpu.memory_space<vmem>>, %arg10: memref<10240x128xf32, #tpu.memory_space<vmem_shared>>, %arg11: memref<!tpu.dma_semaphore, #tpu.memory_space<semaphore_mem>>, %arg12: memref<!tpu.dma_semaphore, #tpu.memory_space<semaphore_mem>>) attributes {dimension_semantics = [#tpu.dimension_semantics<core_parallel>, #tpu.dimension_semantics<subcore_parallel>], iteration_bounds = array<i64: 2, 16>, scalar_prefetch = 0 : i64, scratch_operands = 7 : i64, tpu.core_type = #tpu.core_type<sc_vector_subcore>, window_params = [{transform_indices = #map}, {transform_indices = #map}, {transform_indices = #map}, {transform_indices = #map}]} {
    %mul3A = arith.constant 16 : i32
    %mul3A_0 = arith.muli %arg0, %mul3A : i32
    %add3A = arith.addi %mul3A_0, %arg1 : i32
    %mul3A_1 = arith.constant 40 : i32
    %mul3A_2 = arith.muli %add3A, %mul3A_1 : i32
    "tpu.region"() ({
      %run_scoped3A_46 = tpu.sem_alloc : memref<!tpu.dma_semaphore, #tpu.memory_space<semaphore_mem>>
      %dma_start3A_47 = arith.constant 0 : i32
      %dma_start3A_48 = tpu.memref_slice %arg3[%mul3A_2, %dma_start3A_47] : memref<1280x128xi32, #tpu.memory_space<hbm>> -> memref<40x128xi32, #tpu.memory_space<hbm>>
      %dma_start3A_49 = arith.constant 0 : i32
      %dma_start3A_50 = tpu.memref_slice %arg3[%mul3A_2, %dma_start3A_49] : memref<1280x128xi32, #tpu.memory_space<hbm>> -> memref<40x128xi32, #tpu.memory_space<hbm>>
      tpu.enqueue_dma source(%dma_start3A_50 : memref<40x128xi32, #tpu.memory_space<hbm>>) target(%arg6 : memref<40x128xi32, #tpu.memory_space<vmem>>) target_semaphore(%run_scoped3A_46 : memref<!tpu.dma_semaphore, #tpu.memory_space<semaphore_mem>>)
      %dma_wait3A_51 = arith.constant 0 : i32
      %dma_wait3A_52 = tpu.memref_slice %arg3[%mul3A_2, %dma_wait3A_51] : memref<1280x128xi32, #tpu.memory_space<hbm>> -> memref<40x128xi32, #tpu.memory_space<hbm>>
      %dma_wait3A_53 = arith.constant 0 : i32
      %dma_wait3A_54 = tpu.memref_slice %arg3[%mul3A_2, %dma_wait3A_53] : memref<1280x128xi32, #tpu.memory_space<hbm>> -> memref<40x128xi32, #tpu.memory_space<hbm>>
      tpu.wait_dma2 semaphore(%run_scoped3A_46 : memref<!tpu.dma_semaphore, #tpu.memory_space<semaphore_mem>>) src(%dma_wait3A_54 : memref<40x128xi32, #tpu.memory_space<hbm>>) dst(%arg6 : memref<40x128xi32, #tpu.memory_space<vmem>>)
      tpu.yield
    }) : () -> ()
    "tpu.region"() ({
      %run_scoped3A_46 = tpu.sem_alloc : memref<!tpu.dma_semaphore, #tpu.memory_space<semaphore_mem>>
      %dma_start3A_47 = arith.constant 0 : i32
      %dma_start3A_48 = tpu.memref_slice %arg4[%mul3A_2, %dma_start3A_47] : memref<1280x128xi32, #tpu.memory_space<hbm>> -> memref<40x128xi32, #tpu.memory_space<hbm>>
      %dma_start3A_49 = arith.constant 0 : i32
      %dma_start3A_50 = tpu.memref_slice %arg4[%mul3A_2, %dma_start3A_49] : memref<1280x128xi32, #tpu.memory_space<hbm>> -> memref<40x128xi32, #tpu.memory_space<hbm>>
      tpu.enqueue_dma source(%dma_start3A_50 : memref<40x128xi32, #tpu.memory_space<hbm>>) target(%arg7 : memref<40x128xi32, #tpu.memory_space<vmem>>) target_semaphore(%run_scoped3A_46 : memref<!tpu.dma_semaphore, #tpu.memory_space<semaphore_mem>>)
      %dma_wait3A_51 = arith.constant 0 : i32
      %dma_wait3A_52 = tpu.memref_slice %arg4[%mul3A_2, %dma_wait3A_51] : memref<1280x128xi32, #tpu.memory_space<hbm>> -> memref<40x128xi32, #tpu.memory_space<hbm>>
      %dma_wait3A_53 = arith.constant 0 : i32
      %dma_wait3A_54 = tpu.memref_slice %arg4[%mul3A_2, %dma_wait3A_53] : memref<1280x128xi32, #tpu.memory_space<hbm>> -> memref<40x128xi32, #tpu.memory_space<hbm>>
      tpu.wait_dma2 semaphore(%run_scoped3A_46 : memref<!tpu.dma_semaphore, #tpu.memory_space<semaphore_mem>>) src(%dma_wait3A_54 : memref<40x128xi32, #tpu.memory_space<hbm>>) dst(%arg7 : memref<40x128xi32, #tpu.memory_space<vmem>>)
      tpu.yield
    }) : () -> ()
    %mul3A_3 = arith.constant 640 : i32
    %mul3A_4 = arith.muli %arg1, %mul3A_3 : i32
    %mul3A_5 = arith.constant 640 : i32
    %mul3A_6 = arith.muli %arg1, %mul3A_5 : i32
    "tpu.region"() ({
      %run_scoped3A_46 = tpu.sem_alloc : memref<!tpu.dma_semaphore, #tpu.memory_space<semaphore_mem>>
      %dma_start3A_47 = arith.constant 0 : i32
      %dma_start3A_48 = tpu.memref_slice %arg10[%mul3A_6, %dma_start3A_47] : memref<10240x128xf32, #tpu.memory_space<vmem_shared>> -> memref<640x128xf32, #tpu.memory_space<vmem_shared>>
      %dma_start3A_49 = arith.constant 0 : i32
      %dma_start3A_50 = tpu.memref_slice %arg2[%mul3A_4, %dma_start3A_49] : memref<10240x128xf32, #tpu.memory_space<hbm>> -> memref<640x128xf32, #tpu.memory_space<hbm>>
      tpu.enqueue_dma source(%dma_start3A_50 : memref<640x128xf32, #tpu.memory_space<hbm>>) target(%dma_start3A_48 : memref<640x128xf32, #tpu.memory_space<vmem_shared>>) target_semaphore(%run_scoped3A_46 : memref<!tpu.dma_semaphore, #tpu.memory_space<semaphore_mem>>)
      %dma_wait3A_51 = arith.constant 0 : i32
      %dma_wait3A_52 = tpu.memref_slice %arg10[%mul3A_6, %dma_wait3A_51] : memref<10240x128xf32, #tpu.memory_space<vmem_shared>> -> memref<640x128xf32, #tpu.memory_space<vmem_shared>>
      %dma_wait3A_53 = arith.constant 0 : i32
      %dma_wait3A_54 = tpu.memref_slice %arg2[%mul3A_4, %dma_wait3A_53] : memref<10240x128xf32, #tpu.memory_space<hbm>> -> memref<640x128xf32, #tpu.memory_space<hbm>>
      tpu.wait_dma2 semaphore(%run_scoped3A_46 : memref<!tpu.dma_semaphore, #tpu.memory_space<semaphore_mem>>) src(%dma_wait3A_54 : memref<640x128xf32, #tpu.memory_space<hbm>>) dst(%dma_wait3A_52 : memref<640x128xf32, #tpu.memory_space<vmem_shared>>)
      tpu.yield
    }) : () -> ()
    %barrier3A = arith.constant 0 : index
    tpu.barrier barrier_id(%barrier3A)
    %dma_start3A = arith.constant 0 : i32
    %dma_start3A_7 = arith.constant 0 : i32
    %dma_start3A_8 = tpu.memref_slice %arg6[%dma_start3A, %dma_start3A_7] : memref<40x128xi32, #tpu.memory_space<vmem>> -> memref<1x128xi32, #tpu.memory_space<vmem>>
    %dma_start3A_9 = tpu.memref_squeeze %dma_start3A_8 : memref<1x128xi32, #tpu.memory_space<vmem>> -> memref<128xi32, #tpu.memory_space<vmem>>
    %dma_start3A_10 = arith.constant 0 : i32
    %dma_start3A_11 = arith.constant 0 : i32
    %dma_start3A_12 = tpu.memref_slice %arg2[%dma_start3A_10, %dma_start3A_11] : memref<10240x128xf32, #tpu.memory_space<hbm>> -> memref<10240x128xf32, #tpu.memory_space<hbm>>
    tpu.enqueue_indirect_dma source(%dma_start3A_12 : memref<10240x128xf32, #tpu.memory_space<hbm>>) target(%arg8 : memref<128x128xf32, #tpu.memory_space<vmem>>) offsets(%dma_start3A_9 : memref<128xi32, #tpu.memory_space<vmem>>) semaphore(%arg11 : memref<!tpu.dma_semaphore, #tpu.memory_space<semaphore_mem>>)
    %scan3A = arith.constant 0 : i32
    %scan3A_13 = arith.constant 19 : i32
    %scan3A_14 = arith.addi %scan3A, %scan3A_13 : i32
    %scan3A_15 = arith.constant 1 : i32
    scf.for %scan3A_46 = %scan3A to %scan3A_14 step %scan3A_15  : i32 {
      %mul3A_47 = arith.constant 2 : i32
      %mul3A_48 = arith.muli %scan3A_46, %mul3A_47 : i32
      %add3A_49 = arith.constant 0 : i32
      %add3A_50 = arith.addi %add3A_49, %mul3A_48 : i32
      %add3A_51 = arith.constant 1 : i32
      %add3A_52 = arith.addi %add3A_50, %add3A_51 : i32
      %dma_start3A_53 = arith.constant 0 : i32
      %dma_start3A_54 = tpu.memref_slice %arg6[%add3A_52, %dma_start3A_53] : memref<40x128xi32, #tpu.memory_space<vmem>> -> memref<1x128xi32, #tpu.memory_space<vmem>>
      %dma_start3A_55 = tpu.memref_squeeze %dma_start3A_54 : memref<1x128xi32, #tpu.memory_space<vmem>> -> memref<128xi32, #tpu.memory_space<vmem>>
      %dma_start3A_56 = arith.constant 0 : i32
      %dma_start3A_57 = arith.constant 0 : i32
      %dma_start3A_58 = tpu.memref_slice %arg2[%dma_start3A_56, %dma_start3A_57] : memref<10240x128xf32, #tpu.memory_space<hbm>> -> memref<10240x128xf32, #tpu.memory_space<hbm>>
      tpu.enqueue_indirect_dma source(%dma_start3A_58 : memref<10240x128xf32, #tpu.memory_space<hbm>>) target(%arg9 : memref<128x128xf32, #tpu.memory_space<vmem>>) offsets(%dma_start3A_55 : memref<128xi32, #tpu.memory_space<vmem>>) semaphore(%arg12 : memref<!tpu.dma_semaphore, #tpu.memory_space<semaphore_mem>>)
      %dma_wait3A_59 = arith.constant 0 : i32
      %dma_wait3A_60 = arith.constant 0 : i32
      %dma_wait3A_61 = tpu.memref_slice %arg6[%dma_wait3A_59, %dma_wait3A_60] : memref<40x128xi32, #tpu.memory_space<vmem>> -> memref<1x128xi32, #tpu.memory_space<vmem>>
      %dma_wait3A_62 = tpu.memref_squeeze %dma_wait3A_61 : memref<1x128xi32, #tpu.memory_space<vmem>> -> memref<128xi32, #tpu.memory_space<vmem>>
      %dma_wait3A_63 = arith.constant 0 : i32
      %dma_wait3A_64 = arith.constant 0 : i32
      %dma_wait3A_65 = tpu.memref_slice %arg2[%dma_wait3A_63, %dma_wait3A_64] : memref<10240x128xf32, #tpu.memory_space<hbm>> -> memref<10240x128xf32, #tpu.memory_space<hbm>>
      tpu.wait_indirect_dma semaphore(%arg11 : memref<!tpu.dma_semaphore, #tpu.memory_space<semaphore_mem>>) src(%dma_wait3A_65 : memref<10240x128xf32, #tpu.memory_space<hbm>>) dst(%arg8 : memref<128x128xf32, #tpu.memory_space<vmem>>)
      "tpu.region"() ({
        %run_scoped3A_83 = tpu.sem_alloc : memref<!tpu.dma_semaphore, #tpu.memory_space<semaphore_mem>>
        %dma_start3A_84 = arith.constant 0 : i32
        %dma_start3A_85 = tpu.memref_slice %arg7[%add3A_50, %dma_start3A_84] : memref<40x128xi32, #tpu.memory_space<vmem>> -> memref<1x128xi32, #tpu.memory_space<vmem>>
        %dma_start3A_86 = tpu.memref_squeeze %dma_start3A_85 : memref<1x128xi32, #tpu.memory_space<vmem>> -> memref<128xi32, #tpu.memory_space<vmem>>
        %dma_start3A_87 = arith.constant 0 : i32
        %dma_start3A_88 = arith.constant 0 : i32
        %dma_start3A_89 = tpu.memref_slice %arg10[%dma_start3A_87, %dma_start3A_88] : memref<10240x128xf32, #tpu.memory_space<vmem_shared>> -> memref<10240x128xf32, #tpu.memory_space<vmem_shared>>
        tpu.enqueue_indirect_dma source(%arg8 : memref<128x128xf32, #tpu.memory_space<vmem>>) target(%dma_start3A_89 : memref<10240x128xf32, #tpu.memory_space<vmem_shared>>) offsets(%dma_start3A_86 : memref<128xi32, #tpu.memory_space<vmem>>) semaphore(%run_scoped3A_83 : memref<!tpu.dma_semaphore, #tpu.memory_space<semaphore_mem>>) {add = true}
        %dma_wait3A_90 = arith.constant 0 : i32
        %dma_wait3A_91 = tpu.memref_slice %arg7[%add3A_50, %dma_wait3A_90] : memref<40x128xi32, #tpu.memory_space<vmem>> -> memref<1x128xi32, #tpu.memory_space<vmem>>
        %dma_wait3A_92 = tpu.memref_squeeze %dma_wait3A_91 : memref<1x128xi32, #tpu.memory_space<vmem>> -> memref<128xi32, #tpu.memory_space<vmem>>
        %dma_wait3A_93 = arith.constant 0 : i32
        %dma_wait3A_94 = arith.constant 0 : i32
        %dma_wait3A_95 = tpu.memref_slice %arg10[%dma_wait3A_93, %dma_wait3A_94] : memref<10240x128xf32, #tpu.memory_space<vmem_shared>> -> memref<10240x128xf32, #tpu.memory_space<vmem_shared>>
        tpu.wait_indirect_dma semaphore(%run_scoped3A_83 : memref<!tpu.dma_semaphore, #tpu.memory_space<semaphore_mem>>) src(%arg8 : memref<128x128xf32, #tpu.memory_space<vmem>>) dst(%dma_wait3A_95 : memref<10240x128xf32, #tpu.memory_space<vmem_shared>>)
        tpu.yield
      }) : () -> ()
      %add3A_66 = arith.constant 2 : i32
      %add3A_67 = arith.addi %add3A_50, %add3A_66 : i32
      %dma_start3A_68 = arith.constant 0 : i32
      %dma_start3A_69 = tpu.memref_slice %arg6[%add3A_67, %dma_start3A_68] : memref<40x128xi32, #tpu.memory_space<vmem>> -> memref<1x128xi32, #tpu.memory_space<vmem>>
      %dma_start3A_70 = tpu.memref_squeeze %dma_start3A_69 : memref<1x128xi32, #tpu.memory_space<vmem>> -> memref<128xi32, #tpu.memory_space<vmem>>
      %dma_start3A_71 = arith.constant 0 : i32
      %dma_start3A_72 = arith.constant 0 : i32
      %dma_start3A_73 = tpu.memref_slice %arg2[%dma_start3A_71, %dma_start3A_72] : memref<10240x128xf32, #tpu.memory_space<hbm>> -> memref<10240x128xf32, #tpu.memory_space<hbm>>
      tpu.enqueue_indirect_dma source(%dma_start3A_73 : memref<10240x128xf32, #tpu.memory_space<hbm>>) target(%arg8 : memref<128x128xf32, #tpu.memory_space<vmem>>) offsets(%dma_start3A_70 : memref<128xi32, #tpu.memory_space<vmem>>) semaphore(%arg11 : memref<!tpu.dma_semaphore, #tpu.memory_space<semaphore_mem>>)
      %dma_wait3A_74 = arith.constant 0 : i32
      %dma_wait3A_75 = arith.constant 0 : i32
      %dma_wait3A_76 = tpu.memref_slice %arg6[%dma_wait3A_74, %dma_wait3A_75] : memref<40x128xi32, #tpu.memory_space<vmem>> -> memref<1x128xi32, #tpu.memory_space<vmem>>
      %dma_wait3A_77 = tpu.memref_squeeze %dma_wait3A_76 : memref<1x128xi32, #tpu.memory_space<vmem>> -> memref<128xi32, #tpu.memory_space<vmem>>
      %dma_wait3A_78 = arith.constant 0 : i32
      %dma_wait3A_79 = arith.constant 0 : i32
      %dma_wait3A_80 = tpu.memref_slice %arg2[%dma_wait3A_78, %dma_wait3A_79] : memref<10240x128xf32, #tpu.memory_space<hbm>> -> memref<10240x128xf32, #tpu.memory_space<hbm>>
      tpu.wait_indirect_dma semaphore(%arg12 : memref<!tpu.dma_semaphore, #tpu.memory_space<semaphore_mem>>) src(%dma_wait3A_80 : memref<10240x128xf32, #tpu.memory_space<hbm>>) dst(%arg9 : memref<128x128xf32, #tpu.memory_space<vmem>>)
      %add3A_81 = arith.constant 1 : i32
      %add3A_82 = arith.addi %add3A_50, %add3A_81 : i32
      "tpu.region"() ({
        %run_scoped3A_83 = tpu.sem_alloc : memref<!tpu.dma_semaphore, #tpu.memory_space<semaphore_mem>>
        %dma_start3A_84 = arith.constant 0 : i32
        %dma_start3A_85 = tpu.memref_slice %arg7[%add3A_82, %dma_start3A_84] : memref<40x128xi32, #tpu.memory_space<vmem>> -> memref<1x128xi32, #tpu.memory_space<vmem>>
        %dma_start3A_86 = tpu.memref_squeeze %dma_start3A_85 : memref<1x128xi32, #tpu.memory_space<vmem>> -> memref<128xi32, #tpu.memory_space<vmem>>
        %dma_start3A_87 = arith.constant 0 : i32
        %dma_start3A_88 = arith.constant 0 : i32
        %dma_start3A_89 = tpu.memref_slice %arg10[%dma_start3A_87, %dma_start3A_88] : memref<10240x128xf32, #tpu.memory_space<vmem_shared>> -> memref<10240x128xf32, #tpu.memory_space<vmem_shared>>
        tpu.enqueue_indirect_dma source(%arg9 : memref<128x128xf32, #tpu.memory_space<vmem>>) target(%dma_start3A_89 : memref<10240x128xf32, #tpu.memory_space<vmem_shared>>) offsets(%dma_start3A_86 : memref<128xi32, #tpu.memory_space<vmem>>) semaphore(%run_scoped3A_83 : memref<!tpu.dma_semaphore, #tpu.memory_space<semaphore_mem>>) {add = true}
        %dma_wait3A_90 = arith.constant 0 : i32
        %dma_wait3A_91 = tpu.memref_slice %arg7[%add3A_82, %dma_wait3A_90] : memref<40x128xi32, #tpu.memory_space<vmem>> -> memref<1x128xi32, #tpu.memory_space<vmem>>
        %dma_wait3A_92 = tpu.memref_squeeze %dma_wait3A_91 : memref<1x128xi32, #tpu.memory_space<vmem>> -> memref<128xi32, #tpu.memory_space<vmem>>
        %dma_wait3A_93 = arith.constant 0 : i32
        %dma_wait3A_94 = arith.constant 0 : i32
        %dma_wait3A_95 = tpu.memref_slice %arg10[%dma_wait3A_93, %dma_wait3A_94] : memref<10240x128xf32, #tpu.memory_space<vmem_shared>> -> memref<10240x128xf32, #tpu.memory_space<vmem_shared>>
        tpu.wait_indirect_dma semaphore(%run_scoped3A_83 : memref<!tpu.dma_semaphore, #tpu.memory_space<semaphore_mem>>) src(%arg9 : memref<128x128xf32, #tpu.memory_space<vmem>>) dst(%dma_wait3A_95 : memref<10240x128xf32, #tpu.memory_space<vmem_shared>>)
        tpu.yield
      }) : () -> ()
    }
    %scan3A_16 = arith.constant 19 : i32
    %dma_start3A_17 = arith.constant 39 : i32
    %dma_start3A_18 = arith.constant 0 : i32
    %dma_start3A_19 = tpu.memref_slice %arg6[%dma_start3A_17, %dma_start3A_18] : memref<40x128xi32, #tpu.memory_space<vmem>> -> memref<1x128xi32, #tpu.memory_space<vmem>>
    %dma_start3A_20 = tpu.memref_squeeze %dma_start3A_19 : memref<1x128xi32, #tpu.memory_space<vmem>> -> memref<128xi32, #tpu.memory_space<vmem>>
    %dma_start3A_21 = arith.constant 0 : i32
    %dma_start3A_22 = arith.constant 0 : i32
    %dma_start3A_23 = tpu.memref_slice %arg2[%dma_start3A_21, %dma_start3A_22] : memref<10240x128xf32, #tpu.memory_space<hbm>> -> memref<10240x128xf32, #tpu.memory_space<hbm>>
    tpu.enqueue_indirect_dma source(%dma_start3A_23 : memref<10240x128xf32, #tpu.memory_space<hbm>>) target(%arg9 : memref<128x128xf32, #tpu.memory_space<vmem>>) offsets(%dma_start3A_20 : memref<128xi32, #tpu.memory_space<vmem>>) semaphore(%arg12 : memref<!tpu.dma_semaphore, #tpu.memory_space<semaphore_mem>>)
    %dma_wait3A = arith.constant 0 : i32
    %dma_wait3A_24 = arith.constant 0 : i32
    %dma_wait3A_25 = tpu.memref_slice %arg6[%dma_wait3A, %dma_wait3A_24] : memref<40x128xi32, #tpu.memory_space<vmem>> -> memref<1x128xi32, #tpu.memory_space<vmem>>
    %dma_wait3A_26 = tpu.memref_squeeze %dma_wait3A_25 : memref<1x128xi32, #tpu.memory_space<vmem>> -> memref<128xi32, #tpu.memory_space<vmem>>
    %dma_wait3A_27 = arith.constant 0 : i32
    %dma_wait3A_28 = arith.constant 0 : i32
    %dma_wait3A_29 = tpu.memref_slice %arg2[%dma_wait3A_27, %dma_wait3A_28] : memref<10240x128xf32, #tpu.memory_space<hbm>> -> memref<10240x128xf32, #tpu.memory_space<hbm>>
    tpu.wait_indirect_dma semaphore(%arg11 : memref<!tpu.dma_semaphore, #tpu.memory_space<semaphore_mem>>) src(%dma_wait3A_29 : memref<10240x128xf32, #tpu.memory_space<hbm>>) dst(%arg8 : memref<128x128xf32, #tpu.memory_space<vmem>>)
    %run_scoped3A = arith.constant 38 : i32
    "tpu.region"() ({
      %run_scoped3A_46 = tpu.sem_alloc : memref<!tpu.dma_semaphore, #tpu.memory_space<semaphore_mem>>
      %dma_start3A_47 = arith.constant 0 : i32
      %dma_start3A_48 = tpu.memref_slice %arg7[%run_scoped3A, %dma_start3A_47] : memref<40x128xi32, #tpu.memory_space<vmem>> -> memref<1x128xi32, #tpu.memory_space<vmem>>
      %dma_start3A_49 = tpu.memref_squeeze %dma_start3A_48 : memref<1x128xi32, #tpu.memory_space<vmem>> -> memref<128xi32, #tpu.memory_space<vmem>>
      %dma_start3A_50 = arith.constant 0 : i32
      %dma_start3A_51 = arith.constant 0 : i32
      %dma_start3A_52 = tpu.memref_slice %arg10[%dma_start3A_50, %dma_start3A_51] : memref<10240x128xf32, #tpu.memory_space<vmem_shared>> -> memref<10240x128xf32, #tpu.memory_space<vmem_shared>>
      tpu.enqueue_indirect_dma source(%arg8 : memref<128x128xf32, #tpu.memory_space<vmem>>) target(%dma_start3A_52 : memref<10240x128xf32, #tpu.memory_space<vmem_shared>>) offsets(%dma_start3A_49 : memref<128xi32, #tpu.memory_space<vmem>>) semaphore(%run_scoped3A_46 : memref<!tpu.dma_semaphore, #tpu.memory_space<semaphore_mem>>) {add = true}
      %dma_wait3A_53 = arith.constant 0 : i32
      %dma_wait3A_54 = tpu.memref_slice %arg7[%run_scoped3A, %dma_wait3A_53] : memref<40x128xi32, #tpu.memory_space<vmem>> -> memref<1x128xi32, #tpu.memory_space<vmem>>
      %dma_wait3A_55 = tpu.memref_squeeze %dma_wait3A_54 : memref<1x128xi32, #tpu.memory_space<vmem>> -> memref<128xi32, #tpu.memory_space<vmem>>
      %dma_wait3A_56 = arith.constant 0 : i32
      %dma_wait3A_57 = arith.constant 0 : i32
      %dma_wait3A_58 = tpu.memref_slice %arg10[%dma_wait3A_56, %dma_wait3A_57] : memref<10240x128xf32, #tpu.memory_space<vmem_shared>> -> memref<10240x128xf32, #tpu.memory_space<vmem_shared>>
      tpu.wait_indirect_dma semaphore(%run_scoped3A_46 : memref<!tpu.dma_semaphore, #tpu.memory_space<semaphore_mem>>) src(%arg8 : memref<128x128xf32, #tpu.memory_space<vmem>>) dst(%dma_wait3A_58 : memref<10240x128xf32, #tpu.memory_space<vmem_shared>>)
      tpu.yield
    }) : () -> ()
    %dma_wait3A_30 = arith.constant 0 : i32
    %dma_wait3A_31 = arith.constant 0 : i32
    %dma_wait3A_32 = tpu.memref_slice %arg6[%dma_wait3A_30, %dma_wait3A_31] : memref<40x128xi32, #tpu.memory_space<vmem>> -> memref<1x128xi32, #tpu.memory_space<vmem>>
    %dma_wait3A_33 = tpu.memref_squeeze %dma_wait3A_32 : memref<1x128xi32, #tpu.memory_space<vmem>> -> memref<128xi32, #tpu.memory_space<vmem>>
    %dma_wait3A_34 = arith.constant 0 : i32
    %dma_wait3A_35 = arith.constant 0 : i32
    %dma_wait3A_36 = tpu.memref_slice %arg2[%dma_wait3A_34, %dma_wait3A_35] : memref<10240x128xf32, #tpu.memory_space<hbm>> -> memref<10240x128xf32, #tpu.memory_space<hbm>>
    tpu.wait_indirect_dma semaphore(%arg12 : memref<!tpu.dma_semaphore, #tpu.memory_space<semaphore_mem>>) src(%dma_wait3A_36 : memref<10240x128xf32, #tpu.memory_space<hbm>>) dst(%arg9 : memref<128x128xf32, #tpu.memory_space<vmem>>)
    %run_scoped3A_37 = arith.constant 39 : i32
    "tpu.region"() ({
      %run_scoped3A_46 = tpu.sem_alloc : memref<!tpu.dma_semaphore, #tpu.memory_space<semaphore_mem>>
      %dma_start3A_47 = arith.constant 0 : i32
      %dma_start3A_48 = tpu.memref_slice %arg7[%run_scoped3A_37, %dma_start3A_47] : memref<40x128xi32, #tpu.memory_space<vmem>> -> memref<1x128xi32, #tpu.memory_space<vmem>>
      %dma_start3A_49 = tpu.memref_squeeze %dma_start3A_48 : memref<1x128xi32, #tpu.memory_space<vmem>> -> memref<128xi32, #tpu.memory_space<vmem>>
      %dma_start3A_50 = arith.constant 0 : i32
      %dma_start3A_51 = arith.constant 0 : i32
      %dma_start3A_52 = tpu.memref_slice %arg10[%dma_start3A_50, %dma_start3A_51] : memref<10240x128xf32, #tpu.memory_space<vmem_shared>> -> memref<10240x128xf32, #tpu.memory_space<vmem_shared>>
      tpu.enqueue_indirect_dma source(%arg9 : memref<128x128xf32, #tpu.memory_space<vmem>>) target(%dma_start3A_52 : memref<10240x128xf32, #tpu.memory_space<vmem_shared>>) offsets(%dma_start3A_49 : memref<128xi32, #tpu.memory_space<vmem>>) semaphore(%run_scoped3A_46 : memref<!tpu.dma_semaphore, #tpu.memory_space<semaphore_mem>>) {add = true}
      %dma_wait3A_53 = arith.constant 0 : i32
      %dma_wait3A_54 = tpu.memref_slice %arg7[%run_scoped3A_37, %dma_wait3A_53] : memref<40x128xi32, #tpu.memory_space<vmem>> -> memref<1x128xi32, #tpu.memory_space<vmem>>
      %dma_wait3A_55 = tpu.memref_squeeze %dma_wait3A_54 : memref<1x128xi32, #tpu.memory_space<vmem>> -> memref<128xi32, #tpu.memory_space<vmem>>
      %dma_wait3A_56 = arith.constant 0 : i32
      %dma_wait3A_57 = arith.constant 0 : i32
      %dma_wait3A_58 = tpu.memref_slice %arg10[%dma_wait3A_56, %dma_wait3A_57] : memref<10240x128xf32, #tpu.memory_space<vmem_shared>> -> memref<10240x128xf32, #tpu.memory_space<vmem_shared>>
      tpu.wait_indirect_dma semaphore(%run_scoped3A_46 : memref<!tpu.dma_semaphore, #tpu.memory_space<semaphore_mem>>) src(%arg9 : memref<128x128xf32, #tpu.memory_space<vmem>>) dst(%dma_wait3A_58 : memref<10240x128xf32, #tpu.memory_space<vmem_shared>>)
      tpu.yield
    }) : () -> ()
    %barrier3A_38 = arith.constant 0 : index
    tpu.barrier barrier_id(%barrier3A_38)
    %mul3A_39 = arith.constant 640 : i32
    %mul3A_40 = arith.muli %arg1, %mul3A_39 : i32
    %mul3A_41 = arith.constant 10240 : i32
    %mul3A_42 = arith.muli %arg0, %mul3A_41 : i32
    %mul3A_43 = arith.constant 640 : i32
    %mul3A_44 = arith.muli %arg1, %mul3A_43 : i32
    %add3A_45 = arith.addi %mul3A_42, %mul3A_44 : i32
    "tpu.region"() ({
      %run_scoped3A_46 = tpu.sem_alloc : memref<!tpu.dma_semaphore, #tpu.memory_space<semaphore_mem>>
      %dma_start3A_47 = arith.constant 0 : i32
      %dma_start3A_48 = tpu.memref_slice %arg5[%add3A_45, %dma_start3A_47] : memref<20480x128xf32, #tpu.memory_space<hbm>> -> memref<640x128xf32, #tpu.memory_space<hbm>>
      %dma_start3A_49 = arith.constant 0 : i32
      %dma_start3A_50 = tpu.memref_slice %arg10[%mul3A_40, %dma_start3A_49] : memref<10240x128xf32, #tpu.memory_space<vmem_shared>> -> memref<640x128xf32, #tpu.memory_space<vmem_shared>>
      tpu.enqueue_dma source(%dma_start3A_50 : memref<640x128xf32, #tpu.memory_space<vmem_shared>>) target(%dma_start3A_48 : memref<640x128xf32, #tpu.memory_space<hbm>>) target_semaphore(%run_scoped3A_46 : memref<!tpu.dma_semaphore, #tpu.memory_space<semaphore_mem>>)
      %dma_wait3A_51 = arith.constant 0 : i32
      %dma_wait3A_52 = tpu.memref_slice %arg5[%add3A_45, %dma_wait3A_51] : memref<20480x128xf32, #tpu.memory_space<hbm>> -> memref<640x128xf32, #tpu.memory_space<hbm>>
      %dma_wait3A_53 = arith.constant 0 : i32
      %dma_wait3A_54 = tpu.memref_slice %arg10[%mul3A_40, %dma_wait3A_53] : memref<10240x128xf32, #tpu.memory_space<vmem_shared>> -> memref<640x128xf32, #tpu.memory_space<vmem_shared>>
      tpu.wait_dma2 semaphore(%run_scoped3A_46 : memref<!tpu.dma_semaphore, #tpu.memory_space<semaphore_mem>>) src(%dma_wait3A_54 : memref<640x128xf32, #tpu.memory_space<vmem_shared>>) dst(%dma_wait3A_52 : memref<640x128xf32, #tpu.memory_space<hbm>>)
      tpu.yield
    }) : () -> ()
    return
  }
}

module attributes {stable_mosaic.version = 14 : i64} {
  func.func @body(%arg0: i32, %arg1: memref<2x512x128xf32, #tpu.memory_space<vmem>>, %arg2: memref<512x256xf32, #tpu.memory_space<vmem>>, %arg3: memref<512x1xf32, #tpu.memory_space<vmem>>, %arg4: memref<2x512x128xf32, #tpu.memory_space<vmem>>) attributes {dimension_semantics = [#tpu.dimension_semantics<arbitrary>], iteration_bounds = array<i64: 20>, scalar_prefetch = 0 : i64, scratch_operands = 0 : i64, tpu.core_type = #tpu.core_type<tc>, window_params = [{transform_indices = @transform_0, window_bounds = array<i64: 2, 512, 128>}, {transform_indices = @transform_1, window_bounds = array<i64: 512, 256>}, {transform_indices = @transform_2, window_bounds = array<i64: 512, 1>}, {transform_indices = @transform_3, window_bounds = array<i64: 2, 512, 128>}]} {
    %get3A = arith.constant 0 : index
    %get3A_0 = arith.constant 0 : index
    %get3A_1 = arith.constant 0 : index
    %get3A_2 = vector.load %arg1[%get3A, %get3A_0, %get3A_1] : memref<2x512x128xf32, #tpu.memory_space<vmem>>, vector<1x512x1xf32>
    %get3A_3 = vector.shape_cast %get3A_2 : vector<1x512x1xf32> to vector<512x1xf32>
    %get3A_4 = arith.constant 1 : index
    %get3A_5 = arith.constant 0 : index
    %get3A_6 = arith.constant 0 : index
    %get3A_7 = vector.load %arg1[%get3A_4, %get3A_5, %get3A_6] : memref<2x512x128xf32, #tpu.memory_space<vmem>>, vector<1x512x1xf32>
    %get3A_8 = vector.shape_cast %get3A_7 : vector<1x512x1xf32> to vector<512x1xf32>
    %add3A = arith.addf %get3A_3, %get3A_8 : vector<512x1xf32>
    %add3A_9 = arith.constant 1.000000e+00 : f32
    %add3A_10 = vector.broadcast %add3A_9 : f32 to vector<512x1xf32>
    %add3A_11 = arith.addf %add3A, %add3A_10 : vector<512x1xf32>
    %gt3A = arith.constant 0.000000e+00 : f32
    %gt3A_12 = vector.broadcast %gt3A : f32 to vector<512x1xf32>
    %gt3A_13 = arith.cmpf ogt, %add3A_11, %gt3A_12 : vector<512x1xf32>
    %rsqrt3A = math.rsqrt %add3A_11 : vector<512x1xf32>
    %jit3A = arith.constant 0.000000e+00 : f32
    %broadcast_in_dim3A = vector.broadcast %jit3A : f32 to vector<512x1xf32>
    %select_n3A = arith.select %gt3A_13, %rsqrt3A, %broadcast_in_dim3A : vector<512x1xi1>, vector<512x1xf32>
    %swap3A = arith.constant 0 : index
    %swap3A_14 = arith.constant 0 : index
    %swap3A_15 = vector.load %arg3[%swap3A, %swap3A_14] : memref<512x1xf32, #tpu.memory_space<vmem>>, vector<512x1xf32>
    tpu.vector_store %arg3[%swap3A, %swap3A_14], %select_n3A {strides = array<i32>} : memref<512x1xf32, #tpu.memory_space<vmem>>, vector<512x1xf32>,
    %get3A_16 = arith.constant 0 : index
    %get3A_17 = arith.constant 0 : index
    %get3A_18 = vector.load %arg2[%get3A_16, %get3A_17] : memref<512x256xf32, #tpu.memory_space<vmem>>, vector<512x256xf32>
    %mul3A = vector.broadcast %select_n3A : vector<512x1xf32> to vector<512x256xf32>
    %mul3A_19 = arith.mulf %get3A_18, %mul3A : vector<512x256xf32>
    %slice3A = vector.extract_strided_slice %mul3A_19 {offsets = [0, 0], sizes = [512, 128], strides = [1, 1]} : vector<512x256xf32> to vector<512x128xf32>
    %swap3A_20 = arith.constant 0 : index
    %swap3A_21 = arith.constant 0 : index
    %swap3A_22 = arith.constant 0 : index
    %swap3A_23 = vector.load %arg4[%swap3A_20, %swap3A_21, %swap3A_22] : memref<2x512x128xf32, #tpu.memory_space<vmem>>, vector<1x512x128xf32>
    %swap3A_24 = vector.shape_cast %swap3A_23 : vector<1x512x128xf32> to vector<512x128xf32>
    %swap3A_25 = vector.shape_cast %slice3A : vector<512x128xf32> to vector<1x512x128xf32>
    tpu.vector_store %arg4[%swap3A_20, %swap3A_21, %swap3A_22], %swap3A_25 {strides = array<i32>} : memref<2x512x128xf32, #tpu.memory_space<vmem>>, vector<1x512x128xf32>,
    %slice3A_26 = vector.extract_strided_slice %mul3A_19 {offsets = [0, 128], sizes = [512, 128], strides = [1, 1]} : vector<512x256xf32> to vector<512x128xf32>
    %swap3A_27 = arith.constant 1 : index
    %swap3A_28 = arith.constant 0 : index
    %swap3A_29 = arith.constant 0 : index
    %swap3A_30 = vector.load %arg4[%swap3A_27, %swap3A_28, %swap3A_29] : memref<2x512x128xf32, #tpu.memory_space<vmem>>, vector<1x512x128xf32>
    %swap3A_31 = vector.shape_cast %swap3A_30 : vector<1x512x128xf32> to vector<512x128xf32>
    %swap3A_32 = vector.shape_cast %slice3A_26 : vector<512x128xf32> to vector<1x512x128xf32>
    tpu.vector_store %arg4[%swap3A_27, %swap3A_28, %swap3A_29], %swap3A_32 {strides = array<i32>} : memref<2x512x128xf32, #tpu.memory_space<vmem>>, vector<1x512x128xf32>,
    return
  }
  func.func @transform_0(%arg0: i32) -> (i32, i32, i32) {
    %c0_i32 = arith.constant 0 : i32
    %c0_i32_0 = arith.constant 0 : i32
    %c0_i32_1 = arith.constant 0 : i32
    return %c0_i32, %arg0, %c0_i32_0 : i32, i32, i32
  }
  func.func @transform_1(%arg0: i32) -> (i32, i32) {
    %c0_i32 = arith.constant 0 : i32
    %c0_i32_0 = arith.constant 0 : i32
    return %arg0, %c0_i32 : i32, i32
  }
  func.func @transform_2(%arg0: i32) -> (i32, i32) {
    %c0_i32 = arith.constant 0 : i32
    %c0_i32_0 = arith.constant 0 : i32
    return %arg0, %c0_i32 : i32, i32
  }
  func.func @transform_3(%arg0: i32) -> (i32, i32, i32) {
    %c0_i32 = arith.constant 0 : i32
    %c0_i32_0 = arith.constant 0 : i32
    %c0_i32_1 = arith.constant 0 : i32
    return %c0_i32, %arg0, %c0_i32_0 : i32, i32, i32
  }
}

module attributes {stable_mosaic.version = 14 : i64} {
  func.func @body(%arg0: i32, %arg1: memref<2x512x128xf32, #tpu.memory_space<vmem>>, %arg2: memref<512x1xf32, #tpu.memory_space<vmem>>, %arg3: memref<256x512xf32, #tpu.memory_space<vmem>>, %arg4: memref<1x512xf32, #tpu.memory_space<vmem>>, %arg5: memref<512x512xf32, #tpu.memory_space<vmem>>, %arg6: memref<4x512x128xf32, #tpu.memory_space<vmem>>) attributes {dimension_semantics = [#tpu.dimension_semantics<arbitrary>], iteration_bounds = array<i64: 20>, scalar_prefetch = 0 : i64, scratch_operands = 0 : i64, tpu.core_type = #tpu.core_type<tc>, window_params = [{transform_indices = @transform_0, window_bounds = array<i64: 2, 512, 128>}, {transform_indices = @transform_1, window_bounds = array<i64: 512, 1>}, {pipeline_mode = #tpu.pipeline_mode<synchronous>, transform_indices = @transform_2, window_bounds = array<i64: 256, 512>}, {pipeline_mode = #tpu.pipeline_mode<synchronous>, transform_indices = @transform_3, window_bounds = array<i64: 1, 512>}, {pipeline_mode = #tpu.pipeline_mode<synchronous>, transform_indices = @transform_4, window_bounds = array<i64: 512, 512>}, {transform_indices = @transform_5, window_bounds = array<i64: 4, 512, 128>}]} {
    %get3A = arith.constant 0 : index
    %get3A_0 = arith.constant 0 : index
    %get3A_1 = vector.load %arg2[%get3A, %get3A_0] : memref<512x1xf32, #tpu.memory_space<vmem>>, vector<512x1xf32>
    %get3A_2 = arith.constant 0 : index
    %get3A_3 = arith.constant 0 : index
    %get3A_4 = arith.constant 0 : index
    %get3A_5 = vector.load %arg1[%get3A_2, %get3A_3, %get3A_4] : memref<2x512x128xf32, #tpu.memory_space<vmem>>, vector<1x512x128xf32>
    %get3A_6 = vector.shape_cast %get3A_5 : vector<1x512x128xf32> to vector<512x128xf32>
    %get3A_7 = arith.constant 1 : index
    %get3A_8 = arith.constant 0 : index
    %get3A_9 = arith.constant 0 : index
    %get3A_10 = vector.load %arg1[%get3A_7, %get3A_8, %get3A_9] : memref<2x512x128xf32, #tpu.memory_space<vmem>>, vector<1x512x128xf32>
    %get3A_11 = vector.shape_cast %get3A_10 : vector<1x512x128xf32> to vector<512x128xf32>
    %concatenate3A = tpu.concatenate %get3A_6, %get3A_11 in 1 : vector<512x128xf32>, vector<512x128xf32> -> vector<512x256xf32>
    %mul3A = vector.broadcast %get3A_1 : vector<512x1xf32> to vector<512x256xf32>
    %mul3A_12 = arith.mulf %concatenate3A, %mul3A : vector<512x256xf32>
    %get3A_13 = arith.constant 0 : index
    %get3A_14 = arith.constant 0 : index
    %get3A_15 = vector.load %arg3[%get3A_13, %get3A_14] : memref<256x512xf32, #tpu.memory_space<vmem>>, vector<256x512xf32>
    %dot_general3A = arith.constant dense<0.000000e+00> : vector<512x512xf32>
    %dot_general3A_16 = tpu.matmul %mul3A_12, %get3A_15, %dot_general3A {dimension_numbers = #tpu.dot_dimension_numbers<[1], [0], [0], [1], [0, 0, 1, 1], [], []>, transpose_lhs_hint = false} : vector<512x256xf32>, vector<256x512xf32>, vector<512x512xf32> -> vector<512x512xf32>
    %get3A_17 = arith.constant 0 : index
    %get3A_18 = arith.constant 0 : index
    %get3A_19 = vector.load %arg4[%get3A_17, %get3A_18] : memref<1x512xf32, #tpu.memory_space<vmem>>, vector<1x512xf32>
    %add3A = vector.broadcast %get3A_19 : vector<1x512xf32> to vector<512x512xf32>
    %add3A_20 = arith.addf %dot_general3A_16, %add3A : vector<512x512xf32>
    %max3A = arith.constant 0.000000e+00 : f32
    %max3A_21 = vector.broadcast %max3A : f32 to vector<512x512xf32>
    %max3A_22 = arith.maximumf %add3A_20, %max3A_21 : vector<512x512xf32>
    %get3A_23 = arith.constant 0 : index
    %get3A_24 = arith.constant 0 : index
    %get3A_25 = vector.load %arg5[%get3A_23, %get3A_24] : memref<512x512xf32, #tpu.memory_space<vmem>>, vector<512x512xf32>
    %dot_general3A_26 = arith.constant dense<0.000000e+00> : vector<512x512xf32>
    %dot_general3A_27 = tpu.matmul %max3A_22, %get3A_25, %dot_general3A_26 {dimension_numbers = #tpu.dot_dimension_numbers<[1], [0], [0], [1], [0, 0, 1, 1], [], []>, transpose_lhs_hint = false} : vector<512x512xf32>, vector<512x512xf32>, vector<512x512xf32> -> vector<512x512xf32>
    %mul3A_28 = vector.broadcast %get3A_1 : vector<512x1xf32> to vector<512x512xf32>
    %mul3A_29 = arith.mulf %dot_general3A_27, %mul3A_28 : vector<512x512xf32>
    %slice3A = vector.extract_strided_slice %mul3A_29 {offsets = [0, 0], sizes = [512, 128], strides = [1, 1]} : vector<512x512xf32> to vector<512x128xf32>
    %swap3A = arith.constant 0 : index
    %swap3A_30 = arith.constant 0 : index
    %swap3A_31 = arith.constant 0 : index
    %swap3A_32 = vector.load %arg6[%swap3A, %swap3A_30, %swap3A_31] : memref<4x512x128xf32, #tpu.memory_space<vmem>>, vector<1x512x128xf32>
    %swap3A_33 = vector.shape_cast %swap3A_32 : vector<1x512x128xf32> to vector<512x128xf32>
    %swap3A_34 = vector.shape_cast %slice3A : vector<512x128xf32> to vector<1x512x128xf32>
    tpu.vector_store %arg6[%swap3A, %swap3A_30, %swap3A_31], %swap3A_34 {strides = array<i32>} : memref<4x512x128xf32, #tpu.memory_space<vmem>>, vector<1x512x128xf32>,
    %slice3A_35 = vector.extract_strided_slice %mul3A_29 {offsets = [0, 128], sizes = [512, 128], strides = [1, 1]} : vector<512x512xf32> to vector<512x128xf32>
    %swap3A_36 = arith.constant 1 : index
    %swap3A_37 = arith.constant 0 : index
    %swap3A_38 = arith.constant 0 : index
    %swap3A_39 = vector.load %arg6[%swap3A_36, %swap3A_37, %swap3A_38] : memref<4x512x128xf32, #tpu.memory_space<vmem>>, vector<1x512x128xf32>
    %swap3A_40 = vector.shape_cast %swap3A_39 : vector<1x512x128xf32> to vector<512x128xf32>
    %swap3A_41 = vector.shape_cast %slice3A_35 : vector<512x128xf32> to vector<1x512x128xf32>
    tpu.vector_store %arg6[%swap3A_36, %swap3A_37, %swap3A_38], %swap3A_41 {strides = array<i32>} : memref<4x512x128xf32, #tpu.memory_space<vmem>>, vector<1x512x128xf32>,
    %slice3A_42 = vector.extract_strided_slice %mul3A_29 {offsets = [0, 256], sizes = [512, 128], strides = [1, 1]} : vector<512x512xf32> to vector<512x128xf32>
    %swap3A_43 = arith.constant 2 : index
    %swap3A_44 = arith.constant 0 : index
    %swap3A_45 = arith.constant 0 : index
    %swap3A_46 = vector.load %arg6[%swap3A_43, %swap3A_44, %swap3A_45] : memref<4x512x128xf32, #tpu.memory_space<vmem>>, vector<1x512x128xf32>
    %swap3A_47 = vector.shape_cast %swap3A_46 : vector<1x512x128xf32> to vector<512x128xf32>
    %swap3A_48 = vector.shape_cast %slice3A_42 : vector<512x128xf32> to vector<1x512x128xf32>
    tpu.vector_store %arg6[%swap3A_43, %swap3A_44, %swap3A_45], %swap3A_48 {strides = array<i32>} : memref<4x512x128xf32, #tpu.memory_space<vmem>>, vector<1x512x128xf32>,
    %slice3A_49 = vector.extract_strided_slice %mul3A_29 {offsets = [0, 384], sizes = [512, 128], strides = [1, 1]} : vector<512x512xf32> to vector<512x128xf32>
    %swap3A_50 = arith.constant 3 : index
    %swap3A_51 = arith.constant 0 : index
    %swap3A_52 = arith.constant 0 : index
    %swap3A_53 = vector.load %arg6[%swap3A_50, %swap3A_51, %swap3A_52] : memref<4x512x128xf32, #tpu.memory_space<vmem>>, vector<1x512x128xf32>
    %swap3A_54 = vector.shape_cast %swap3A_53 : vector<1x512x128xf32> to vector<512x128xf32>
    %swap3A_55 = vector.shape_cast %slice3A_49 : vector<512x128xf32> to vector<1x512x128xf32>
    tpu.vector_store %arg6[%swap3A_50, %swap3A_51, %swap3A_52], %swap3A_55 {strides = array<i32>} : memref<4x512x128xf32, #tpu.memory_space<vmem>>, vector<1x512x128xf32>,
    return
  }
  func.func @transform_0(%arg0: i32) -> (i32, i32, i32) {
    %c0_i32 = arith.constant 0 : i32
    %c0_i32_0 = arith.constant 0 : i32
    %c0_i32_1 = arith.constant 0 : i32
    return %c0_i32, %arg0, %c0_i32_0 : i32, i32, i32
  }
  func.func @transform_1(%arg0: i32) -> (i32, i32) {
    %c0_i32 = arith.constant 0 : i32
    %c0_i32_0 = arith.constant 0 : i32
    return %arg0, %c0_i32 : i32, i32
  }
  func.func @transform_2(%arg0: i32) -> (i32, i32) {
    %c0_i32 = arith.constant 0 : i32
    %c0_i32_0 = arith.constant 0 : i32
    %c0_i32_1 = arith.constant 0 : i32
    return %c0_i32, %c0_i32_0 : i32, i32
  }
  func.func @transform_3(%arg0: i32) -> (i32, i32) {
    %c0_i32 = arith.constant 0 : i32
    %c0_i32_0 = arith.constant 0 : i32
    %c0_i32_1 = arith.constant 0 : i32
    return %c0_i32, %c0_i32_0 : i32, i32
  }
  func.func @transform_4(%arg0: i32) -> (i32, i32) {
    %c0_i32 = arith.constant 0 : i32
    %c0_i32_0 = arith.constant 0 : i32
    %c0_i32_1 = arith.constant 0 : i32
    return %c0_i32, %c0_i32_0 : i32, i32
  }
  func.func @transform_5(%arg0: i32) -> (i32, i32, i32) {
    %c0_i32 = arith.constant 0 : i32
    %c0_i32_0 = arith.constant 0 : i32
    %c0_i32_1 = arith.constant 0 : i32
    return %c0_i32, %arg0, %c0_i32_0 : i32, i32, i32
  }
}

module attributes {stable_mosaic.version = 14 : i64} {
  func.func @body(%arg0: i32, %arg1: memref<4x512x128xf32, #tpu.memory_space<vmem>>, %arg2: memref<512x1xf32, #tpu.memory_space<vmem>>, %arg3: memref<1x512xf32, #tpu.memory_space<vmem>>, %arg4: memref<512x64xf32, #tpu.memory_space<vmem>>, %arg5: memref<512x128xf32, #tpu.memory_space<vmem>>) attributes {dimension_semantics = [#tpu.dimension_semantics<arbitrary>], iteration_bounds = array<i64: 20>, scalar_prefetch = 0 : i64, scratch_operands = 0 : i64, tpu.core_type = #tpu.core_type<tc>, window_params = [{transform_indices = @transform_0, window_bounds = array<i64: 4, 512, 128>}, {transform_indices = @transform_1, window_bounds = array<i64: 512, 1>}, {pipeline_mode = #tpu.pipeline_mode<synchronous>, transform_indices = @transform_2, window_bounds = array<i64: 1, 512>}, {pipeline_mode = #tpu.pipeline_mode<synchronous>, transform_indices = @transform_3, window_bounds = array<i64: 512, 64>}, {transform_indices = @transform_4, window_bounds = array<i64: 512, 128>}]} {
    %get3A = arith.constant 0 : index
    %get3A_0 = arith.constant 0 : index
    %get3A_1 = vector.load %arg2[%get3A, %get3A_0] : memref<512x1xf32, #tpu.memory_space<vmem>>, vector<512x1xf32>
    %get3A_2 = arith.constant 0 : index
    %get3A_3 = arith.constant 0 : index
    %get3A_4 = arith.constant 0 : index
    %get3A_5 = vector.load %arg1[%get3A_2, %get3A_3, %get3A_4] : memref<4x512x128xf32, #tpu.memory_space<vmem>>, vector<1x512x128xf32>
    %get3A_6 = vector.shape_cast %get3A_5 : vector<1x512x128xf32> to vector<512x128xf32>
    %get3A_7 = arith.constant 1 : index
    %get3A_8 = arith.constant 0 : index
    %get3A_9 = arith.constant 0 : index
    %get3A_10 = vector.load %arg1[%get3A_7, %get3A_8, %get3A_9] : memref<4x512x128xf32, #tpu.memory_space<vmem>>, vector<1x512x128xf32>
    %get3A_11 = vector.shape_cast %get3A_10 : vector<1x512x128xf32> to vector<512x128xf32>
    %get3A_12 = arith.constant 2 : index
    %get3A_13 = arith.constant 0 : index
    %get3A_14 = arith.constant 0 : index
    %get3A_15 = vector.load %arg1[%get3A_12, %get3A_13, %get3A_14] : memref<4x512x128xf32, #tpu.memory_space<vmem>>, vector<1x512x128xf32>
    %get3A_16 = vector.shape_cast %get3A_15 : vector<1x512x128xf32> to vector<512x128xf32>
    %get3A_17 = arith.constant 3 : index
    %get3A_18 = arith.constant 0 : index
    %get3A_19 = arith.constant 0 : index
    %get3A_20 = vector.load %arg1[%get3A_17, %get3A_18, %get3A_19] : memref<4x512x128xf32, #tpu.memory_space<vmem>>, vector<1x512x128xf32>
    %get3A_21 = vector.shape_cast %get3A_20 : vector<1x512x128xf32> to vector<512x128xf32>
    %concatenate3A = tpu.concatenate %get3A_6, %get3A_11, %get3A_16, %get3A_21 in 1 : vector<512x128xf32>, vector<512x128xf32>, vector<512x128xf32>, vector<512x128xf32> -> vector<512x512xf32>
    %mul3A = vector.broadcast %get3A_1 : vector<512x1xf32> to vector<512x512xf32>
    %mul3A_22 = arith.mulf %concatenate3A, %mul3A : vector<512x512xf32>
    %get3A_23 = arith.constant 0 : index
    %get3A_24 = arith.constant 0 : index
    %get3A_25 = vector.load %arg3[%get3A_23, %get3A_24] : memref<1x512xf32, #tpu.memory_space<vmem>>, vector<1x512xf32>
    %add3A = vector.broadcast %get3A_25 : vector<1x512xf32> to vector<512x512xf32>
    %add3A_26 = arith.addf %mul3A_22, %add3A : vector<512x512xf32>
    %max3A = arith.constant 0.000000e+00 : f32
    %max3A_27 = vector.broadcast %max3A : f32 to vector<512x512xf32>
    %max3A_28 = arith.maximumf %add3A_26, %max3A_27 : vector<512x512xf32>
    %get3A_29 = arith.constant 0 : index
    %get3A_30 = arith.constant 0 : index
    %get3A_31 = vector.load %arg4[%get3A_29, %get3A_30] : memref<512x64xf32, #tpu.memory_space<vmem>>, vector<512x64xf32>
    %dot_general3A = arith.constant dense<0.000000e+00> : vector<512x64xf32>
    %dot_general3A_32 = tpu.matmul %max3A_28, %get3A_31, %dot_general3A {dimension_numbers = #tpu.dot_dimension_numbers<[1], [0], [0], [1], [0, 0, 1, 1], [], []>, transpose_lhs_hint = false} : vector<512x512xf32>, vector<512x64xf32>, vector<512x64xf32> -> vector<512x64xf32>
    %mul3A_33 = vector.broadcast %get3A_1 : vector<512x1xf32> to vector<512x64xf32>
    %mul3A_34 = arith.mulf %dot_general3A_32, %mul3A_33 : vector<512x64xf32>
    %broadcast_in_dim3A = arith.constant 0.000000e+00 : f32
    %broadcast_in_dim3A_35 = vector.broadcast %broadcast_in_dim3A : f32 to vector<512x64xf32>
    %concatenate3A_36 = tpu.concatenate %mul3A_34, %broadcast_in_dim3A_35 in 1 : vector<512x64xf32>, vector<512x64xf32> -> vector<512x128xf32>
    %swap3A = arith.constant 0 : index
    %swap3A_37 = arith.constant 0 : index
    %swap3A_38 = vector.load %arg5[%swap3A, %swap3A_37] : memref<512x128xf32, #tpu.memory_space<vmem>>, vector<512x128xf32>
    tpu.vector_store %arg5[%swap3A, %swap3A_37], %concatenate3A_36 {strides = array<i32>} : memref<512x128xf32, #tpu.memory_space<vmem>>, vector<512x128xf32>,
    return
  }
  func.func @transform_0(%arg0: i32) -> (i32, i32, i32) {
    %c0_i32 = arith.constant 0 : i32
    %c0_i32_0 = arith.constant 0 : i32
    %c0_i32_1 = arith.constant 0 : i32
    return %c0_i32, %arg0, %c0_i32_0 : i32, i32, i32
  }
  func.func @transform_1(%arg0: i32) -> (i32, i32) {
    %c0_i32 = arith.constant 0 : i32
    %c0_i32_0 = arith.constant 0 : i32
    return %arg0, %c0_i32 : i32, i32
  }
  func.func @transform_2(%arg0: i32) -> (i32, i32) {
    %c0_i32 = arith.constant 0 : i32
    %c0_i32_0 = arith.constant 0 : i32
    %c0_i32_1 = arith.constant 0 : i32
    return %c0_i32, %c0_i32_0 : i32, i32
  }
  func.func @transform_3(%arg0: i32) -> (i32, i32) {
    %c0_i32 = arith.constant 0 : i32
    %c0_i32_0 = arith.constant 0 : i32
    %c0_i32_1 = arith.constant 0 : i32
    return %c0_i32, %c0_i32_0 : i32, i32
  }
  func.func @transform_4(%arg0: i32) -> (i32, i32) {
    %c0_i32 = arith.constant 0 : i32
    %c0_i32_0 = arith.constant 0 : i32
    return %arg0, %c0_i32 : i32, i32
  }
}

module attributes {stable_mosaic.version = 14 : i64} {
  func.func @body(%arg0: i32, %arg1: memref<2x512x128xf32, #tpu.memory_space<vmem>>, %arg2: memref<512x128xf32, #tpu.memory_space<vmem>>, %arg3: memref<512x1xf32, #tpu.memory_space<vmem>>, %arg4: memref<1x64xf32, #tpu.memory_space<vmem>>, %arg5: memref<512x64xf32, #tpu.memory_space<vmem>>) attributes {dimension_semantics = [#tpu.dimension_semantics<arbitrary>], iteration_bounds = array<i64: 20>, scalar_prefetch = 0 : i64, scratch_operands = 0 : i64, tpu.core_type = #tpu.core_type<tc>, window_params = [{transform_indices = @transform_0, window_bounds = array<i64: 2, 512, 128>}, {transform_indices = @transform_1, window_bounds = array<i64: 512, 128>}, {transform_indices = @transform_2, window_bounds = array<i64: 512, 1>}, {pipeline_mode = #tpu.pipeline_mode<synchronous>, transform_indices = @transform_3, window_bounds = array<i64: 1, 64>}, {transform_indices = @transform_4, window_bounds = array<i64: 512, 64>}]} {
    %get3A = arith.constant 0 : index
    %get3A_0 = arith.constant 0 : index
    %get3A_1 = arith.constant 0 : index
    %get3A_2 = vector.load %arg1[%get3A, %get3A_0, %get3A_1] : memref<2x512x128xf32, #tpu.memory_space<vmem>>, vector<1x512x128xf32>
    %get3A_3 = vector.shape_cast %get3A_2 : vector<1x512x128xf32> to vector<512x128xf32>
    %get3A_4 = arith.constant 1 : index
    %get3A_5 = arith.constant 0 : index
    %get3A_6 = arith.constant 0 : index
    %get3A_7 = vector.load %arg1[%get3A_4, %get3A_5, %get3A_6] : memref<2x512x128xf32, #tpu.memory_space<vmem>>, vector<1x512x128xf32>
    %get3A_8 = vector.shape_cast %get3A_7 : vector<1x512x128xf32> to vector<512x128xf32>
    %add3A = arith.addf %get3A_3, %get3A_8 : vector<512x128xf32>
    %get3A_9 = arith.constant 0 : index
    %get3A_10 = arith.constant 0 : index
    %get3A_11 = vector.load %arg2[%get3A_9, %get3A_10] : memref<512x128xf32, #tpu.memory_space<vmem>>, vector<512x128xf32>
    %sub3A = arith.subf %add3A, %get3A_11 : vector<512x128xf32>
    %slice3A = vector.extract_strided_slice %sub3A {offsets = [0, 0], sizes = [512, 64], strides = [1, 1]} : vector<512x128xf32> to vector<512x64xf32>
    %get3A_12 = arith.constant 0 : index
    %get3A_13 = arith.constant 0 : index
    %get3A_14 = vector.load %arg3[%get3A_12, %get3A_13] : memref<512x1xf32, #tpu.memory_space<vmem>>, vector<512x1xf32>
    %mul3A = vector.broadcast %get3A_14 : vector<512x1xf32> to vector<512x64xf32>
    %mul3A_15 = arith.mulf %mul3A, %slice3A : vector<512x64xf32>
    %get3A_16 = arith.constant 0 : index
    %get3A_17 = arith.constant 0 : index
    %get3A_18 = vector.load %arg4[%get3A_16, %get3A_17] : memref<1x64xf32, #tpu.memory_space<vmem>>, vector<1x64xf32>
    %add3A_19 = vector.broadcast %get3A_18 : vector<1x64xf32> to vector<512x64xf32>
    %add3A_20 = arith.addf %mul3A_15, %add3A_19 : vector<512x64xf32>
    %reduce_max3A = arith.constant dense<0xFF800000> : vector<512xf32>
    %reduce_max3A_21 = vector.multi_reduction <maximumf>, %add3A_20, %reduce_max3A [1] : vector<512x64xf32> to vector<512xf32>
    %broadcast_in_dim3A = vector.shape_cast %reduce_max3A_21 : vector<512xf32> to vector<512x1xf32>
    %sub3A_22 = vector.broadcast %broadcast_in_dim3A : vector<512x1xf32> to vector<512x64xf32>
    %sub3A_23 = arith.subf %add3A_20, %sub3A_22 : vector<512x64xf32>
    %exp3A = math.exp %sub3A_23 : vector<512x64xf32>
    %reduce_sum3A = arith.constant dense<0.000000e+00> : vector<512xf32>
    %reduce_sum3A_24 = vector.multi_reduction <add>, %exp3A, %reduce_sum3A [1] : vector<512x64xf32> to vector<512xf32>
    %broadcast_in_dim3A_25 = vector.shape_cast %reduce_sum3A_24 : vector<512xf32> to vector<512x1xf32>
    %log3A = math.log %broadcast_in_dim3A_25 : vector<512x1xf32>
    %sub3A_26 = vector.broadcast %broadcast_in_dim3A : vector<512x1xf32> to vector<512x64xf32>
    %sub3A_27 = arith.subf %add3A_20, %sub3A_26 : vector<512x64xf32>
    %sub3A_28 = vector.broadcast %log3A : vector<512x1xf32> to vector<512x64xf32>
    %sub3A_29 = arith.subf %sub3A_27, %sub3A_28 : vector<512x64xf32>
    %swap3A = arith.constant 0 : index
    %swap3A_30 = arith.constant 0 : index
    %swap3A_31 = vector.load %arg5[%swap3A, %swap3A_30] : memref<512x64xf32, #tpu.memory_space<vmem>>, vector<512x64xf32>
    tpu.vector_store %arg5[%swap3A, %swap3A_30], %sub3A_29 {strides = array<i32>} : memref<512x64xf32, #tpu.memory_space<vmem>>, vector<512x64xf32>,
    return
  }
  func.func @transform_0(%arg0: i32) -> (i32, i32, i32) {
    %c0_i32 = arith.constant 0 : i32
    %c0_i32_0 = arith.constant 0 : i32
    %c0_i32_1 = arith.constant 0 : i32
    return %c0_i32, %arg0, %c0_i32_0 : i32, i32, i32
  }
  func.func @transform_1(%arg0: i32) -> (i32, i32) {
    %c0_i32 = arith.constant 0 : i32
    %c0_i32_0 = arith.constant 0 : i32
    return %arg0, %c0_i32 : i32, i32
  }
  func.func @transform_2(%arg0: i32) -> (i32, i32) {
    %c0_i32 = arith.constant 0 : i32
    %c0_i32_0 = arith.constant 0 : i32
    return %arg0, %c0_i32 : i32, i32
  }
  func.func @transform_3(%arg0: i32) -> (i32, i32) {
    %c0_i32 = arith.constant 0 : i32
    %c0_i32_0 = arith.constant 0 : i32
    %c0_i32_1 = arith.constant 0 : i32
    return %c0_i32, %c0_i32_0 : i32, i32
  }
  func.func @transform_4(%arg0: i32) -> (i32, i32) {
    %c0_i32 = arith.constant 0 : i32
    %c0_i32_0 = arith.constant 0 : i32
    return %arg0, %c0_i32 : i32, i32
  }
}

</mosaic_0001>

<sc_bundles>
// kernel: kernel.10.cloned.1.call-start
scs
__scs_entry_jumppad:
0x0: {  	(pc) =	sbr.rel $0x88, $3  }
0x1: {  	(tag) =	ssettag $0x0;
	lr =	simm.s32 $0x1  }
0x2: {  	[smem:$0x3F99] =	sst lr;
	_ =	strace $0xD0000000  }
0x3: {  	_ = 	snop  }
0x4: {  	_ = 	snop  }
0x5: {  	_ = 	snop  }
0x6: {  	_ = 	snop  }
0x7: {  	_ = 	snop  }
__scs_overlays_trampoline_lowered:
0x8: {  	[smem:$0x3FA8] =	sst s0  }
0x9: {  	[smem:$0x3FA9] =	sst s1  }
0xa: {  	[smem:$0x3FAA] =	sst s2  }
0xb: {  	[smem:$0x3FAB] =	sst s3  }
0xc: {  	[smem:$0x3FAC] =	sst s4  }
0xd: {  	[smem:$0x3FAD] =	sst s5  }
0xe: {  	[smem:$0x3FAE] =	sst s6  }
0xf: {  	[smem:$0x3FAF] =	sst s7  }
0x10: {  	[smem:$0x3FB0] =	sst s8  }
0x11: {  	[smem:$0x3FB1] =	sst s9;
	s0 =	simm.s32 @!p0 $0x0  }
0x12: {  	s1 =	sld [smem:$0x3F97];
	s0 =	simm.s32 @p0 $0x1  }
0x13: {  	[smem:$0x3FB2] =	sst s0;
	s0 =	simm.s32 @!p1 $0x0  }
0x14: {  	s2 =	sld [smem:$0x3F96];
	s0 =	simm.s32 @p1 $0x1  }
0x15: {  	[smem:$0x3FB3] =	sst s0;
	s0 =	simm.s32 @!p2 $0x0  }
0x16: {  	s3 =	sld [smem:$0x3FDB];
	s0 =	simm.s32 @p2 $0x1  }
0x17: {  	s4 =	simm.s32 $0x1BF5;
	[smem:$0x3FB5] =	sst s0  }
0x18: {  	s0 =	sld [smem:$0x3F98];
	_ =	swait.ge [sflag:s4], $0x0  }
0x19: {  	s7 =	sld [smem:$0x3F99]  }
0x1a: {  	s8 =	sadd.s32 $0xFFFFE003, lr  }
0x1b: {  	s9 =	sadd.s32 $0xFFFFFEF7, lr;
	s5 =	simm.s32 $0xFFFFFFFF;
	p2 =	slt.u32 s8, $0xFFFFF086  }
0x1c: {  	p1 =	slt.u32 s9, $0xF7A;
	s5 =	simm.s32 @!p2 $0x0  }
0x1d: {  	s5 =	simm.s32 @p1 $0x1;
	p0 =	seq.s32 s7, s2  }
0x1e: {  	s7 =	smul.u32 @!p0 $0xF7A, s2;
	p2 =	seq.s32 @!p0 s5, $0x0  }
0x1f: {  	s9 =	smul.u32 $0xF7A, s1;
	s8 =	simm.s32 @!p0 $0x1BF5;
	p2 =	por !p2, p0  }
0x20: {  	[sflag:s8] =	ssyncset.s32 @!p0 $0xFFFFF086;
	s6 =	sadd.s32 @!p0 s3, s7;
	s7 =	simm.s32 @!p0 $0x108  }
0x21: {  	s3 =	sadd.s32 s3, s9;
	s6 =	sadd.s32 @!p0 $0x88, s6;
	s7 =	simm.s32 @p2 $0x1082  }
0x22: {  	[simem:s7], [sflag:s8] =	dma.local @!p0 [hbm:s6], $0xF7A  }
0x23: {  	s9 =	sor.u32 $0xD0000000, s2;
	s6 =	simm.s32 $0x108;
	_ =	swait.ge @!p0 [sflag:s8], $0x0  }
0x24: {  	s3 =	sadd.s32 $0x88, s3;
	s6 =	simm.s32 @!p1 $0x1082;
	[sflag:s4] =	ssyncset.s32 $0xFFFFF086  }
0x25: {  	[simem:s6], [sflag:s4] =	dma.local [hbm:s3], $0xF7A  }
0x26: {  	[smem:$0x3F99] =	sst s1;
	(tag) =	ssettag s2;
	_ =	strace s9  }
0x27: {  	s1 =	sld [smem:$0x3FA9]  }
0x28: {  	s2 =	sld [smem:$0x3FAA]  }
0x29: {  	s4 =	sld [smem:$0x3FAC]  }
0x2a: {  	p0 =	seq.s32 s5, $0x0;
	s5 =	sld [smem:$0x3FAD]  }
0x2b: {  	s6 =	sld [smem:$0x3FAE]  }
0x2c: {  	s7 =	sld [smem:$0x3FAF]  }
0x2d: {  	s3 =	simm.s32 $0x108;
	s8 =	sld [smem:$0x3FB0]  }
0x2e: {  	s3 =	simm.s32 @!p0 $0x1082;
	s9 =	sld [smem:$0x3FB1]  }
0x2f: {  	lr =	sadd.s32 s0, s3;
	s0 =	sld [smem:$0x3FA8]  }
0x30: {  	s3 =	sld [smem:$0x3FAB]  }
0x31: {  	[smem:$0x3FB4] =	sst s10  }
0x32: {  	s10 =	sld [smem:$0x3FB2];
	_ =	sdelay $0x3  }
0x33: {  	p0 =	seq.s32 s10, $0x1;
	s10 =	sld [smem:$0x3FB4];
	_ =	sdelay $0x3  }
0x34: {  	[smem:$0x3FB4] =	sst s10  }
0x35: {  	s10 =	sld [smem:$0x3FB3];
	_ =	sdelay $0x3  }
0x36: {  	p1 =	seq.s32 s10, $0x1;
	s10 =	sld [smem:$0x3FB4];
	_ =	sdelay $0x3  }
0x37: {  	[smem:$0x3FB4] =	sst s10  }
0x38: {  	s10 =	sld [smem:$0x3FB5]  }
0x39: {  	_ = 	snop;
	(pc) =	sbr.ind lr, $3  }
0x3a: {  	_ = 	snop  }
0x3b: {  	_ = 	snop  }
0x3c: {  	p2 =	seq.s32 s10, $0x1;
	s10 =	sld [smem:$0x3FB4]  }
0x3d: {  	_ =	shalt  }
0x3e: {  	_ =	shalt  }
0x3f: {  	_ =	shalt  }
0x40: {  	_ =	shalt  }
0x41: {  	_ =	shalt  }
0x42: {  	_ =	shalt  }
0x43: {  	_ =	shalt  }
0x44: {  	_ =	shalt  }
0x45: {  	_ =	shalt  }
0x46: {  	_ =	shalt  }
0x47: {  	_ =	shalt  }
0x48: {  	_ =	shalt  }
0x49: {  	_ =	shalt  }
0x4a: {  	_ =	shalt  }
0x4b: {  	_ =	shalt  }
0x4c: {  	_ =	shalt  }
0x4d: {  	_ =	shalt  }
0x4e: {  	_ =	shalt  }
0x4f: {  	_ =	shalt  }
0x50: {  	_ =	shalt  }
0x51: {  	_ =	shalt  }
0x52: {  	_ =	shalt  }
0x53: {  	_ =	shalt  }
0x54: {  	_ =	shalt  }
0x55: {  	_ =	shalt  }
0x56: {  	_ =	shalt  }
0x57: {  	_ =	shalt  }
0x58: {  	_ =	shalt  }
0x59: {  	_ =	shalt  }
0x5a: {  	_ =	shalt  }
0x5b: {  	_ =	shalt  }
0x5c: {  	_ =	shalt  }
0x5d: {  	_ =	shalt  }
0x5e: {  	_ =	shalt  }
0x5f: {  	_ =	shalt  }
0x60: {  	_ =	shalt  }
0x61: {  	_ =	shalt  }
0x62: {  	_ =	shalt  }
0x63: {  	_ =	shalt  }
0x64: {  	_ =	shalt  }
0x65: {  	_ =	shalt  }
0x66: {  	_ =	shalt  }
0x67: {  	_ =	shalt  }
0x68: {  	_ =	shalt  }
0x69: {  	_ =	shalt  }
0x6a: {  	_ =	shalt  }
0x6b: {  	_ =	shalt  }
0x6c: {  	_ =	shalt  }
0x6d: {  	_ =	shalt  }
0x6e: {  	_ =	shalt  }
0x6f: {  	_ =	shalt  }
0x70: {  	_ =	shalt  }
0x71: {  	_ =	shalt  }
0x72: {  	_ =	shalt  }
0x73: {  	_ =	shalt  }
0x74: {  	_ =	shalt  }
0x75: {  	_ =	shalt  }
0x76: {  	_ =	shalt  }
0x77: {  	_ =	shalt  }
0x78: {  	_ =	shalt  }
0x79: {  	_ =	shalt  }
0x7a: {  	_ =	shalt  }
0x7b: {  	_ =	shalt  }
0x7c: {  	_ =	shalt  }
0x7d: {  	_ =	shalt  }
0x7e: {  	_ =	shalt  }
0x7f: {  	_ =	shalt  }
0x80: {  	_ =	shalt  }
0x81: {  	_ =	shalt  }
0x82: {  	_ =	shalt  }
0x83: {  	_ =	shalt  }
0x84: {  	_ =	shalt  }
0x85: {  	_ =	shalt  }
0x86: {  	_ =	shalt  }
0x87: {  	_ =	shalt  }
.Lfunc_end0:
.L_simem_size_0:
called_computation_lowered:
.L_overlay_start_0:
0x88: {  	s2 =	sld [smem:$0x3FD9]  }
0x89: {  	s3 =	sld [smem:$0x3FFE];
	_ =	sdelay $0x1  }
0x8a: {  	s1 =	srdreg.scid  }
0x8b: {  	s0 =	sand.u32 $0x1, s1  }
0x8c: {  	s16 =	sshll.u32 s0, $0xA;
	s2 =	sadd.s32 s3, s2  }
0x8d: {  	s2 =	sadd.s32 s2, s16  }
0x8e: {  	[smem:$0x3FC0] =	sst s2  }
0x8f: {  	_ = 	snop  }
0x90: {  	(tm) =	ssettm $0x1  }
0x91: {  	s17 =	sld [smem:$0x3FFB];
	_ =	sdelay $0x3  }
0x92: {  	_ =	strace s17  }
0x93: {  	s2 =	sld [smem:$0x3FFC];
	_ =	sdelay $0x3  }
0x94: {  	_ =	strace s2  }
0x95: {  	s2 =	sld [smem:$0x3FFD];
	_ =	sdelay $0x3  }
0x96: {  	_ =	strace s2  }
0x97: {  	_ =	strace $0x8FFFFFFF  }
0x98: {  	s18 =	sld [smem:$0x3FDB];
	_ =	sdelay $0x1  }
0x99: {  	s19 =	simm.s32 $_scs_section_size  }
0x9a: {  	s4 =	simm.s32 $_size__tile_overlayer_lowered;
	s5 =	simm.s32 $_tile_overlayer_lowered  }
0x9b: {  	s22 =	simm.s32 $0x1BFF;
	s21 =	sshll.u32 s5, $0x1;
	s2 =	sadd.s32 s19, s18  }
0x9c: {  	s6 =	simm.s32 $0x0;
	s20 =	sshll.u32 s4, $0x1;
	s4 =	sadd.s32 s21, s2  }
0x9d: {  	[timem:s6], [sflag:s22] =	dma.local [hbm:s4], s20  }
0x9e: {  	_ =	swait.ge [sflag:s22], s20  }
0x9f: {  	s3 =	ssub.s32 $0x0, s20;
	[sflag:s22] =	ssyncset.done $0x0  }
0xa0: {  	[sflag:s22] =	ssyncadd.s32 s3;
	_ =	sdelay $0x1  }
0xa1: {  	s23 =	simm.s32 $0x1B8B  }
0xa2: {  	_ =	swait.ge [sflag:s23], $0x1  }
0xa3: {  	[sflag:s23] =	ssyncset.done $0x0  }
0xa4: {  	s25 =	simm.s32 $0x1B8E;
	s24 =	sld [smem:$0x3FFE];
	[sflag:s23] =	ssyncadd.s32 $0xFFFFFFFF  }
0xa5: {  	s26 =	simm.s32 $execute0_lowered;
	[smem:$0x3FD2] =	sst s25  }
0xa6: {  	s4 =	sshll.u32 s26, $0x1;
	_ =	strace $0x80000046;
	[dreg:$0x1] =	wrdreg $0xFFFFFFFF  }
0xa7: {  	s28 =	simm.s32 $_size_execute0_lowered;
	s2 =	sadd.s32 s2, s4;
	[dreg:$0x0] =	wrdreg $0x0  }
0xa8: {  	s4 =	sshll.u32 s28, $0x1;
	[dreg:$0x2] =	wrdreg s2  }
0xa9: {  	[dreg:$0x3] =	wrdreg s4  }
0xaa: {  	[dreg:$0x4] =	wrdreg $0xC0  }
0xab: {  	_ =	task [dreg:s6], $0x5FFFF  }
0xac: {  	[dreg:$0x1] =	wrdreg $0xFFFFFFFF  }
0xad: {  	[dreg:$0x0] =	wrdreg $0x60  }
0xae: {  	[dreg:$0x2] =	wrdreg s24  }
0xaf: {  	[dreg:$0x3] =	wrdreg $0x94000  }
0xb0: {  	[dreg:$0x4] =	wrdreg $0x9  }
0xb1: {  	_ =	task.clear_ibuf [dreg:s6], $0x5FFFF;
	_ =	strace $0x90000046  }
0xb2: {  	s29 =	simm.s32 $0x9;
	_ =	strace $0x80000048  }
0xb3: {  	_ =	swait.ge [sflag:s29], $0x1  }
0xb4: {  	[sflag:s29] =	ssyncadd.s32 $0xFFFFFFFF  }
0xb5: {  	_ =	strace $0x90000048  }
0xb6: {  	_ =	sfence  }
0xb7: {  	s30 =	sld [smem:$0x0];
	_ =	sdelay $0x2  }
0xb8: {  	s31 =	sshll.u32 s1, $0xD;
	s1 =	sshrl.u32 s1, $0x2  }
0xb9: {  	s3 =	sand.u32 $0x4000, s31;
	s1 =	sadd.s32 s1, s30  }
0xba: {  	s0 =	sor.u32 s3, s0;
	s1 =	sshll.u32 s1, $0x11  }
0xbb: {  	s0 =	sor.u32 s1, s0  }
0xbc: {  	s0 =	sadd.s32 $0x8F2B, s0  }
0xbd: {  	[sflag:s0] =	ssyncadd.remote.s32 $0x1  }
0xbe: {  	_ =	sfence.sel $0xFFFF  }
0xbf: {  	[dreg:$0x0] =	wrdreg $0xFFFFFFFF;
	(pc) =	sbr.abs _section_cstart, $3  }
0xc0: {  	[dreg:$0x1] =	wrdreg $0xFFFFFFFF  }
0xc1: {  	_ =	task.clear_ibuf [dreg:s6], $0x2FFFF;
	_ =	strace $0x9FFFFFFF  }
0xc2: {  	(tm) =	ssettm $0x7FFFFFFF  }
0xc3: {  	_ =	shalt  }
tec
execute0_lowered:
.L_overlay_start_1:
0x0: {  	(tag) =	ssettag $0x1  }
0x1: {  	s5 =	rddreg [dreg:$0x0]  }
0x2: {  	s0 =	srdreg.scid;
	s2 =	rddreg [dreg:$0x1];
	s3 =	simm.s32 $0x0  }
0x3: {  	s12 =	simm.s32 $0x5400;
	s13 =	simm.s32 $0x1;
	s4 =	sand.u32 $0x1, s0  }
0x4: {  	s14 =	simm.s32 $0x80;
	s0 =	stileid.u32;
	s7 =	smul.u32 $0x28000, s4  }
0x5: {  	s15 =	simm.s32 $0x1400;
	[smem:$0x7FF] =	sst s3;
	s8 =	smul.u32 $0x2800, s0  }
0x6: {  	s1 =	sshll.u32 s4, $0x4;
	s4 =	ssub.s32 $0x2, s4;
	s9 =	smul.u32 $0x50000, s0  }
0x7: {  	s16 =	sshll.u32 s0, $0x6;
	s1 =	sor.u32 s0, s1;
	s30 =	sshrl.u32 s4, $0x1  }
0x8: {  	s16 =	sor.u32 $0x1C01, s16;
	s6 =	smul.u32 $0x280, s1;
	s1 =	rddreg [dreg:$0x2]  }
0x9: {  	_ =	strace $0x80000047;
	s7 =	sadd.s32 s8, s7;
	s31 =	sshrl.u32 s9, $0x2  }
0xa: {  	s8 =	ssub.s32 s4, s30;
	s7 =	sadd.s32 s7, s5;
	s4 =	sadd.s32 s31, s2  }
0xb: {  	s6 =	sadd.s32 s6, s5;
	s9 =	sadd.s32 $0x8000, s4;
	s10 =	sadd.s32 $0xC000, s4  }
0xc: {  	s11 =	sadd.s32 $0x10000, s4;
	s17 =	sshrl.u32 s4, $0x3;
	s5 =	sadd.s32 $0x2C00, s6  }
0xd: {  	v0 =	vimm.f32 $1.000000000e+00;
	v1 =	vimm.f32 $0.0e+00;
	s6 =	sadd.s32 $0x7C00, s7;
	s7 =	smax.u32 s8, $0x1;
	s8 =	sadd.s32 $0x4000, s4  }
.LBB2_1:
0xe: {  	s18 =	simm.s32 $0x0;
	s19 =	simm.s32 $0x200  }
.LBB2_2:
0xf: {  	p0 =	sne.s32 s19, $0xFE00;
	[tilespmem:s18+$0x5470] =	vst v1  }
0x10: {  	[tilespmem:s18+$0x1400] =	vst v0  }
0x11: {  	[tilespmem:s18+$0x5400] =	vst v1  }
0x12: {  	[tilespmem:s18+$0x1410] =	vst v0  }
0x13: {  	[tilespmem:s18+$0x5410] =	vst v1  }
0x14: {  	[tilespmem:s18+$0x1420] =	vst v0  }
0x15: {  	[tilespmem:s18+$0x5420] =	vst v1  }
0x16: {  	[tilespmem:s18+$0x1430] =	vst v0  }
0x17: {  	[tilespmem:s18+$0x5430] =	vst v1  }
0x18: {  	[tilespmem:s18+$0x1440] =	vst v0  }
0x19: {  	[tilespmem:s18+$0x5440] =	vst v1  }
.Ltmp0:
0x1a: {  	[tilespmem:s18+$0x1450] =	vst v0;
	(pc) =	sbr.rel @p0 .LBB2_2-.Ltmp0, $4  }
0x1b: {  	[tilespmem:s18+$0x5450] =	vst v1  }
0x1c: {  	[tilespmem:s18+$0x1460] =	vst v0  }
0x1d: {  	[tilespmem:s18+$0x5460] =	vst v1  }
0x1e: {  	[tilespmem:s18+$0x1470] =	vst v0;
	s18 =	sshra.s32 s19, $0x2;
	s19 =	sadd.s32 $0x200, s19  }
0x1f: {  	[tilespmem:s18+$0x5470] =	vst v1  }
0x20: {  	[tilespmem:s18+$0x1400] =	vst v0  }
0x21: {  	[tilespmem:s18+$0x5400] =	vst v1  }
0x22: {  	[tilespmem:s18+$0x1410] =	vst v0  }
0x23: {  	[tilespmem:s18+$0x5410] =	vst v1  }
0x24: {  	[tilespmem:s18+$0x1420] =	vst v0  }
0x25: {  	[tilespmem:s18+$0x5420] =	vst v1  }
0x26: {  	[tilespmem:s18+$0x1430] =	vst v0  }
0x27: {  	[tilespmem:s18+$0x5430] =	vst v1  }
0x28: {  	[tilespmem:s18+$0x1440] =	vst v0  }
0x29: {  	[tilespmem:s18+$0x5440] =	vst v1  }
0x2a: {  	[tilespmem:s18+$0x1450] =	vst v0  }
0x2b: {  	[tilespmem:s18+$0x5450] =	vst v1  }
0x2c: {  	[tilespmem:s18+$0x1460] =	vst v0  }
0x2d: {  	[tilespmem:s18+$0x5460] =	vst v1  }
0x2e: {  	[tilespmem:s18+$0x1470] =	vst v0  }
0x2f: {  	[spmem:s4] =	stream.linear.scatter [tilespmem:s12], [sflag:$0x1], $0x4000, $0x38;
	[tilespmem:$0x1D400] =	vst v63  }
0x30: {  	_ =	swait.ge [sflag:s13], $0x4000  }
0x31: {  	[sflag:s13] =	ssyncset.done $0x0  }
0x32: {  	[sflag:s13] =	ssyncadd.s32 $0xFFFFC000  }
0x33: {  	[spmem:s8] =	stream.linear.scatter [tilespmem:s12], [sflag:$0x1], $0x4000, $0x38;
	[tilespmem:$0x1D400] =	vst v63  }
0x34: {  	_ =	swait.ge [sflag:s13], $0x4000  }
0x35: {  	[sflag:s13] =	ssyncset.done $0x0  }
0x36: {  	[sflag:s13] =	ssyncadd.s32 $0xFFFFC000  }
0x37: {  	[spmem:s9] =	stream.linear.scatter [tilespmem:s12], [sflag:$0x1], $0x4000, $0x38;
	[tilespmem:$0x1D400] =	vst v63  }
0x38: {  	_ =	swait.ge [sflag:s13], $0x4000  }
0x39: {  	[sflag:s13] =	ssyncset.done $0x0  }
0x3a: {  	[sflag:s13] =	ssyncadd.s32 $0xFFFFC000  }
0x3b: {  	[spmem:s10] =	stream.linear.scatter [tilespmem:s12], [sflag:$0x1], $0x4000, $0x38;
	[tilespmem:$0x1D400] =	vst v63  }
0x3c: {  	_ =	swait.ge [sflag:s13], $0x4000  }
0x3d: {  	[sflag:s13] =	ssyncset.done $0x0  }
0x3e: {  	[sflag:s13] =	ssyncadd.s32 $0xFFFFC000  }
0x3f: {  	[spmem:s11] =	stream.linear.scatter [tilespmem:s12], [sflag:$0x1], $0x4000, $0x38;
	[tilespmem:$0x1D400] =	vst v63  }
0x40: {  	_ =	swait.ge [sflag:s13], $0x4000  }
0x41: {  	[sflag:s13] =	ssyncset.done $0x0  }
0x42: {  	[sflag:s13] =	ssyncadd.s32 $0xFFFFC000  }
0x43: {  	s30 =	simm.s32 $0x0;
	[bflag:$0x0] =	sbarrier.arrive $0xFFFF  }
0x44: {  	[tilespmem:s30], [sflag:$0x1] =	stream.linear.gather [hbm4b:s5+s30], $0x1400, $0x38;
	[tilespmem:$0x1D400] =	vst v63  }
0x45: {  	_ =	swait.ge [sflag:s13], $0x1400  }
0x46: {  	[sflag:s13] =	ssyncset.done $0x0  }
0x47: {  	s31 =	simm.s32 $0x0;
	[sflag:s13] =	ssyncadd.s32 $0xFFFFEC00  }
0x48: {  	[spmem:s2] =	stream.indirect.scatter.add.f32 [tilespmem:s15], [sflag:$0x1], $0x80, s31, s14, $0xb8;
	[tilespmem:$0x1D400] =	vst v63  }
0x49: {  	_ =	swait.ge [sflag:s13], $0x4000  }
0x4a: {  	s18 =	simm.s32 $0x200;
	[sflag:s13] =	ssyncset.done $0x0  }
.LBB2_4:
0x4b: {  	s19 =	sshra.s32 s18, $0x2;
	[sflag:s13] =	ssyncadd.s32 $0xFFFFC000;
	p0 =	sne.s32 s18, $0x4E00  }
0x4c: {  	[spmem:s2] =	stream.indirect.scatter.add.f32 [tilespmem:s15], [sflag:$0x1], $0x80, s19, s14, $0xb8;
	[tilespmem:$0x1D400] =	vst v63  }
.Ltmp1:
0x4d: {  	_ = 	snop;
	(pc) =	sbr.rel @p0 .LBB2_4-.Ltmp1, $4  }
0x4e: {  	_ = 	snop  }
0x4f: {  	s18 =	sadd.s32 $0x200, s18  }
0x50: {  	_ =	swait.ge [sflag:s13], $0x4000  }
0x51: {  	[sflag:s13] =	ssyncset.done $0x0  }
0x52: {  	s3 =	sadd.s32 $0x1, s3  }
0x53: {  	[sflag:s13] =	ssyncadd.s32 $0xFFFFC000;
	p0 =	sne.s32 s3, s7  }
.Ltmp2:
0x54: {  	[bflag:$0x0] =	sbarrier.arrive $0xFFFF;
	(pc) =	sbr.rel @p0 .LBB2_1-.Ltmp2, $4  }
0x55: {  	[hbm:s6], [sflag:s16] =	dma.local [spmem:s17], $0x2800  }
0x56: {  	_ =	swait.ge [sflag:s13], $0x2800  }
0x57: {  	[sflag:s13] =	ssyncset.done $0x0  }
0x58: {  	[sflag:s13] =	ssyncadd.s32 $0xFFFFD800  }
0x59: {  	_ =	sfence.sel $0x180000  }
0x5a: {  	[bflag:$0x0] =	sbarrier.arrive $0xFFFF  }
0x5b: {  	p0 =	sne.s32 s0, $0x0;
	_ =	strace $0x90000047  }
0x5c: {  	s0 =	sadd.s32 @!p0 $0x100000, s1;
	[bflag:$0x2] =	sbarrier.arrive $0xFFFF  }
0x5d: {  	[sflag:s0] =	ssyncadd.tile.s32 @!p0 $0x1;
	_ =	shalt  }
.Lfunc_end2:
_tile_overlayer_lowered:
.L_overlay_start_2:
0x5e: {  	(tag) =	ssettag $0x2  }
0x5f: {  	s0 =	rddreg [dreg:$0x0];
	s2 =	stileid.u32  }
0x60: {  	s1 =	rddreg [dreg:$0x1];
	p0 =	sne.s32 s2, $0x0  }
0x61: {  	s3 =	rddreg [dreg:$0x2];
	[bflag:$0x3] =	sbarrier.arrive $0xFFFF;
	s2 =	simm.s32 @!p0 $0x1C01  }
0x62: {  	[timem:s3], [sflag:s2] =	dma.local @!p0 [hbm:s0], s1  }
0x63: {  	s0 =	simm.s32 @!p0 $0x1  }
0x64: {  	_ =	swait.ge @!p0 [sflag:s0], s1  }
0x65: {  	s1 =	ssub.s32 @!p0 $0x0, s1;
	[sflag:s0] =	ssyncset.done @!p0 $0x0  }
0x66: {  	[sflag:s0] =	ssyncadd.s32 @!p0 s1  }
0x67: {  	[bflag:$0x3] =	sbarrier.arrive $0xFFFF  }
0x68: {  	_ =	shalt  }

// kernel: kernel.13.cloned.1.call-start
scs
__scs_entry_jumppad:
0x0: {  	(pc) =	sbr.rel $0x88, $3  }
0x1: {  	(tag) =	ssettag $0x0;
	lr =	simm.s32 $0x1  }
0x2: {  	[smem:$0x3F99] =	sst lr;
	_ =	strace $0xD0000000  }
0x3: {  	_ = 	snop  }
0x4: {  	_ = 	snop  }
0x5: {  	_ = 	snop  }
0x6: {  	_ = 	snop  }
0x7: {  	_ = 	snop  }
__scs_overlays_trampoline_lowered:
0x8: {  	[smem:$0x3FA8] =	sst s0  }
0x9: {  	[smem:$0x3FA9] =	sst s1  }
0xa: {  	[smem:$0x3FAA] =	sst s2  }
0xb: {  	[smem:$0x3FAB] =	sst s3  }
0xc: {  	[smem:$0x3FAC] =	sst s4  }
0xd: {  	[smem:$0x3FAD] =	sst s5  }
0xe: {  	[smem:$0x3FAE] =	sst s6  }
0xf: {  	[smem:$0x3FAF] =	sst s7  }
0x10: {  	[smem:$0x3FB0] =	sst s8  }
0x11: {  	[smem:$0x3FB1] =	sst s9;
	s0 =	simm.s32 @!p0 $0x0  }
0x12: {  	s1 =	sld [smem:$0x3F97];
	s0 =	simm.s32 @p0 $0x1  }
0x13: {  	[smem:$0x3FB2] =	sst s0;
	s0 =	simm.s32 @!p1 $0x0  }
0x14: {  	s2 =	sld [smem:$0x3F96];
	s0 =	simm.s32 @p1 $0x1  }
0x15: {  	[smem:$0x3FB3] =	sst s0;
	s0 =	simm.s32 @!p2 $0x0  }
0x16: {  	s3 =	sld [smem:$0x3FDB];
	s0 =	simm.s32 @p2 $0x1  }
0x17: {  	s4 =	simm.s32 $0x1BF5;
	[smem:$0x3FB5] =	sst s0  }
0x18: {  	s0 =	sld [smem:$0x3F98];
	_ =	swait.ge [sflag:s4], $0x0  }
0x19: {  	s7 =	sld [smem:$0x3F99]  }
0x1a: {  	s8 =	sadd.s32 $0xFFFFE003, lr  }
0x1b: {  	s9 =	sadd.s32 $0xFFFFFEF7, lr;
	s5 =	simm.s32 $0xFFFFFFFF;
	p2 =	slt.u32 s8, $0xFFFFF086  }
0x1c: {  	p1 =	slt.u32 s9, $0xF7A;
	s5 =	simm.s32 @!p2 $0x0  }
0x1d: {  	s5 =	simm.s32 @p1 $0x1;
	p0 =	seq.s32 s7, s2  }
0x1e: {  	s7 =	smul.u32 @!p0 $0xF7A, s2;
	p2 =	seq.s32 @!p0 s5, $0x0  }
0x1f: {  	s9 =	smul.u32 $0xF7A, s1;
	s8 =	simm.s32 @!p0 $0x1BF5;
	p2 =	por !p2, p0  }
0x20: {  	[sflag:s8] =	ssyncset.s32 @!p0 $0xFFFFF086;
	s6 =	sadd.s32 @!p0 s3, s7;
	s7 =	simm.s32 @!p0 $0x108  }
0x21: {  	s3 =	sadd.s32 s3, s9;
	s6 =	sadd.s32 @!p0 $0x88, s6;
	s7 =	simm.s32 @p2 $0x1082  }
0x22: {  	[simem:s7], [sflag:s8] =	dma.local @!p0 [hbm:s6], $0xF7A  }
0x23: {  	s9 =	sor.u32 $0xD0000000, s2;
	s6 =	simm.s32 $0x108;
	_ =	swait.ge @!p0 [sflag:s8], $0x0  }
0x24: {  	s3 =	sadd.s32 $0x88, s3;
	s6 =	simm.s32 @!p1 $0x1082;
	[sflag:s4] =	ssyncset.s32 $0xFFFFF086  }
0x25: {  	[simem:s6], [sflag:s4] =	dma.local [hbm:s3], $0xF7A  }
0x26: {  	[smem:$0x3F99] =	sst s1;
	(tag) =	ssettag s2;
	_ =	strace s9  }
0x27: {  	s1 =	sld [smem:$0x3FA9]  }
0x28: {  	s2 =	sld [smem:$0x3FAA]  }
0x29: {  	s4 =	sld [smem:$0x3FAC]  }
0x2a: {  	p0 =	seq.s32 s5, $0x0;
	s5 =	sld [smem:$0x3FAD]  }
0x2b: {  	s6 =	sld [smem:$0x3FAE]  }
0x2c: {  	s7 =	sld [smem:$0x3FAF]  }
0x2d: {  	s3 =	simm.s32 $0x108;
	s8 =	sld [smem:$0x3FB0]  }
0x2e: {  	s3 =	simm.s32 @!p0 $0x1082;
	s9 =	sld [smem:$0x3FB1]  }
0x2f: {  	lr =	sadd.s32 s0, s3;
	s0 =	sld [smem:$0x3FA8]  }
0x30: {  	s3 =	sld [smem:$0x3FAB]  }
0x31: {  	[smem:$0x3FB4] =	sst s10  }
0x32: {  	s10 =	sld [smem:$0x3FB2];
	_ =	sdelay $0x3  }
0x33: {  	p0 =	seq.s32 s10, $0x1;
	s10 =	sld [smem:$0x3FB4];
	_ =	sdelay $0x3  }
0x34: {  	[smem:$0x3FB4] =	sst s10  }
0x35: {  	s10 =	sld [smem:$0x3FB3];
	_ =	sdelay $0x3  }
0x36: {  	p1 =	seq.s32 s10, $0x1;
	s10 =	sld [smem:$0x3FB4];
	_ =	sdelay $0x3  }
0x37: {  	[smem:$0x3FB4] =	sst s10  }
0x38: {  	s10 =	sld [smem:$0x3FB5]  }
0x39: {  	_ = 	snop;
	(pc) =	sbr.ind lr, $3  }
0x3a: {  	_ = 	snop  }
0x3b: {  	_ = 	snop  }
0x3c: {  	p2 =	seq.s32 s10, $0x1;
	s10 =	sld [smem:$0x3FB4]  }
0x3d: {  	_ =	shalt  }
0x3e: {  	_ =	shalt  }
0x3f: {  	_ =	shalt  }
0x40: {  	_ =	shalt  }
0x41: {  	_ =	shalt  }
0x42: {  	_ =	shalt  }
0x43: {  	_ =	shalt  }
0x44: {  	_ =	shalt  }
0x45: {  	_ =	shalt  }
0x46: {  	_ =	shalt  }
0x47: {  	_ =	shalt  }
0x48: {  	_ =	shalt  }
0x49: {  	_ =	shalt  }
0x4a: {  	_ =	shalt  }
0x4b: {  	_ =	shalt  }
0x4c: {  	_ =	shalt  }
0x4d: {  	_ =	shalt  }
0x4e: {  	_ =	shalt  }
0x4f: {  	_ =	shalt  }
0x50: {  	_ =	shalt  }
0x51: {  	_ =	shalt  }
0x52: {  	_ =	shalt  }
0x53: {  	_ =	shalt  }
0x54: {  	_ =	shalt  }
0x55: {  	_ =	shalt  }
0x56: {  	_ =	shalt  }
0x57: {  	_ =	shalt  }
0x58: {  	_ =	shalt  }
0x59: {  	_ =	shalt  }
0x5a: {  	_ =	shalt  }
0x5b: {  	_ =	shalt  }
0x5c: {  	_ =	shalt  }
0x5d: {  	_ =	shalt  }
0x5e: {  	_ =	shalt  }
0x5f: {  	_ =	shalt  }
0x60: {  	_ =	shalt  }
0x61: {  	_ =	shalt  }
0x62: {  	_ =	shalt  }
0x63: {  	_ =	shalt  }
0x64: {  	_ =	shalt  }
0x65: {  	_ =	shalt  }
0x66: {  	_ =	shalt  }
0x67: {  	_ =	shalt  }
0x68: {  	_ =	shalt  }
0x69: {  	_ =	shalt  }
0x6a: {  	_ =	shalt  }
0x6b: {  	_ =	shalt  }
0x6c: {  	_ =	shalt  }
0x6d: {  	_ =	shalt  }
0x6e: {  	_ =	shalt  }
0x6f: {  	_ =	shalt  }
0x70: {  	_ =	shalt  }
0x71: {  	_ =	shalt  }
0x72: {  	_ =	shalt  }
0x73: {  	_ =	shalt  }
0x74: {  	_ =	shalt  }
0x75: {  	_ =	shalt  }
0x76: {  	_ =	shalt  }
0x77: {  	_ =	shalt  }
0x78: {  	_ =	shalt  }
0x79: {  	_ =	shalt  }
0x7a: {  	_ =	shalt  }
0x7b: {  	_ =	shalt  }
0x7c: {  	_ =	shalt  }
0x7d: {  	_ =	shalt  }
0x7e: {  	_ =	shalt  }
0x7f: {  	_ =	shalt  }
0x80: {  	_ =	shalt  }
0x81: {  	_ =	shalt  }
0x82: {  	_ =	shalt  }
0x83: {  	_ =	shalt  }
0x84: {  	_ =	shalt  }
0x85: {  	_ =	shalt  }
0x86: {  	_ =	shalt  }
0x87: {  	_ =	shalt  }
.Lfunc_end0:
.L_simem_size_0:
called_computation.1_lowered:
.L_overlay_start_0:
0x88: {  	s2 =	sld [smem:$0x3FD9]  }
0x89: {  	s3 =	sld [smem:$0x3FFE];
	_ =	sdelay $0x1  }
0x8a: {  	s1 =	srdreg.scid  }
0x8b: {  	s0 =	sand.u32 $0x1, s1  }
0x8c: {  	s17 =	sshll.u32 s0, $0xA;
	s2 =	sadd.s32 s3, s2  }
0x8d: {  	s2 =	sadd.s32 s2, s17  }
0x8e: {  	[smem:$0x3FC0] =	sst s2  }
0x8f: {  	_ = 	snop  }
0x90: {  	s2 =	sld [smem:$0x3FD0];
	(tm) =	ssettm $0x1  }
0x91: {  	s18 =	sld [smem:$0x3FFB];
	_ =	sdelay $0x3  }
0x92: {  	_ =	strace s18  }
0x93: {  	s3 =	sld [smem:$0x3FFC];
	_ =	sdelay $0x3  }
0x94: {  	_ =	strace s3  }
0x95: {  	s3 =	sld [smem:$0x3FFD];
	_ =	sdelay $0x3  }
0x96: {  	_ =	strace s3  }
0x97: {  	_ =	strace $0x8FFFFFFF  }
0x98: {  	s19 =	sld [smem:$0x3FDB];
	_ =	sdelay $0x1  }
0x99: {  	s4 =	simm.s32 $_scs_section_size  }
0x9a: {  	s5 =	simm.s32 $_size__tile_overlayer_lowered;
	s6 =	simm.s32 $_tile_overlayer_lowered  }
0x9b: {  	s22 =	simm.s32 $0x1BFF;
	s21 =	sshll.u32 s6, $0x1;
	s3 =	sadd.s32 s4, s19  }
0x9c: {  	s7 =	simm.s32 $0x0;
	s20 =	sshll.u32 s5, $0x1;
	s5 =	sadd.s32 s21, s3  }
0x9d: {  	[timem:s7], [sflag:s22] =	dma.local [hbm:s5], s20  }
0x9e: {  	_ =	swait.ge [sflag:s22], s20  }
0x9f: {  	s4 =	ssub.s32 $0x0, s20;
	[sflag:s22] =	ssyncset.done $0x0  }
0xa0: {  	[sflag:s22] =	ssyncadd.s32 s4;
	_ =	sdelay $0x1  }
0xa1: {  	s23 =	simm.s32 $0x1B8B  }
0xa2: {  	_ =	swait.ge [sflag:s23], $0x1  }
0xa3: {  	[sflag:s23] =	ssyncset.done $0x0  }
0xa4: {  	s25 =	simm.s32 $0x1B8E;
	s24 =	sld [smem:$0x3FFE];
	[sflag:s23] =	ssyncadd.s32 $0xFFFFFFFF  }
0xa5: {  	s26 =	simm.s32 $execute0_lowered;
	[smem:$0x3FD2] =	sst s25  }
0xa6: {  	s5 =	sshll.u32 s26, $0x1;
	_ =	strace $0x80000049;
	[dreg:$0x1] =	wrdreg $0xFFFFFFFF  }
0xa7: {  	s28 =	simm.s32 $_size_execute0_lowered;
	s3 =	sadd.s32 s3, s5;
	[dreg:$0x0] =	wrdreg $0x0  }
0xa8: {  	s5 =	sshll.u32 s28, $0x1;
	[dreg:$0x2] =	wrdreg s3  }
0xa9: {  	[dreg:$0x3] =	wrdreg s5  }
0xaa: {  	[dreg:$0x4] =	wrdreg $0xC0  }
0xab: {  	_ =	task [dreg:s7], $0x5FFFF  }
0xac: {  	[dreg:$0x1] =	wrdreg $0xFFFFFFFF  }
0xad: {  	[dreg:$0x0] =	wrdreg $0x60  }
0xae: {  	[dreg:$0x2] =	wrdreg s24  }
0xaf: {  	[dreg:$0x3] =	wrdreg s2  }
0xb0: {  	[dreg:$0x4] =	wrdreg $0xA8000  }
0xb1: {  	[dreg:$0x5] =	wrdreg $0x9  }
0xb2: {  	_ =	task.clear_ibuf [dreg:s7], $0x6FFFF;
	_ =	strace $0x90000049  }
0xb3: {  	s29 =	simm.s32 $0x9;
	_ =	strace $0x8000004B  }
0xb4: {  	_ =	swait.ge [sflag:s29], $0x1  }
0xb5: {  	[sflag:s29] =	ssyncadd.s32 $0xFFFFFFFF  }
0xb6: {  	_ =	strace $0x9000004B  }
0xb7: {  	_ =	sfence  }
0xb8: {  	s30 =	sld [smem:$0x0];
	_ =	sdelay $0x2  }
0xb9: {  	s31 =	sshll.u32 s1, $0xD;
	s1 =	sshrl.u32 s1, $0x2  }
0xba: {  	s3 =	sand.u32 $0x4000, s31;
	s1 =	sadd.s32 s1, s30  }
0xbb: {  	s0 =	sor.u32 s3, s0;
	s1 =	sshll.u32 s1, $0x11  }
0xbc: {  	s0 =	sor.u32 s1, s0  }
0xbd: {  	s0 =	sadd.s32 $0x8F2B, s0  }
0xbe: {  	[sflag:s0] =	ssyncadd.remote.s32 $0x1  }
0xbf: {  	_ =	sfence.sel $0xFFFF  }
0xc0: {  	[dreg:$0x0] =	wrdreg $0xFFFFFFFF;
	(pc) =	sbr.abs _section_cstart, $3  }
0xc1: {  	[dreg:$0x1] =	wrdreg $0xFFFFFFFF  }
0xc2: {  	_ =	task.clear_ibuf [dreg:s7], $0x2FFFF;
	_ =	strace $0x9FFFFFFF  }
0xc3: {  	(tm) =	ssettm $0x7FFFFFFF  }
tec
execute0_lowered:
.L_overlay_start_1:
0x0: {  	(tag) =	ssettag $0x1  }
0x1: {  	s5 =	rddreg [dreg:$0x0]  }
0x2: {  	s9 =	rddreg [dreg:$0x1]  }
0x3: {  	s1 =	rddreg [dreg:$0x2]  }
0x4: {  	s2 =	srdreg.scid;
	s0 =	rddreg [dreg:$0x3];
	s3 =	simm.s32 $0x0  }
0x5: {  	s16 =	simm.s32 $0x80;
	s17 =	simm.s32 $0x2800;
	s18 =	simm.s32 $0x6800  }
0x6: {  	s19 =	simm.s32 $0x1;
	s20 =	simm.s32 $0x2;
	s6 =	sand.u32 $0x1, s2  }
0x7: {  	s21 =	simm.s32 $0x1380;
	s2 =	stileid.u32;
	s22 =	smul.u32 $0x2800, s6  }
0x8: {  	s23 =	simm.s32 $0x2780;
	s24 =	simm.s32 $0x0;
	s7 =	smul.u32 $0x280, s2  }
0x9: {  	[smem:$0x7FF] =	sst s3;
	s4 =	sadd.s32 $0x7C00, s5;
	s8 =	smul.u32 $0x50000, s2  }
0xa: {  	s10 =	sadd.s32 $0x2C00, s5;
	_ =	strace $0x8000004A;
	s12 =	smul.u32 $0x2800, s2  }
0xb: {  	s6 =	ssub.s32 $0x2, s6;
	s29 =	sshll.u32 s2, $0x6;
	s30 =	smul.u32 $0x500, s2  }
0xc: {  	s11 =	sshrl.u32 s6, $0x1;
	s7 =	sadd.s32 s7, s22;
	s8 =	sshrl.u32 s8, $0x2  }
0xd: {  	s14 =	ssub.s32 s6, s11;
	s31 =	sshrl.u32 s12, $0x3;
	s6 =	sor.u32 $0x1C03, s29  }
0xe: {  	v0 =	vmov s22;
	s22 =	simm.s32 $0x2700;
	s7 =	sshll.u32 s7, $0x4;
	s15 =	sadd.s32 s8, s1  }
0xf: {  	s11 =	sadd.s32 $0x280, s31;
	s8 =	sadd.s32 s10, s30;
	s12 =	smax.u32 s14, $0x1  }
0x10: {  	s14 =	simm.s32 $0x3;
	s13 =	sadd.s32 s7, s5;
	s5 =	sadd.s32 s4, s7  }
0x11: {  	s7 =	sadd.s32 s9, s30;
	s9 =	sadd.s32 s9, s11;
	s10 =	sadd.s32 s10, s11  }
0x12: {  	s11 =	sadd.s32 $0x57C00, s13;
	s13 =	sshrl.u32 s15, $0x3;
	s15 =	simm.s32 $0x1400  }
.LBB2_1:
0x13: {  	[spmem:s13], [sflag:s6] =	dma.local [hbm:s5], $0x2800  }
0x14: {  	_ =	swait.ge [sflag:s14], $0x2800  }
0x15: {  	[sflag:s14] =	ssyncset.done $0x0  }
0x16: {  	[sflag:s14] =	ssyncadd.s32 $0xFFFFD800  }
0x17: {  	[bflag:$0x0] =	sbarrier.arrive $0xFFFF  }
0x18: {  	[tilespmem:s3], [sflag:$0x3] =	stream.linear.gather [hbm4b:s7+s3], $0x1400, $0x38;
	[tilespmem:$0x1E800] =	vst v63  }
0x19: {  	_ =	swait.ge [sflag:s14], $0x1400  }
0x1a: {  	[sflag:s14] =	ssyncset.done $0x0  }
0x1b: {  	[sflag:s14] =	ssyncadd.s32 $0xFFFFEC00  }
0x1c: {  	[tilespmem:s15], [sflag:$0x3] =	stream.linear.gather [hbm4b:s8+s3], $0x1400, $0x38;
	[tilespmem:$0x1E800] =	vst v63  }
0x1d: {  	_ =	swait.ge [sflag:s14], $0x1400  }
0x1e: {  	[sflag:s14] =	ssyncset.done $0x0  }
0x1f: {  	s25 =	simm.s32 $0x70;
	[sflag:s14] =	ssyncadd.s32 $0xFFFFEC00  }
0x20: {  	v3 =	vld [tilespmem:s25+$0xFFFFFF90]  }
0x21: {  	v5 =	vld [tilespmem:s25+$0xFFFFFFA0]  }
0x22: {  	v4 =	vld [tilespmem:s25+$0xFFFFFFB0]  }
0x23: {  	v2 =	vld [tilespmem:s25+$0xFFFFFFC0]  }
0x24: {  	v1 =	vld [tilespmem:s25+$0xFFFFFFD0]  }
0x25: {  	s26 =	simm.s32 $0x3C0;
	v6 =	vadd.s32 v0, v3;
	v3 =	vld [tilespmem:s25+$0xFFFFFFE0]  }
.LBB2_2:
0x26: {  	p0 =	sne.s32 s26, $0x4FC0;
	[tilespmem:s25+$0xFFFFFF90] =	vst v6;
	v5 =	vadd.s32 v0, v5;
	v6 =	vld [tilespmem:s25+$0x0]  }
0x27: {  	s28 =	sshra.s32 s26, $0x2;
	[tilespmem:s25+$0xFFFFFFA0] =	vst v5;
	v4 =	vadd.s32 v0, v4;
	v7 =	vld [tilespmem:s25+$0xFFFFFFF0]  }
0x28: {  	v8 =	vld [tilespmem:s28+$0xFFFFFF90];
	[tilespmem:s25+$0xFFFFFFB0] =	vst v4;
	v2 =	vadd.s32 v0, v2  }
.Ltmp0:
0x29: {  	v5 =	vld [tilespmem:s28+$0xFFFFFFA0];
	[tilespmem:s25+$0xFFFFFFC0] =	vst v2;
	v1 =	vadd.s32 v0, v1;
	(pc) =	sbr.rel @p0 .LBB2_2-.Ltmp0, $4  }
0x2a: {  	v4 =	vld [tilespmem:s28+$0xFFFFFFB0];
	[tilespmem:s25+$0xFFFFFFD0] =	vst v1;
	v1 =	vadd.s32 v0, v3  }
0x2b: {  	v2 =	vld [tilespmem:s28+$0xFFFFFFC0];
	[tilespmem:s25+$0xFFFFFFE0] =	vst v1;
	v3 =	vadd.s32 v0, v6  }
0x2c: {  	v1 =	vld [tilespmem:s28+$0xFFFFFFD0];
	v7 =	vadd.s32 v0, v7;
	[tilespmem:s25+$0x0] =	vst v3  }
0x2d: {  	s26 =	sadd.s32 $0x200, s26;
	v6 =	vadd.s32 v0, v8;
	v3 =	vld [tilespmem:s28+$0xFFFFFFE0];
	[tilespmem:s25+$0xFFFFFFF0] =	vst v7;
	s25 =	smov.u32 s28  }
0x2e: {  	[tilespmem:s25+$0xFFFFFF90] =	vst v6;
	v5 =	vadd.s32 v0, v5;
	v62 =	vld [tilespmem:s25+$0x0]  }
0x2f: {  	v63 =	vld [tilespmem:s25+$0xFFFFFFF0];
	[tilespmem:s25+$0xFFFFFFA0] =	vst v5;
	v4 =	vadd.s32 v0, v4  }
0x30: {  	[tilespmem:s25+$0xFFFFFFB0] =	vst v4;
	v2 =	vadd.s32 v0, v2  }
0x31: {  	[tilespmem:s25+$0xFFFFFFC0] =	vst v2;
	v1 =	vadd.s32 v0, v1  }
0x32: {  	[tilespmem:s25+$0xFFFFFFD0] =	vst v1;
	v1 =	vadd.s32 v0, v3  }
0x33: {  	[tilespmem:s25+$0xFFFFFFE0] =	vst v1;
	v1 =	vadd.s32 v0, v62  }
0x34: {  	v2 =	vadd.s32 v0, v63;
	[tilespmem:s25+$0x0] =	vst v1  }
0x35: {  	s26 =	simm.s32 $0x0;
	[tilespmem:s25+$0xFFFFFFF0] =	vst v2  }
0x36: {  	[tilespmem:s17], [sflag:$0x1] =	stream.indirect.gather [hbm4b:s4+s16], $0x80, s26, s16, $0xb8;
	[tilespmem:$0x1E800] =	vst v63  }
0x37: {  	s28 =	simm.s32 $0x80  }
0x38: {  	[tilespmem:s18], [sflag:$0x2] =	stream.indirect.gather [hbm4b:s4+s16], $0x80, s28, s16, $0xb8;
	[tilespmem:$0x1E800] =	vst v63  }
0x39: {  	_ =	swait.ge [sflag:s19], $0x4000  }
0x3a: {  	[sflag:s19] =	ssyncset.done $0x0  }
0x3b: {  	s29 =	simm.s32 $0x1400;
	[sflag:s19] =	ssyncadd.s32 $0xFFFFC000  }
0x3c: {  	[spmem:s1] =	stream.indirect.scatter.add.f32 [tilespmem:s17], [sflag:$0x3], $0x80, s29, s16, $0xb8;
	[tilespmem:$0x1E800] =	vst v63  }
0x3d: {  	_ =	swait.ge [sflag:s14], $0x4000  }
0x3e: {  	[sflag:s14] =	ssyncset.done $0x0  }
0x3f: {  	s30 =	simm.s32 $0x100;
	[sflag:s14] =	ssyncadd.s32 $0xFFFFC000  }
0x40: {  	[tilespmem:s17], [sflag:$0x1] =	stream.indirect.gather [hbm4b:s4+s16], $0x80, s30, s16, $0xb8;
	[tilespmem:$0x1E800] =	vst v63  }
0x41: {  	_ =	swait.ge [sflag:s20], $0x4000  }
0x42: {  	[sflag:s20] =	ssyncset.done $0x0  }
0x43: {  	s31 =	simm.s32 $0x1480;
	[sflag:s20] =	ssyncadd.s32 $0xFFFFC000  }
0x44: {  	[spmem:s1] =	stream.indirect.scatter.add.f32 [tilespmem:s18], [sflag:$0x3], $0x80, s31, s16, $0xb8;
	[tilespmem:$0x1E800] =	vst v63  }
0x45: {  	_ =	swait.ge [sflag:s14], $0x4000  }
0x46: {  	s25 =	simm.s32 $0x100;
	s26 =	simm.s32 $0x800;
	[sflag:s14] =	ssyncset.done $0x0  }
.LBB2_4:
0x47: {  	s28 =	sadd.s32 $0x80, s25  }
0x48: {  	[sflag:s14] =	ssyncadd.s32 $0xFFFFC000;
	s29 =	smov.u32 s26;
	s30 =	sadd.s32 $0x400, s26  }
0x49: {  	[tilespmem:s18], [sflag:$0x2] =	stream.indirect.gather [hbm4b:s4+s16], $0x80, s28, s16, $0xb8;
	[tilespmem:$0x1E800] =	vst v63  }
0x4a: {  	p0 =	sne.s32 s26, $0x4800;
	_ =	swait.ge [sflag:s19], $0x4000  }
0x4b: {  	[sflag:s19] =	ssyncset.done $0x0  }
0x4c: {  	s26 =	sadd.s32 $0x1400, s25;
	[sflag:s19] =	ssyncadd.s32 $0xFFFFC000  }
0x4d: {  	[spmem:s1] =	stream.indirect.scatter.add.f32 [tilespmem:s17], [sflag:$0x3], $0x80, s26, s16, $0xb8;
	[tilespmem:$0x1E800] =	vst v63  }
0x4e: {  	_ =	swait.ge [sflag:s14], $0x4000  }
0x4f: {  	[sflag:s14] =	ssyncset.done $0x0  }
0x50: {  	s26 =	sadd.s32 $0x100, s25;
	[sflag:s14] =	ssyncadd.s32 $0xFFFFC000  }
0x51: {  	[tilespmem:s17], [sflag:$0x1] =	stream.indirect.gather [hbm4b:s4+s16], $0x80, s26, s16, $0xb8;
	[tilespmem:$0x1E800] =	vst v63  }
0x52: {  	_ =	swait.ge [sflag:s20], $0x4000  }
.Ltmp1:
0x53: {  	[sflag:s20] =	ssyncset.done $0x0;
	(pc) =	sbr.rel @p0 .LBB2_4-.Ltmp1, $4  }
0x54: {  	s25 =	sadd.s32 $0x1480, s25;
	[sflag:s20] =	ssyncadd.s32 $0xFFFFC000  }
0x55: {  	[spmem:s1] =	stream.indirect.scatter.add.f32 [tilespmem:s18], [sflag:$0x3], $0x80, s25, s16, $0xb8;
	[tilespmem:$0x1E800] =	vst v63  }
0x56: {  	_ =	swait.ge [sflag:s14], $0x4000  }
0x57: {  	s26 =	smov.u32 s30;
	s25 =	sshra.s32 s29, $0x2;
	[sflag:s14] =	ssyncset.done $0x0  }
0x58: {  	s26 =	sadd.s32 $0x80, s25;
	[sflag:s14] =	ssyncadd.s32 $0xFFFFC000  }
0x59: {  	[tilespmem:s18], [sflag:$0x2] =	stream.indirect.gather [hbm4b:s4+s16], $0x80, s26, s16, $0xb8;
	[tilespmem:$0x1E800] =	vst v63  }
0x5a: {  	_ =	swait.ge [sflag:s19], $0x4000  }
0x5b: {  	[sflag:s19] =	ssyncset.done $0x0  }
0x5c: {  	s29 =	sadd.s32 $0x1400, s25;
	[sflag:s19] =	ssyncadd.s32 $0xFFFFC000  }
0x5d: {  	[spmem:s1] =	stream.indirect.scatter.add.f32 [tilespmem:s17], [sflag:$0x3], $0x80, s29, s16, $0xb8;
	[tilespmem:$0x1E800] =	vst v63  }
0x5e: {  	_ =	swait.ge [sflag:s14], $0x4000  }
0x5f: {  	[sflag:s14] =	ssyncset.done $0x0  }
0x60: {  	s30 =	sadd.s32 $0x100, s25;
	[sflag:s14] =	ssyncadd.s32 $0xFFFFC000  }
0x61: {  	[tilespmem:s17], [sflag:$0x1] =	stream.indirect.gather [hbm4b:s4+s16], $0x80, s30, s16, $0xb8;
	[tilespmem:$0x1E800] =	vst v63  }
0x62: {  	_ =	swait.ge [sflag:s20], $0x4000  }
0x63: {  	[sflag:s20] =	ssyncset.done $0x0  }
0x64: {  	s31 =	sadd.s32 $0x1480, s25;
	[sflag:s20] =	ssyncadd.s32 $0xFFFFC000  }
0x65: {  	[spmem:s1] =	stream.indirect.scatter.add.f32 [tilespmem:s18], [sflag:$0x3], $0x80, s31, s16, $0xb8;
	[tilespmem:$0x1E800] =	vst v63  }
0x66: {  	_ =	swait.ge [sflag:s14], $0x4000  }
0x67: {  	[sflag:s14] =	ssyncset.done $0x0  }
0x68: {  	[sflag:s14] =	ssyncadd.s32 $0xFFFFC000  }
0x69: {  	[tilespmem:s18], [sflag:$0x2] =	stream.indirect.gather [hbm4b:s4+s16], $0x80, s21, s16, $0xb8;
	[tilespmem:$0x1E800] =	vst v63  }
0x6a: {  	_ =	swait.ge [sflag:s19], $0x4000  }
0x6b: {  	[sflag:s19] =	ssyncset.done $0x0  }
0x6c: {  	[sflag:s19] =	ssyncadd.s32 $0xFFFFC000  }
0x6d: {  	[spmem:s1] =	stream.indirect.scatter.add.f32 [tilespmem:s17], [sflag:$0x3], $0x80, s22, s16, $0xb8;
	[tilespmem:$0x1E800] =	vst v63  }
0x6e: {  	_ =	swait.ge [sflag:s14], $0x4000  }
0x6f: {  	[sflag:s14] =	ssyncset.done $0x0  }
0x70: {  	[sflag:s14] =	ssyncadd.s32 $0xFFFFC000  }
0x71: {  	_ =	swait.ge [sflag:s20], $0x4000  }
0x72: {  	[sflag:s20] =	ssyncset.done $0x0  }
0x73: {  	[sflag:s20] =	ssyncadd.s32 $0xFFFFC000  }
0x74: {  	[spmem:s1] =	stream.indirect.scatter.add.f32 [tilespmem:s18], [sflag:$0x3], $0x80, s23, s16, $0xb8;
	[tilespmem:$0x1E800] =	vst v63  }
0x75: {  	_ =	swait.ge [sflag:s14], $0x4000  }
0x76: {  	[sflag:s14] =	ssyncset.done $0x0  }
0x77: {  	[sflag:s14] =	ssyncadd.s32 $0xFFFFC000  }
0x78: {  	[tilespmem:s3], [sflag:$0x3] =	stream.linear.gather [hbm4b:s9+s3], $0x1400, $0x38;
	[tilespmem:$0x1E800] =	vst v63  }
0x79: {  	_ =	swait.ge [sflag:s14], $0x1400  }
0x7a: {  	[sflag:s14] =	ssyncset.done $0x0  }
0x7b: {  	[sflag:s14] =	ssyncadd.s32 $0xFFFFEC00  }
0x7c: {  	[tilespmem:s15], [sflag:$0x3] =	stream.linear.gather [hbm4b:s10+s3], $0x1400, $0x38;
	[tilespmem:$0x1E800] =	vst v63  }
0x7d: {  	_ =	swait.ge [sflag:s14], $0x1400  }
0x7e: {  	[sflag:s14] =	ssyncset.done $0x0  }
0x7f: {  	s25 =	simm.s32 $0x70;
	[sflag:s14] =	ssyncadd.s32 $0xFFFFEC00  }
0x80: {  	v3 =	vld [tilespmem:s25+$0xFFFFFF90]  }
0x81: {  	v5 =	vld [tilespmem:s25+$0xFFFFFFA0]  }
0x82: {  	v4 =	vld [tilespmem:s25+$0xFFFFFFB0]  }
0x83: {  	v2 =	vld [tilespmem:s25+$0xFFFFFFC0]  }
0x84: {  	v1 =	vld [tilespmem:s25+$0xFFFFFFD0]  }
0x85: {  	s26 =	simm.s32 $0x3C0;
	v6 =	vadd.s32 v0, v3;
	v3 =	vld [tilespmem:s25+$0xFFFFFFE0]  }
.LBB2_6:
0x86: {  	p0 =	sne.s32 s26, $0x4FC0;
	[tilespmem:s25+$0xFFFFFF90] =	vst v6;
	v5 =	vadd.s32 v0, v5;
	v6 =	vld [tilespmem:s25+$0x0]  }
0x87: {  	s28 =	sshra.s32 s26, $0x2;
	[tilespmem:s25+$0xFFFFFFA0] =	vst v5;
	v4 =	vadd.s32 v0, v4;
	v7 =	vld [tilespmem:s25+$0xFFFFFFF0]  }
0x88: {  	v8 =	vld [tilespmem:s28+$0xFFFFFF90];
	[tilespmem:s25+$0xFFFFFFB0] =	vst v4;
	v2 =	vadd.s32 v0, v2  }
.Ltmp2:
0x89: {  	v5 =	vld [tilespmem:s28+$0xFFFFFFA0];
	[tilespmem:s25+$0xFFFFFFC0] =	vst v2;
	v1 =	vadd.s32 v0, v1;
	(pc) =	sbr.rel @p0 .LBB2_6-.Ltmp2, $4  }
0x8a: {  	v4 =	vld [tilespmem:s28+$0xFFFFFFB0];
	[tilespmem:s25+$0xFFFFFFD0] =	vst v1;
	v1 =	vadd.s32 v0, v3  }
0x8b: {  	v2 =	vld [tilespmem:s28+$0xFFFFFFC0];
	[tilespmem:s25+$0xFFFFFFE0] =	vst v1;
	v3 =	vadd.s32 v0, v6  }
0x8c: {  	v1 =	vld [tilespmem:s28+$0xFFFFFFD0];
	v7 =	vadd.s32 v0, v7;
	[tilespmem:s25+$0x0] =	vst v3  }
0x8d: {  	s26 =	sadd.s32 $0x200, s26;
	v6 =	vadd.s32 v0, v8;
	v3 =	vld [tilespmem:s28+$0xFFFFFFE0];
	[tilespmem:s25+$0xFFFFFFF0] =	vst v7;
	s25 =	smov.u32 s28  }
0x8e: {  	[tilespmem:s25+$0xFFFFFF90] =	vst v6;
	v5 =	vadd.s32 v0, v5;
	v62 =	vld [tilespmem:s25+$0x0]  }
0x8f: {  	v63 =	vld [tilespmem:s25+$0xFFFFFFF0];
	[tilespmem:s25+$0xFFFFFFA0] =	vst v5;
	v4 =	vadd.s32 v0, v4  }
0x90: {  	[tilespmem:s25+$0xFFFFFFB0] =	vst v4;
	v2 =	vadd.s32 v0, v2  }
0x91: {  	[tilespmem:s25+$0xFFFFFFC0] =	vst v2;
	v1 =	vadd.s32 v0, v1  }
0x92: {  	[tilespmem:s25+$0xFFFFFFD0] =	vst v1;
	v1 =	vadd.s32 v0, v3  }
0x93: {  	[tilespmem:s25+$0xFFFFFFE0] =	vst v1;
	v1 =	vadd.s32 v0, v62  }
0x94: {  	v2 =	vadd.s32 v0, v63;
	[tilespmem:s25+$0x0] =	vst v1  }
0x95: {  	s26 =	simm.s32 $0x0;
	[tilespmem:s25+$0xFFFFFFF0] =	vst v2  }
0x96: {  	[tilespmem:s17], [sflag:$0x1] =	stream.indirect.gather [hbm4b:s4+s16], $0x80, s26, s16, $0xb8;
	[tilespmem:$0x1E800] =	vst v63  }
0x97: {  	s28 =	simm.s32 $0x80  }
0x98: {  	[tilespmem:s18], [sflag:$0x2] =	stream.indirect.gather [hbm4b:s4+s16], $0x80, s28, s16, $0xb8;
	[tilespmem:$0x1E800] =	vst v63  }
0x99: {  	_ =	swait.ge [sflag:s19], $0x4000  }
0x9a: {  	[sflag:s19] =	ssyncset.done $0x0  }
0x9b: {  	s29 =	simm.s32 $0x1400;
	[sflag:s19] =	ssyncadd.s32 $0xFFFFC000  }
0x9c: {  	[spmem:s1] =	stream.indirect.scatter.add.f32 [tilespmem:s17], [sflag:$0x3], $0x80, s29, s16, $0xb8;
	[tilespmem:$0x1E800] =	vst v63  }
0x9d: {  	_ =	swait.ge [sflag:s14], $0x4000  }
0x9e: {  	[sflag:s14] =	ssyncset.done $0x0  }
0x9f: {  	s30 =	simm.s32 $0x100;
	[sflag:s14] =	ssyncadd.s32 $0xFFFFC000  }
0xa0: {  	[tilespmem:s17], [sflag:$0x1] =	stream.indirect.gather [hbm4b:s4+s16], $0x80, s30, s16, $0xb8;
	[tilespmem:$0x1E800] =	vst v63  }
0xa1: {  	_ =	swait.ge [sflag:s20], $0x4000  }
0xa2: {  	[sflag:s20] =	ssyncset.done $0x0  }
0xa3: {  	s31 =	simm.s32 $0x1480;
	[sflag:s20] =	ssyncadd.s32 $0xFFFFC000  }
0xa4: {  	[spmem:s1] =	stream.indirect.scatter.add.f32 [tilespmem:s18], [sflag:$0x3], $0x80, s31, s16, $0xb8;
	[tilespmem:$0x1E800] =	vst v63  }
0xa5: {  	_ =	swait.ge [sflag:s14], $0x4000  }
0xa6: {  	s25 =	simm.s32 $0x100;
	s26 =	simm.s32 $0x800;
	[sflag:s14] =	ssyncset.done $0x0  }
.LBB2_8:
0xa7: {  	s28 =	sadd.s32 $0x80, s25  }
0xa8: {  	[sflag:s14] =	ssyncadd.s32 $0xFFFFC000;
	s29 =	smov.u32 s26;
	s30 =	sadd.s32 $0x400, s26  }
0xa9: {  	[tilespmem:s18], [sflag:$0x2] =	stream.indirect.gather [hbm4b:s4+s16], $0x80, s28, s16, $0xb8;
	[tilespmem:$0x1E800] =	vst v63  }
0xaa: {  	p0 =	sne.s32 s26, $0x4800;
	_ =	swait.ge [sflag:s19], $0x4000  }
0xab: {  	[sflag:s19] =	ssyncset.done $0x0  }
0xac: {  	s26 =	sadd.s32 $0x1400, s25;
	[sflag:s19] =	ssyncadd.s32 $0xFFFFC000  }
0xad: {  	[spmem:s1] =	stream.indirect.scatter.add.f32 [tilespmem:s17], [sflag:$0x3], $0x80, s26, s16, $0xb8;
	[tilespmem:$0x1E800] =	vst v63  }
0xae: {  	_ =	swait.ge [sflag:s14], $0x4000  }
0xaf: {  	[sflag:s14] =	ssyncset.done $0x0  }
0xb0: {  	s26 =	sadd.s32 $0x100, s25;
	[sflag:s14] =	ssyncadd.s32 $0xFFFFC000  }
0xb1: {  	[tilespmem:s17], [sflag:$0x1] =	stream.indirect.gather [hbm4b:s4+s16], $0x80, s26, s16, $0xb8;
	[tilespmem:$0x1E800] =	vst v63  }
0xb2: {  	_ =	swait.ge [sflag:s20], $0x4000  }
.Ltmp3:
0xb3: {  	[sflag:s20] =	ssyncset.done $0x0;
	(pc) =	sbr.rel @p0 .LBB2_8-.Ltmp3, $4  }
0xb4: {  	s25 =	sadd.s32 $0x1480, s25;
	[sflag:s20] =	ssyncadd.s32 $0xFFFFC000  }
0xb5: {  	[spmem:s1] =	stream.indirect.scatter.add.f32 [tilespmem:s18], [sflag:$0x3], $0x80, s25, s16, $0xb8;
	[tilespmem:$0x1E800] =	vst v63  }
0xb6: {  	_ =	swait.ge [sflag:s14], $0x4000  }
0xb7: {  	s26 =	smov.u32 s30;
	s25 =	sshra.s32 s29, $0x2;
	[sflag:s14] =	ssyncset.done $0x0  }
0xb8: {  	s26 =	sadd.s32 $0x80, s25;
	[sflag:s14] =	ssyncadd.s32 $0xFFFFC000  }
0xb9: {  	[tilespmem:s18], [sflag:$0x2] =	stream.indirect.gather [hbm4b:s4+s16], $0x80, s26, s16, $0xb8;
	[tilespmem:$0x1E800] =	vst v63  }
0xba: {  	_ =	swait.ge [sflag:s19], $0x4000  }
0xbb: {  	[sflag:s19] =	ssyncset.done $0x0  }
0xbc: {  	s29 =	sadd.s32 $0x1400, s25;
	[sflag:s19] =	ssyncadd.s32 $0xFFFFC000  }
0xbd: {  	[spmem:s1] =	stream.indirect.scatter.add.f32 [tilespmem:s17], [sflag:$0x3], $0x80, s29, s16, $0xb8;
	[tilespmem:$0x1E800] =	vst v63  }
0xbe: {  	_ =	swait.ge [sflag:s14], $0x4000  }
0xbf: {  	[sflag:s14] =	ssyncset.done $0x0  }
0xc0: {  	s30 =	sadd.s32 $0x100, s25;
	[sflag:s14] =	ssyncadd.s32 $0xFFFFC000  }
0xc1: {  	[tilespmem:s17], [sflag:$0x1] =	stream.indirect.gather [hbm4b:s4+s16], $0x80, s30, s16, $0xb8;
	[tilespmem:$0x1E800] =	vst v63  }
0xc2: {  	_ =	swait.ge [sflag:s20], $0x4000  }
0xc3: {  	[sflag:s20] =	ssyncset.done $0x0  }
0xc4: {  	s31 =	sadd.s32 $0x1480, s25;
	[sflag:s20] =	ssyncadd.s32 $0xFFFFC000  }
0xc5: {  	[spmem:s1] =	stream.indirect.scatter.add.f32 [tilespmem:s18], [sflag:$0x3], $0x80, s31, s16, $0xb8;
	[tilespmem:$0x1E800] =	vst v63  }
0xc6: {  	_ =	swait.ge [sflag:s14], $0x4000  }
0xc7: {  	[sflag:s14] =	ssyncset.done $0x0  }
0xc8: {  	[sflag:s14] =	ssyncadd.s32 $0xFFFFC000  }
0xc9: {  	[tilespmem:s18], [sflag:$0x2] =	stream.indirect.gather [hbm4b:s4+s16], $0x80, s21, s16, $0xb8;
	[tilespmem:$0x1E800] =	vst v63  }
0xca: {  	_ =	swait.ge [sflag:s19], $0x4000  }
0xcb: {  	[sflag:s19] =	ssyncset.done $0x0  }
0xcc: {  	[sflag:s19] =	ssyncadd.s32 $0xFFFFC000  }
0xcd: {  	[spmem:s1] =	stream.indirect.scatter.add.f32 [tilespmem:s17], [sflag:$0x3], $0x80, s22, s16, $0xb8;
	[tilespmem:$0x1E800] =	vst v63  }
0xce: {  	_ =	swait.ge [sflag:s14], $0x4000  }
0xcf: {  	[sflag:s14] =	ssyncset.done $0x0  }
0xd0: {  	[sflag:s14] =	ssyncadd.s32 $0xFFFFC000  }
0xd1: {  	_ =	swait.ge [sflag:s20], $0x4000  }
0xd2: {  	[sflag:s20] =	ssyncset.done $0x0  }
0xd3: {  	[sflag:s20] =	ssyncadd.s32 $0xFFFFC000  }
0xd4: {  	[spmem:s1] =	stream.indirect.scatter.add.f32 [tilespmem:s18], [sflag:$0x3], $0x80, s23, s16, $0xb8;
	[tilespmem:$0x1E800] =	vst v63  }
0xd5: {  	_ =	swait.ge [sflag:s14], $0x4000  }
0xd6: {  	s24 =	sadd.s32 $0x1, s24;
	[sflag:s14] =	ssyncset.done $0x0  }
0xd7: {  	p0 =	sne.s32 s24, s12;
	[sflag:s14] =	ssyncadd.s32 $0xFFFFC000  }
.Ltmp4:
0xd8: {  	[bflag:$0x0] =	sbarrier.arrive $0xFFFF;
	(pc) =	sbr.rel @p0 .LBB2_1-.Ltmp4, $4  }
0xd9: {  	[hbm:s11], [sflag:s6] =	dma.local [spmem:s13], $0x2800  }
0xda: {  	_ =	swait.ge [sflag:s14], $0x2800  }
0xdb: {  	[sflag:s14] =	ssyncset.done $0x0  }
0xdc: {  	[sflag:s14] =	ssyncadd.s32 $0xFFFFD800  }
0xdd: {  	_ =	sfence.sel $0x180000  }
0xde: {  	[bflag:$0x0] =	sbarrier.arrive $0xFFFF  }
0xdf: {  	p0 =	sne.s32 s2, $0x0;
	_ =	strace $0x9000004A  }
0xe0: {  	s0 =	sadd.s32 @!p0 $0x100000, s0;
	[bflag:$0x2] =	sbarrier.arrive $0xFFFF  }
0xe1: {  	[sflag:s0] =	ssyncadd.tile.s32 @!p0 $0x1;
	_ =	shalt  }
.Lfunc_end2:
_tile_overlayer_lowered:
.L_overlay_start_2:
0xe2: {  	(tag) =	ssettag $0x2  }
0xe3: {  	s0 =	rddreg [dreg:$0x0];
	s2 =	stileid.u32  }
0xe4: {  	s1 =	rddreg [dreg:$0x1];
	p0 =	sne.s32 s2, $0x0  }
0xe5: {  	s3 =	rddreg [dreg:$0x2];
	[bflag:$0x3] =	sbarrier.arrive $0xFFFF;
	s2 =	simm.s32 @!p0 $0x1C03  }
0xe6: {  	[timem:s3], [sflag:s2] =	dma.local @!p0 [hbm:s0], s1  }
0xe7: {  	s0 =	simm.s32 @!p0 $0x3  }
0xe8: {  	_ =	swait.ge @!p0 [sflag:s0], s1  }
0xe9: {  	s1 =	ssub.s32 @!p0 $0x0, s1;
	[sflag:s0] =	ssyncset.done @!p0 $0x0  }
0xea: {  	[sflag:s0] =	ssyncadd.s32 @!p0 s1  }
0xeb: {  	[bflag:$0x3] =	sbarrier.arrive $0xFFFF  }
0xec: {  	_ =	shalt  }

// kernel: kernel.16.cloned.1.call-start
scs
__scs_entry_jumppad:
0x0: {  	(pc) =	sbr.rel $0x88, $3  }
0x1: {  	(tag) =	ssettag $0x0;
	lr =	simm.s32 $0x1  }
0x2: {  	[smem:$0x3F99] =	sst lr;
	_ =	strace $0xD0000000  }
0x3: {  	_ = 	snop  }
0x4: {  	_ = 	snop  }
0x5: {  	_ = 	snop  }
0x6: {  	_ = 	snop  }
0x7: {  	_ = 	snop  }
__scs_overlays_trampoline_lowered:
0x8: {  	[smem:$0x3FA8] =	sst s0  }
0x9: {  	[smem:$0x3FA9] =	sst s1  }
0xa: {  	[smem:$0x3FAA] =	sst s2  }
0xb: {  	[smem:$0x3FAB] =	sst s3  }
0xc: {  	[smem:$0x3FAC] =	sst s4  }
0xd: {  	[smem:$0x3FAD] =	sst s5  }
0xe: {  	[smem:$0x3FAE] =	sst s6  }
0xf: {  	[smem:$0x3FAF] =	sst s7  }
0x10: {  	[smem:$0x3FB0] =	sst s8  }
0x11: {  	[smem:$0x3FB1] =	sst s9;
	s0 =	simm.s32 @!p0 $0x0  }
0x12: {  	s1 =	sld [smem:$0x3F97];
	s0 =	simm.s32 @p0 $0x1  }
0x13: {  	[smem:$0x3FB2] =	sst s0;
	s0 =	simm.s32 @!p1 $0x0  }
0x14: {  	s2 =	sld [smem:$0x3F96];
	s0 =	simm.s32 @p1 $0x1  }
0x15: {  	[smem:$0x3FB3] =	sst s0;
	s0 =	simm.s32 @!p2 $0x0  }
0x16: {  	s3 =	sld [smem:$0x3FDB];
	s0 =	simm.s32 @p2 $0x1  }
0x17: {  	s4 =	simm.s32 $0x1BF5;
	[smem:$0x3FB5] =	sst s0  }
0x18: {  	s0 =	sld [smem:$0x3F98];
	_ =	swait.ge [sflag:s4], $0x0  }
0x19: {  	s7 =	sld [smem:$0x3F99]  }
0x1a: {  	s8 =	sadd.s32 $0xFFFFE003, lr  }
0x1b: {  	s9 =	sadd.s32 $0xFFFFFEF7, lr;
	s5 =	simm.s32 $0xFFFFFFFF;
	p2 =	slt.u32 s8, $0xFFFFF086  }
0x1c: {  	p1 =	slt.u32 s9, $0xF7A;
	s5 =	simm.s32 @!p2 $0x0  }
0x1d: {  	s5 =	simm.s32 @p1 $0x1;
	p0 =	seq.s32 s7, s2  }
0x1e: {  	s7 =	smul.u32 @!p0 $0xF7A, s2;
	p2 =	seq.s32 @!p0 s5, $0x0  }
0x1f: {  	s9 =	smul.u32 $0xF7A, s1;
	s8 =	simm.s32 @!p0 $0x1BF5;
	p2 =	por !p2, p0  }
0x20: {  	[sflag:s8] =	ssyncset.s32 @!p0 $0xFFFFF086;
	s6 =	sadd.s32 @!p0 s3, s7;
	s7 =	simm.s32 @!p0 $0x108  }
0x21: {  	s3 =	sadd.s32 s3, s9;
	s6 =	sadd.s32 @!p0 $0x88, s6;
	s7 =	simm.s32 @p2 $0x1082  }
0x22: {  	[simem:s7], [sflag:s8] =	dma.local @!p0 [hbm:s6], $0xF7A  }
0x23: {  	s9 =	sor.u32 $0xD0000000, s2;
	s6 =	simm.s32 $0x108;
	_ =	swait.ge @!p0 [sflag:s8], $0x0  }
0x24: {  	s3 =	sadd.s32 $0x88, s3;
	s6 =	simm.s32 @!p1 $0x1082;
	[sflag:s4] =	ssyncset.s32 $0xFFFFF086  }
0x25: {  	[simem:s6], [sflag:s4] =	dma.local [hbm:s3], $0xF7A  }
0x26: {  	[smem:$0x3F99] =	sst s1;
	(tag) =	ssettag s2;
	_ =	strace s9  }
0x27: {  	s1 =	sld [smem:$0x3FA9]  }
0x28: {  	s2 =	sld [smem:$0x3FAA]  }
0x29: {  	s4 =	sld [smem:$0x3FAC]  }
0x2a: {  	p0 =	seq.s32 s5, $0x0;
	s5 =	sld [smem:$0x3FAD]  }
0x2b: {  	s6 =	sld [smem:$0x3FAE]  }
0x2c: {  	s7 =	sld [smem:$0x3FAF]  }
0x2d: {  	s3 =	simm.s32 $0x108;
	s8 =	sld [smem:$0x3FB0]  }
0x2e: {  	s3 =	simm.s32 @!p0 $0x1082;
	s9 =	sld [smem:$0x3FB1]  }
0x2f: {  	lr =	sadd.s32 s0, s3;
	s0 =	sld [smem:$0x3FA8]  }
0x30: {  	s3 =	sld [smem:$0x3FAB]  }
0x31: {  	[smem:$0x3FB4] =	sst s10  }
0x32: {  	s10 =	sld [smem:$0x3FB2];
	_ =	sdelay $0x3  }
0x33: {  	p0 =	seq.s32 s10, $0x1;
	s10 =	sld [smem:$0x3FB4];
	_ =	sdelay $0x3  }
0x34: {  	[smem:$0x3FB4] =	sst s10  }
0x35: {  	s10 =	sld [smem:$0x3FB3];
	_ =	sdelay $0x3  }
0x36: {  	p1 =	seq.s32 s10, $0x1;
	s10 =	sld [smem:$0x3FB4];
	_ =	sdelay $0x3  }
0x37: {  	[smem:$0x3FB4] =	sst s10  }
0x38: {  	s10 =	sld [smem:$0x3FB5]  }
0x39: {  	_ = 	snop;
	(pc) =	sbr.ind lr, $3  }
0x3a: {  	_ = 	snop  }
0x3b: {  	_ = 	snop  }
0x3c: {  	p2 =	seq.s32 s10, $0x1;
	s10 =	sld [smem:$0x3FB4]  }
0x3d: {  	_ =	shalt  }
0x3e: {  	_ =	shalt  }
0x3f: {  	_ =	shalt  }
0x40: {  	_ =	shalt  }
0x41: {  	_ =	shalt  }
0x42: {  	_ =	shalt  }
0x43: {  	_ =	shalt  }
0x44: {  	_ =	shalt  }
0x45: {  	_ =	shalt  }
0x46: {  	_ =	shalt  }
0x47: {  	_ =	shalt  }
0x48: {  	_ =	shalt  }
0x49: {  	_ =	shalt  }
0x4a: {  	_ =	shalt  }
0x4b: {  	_ =	shalt  }
0x4c: {  	_ =	shalt  }
0x4d: {  	_ =	shalt  }
0x4e: {  	_ =	shalt  }
0x4f: {  	_ =	shalt  }
0x50: {  	_ =	shalt  }
0x51: {  	_ =	shalt  }
0x52: {  	_ =	shalt  }
0x53: {  	_ =	shalt  }
0x54: {  	_ =	shalt  }
0x55: {  	_ =	shalt  }
0x56: {  	_ =	shalt  }
0x57: {  	_ =	shalt  }
0x58: {  	_ =	shalt  }
0x59: {  	_ =	shalt  }
0x5a: {  	_ =	shalt  }
0x5b: {  	_ =	shalt  }
0x5c: {  	_ =	shalt  }
0x5d: {  	_ =	shalt  }
0x5e: {  	_ =	shalt  }
0x5f: {  	_ =	shalt  }
0x60: {  	_ =	shalt  }
0x61: {  	_ =	shalt  }
0x62: {  	_ =	shalt  }
0x63: {  	_ =	shalt  }
0x64: {  	_ =	shalt  }
0x65: {  	_ =	shalt  }
0x66: {  	_ =	shalt  }
0x67: {  	_ =	shalt  }
0x68: {  	_ =	shalt  }
0x69: {  	_ =	shalt  }
0x6a: {  	_ =	shalt  }
0x6b: {  	_ =	shalt  }
0x6c: {  	_ =	shalt  }
0x6d: {  	_ =	shalt  }
0x6e: {  	_ =	shalt  }
0x6f: {  	_ =	shalt  }
0x70: {  	_ =	shalt  }
0x71: {  	_ =	shalt  }
0x72: {  	_ =	shalt  }
0x73: {  	_ =	shalt  }
0x74: {  	_ =	shalt  }
0x75: {  	_ =	shalt  }
0x76: {  	_ =	shalt  }
0x77: {  	_ =	shalt  }
0x78: {  	_ =	shalt  }
0x79: {  	_ =	shalt  }
0x7a: {  	_ =	shalt  }
0x7b: {  	_ =	shalt  }
0x7c: {  	_ =	shalt  }
0x7d: {  	_ =	shalt  }
0x7e: {  	_ =	shalt  }
0x7f: {  	_ =	shalt  }
0x80: {  	_ =	shalt  }
0x81: {  	_ =	shalt  }
0x82: {  	_ =	shalt  }
0x83: {  	_ =	shalt  }
0x84: {  	_ =	shalt  }
0x85: {  	_ =	shalt  }
0x86: {  	_ =	shalt  }
0x87: {  	_ =	shalt  }
.Lfunc_end0:
.L_simem_size_0:
called_computation.2_lowered:
.L_overlay_start_0:
0x88: {  	s2 =	sld [smem:$0x3FD9]  }
0x89: {  	s3 =	sld [smem:$0x3FFE];
	_ =	sdelay $0x1  }
0x8a: {  	s1 =	srdreg.scid  }
0x8b: {  	s0 =	sand.u32 $0x1, s1  }
0x8c: {  	s17 =	sshll.u32 s0, $0xA;
	s2 =	sadd.s32 s3, s2  }
0x8d: {  	s2 =	sadd.s32 s2, s17  }
0x8e: {  	[smem:$0x3FC0] =	sst s2  }
0x8f: {  	_ = 	snop  }
0x90: {  	s2 =	sld [smem:$0x3FD0];
	(tm) =	ssettm $0x1  }
0x91: {  	s18 =	sld [smem:$0x3FFB];
	_ =	sdelay $0x3  }
0x92: {  	_ =	strace s18  }
0x93: {  	s3 =	sld [smem:$0x3FFC];
	_ =	sdelay $0x3  }
0x94: {  	_ =	strace s3  }
0x95: {  	s3 =	sld [smem:$0x3FFD];
	_ =	sdelay $0x3  }
0x96: {  	_ =	strace s3  }
0x97: {  	_ =	strace $0x8FFFFFFF  }
0x98: {  	s19 =	sld [smem:$0x3FDB];
	_ =	sdelay $0x1  }
0x99: {  	s4 =	simm.s32 $_scs_section_size  }
0x9a: {  	s5 =	simm.s32 $_size__tile_overlayer_lowered;
	s6 =	simm.s32 $_tile_overlayer_lowered  }
0x9b: {  	s22 =	simm.s32 $0x1BFF;
	s21 =	sshll.u32 s6, $0x1;
	s3 =	sadd.s32 s4, s19  }
0x9c: {  	s7 =	simm.s32 $0x0;
	s20 =	sshll.u32 s5, $0x1;
	s5 =	sadd.s32 s21, s3  }
0x9d: {  	[timem:s7], [sflag:s22] =	dma.local [hbm:s5], s20  }
0x9e: {  	_ =	swait.ge [sflag:s22], s20  }
0x9f: {  	s4 =	ssub.s32 $0x0, s20;
	[sflag:s22] =	ssyncset.done $0x0  }
0xa0: {  	[sflag:s22] =	ssyncadd.s32 s4;
	_ =	sdelay $0x1  }
0xa1: {  	s23 =	simm.s32 $0x1B8B  }
0xa2: {  	_ =	swait.ge [sflag:s23], $0x1  }
0xa3: {  	[sflag:s23] =	ssyncset.done $0x0  }
0xa4: {  	s25 =	simm.s32 $0x1B8E;
	s24 =	sld [smem:$0x3FFE];
	[sflag:s23] =	ssyncadd.s32 $0xFFFFFFFF  }
0xa5: {  	s26 =	simm.s32 $execute0_lowered;
	[smem:$0x3FD2] =	sst s25  }
0xa6: {  	s5 =	sshll.u32 s26, $0x1;
	_ =	strace $0x8000004C;
	[dreg:$0x1] =	wrdreg $0xFFFFFFFF  }
0xa7: {  	s28 =	simm.s32 $_size_execute0_lowered;
	s3 =	sadd.s32 s3, s5;
	[dreg:$0x0] =	wrdreg $0x0  }
0xa8: {  	s5 =	sshll.u32 s28, $0x1;
	[dreg:$0x2] =	wrdreg s3  }
0xa9: {  	[dreg:$0x3] =	wrdreg s5  }
0xaa: {  	[dreg:$0x4] =	wrdreg $0xC0  }
0xab: {  	_ =	task [dreg:s7], $0x5FFFF  }
0xac: {  	[dreg:$0x1] =	wrdreg $0xFFFFFFFF  }
0xad: {  	[dreg:$0x0] =	wrdreg $0x60  }
0xae: {  	[dreg:$0x2] =	wrdreg s24  }
0xaf: {  	[dreg:$0x3] =	wrdreg s2  }
0xb0: {  	[dreg:$0x4] =	wrdreg $0xA8000  }
0xb1: {  	[dreg:$0x5] =	wrdreg $0x9  }
0xb2: {  	_ =	task.clear_ibuf [dreg:s7], $0x6FFFF;
	_ =	strace $0x9000004C  }
0xb3: {  	s29 =	simm.s32 $0x9;
	_ =	strace $0x8000004E  }
0xb4: {  	_ =	swait.ge [sflag:s29], $0x1  }
0xb5: {  	[sflag:s29] =	ssyncadd.s32 $0xFFFFFFFF  }
0xb6: {  	_ =	strace $0x9000004E  }
0xb7: {  	_ =	sfence  }
0xb8: {  	s30 =	sld [smem:$0x0];
	_ =	sdelay $0x2  }
0xb9: {  	s31 =	sshll.u32 s1, $0xD;
	s1 =	sshrl.u32 s1, $0x2  }
0xba: {  	s3 =	sand.u32 $0x4000, s31;
	s1 =	sadd.s32 s1, s30  }
0xbb: {  	s0 =	sor.u32 s3, s0;
	s1 =	sshll.u32 s1, $0x11  }
0xbc: {  	s0 =	sor.u32 s1, s0  }
0xbd: {  	s0 =	sadd.s32 $0x8F2B, s0  }
0xbe: {  	[sflag:s0] =	ssyncadd.remote.s32 $0x1  }
0xbf: {  	_ =	sfence.sel $0xFFFF  }
0xc0: {  	[dreg:$0x0] =	wrdreg $0xFFFFFFFF;
	(pc) =	sbr.abs _section_cstart, $3  }
0xc1: {  	[dreg:$0x1] =	wrdreg $0xFFFFFFFF  }
0xc2: {  	_ =	task.clear_ibuf [dreg:s7], $0x2FFFF;
	_ =	strace $0x9FFFFFFF  }
0xc3: {  	(tm) =	ssettm $0x7FFFFFFF  }
tec
execute0_lowered:
.L_overlay_start_1:
0x0: {  	(tag) =	ssettag $0x1  }
0x1: {  	s5 =	rddreg [dreg:$0x0]  }
0x2: {  	s9 =	rddreg [dreg:$0x1]  }
0x3: {  	s1 =	rddreg [dreg:$0x2];
	s2 =	simm.s32 $0x0  }
0x4: {  	s3 =	srdreg.scid;
	s18 =	simm.s32 $0x80;
	s19 =	simm.s32 $0x2800  }
0x5: {  	s20 =	simm.s32 $0x6800;
	s21 =	simm.s32 $0x1;
	s22 =	simm.s32 $0x2  }
0x6: {  	s23 =	simm.s32 $0x1380;
	[smem:$0x7FF] =	sst s2;
	s6 =	sand.u32 $0x1, s3  }
0x7: {  	s3 =	stileid.u32;
	s4 =	sadd.s32 $0x7C00, s5;
	s24 =	smul.u32 $0x2800, s6  }
0x8: {  	s10 =	sadd.s32 $0x2C00, s5;
	s13 =	sadd.s32 $0xA7C00, s5;
	s7 =	smul.u32 $0x50000, s3  }
0x9: {  	_ =	strace $0x8000004D;
	s6 =	ssub.s32 $0x2, s6;
	s11 =	smul.u32 $0x280, s3  }
0xa: {  	s28 =	smul.u32 $0x2800, s3;
	s29 =	sshll.u32 s3, $0x6;
	s8 =	sshrl.u32 s6, $0x1  }
0xb: {  	s30 =	smul.u32 $0x500, s3;
	s14 =	ssub.s32 s6, s8;
	s25 =	sshrl.u32 s7, $0x2  }
0xc: {  	s26 =	sadd.s32 s11, s24;
	s6 =	sor.u32 $0x1C03, s29;
	s16 =	sshrl.u32 s28, $0x3  }
0xd: {  	s7 =	sadd.s32 s9, s30;
	s8 =	sadd.s32 s10, s30;
	s15 =	sadd.s32 s25, s1  }
0xe: {  	s12 =	sshll.u32 s26, $0x4;
	s16 =	sadd.s32 $0x280, s16;
	s25 =	sadd.s32 $0x5000, s24  }
0xf: {  	v0 =	vmov s24;
	s14 =	smax.u32 s14, $0x1;
	s24 =	simm.s32 $0x2700;
	s26 =	simm.s32 $0x0  }
0x10: {  	s5 =	sadd.s32 s4, s12;
	s9 =	sadd.s32 s9, s16;
	s17 =	sadd.s32 s11, s25  }
0x11: {  	s10 =	sadd.s32 s10, s16;
	s11 =	sadd.s32 s13, s12;
	s15 =	sshrl.u32 s15, $0x3  }
0x12: {  	s16 =	simm.s32 $0x3;
	v1 =	vmov s25;
	s25 =	simm.s32 $0x2780;
	s31 =	sshll.u32 s17, $0x4  }
0x13: {  	s17 =	simm.s32 $0x1400;
	s12 =	sadd.s32 s4, s31;
	s13 =	sadd.s32 s13, s31  }
.LBB2_1:
0x14: {  	[spmem:s15], [sflag:s6] =	dma.local [hbm:s5], $0x2800  }
0x15: {  	_ =	swait.ge [sflag:s16], $0x2800  }
0x16: {  	[sflag:s16] =	ssyncset.done $0x0  }
0x17: {  	[sflag:s16] =	ssyncadd.s32 $0xFFFFD800  }
0x18: {  	[bflag:$0x0] =	sbarrier.arrive $0xFFFF  }
0x19: {  	[tilespmem:s2], [sflag:$0x3] =	stream.linear.gather [hbm4b:s7+s2], $0x1400, $0x38;
	[tilespmem:$0x1E800] =	vst v63  }
0x1a: {  	_ =	swait.ge [sflag:s16], $0x1400  }
0x1b: {  	[sflag:s16] =	ssyncset.done $0x0  }
0x1c: {  	[sflag:s16] =	ssyncadd.s32 $0xFFFFEC00  }
0x1d: {  	[tilespmem:s17], [sflag:$0x3] =	stream.linear.gather [hbm4b:s8+s2], $0x1400, $0x38;
	[tilespmem:$0x1E800] =	vst v63  }
0x1e: {  	_ =	swait.ge [sflag:s16], $0x1400  }
0x1f: {  	[sflag:s16] =	ssyncset.done $0x0  }
0x20: {  	s28 =	simm.s32 $0x70;
	[sflag:s16] =	ssyncadd.s32 $0xFFFFEC00  }
0x21: {  	v4 =	vld [tilespmem:s28+$0xFFFFFF90]  }
0x22: {  	v6 =	vld [tilespmem:s28+$0xFFFFFFA0]  }
0x23: {  	v5 =	vld [tilespmem:s28+$0xFFFFFFB0]  }
0x24: {  	v3 =	vld [tilespmem:s28+$0xFFFFFFC0]  }
0x25: {  	v2 =	vld [tilespmem:s28+$0xFFFFFFD0]  }
0x26: {  	s29 =	simm.s32 $0x3C0;
	v7 =	vadd.s32 v0, v4;
	v4 =	vld [tilespmem:s28+$0xFFFFFFE0]  }
.LBB2_2:
0x27: {  	p0 =	sne.s32 s29, $0x4FC0;
	[tilespmem:s28+$0xFFFFFF90] =	vst v7;
	v6 =	vadd.s32 v0, v6;
	v7 =	vld [tilespmem:s28+$0x0]  }
0x28: {  	s30 =	sshra.s32 s29, $0x2;
	[tilespmem:s28+$0xFFFFFFA0] =	vst v6;
	v5 =	vadd.s32 v0, v5;
	v8 =	vld [tilespmem:s28+$0xFFFFFFF0]  }
0x29: {  	v9 =	vld [tilespmem:s30+$0xFFFFFF90];
	[tilespmem:s28+$0xFFFFFFB0] =	vst v5;
	v3 =	vadd.s32 v0, v3  }
.Ltmp0:
0x2a: {  	v6 =	vld [tilespmem:s30+$0xFFFFFFA0];
	[tilespmem:s28+$0xFFFFFFC0] =	vst v3;
	v2 =	vadd.s32 v0, v2;
	(pc) =	sbr.rel @p0 .LBB2_2-.Ltmp0, $4  }
0x2b: {  	v5 =	vld [tilespmem:s30+$0xFFFFFFB0];
	[tilespmem:s28+$0xFFFFFFD0] =	vst v2;
	v2 =	vadd.s32 v0, v4  }
0x2c: {  	v3 =	vld [tilespmem:s30+$0xFFFFFFC0];
	[tilespmem:s28+$0xFFFFFFE0] =	vst v2;
	v4 =	vadd.s32 v0, v7  }
0x2d: {  	v2 =	vld [tilespmem:s30+$0xFFFFFFD0];
	v8 =	vadd.s32 v0, v8;
	[tilespmem:s28+$0x0] =	vst v4  }
0x2e: {  	s29 =	sadd.s32 $0x200, s29;
	v7 =	vadd.s32 v0, v9;
	v4 =	vld [tilespmem:s30+$0xFFFFFFE0];
	[tilespmem:s28+$0xFFFFFFF0] =	vst v8;
	s28 =	smov.u32 s30  }
0x2f: {  	[tilespmem:s28+$0xFFFFFF90] =	vst v7;
	v6 =	vadd.s32 v0, v6;
	v62 =	vld [tilespmem:s28+$0x0]  }
0x30: {  	v63 =	vld [tilespmem:s28+$0xFFFFFFF0];
	[tilespmem:s28+$0xFFFFFFA0] =	vst v6;
	v5 =	vadd.s32 v0, v5  }
0x31: {  	[tilespmem:s28+$0xFFFFFFB0] =	vst v5;
	v3 =	vadd.s32 v0, v3  }
0x32: {  	[tilespmem:s28+$0xFFFFFFC0] =	vst v3;
	v2 =	vadd.s32 v0, v2  }
0x33: {  	[tilespmem:s28+$0xFFFFFFD0] =	vst v2;
	v2 =	vadd.s32 v0, v4  }
0x34: {  	[tilespmem:s28+$0xFFFFFFE0] =	vst v2;
	v2 =	vadd.s32 v0, v62  }
0x35: {  	v3 =	vadd.s32 v0, v63;
	[tilespmem:s28+$0x0] =	vst v2  }
0x36: {  	[tilespmem:s28+$0xFFFFFFF0] =	vst v3;
	s28 =	simm.s32 $0x0  }
0x37: {  	[tilespmem:s19], [sflag:$0x1] =	stream.indirect.gather [hbm4b:s4+s18], $0x80, s28, s18, $0xb8;
	[tilespmem:$0x1E800] =	vst v63  }
0x38: {  	s28 =	simm.s32 $0x80  }
0x39: {  	[tilespmem:s20], [sflag:$0x2] =	stream.indirect.gather [hbm4b:s4+s18], $0x80, s28, s18, $0xb8;
	[tilespmem:$0x1E800] =	vst v63  }
0x3a: {  	_ =	swait.ge [sflag:s21], $0x4000  }
0x3b: {  	[sflag:s21] =	ssyncset.done $0x0  }
0x3c: {  	s28 =	simm.s32 $0x1400;
	[sflag:s21] =	ssyncadd.s32 $0xFFFFC000  }
0x3d: {  	[spmem:s1] =	stream.indirect.scatter.add.f32 [tilespmem:s19], [sflag:$0x3], $0x80, s28, s18, $0xb8;
	[tilespmem:$0x1E800] =	vst v63  }
0x3e: {  	_ =	swait.ge [sflag:s16], $0x4000  }
0x3f: {  	[sflag:s16] =	ssyncset.done $0x0  }
0x40: {  	s28 =	simm.s32 $0x100;
	[sflag:s16] =	ssyncadd.s32 $0xFFFFC000  }
0x41: {  	[tilespmem:s19], [sflag:$0x1] =	stream.indirect.gather [hbm4b:s4+s18], $0x80, s28, s18, $0xb8;
	[tilespmem:$0x1E800] =	vst v63  }
0x42: {  	_ =	swait.ge [sflag:s22], $0x4000  }
0x43: {  	[sflag:s22] =	ssyncset.done $0x0  }
0x44: {  	s28 =	simm.s32 $0x1480;
	[sflag:s22] =	ssyncadd.s32 $0xFFFFC000  }
0x45: {  	[spmem:s1] =	stream.indirect.scatter.add.f32 [tilespmem:s20], [sflag:$0x3], $0x80, s28, s18, $0xb8;
	[tilespmem:$0x1E800] =	vst v63  }
0x46: {  	_ =	swait.ge [sflag:s16], $0x4000  }
0x47: {  	s29 =	simm.s32 $0x800;
	s28 =	simm.s32 $0x100;
	[sflag:s16] =	ssyncset.done $0x0  }
.LBB2_4:
0x48: {  	s30 =	sadd.s32 $0x80, s28  }
0x49: {  	[sflag:s16] =	ssyncadd.s32 $0xFFFFC000;
	s31 =	smov.u32 s29;
	s0 =	sadd.s32 $0x400, s29  }
0x4a: {  	[tilespmem:s20], [sflag:$0x2] =	stream.indirect.gather [hbm4b:s4+s18], $0x80, s30, s18, $0xb8;
	[tilespmem:$0x1E800] =	vst v63  }
0x4b: {  	p0 =	sne.s32 s29, $0x4800;
	_ =	swait.ge [sflag:s21], $0x4000  }
0x4c: {  	[sflag:s21] =	ssyncset.done $0x0  }
0x4d: {  	s29 =	sadd.s32 $0x1400, s28;
	[sflag:s21] =	ssyncadd.s32 $0xFFFFC000  }
0x4e: {  	[spmem:s1] =	stream.indirect.scatter.add.f32 [tilespmem:s19], [sflag:$0x3], $0x80, s29, s18, $0xb8;
	[tilespmem:$0x1E800] =	vst v63  }
0x4f: {  	_ =	swait.ge [sflag:s16], $0x4000  }
0x50: {  	[sflag:s16] =	ssyncset.done $0x0  }
0x51: {  	s29 =	sadd.s32 $0x100, s28;
	[sflag:s16] =	ssyncadd.s32 $0xFFFFC000  }
0x52: {  	[tilespmem:s19], [sflag:$0x1] =	stream.indirect.gather [hbm4b:s4+s18], $0x80, s29, s18, $0xb8;
	[tilespmem:$0x1E800] =	vst v63  }
0x53: {  	_ =	swait.ge [sflag:s22], $0x4000  }
.Ltmp1:
0x54: {  	[sflag:s22] =	ssyncset.done $0x0;
	(pc) =	sbr.rel @p0 .LBB2_4-.Ltmp1, $4  }
0x55: {  	s28 =	sadd.s32 $0x1480, s28;
	[sflag:s22] =	ssyncadd.s32 $0xFFFFC000  }
0x56: {  	[spmem:s1] =	stream.indirect.scatter.add.f32 [tilespmem:s20], [sflag:$0x3], $0x80, s28, s18, $0xb8;
	[tilespmem:$0x1E800] =	vst v63  }
0x57: {  	_ =	swait.ge [sflag:s16], $0x4000  }
0x58: {  	s29 =	smov.u32 s0;
	s28 =	sshra.s32 s31, $0x2;
	[sflag:s16] =	ssyncset.done $0x0  }
0x59: {  	s0 =	sadd.s32 $0x80, s28;
	[sflag:s16] =	ssyncadd.s32 $0xFFFFC000  }
0x5a: {  	[tilespmem:s20], [sflag:$0x2] =	stream.indirect.gather [hbm4b:s4+s18], $0x80, s0, s18, $0xb8;
	[tilespmem:$0x1E800] =	vst v63  }
0x5b: {  	_ =	swait.ge [sflag:s21], $0x4000  }
0x5c: {  	[sflag:s21] =	ssyncset.done $0x0  }
0x5d: {  	s31 =	sadd.s32 $0x1400, s28;
	[sflag:s21] =	ssyncadd.s32 $0xFFFFC000  }
0x5e: {  	[spmem:s1] =	stream.indirect.scatter.add.f32 [tilespmem:s19], [sflag:$0x3], $0x80, s31, s18, $0xb8;
	[tilespmem:$0x1E800] =	vst v63  }
0x5f: {  	_ =	swait.ge [sflag:s16], $0x4000  }
0x60: {  	[sflag:s16] =	ssyncset.done $0x0  }
0x61: {  	s30 =	sadd.s32 $0x100, s28;
	[sflag:s16] =	ssyncadd.s32 $0xFFFFC000  }
0x62: {  	[tilespmem:s19], [sflag:$0x1] =	stream.indirect.gather [hbm4b:s4+s18], $0x80, s30, s18, $0xb8;
	[tilespmem:$0x1E800] =	vst v63  }
0x63: {  	_ =	swait.ge [sflag:s22], $0x4000  }
0x64: {  	[sflag:s22] =	ssyncset.done $0x0  }
0x65: {  	s31 =	sadd.s32 $0x1480, s28;
	[sflag:s22] =	ssyncadd.s32 $0xFFFFC000  }
0x66: {  	[spmem:s1] =	stream.indirect.scatter.add.f32 [tilespmem:s20], [sflag:$0x3], $0x80, s31, s18, $0xb8;
	[tilespmem:$0x1E800] =	vst v63  }
0x67: {  	_ =	swait.ge [sflag:s16], $0x4000  }
0x68: {  	[sflag:s16] =	ssyncset.done $0x0  }
0x69: {  	[sflag:s16] =	ssyncadd.s32 $0xFFFFC000  }
0x6a: {  	[tilespmem:s20], [sflag:$0x2] =	stream.indirect.gather [hbm4b:s4+s18], $0x80, s23, s18, $0xb8;
	[tilespmem:$0x1E800] =	vst v63  }
0x6b: {  	_ =	swait.ge [sflag:s21], $0x4000  }
0x6c: {  	[sflag:s21] =	ssyncset.done $0x0  }
0x6d: {  	[sflag:s21] =	ssyncadd.s32 $0xFFFFC000  }
0x6e: {  	[spmem:s1] =	stream.indirect.scatter.add.f32 [tilespmem:s19], [sflag:$0x3], $0x80, s24, s18, $0xb8;
	[tilespmem:$0x1E800] =	vst v63  }
0x6f: {  	_ =	swait.ge [sflag:s16], $0x4000  }
0x70: {  	[sflag:s16] =	ssyncset.done $0x0  }
0x71: {  	[sflag:s16] =	ssyncadd.s32 $0xFFFFC000  }
0x72: {  	_ =	swait.ge [sflag:s22], $0x4000  }
0x73: {  	[sflag:s22] =	ssyncset.done $0x0  }
0x74: {  	[sflag:s22] =	ssyncadd.s32 $0xFFFFC000  }
0x75: {  	[spmem:s1] =	stream.indirect.scatter.add.f32 [tilespmem:s20], [sflag:$0x3], $0x80, s25, s18, $0xb8;
	[tilespmem:$0x1E800] =	vst v63  }
0x76: {  	_ =	swait.ge [sflag:s16], $0x4000  }
0x77: {  	[sflag:s16] =	ssyncset.done $0x0  }
0x78: {  	[sflag:s16] =	ssyncadd.s32 $0xFFFFC000  }
0x79: {  	[tilespmem:s2], [sflag:$0x3] =	stream.linear.gather [hbm4b:s9+s2], $0x1400, $0x38;
	[tilespmem:$0x1E800] =	vst v63  }
0x7a: {  	_ =	swait.ge [sflag:s16], $0x1400  }
0x7b: {  	[sflag:s16] =	ssyncset.done $0x0  }
0x7c: {  	[sflag:s16] =	ssyncadd.s32 $0xFFFFEC00  }
0x7d: {  	[tilespmem:s17], [sflag:$0x3] =	stream.linear.gather [hbm4b:s10+s2], $0x1400, $0x38;
	[tilespmem:$0x1E800] =	vst v63  }
0x7e: {  	_ =	swait.ge [sflag:s16], $0x1400  }
0x7f: {  	[sflag:s16] =	ssyncset.done $0x0  }
0x80: {  	s28 =	simm.s32 $0x70;
	[sflag:s16] =	ssyncadd.s32 $0xFFFFEC00  }
0x81: {  	v4 =	vld [tilespmem:s28+$0xFFFFFF90]  }
0x82: {  	v6 =	vld [tilespmem:s28+$0xFFFFFFA0]  }
0x83: {  	v5 =	vld [tilespmem:s28+$0xFFFFFFB0]  }
0x84: {  	v3 =	vld [tilespmem:s28+$0xFFFFFFC0]  }
0x85: {  	v2 =	vld [tilespmem:s28+$0xFFFFFFD0]  }
0x86: {  	s29 =	simm.s32 $0x3C0;
	v7 =	vadd.s32 v0, v4;
	v4 =	vld [tilespmem:s28+$0xFFFFFFE0]  }
.LBB2_6:
0x87: {  	p0 =	sne.s32 s29, $0x4FC0;
	[tilespmem:s28+$0xFFFFFF90] =	vst v7;
	v6 =	vadd.s32 v0, v6;
	v7 =	vld [tilespmem:s28+$0x0]  }
0x88: {  	s0 =	sshra.s32 s29, $0x2;
	[tilespmem:s28+$0xFFFFFFA0] =	vst v6;
	v5 =	vadd.s32 v0, v5;
	v8 =	vld [tilespmem:s28+$0xFFFFFFF0]  }
0x89: {  	v9 =	vld [tilespmem:s0+$0xFFFFFF90];
	[tilespmem:s28+$0xFFFFFFB0] =	vst v5;
	v3 =	vadd.s32 v0, v3  }
.Ltmp2:
0x8a: {  	v6 =	vld [tilespmem:s0+$0xFFFFFFA0];
	[tilespmem:s28+$0xFFFFFFC0] =	vst v3;
	v2 =	vadd.s32 v0, v2;
	(pc) =	sbr.rel @p0 .LBB2_6-.Ltmp2, $4  }
0x8b: {  	v5 =	vld [tilespmem:s0+$0xFFFFFFB0];
	[tilespmem:s28+$0xFFFFFFD0] =	vst v2;
	v2 =	vadd.s32 v0, v4  }
0x8c: {  	v3 =	vld [tilespmem:s0+$0xFFFFFFC0];
	[tilespmem:s28+$0xFFFFFFE0] =	vst v2;
	v4 =	vadd.s32 v0, v7  }
0x8d: {  	v2 =	vld [tilespmem:s0+$0xFFFFFFD0];
	v8 =	vadd.s32 v0, v8;
	[tilespmem:s28+$0x0] =	vst v4  }
0x8e: {  	s29 =	sadd.s32 $0x200, s29;
	v7 =	vadd.s32 v0, v9;
	v4 =	vld [tilespmem:s0+$0xFFFFFFE0];
	[tilespmem:s28+$0xFFFFFFF0] =	vst v8;
	s28 =	smov.u32 s0  }
0x8f: {  	[tilespmem:s28+$0xFFFFFF90] =	vst v7;
	v6 =	vadd.s32 v0, v6;
	v62 =	vld [tilespmem:s28+$0x0]  }
0x90: {  	v63 =	vld [tilespmem:s28+$0xFFFFFFF0];
	[tilespmem:s28+$0xFFFFFFA0] =	vst v6;
	v5 =	vadd.s32 v0, v5  }
0x91: {  	[tilespmem:s28+$0xFFFFFFB0] =	vst v5;
	v3 =	vadd.s32 v0, v3  }
0x92: {  	[tilespmem:s28+$0xFFFFFFC0] =	vst v3;
	v2 =	vadd.s32 v0, v2  }
0x93: {  	[tilespmem:s28+$0xFFFFFFD0] =	vst v2;
	v2 =	vadd.s32 v0, v4  }
0x94: {  	[tilespmem:s28+$0xFFFFFFE0] =	vst v2;
	v2 =	vadd.s32 v0, v62  }
0x95: {  	v3 =	vadd.s32 v0, v63;
	[tilespmem:s28+$0x0] =	vst v2  }
0x96: {  	s0 =	simm.s32 $0x0;
	[tilespmem:s28+$0xFFFFFFF0] =	vst v3  }
0x97: {  	[tilespmem:s19], [sflag:$0x1] =	stream.indirect.gather [hbm4b:s4+s18], $0x80, s0, s18, $0xb8;
	[tilespmem:$0x1E800] =	vst v63  }
0x98: {  	s30 =	simm.s32 $0x80  }
0x99: {  	[tilespmem:s20], [sflag:$0x2] =	stream.indirect.gather [hbm4b:s4+s18], $0x80, s30, s18, $0xb8;
	[tilespmem:$0x1E800] =	vst v63  }
0x9a: {  	_ =	swait.ge [sflag:s21], $0x4000  }
0x9b: {  	[sflag:s21] =	ssyncset.done $0x0  }
0x9c: {  	s31 =	simm.s32 $0x1400;
	[sflag:s21] =	ssyncadd.s32 $0xFFFFC000  }
0x9d: {  	[spmem:s1] =	stream.indirect.scatter.add.f32 [tilespmem:s19], [sflag:$0x3], $0x80, s31, s18, $0xb8;
	[tilespmem:$0x1E800] =	vst v63  }
0x9e: {  	_ =	swait.ge [sflag:s16], $0x4000  }
0x9f: {  	[sflag:s16] =	ssyncset.done $0x0  }
0xa0: {  	s30 =	simm.s32 $0x100;
	[sflag:s16] =	ssyncadd.s32 $0xFFFFC000  }
0xa1: {  	[tilespmem:s19], [sflag:$0x1] =	stream.indirect.gather [hbm4b:s4+s18], $0x80, s30, s18, $0xb8;
	[tilespmem:$0x1E800] =	vst v63  }
0xa2: {  	_ =	swait.ge [sflag:s22], $0x4000  }
0xa3: {  	[sflag:s22] =	ssyncset.done $0x0  }
0xa4: {  	s31 =	simm.s32 $0x1480;
	[sflag:s22] =	ssyncadd.s32 $0xFFFFC000  }
0xa5: {  	[spmem:s1] =	stream.indirect.scatter.add.f32 [tilespmem:s20], [sflag:$0x3], $0x80, s31, s18, $0xb8;
	[tilespmem:$0x1E800] =	vst v63  }
0xa6: {  	_ =	swait.ge [sflag:s16], $0x4000  }
0xa7: {  	s29 =	simm.s32 $0x800;
	s28 =	simm.s32 $0x100;
	[sflag:s16] =	ssyncset.done $0x0  }
.LBB2_8:
0xa8: {  	s0 =	sadd.s32 $0x80, s28  }
0xa9: {  	[sflag:s16] =	ssyncadd.s32 $0xFFFFC000;
	s30 =	smov.u32 s29;
	s31 =	sadd.s32 $0x400, s29  }
0xaa: {  	[tilespmem:s20], [sflag:$0x2] =	stream.indirect.gather [hbm4b:s4+s18], $0x80, s0, s18, $0xb8;
	[tilespmem:$0x1E800] =	vst v63  }
0xab: {  	p0 =	sne.s32 s29, $0x4800;
	_ =	swait.ge [sflag:s21], $0x4000  }
0xac: {  	[sflag:s21] =	ssyncset.done $0x0  }
0xad: {  	s0 =	sadd.s32 $0x1400, s28;
	[sflag:s21] =	ssyncadd.s32 $0xFFFFC000  }
0xae: {  	[spmem:s1] =	stream.indirect.scatter.add.f32 [tilespmem:s19], [sflag:$0x3], $0x80, s0, s18, $0xb8;
	[tilespmem:$0x1E800] =	vst v63  }
0xaf: {  	_ =	swait.ge [sflag:s16], $0x4000  }
0xb0: {  	[sflag:s16] =	ssyncset.done $0x0  }
0xb1: {  	s0 =	sadd.s32 $0x100, s28;
	[sflag:s16] =	ssyncadd.s32 $0xFFFFC000  }
0xb2: {  	[tilespmem:s19], [sflag:$0x1] =	stream.indirect.gather [hbm4b:s4+s18], $0x80, s0, s18, $0xb8;
	[tilespmem:$0x1E800] =	vst v63  }
0xb3: {  	_ =	swait.ge [sflag:s22], $0x4000  }
.Ltmp3:
0xb4: {  	[sflag:s22] =	ssyncset.done $0x0;
	(pc) =	sbr.rel @p0 .LBB2_8-.Ltmp3, $4  }
0xb5: {  	s0 =	sadd.s32 $0x1480, s28;
	[sflag:s22] =	ssyncadd.s32 $0xFFFFC000  }
0xb6: {  	[spmem:s1] =	stream.indirect.scatter.add.f32 [tilespmem:s20], [sflag:$0x3], $0x80, s0, s18, $0xb8;
	[tilespmem:$0x1E800] =	vst v63  }
0xb7: {  	_ =	swait.ge [sflag:s16], $0x4000  }
0xb8: {  	s29 =	smov.u32 s31;
	s28 =	sshra.s32 s30, $0x2;
	[sflag:s16] =	ssyncset.done $0x0  }
0xb9: {  	s0 =	sadd.s32 $0x80, s28;
	[sflag:s16] =	ssyncadd.s32 $0xFFFFC000  }
0xba: {  	[tilespmem:s20], [sflag:$0x2] =	stream.indirect.gather [hbm4b:s4+s18], $0x80, s0, s18, $0xb8;
	[tilespmem:$0x1E800] =	vst v63  }
0xbb: {  	_ =	swait.ge [sflag:s21], $0x4000  }
0xbc: {  	[sflag:s21] =	ssyncset.done $0x0  }
0xbd: {  	s31 =	sadd.s32 $0x1400, s28;
	[sflag:s21] =	ssyncadd.s32 $0xFFFFC000  }
0xbe: {  	[spmem:s1] =	stream.indirect.scatter.add.f32 [tilespmem:s19], [sflag:$0x3], $0x80, s31, s18, $0xb8;
	[tilespmem:$0x1E800] =	vst v63  }
0xbf: {  	_ =	swait.ge [sflag:s16], $0x4000  }
0xc0: {  	[sflag:s16] =	ssyncset.done $0x0  }
0xc1: {  	s30 =	sadd.s32 $0x100, s28;
	[sflag:s16] =	ssyncadd.s32 $0xFFFFC000  }
0xc2: {  	[tilespmem:s19], [sflag:$0x1] =	stream.indirect.gather [hbm4b:s4+s18], $0x80, s30, s18, $0xb8;
	[tilespmem:$0x1E800] =	vst v63  }
0xc3: {  	_ =	swait.ge [sflag:s22], $0x4000  }
0xc4: {  	[sflag:s22] =	ssyncset.done $0x0  }
0xc5: {  	s31 =	sadd.s32 $0x1480, s28;
	[sflag:s22] =	ssyncadd.s32 $0xFFFFC000  }
0xc6: {  	[spmem:s1] =	stream.indirect.scatter.add.f32 [tilespmem:s20], [sflag:$0x3], $0x80, s31, s18, $0xb8;
	[tilespmem:$0x1E800] =	vst v63  }
0xc7: {  	_ =	swait.ge [sflag:s16], $0x4000  }
0xc8: {  	[sflag:s16] =	ssyncset.done $0x0  }
0xc9: {  	[sflag:s16] =	ssyncadd.s32 $0xFFFFC000  }
0xca: {  	[tilespmem:s20], [sflag:$0x2] =	stream.indirect.gather [hbm4b:s4+s18], $0x80, s23, s18, $0xb8;
	[tilespmem:$0x1E800] =	vst v63  }
0xcb: {  	_ =	swait.ge [sflag:s21], $0x4000  }
0xcc: {  	[sflag:s21] =	ssyncset.done $0x0  }
0xcd: {  	[sflag:s21] =	ssyncadd.s32 $0xFFFFC000  }
0xce: {  	[spmem:s1] =	stream.indirect.scatter.add.f32 [tilespmem:s19], [sflag:$0x3], $0x80, s24, s18, $0xb8;
	[tilespmem:$0x1E800] =	vst v63  }
0xcf: {  	_ =	swait.ge [sflag:s16], $0x4000  }
0xd0: {  	[sflag:s16] =	ssyncset.done $0x0  }
0xd1: {  	[sflag:s16] =	ssyncadd.s32 $0xFFFFC000  }
0xd2: {  	_ =	swait.ge [sflag:s22], $0x4000  }
0xd3: {  	[sflag:s22] =	ssyncset.done $0x0  }
0xd4: {  	[sflag:s22] =	ssyncadd.s32 $0xFFFFC000  }
0xd5: {  	[spmem:s1] =	stream.indirect.scatter.add.f32 [tilespmem:s20], [sflag:$0x3], $0x80, s25, s18, $0xb8;
	[tilespmem:$0x1E800] =	vst v63  }
0xd6: {  	_ =	swait.ge [sflag:s16], $0x4000  }
0xd7: {  	[sflag:s16] =	ssyncset.done $0x0  }
0xd8: {  	[sflag:s16] =	ssyncadd.s32 $0xFFFFC000  }
0xd9: {  	[bflag:$0x0] =	sbarrier.arrive $0xFFFF  }
0xda: {  	[hbm:s11], [sflag:s6] =	dma.local [spmem:s15], $0x2800  }
0xdb: {  	_ =	swait.ge [sflag:s16], $0x2800  }
0xdc: {  	[sflag:s16] =	ssyncset.done $0x0  }
0xdd: {  	[sflag:s16] =	ssyncadd.s32 $0xFFFFD800  }
0xde: {  	[bflag:$0x0] =	sbarrier.arrive $0xFFFF  }
0xdf: {  	[spmem:s15], [sflag:s6] =	dma.local [hbm:s12], $0x2800  }
0xe0: {  	_ =	swait.ge [sflag:s16], $0x2800  }
0xe1: {  	[sflag:s16] =	ssyncset.done $0x0  }
0xe2: {  	[sflag:s16] =	ssyncadd.s32 $0xFFFFD800  }
0xe3: {  	[bflag:$0x0] =	sbarrier.arrive $0xFFFF  }
0xe4: {  	[tilespmem:s2], [sflag:$0x3] =	stream.linear.gather [hbm4b:s7+s2], $0x1400, $0x38;
	[tilespmem:$0x1E800] =	vst v63  }
0xe5: {  	_ =	swait.ge [sflag:s16], $0x1400  }
0xe6: {  	[sflag:s16] =	ssyncset.done $0x0  }
0xe7: {  	[sflag:s16] =	ssyncadd.s32 $0xFFFFEC00  }
0xe8: {  	[tilespmem:s17], [sflag:$0x3] =	stream.linear.gather [hbm4b:s8+s2], $0x1400, $0x38;
	[tilespmem:$0x1E800] =	vst v63  }
0xe9: {  	_ =	swait.ge [sflag:s16], $0x1400  }
0xea: {  	[sflag:s16] =	ssyncset.done $0x0  }
0xeb: {  	s28 =	simm.s32 $0x70;
	[sflag:s16] =	ssyncadd.s32 $0xFFFFEC00  }
0xec: {  	v4 =	vld [tilespmem:s28+$0xFFFFFF90]  }
0xed: {  	v6 =	vld [tilespmem:s28+$0xFFFFFFA0]  }
0xee: {  	v5 =	vld [tilespmem:s28+$0xFFFFFFB0]  }
0xef: {  	v3 =	vld [tilespmem:s28+$0xFFFFFFC0]  }
0xf0: {  	v2 =	vld [tilespmem:s28+$0xFFFFFFD0]  }
0xf1: {  	s29 =	simm.s32 $0x3C0;
	v7 =	vadd.s32 v1, v4;
	v4 =	vld [tilespmem:s28+$0xFFFFFFE0]  }
.LBB2_10:
0xf2: {  	p0 =	sne.s32 s29, $0x4FC0;
	[tilespmem:s28+$0xFFFFFF90] =	vst v7;
	v6 =	vadd.s32 v1, v6;
	v7 =	vld [tilespmem:s28+$0x0]  }
0xf3: {  	s0 =	sshra.s32 s29, $0x2;
	[tilespmem:s28+$0xFFFFFFA0] =	vst v6;
	v5 =	vadd.s32 v1, v5;
	v8 =	vld [tilespmem:s28+$0xFFFFFFF0]  }
0xf4: {  	v9 =	vld [tilespmem:s0+$0xFFFFFF90];
	[tilespmem:s28+$0xFFFFFFB0] =	vst v5;
	v3 =	vadd.s32 v1, v3  }
.Ltmp4:
0xf5: {  	v6 =	vld [tilespmem:s0+$0xFFFFFFA0];
	[tilespmem:s28+$0xFFFFFFC0] =	vst v3;
	v2 =	vadd.s32 v1, v2;
	(pc) =	sbr.rel @p0 .LBB2_10-.Ltmp4, $4  }
0xf6: {  	v5 =	vld [tilespmem:s0+$0xFFFFFFB0];
	[tilespmem:s28+$0xFFFFFFD0] =	vst v2;
	v2 =	vadd.s32 v1, v4  }
0xf7: {  	v3 =	vld [tilespmem:s0+$0xFFFFFFC0];
	[tilespmem:s28+$0xFFFFFFE0] =	vst v2;
	v4 =	vadd.s32 v1, v7  }
0xf8: {  	v2 =	vld [tilespmem:s0+$0xFFFFFFD0];
	v8 =	vadd.s32 v1, v8;
	[tilespmem:s28+$0x0] =	vst v4  }
0xf9: {  	s29 =	sadd.s32 $0x200, s29;
	v7 =	vadd.s32 v1, v9;
	v4 =	vld [tilespmem:s0+$0xFFFFFFE0];
	[tilespmem:s28+$0xFFFFFFF0] =	vst v8;
	s28 =	smov.u32 s0  }
0xfa: {  	[tilespmem:s28+$0xFFFFFF90] =	vst v7;
	v6 =	vadd.s32 v1, v6;
	v62 =	vld [tilespmem:s28+$0x0]  }
0xfb: {  	v63 =	vld [tilespmem:s28+$0xFFFFFFF0];
	[tilespmem:s28+$0xFFFFFFA0] =	vst v6;
	v5 =	vadd.s32 v1, v5  }
0xfc: {  	[tilespmem:s28+$0xFFFFFFB0] =	vst v5;
	v3 =	vadd.s32 v1, v3  }
0xfd: {  	[tilespmem:s28+$0xFFFFFFC0] =	vst v3;
	v2 =	vadd.s32 v1, v2  }
0xfe: {  	[tilespmem:s28+$0xFFFFFFD0] =	vst v2;
	v2 =	vadd.s32 v1, v4  }
0xff: {  	[tilespmem:s28+$0xFFFFFFE0] =	vst v2;
	v2 =	vadd.s32 v1, v62  }
0x100: {  	v3 =	vadd.s32 v1, v63;
	[tilespmem:s28+$0x0] =	vst v2  }
0x101: {  	s0 =	simm.s32 $0x0;
	[tilespmem:s28+$0xFFFFFFF0] =	vst v3  }
0x102: {  	[tilespmem:s19], [sflag:$0x1] =	stream.indirect.gather [hbm4b:s4+s18], $0x80, s0, s18, $0xb8;
	[tilespmem:$0x1E800] =	vst v63  }
0x103: {  	s30 =	simm.s32 $0x80  }
0x104: {  	[tilespmem:s20], [sflag:$0x2] =	stream.indirect.gather [hbm4b:s4+s18], $0x80, s30, s18, $0xb8;
	[tilespmem:$0x1E800] =	vst v63  }
0x105: {  	_ =	swait.ge [sflag:s21], $0x4000  }
0x106: {  	[sflag:s21] =	ssyncset.done $0x0  }
0x107: {  	s31 =	simm.s32 $0x1400;
	[sflag:s21] =	ssyncadd.s32 $0xFFFFC000  }
0x108: {  	[spmem:s1] =	stream.indirect.scatter.add.f32 [tilespmem:s19], [sflag:$0x3], $0x80, s31, s18, $0xb8;
	[tilespmem:$0x1E800] =	vst v63  }
0x109: {  	_ =	swait.ge [sflag:s16], $0x4000  }
0x10a: {  	[sflag:s16] =	ssyncset.done $0x0  }
0x10b: {  	s30 =	simm.s32 $0x100;
	[sflag:s16] =	ssyncadd.s32 $0xFFFFC000  }
0x10c: {  	[tilespmem:s19], [sflag:$0x1] =	stream.indirect.gather [hbm4b:s4+s18], $0x80, s30, s18, $0xb8;
	[tilespmem:$0x1E800] =	vst v63  }
0x10d: {  	_ =	swait.ge [sflag:s22], $0x4000  }
0x10e: {  	[sflag:s22] =	ssyncset.done $0x0  }
0x10f: {  	s31 =	simm.s32 $0x1480;
	[sflag:s22] =	ssyncadd.s32 $0xFFFFC000  }
0x110: {  	[spmem:s1] =	stream.indirect.scatter.add.f32 [tilespmem:s20], [sflag:$0x3], $0x80, s31, s18, $0xb8;
	[tilespmem:$0x1E800] =	vst v63  }
0x111: {  	_ =	swait.ge [sflag:s16], $0x4000  }
0x112: {  	s29 =	simm.s32 $0x800;
	s28 =	simm.s32 $0x100;
	[sflag:s16] =	ssyncset.done $0x0  }
.LBB2_12:
0x113: {  	s0 =	sadd.s32 $0x80, s28  }
0x114: {  	[sflag:s16] =	ssyncadd.s32 $0xFFFFC000;
	s30 =	smov.u32 s29;
	s31 =	sadd.s32 $0x400, s29  }
0x115: {  	[tilespmem:s20], [sflag:$0x2] =	stream.indirect.gather [hbm4b:s4+s18], $0x80, s0, s18, $0xb8;
	[tilespmem:$0x1E800] =	vst v63  }
0x116: {  	p0 =	sne.s32 s29, $0x4800;
	_ =	swait.ge [sflag:s21], $0x4000  }
0x117: {  	[sflag:s21] =	ssyncset.done $0x0  }
0x118: {  	s0 =	sadd.s32 $0x1400, s28;
	[sflag:s21] =	ssyncadd.s32 $0xFFFFC000  }
0x119: {  	[spmem:s1] =	stream.indirect.scatter.add.f32 [tilespmem:s19], [sflag:$0x3], $0x80, s0, s18, $0xb8;
	[tilespmem:$0x1E800] =	vst v63  }
0x11a: {  	_ =	swait.ge [sflag:s16], $0x4000  }
0x11b: {  	[sflag:s16] =	ssyncset.done $0x0  }
0x11c: {  	s0 =	sadd.s32 $0x100, s28;
	[sflag:s16] =	ssyncadd.s32 $0xFFFFC000  }
0x11d: {  	[tilespmem:s19], [sflag:$0x1] =	stream.indirect.gather [hbm4b:s4+s18], $0x80, s0, s18, $0xb8;
	[tilespmem:$0x1E800] =	vst v63  }
0x11e: {  	_ =	swait.ge [sflag:s22], $0x4000  }
.Ltmp5:
0x11f: {  	[sflag:s22] =	ssyncset.done $0x0;
	(pc) =	sbr.rel @p0 .LBB2_12-.Ltmp5, $4  }
0x120: {  	s0 =	sadd.s32 $0x1480, s28;
	[sflag:s22] =	ssyncadd.s32 $0xFFFFC000  }
0x121: {  	[spmem:s1] =	stream.indirect.scatter.add.f32 [tilespmem:s20], [sflag:$0x3], $0x80, s0, s18, $0xb8;
	[tilespmem:$0x1E800] =	vst v63  }
0x122: {  	_ =	swait.ge [sflag:s16], $0x4000  }
0x123: {  	s29 =	smov.u32 s31;
	s28 =	sshra.s32 s30, $0x2;
	[sflag:s16] =	ssyncset.done $0x0  }
0x124: {  	s0 =	sadd.s32 $0x80, s28;
	[sflag:s16] =	ssyncadd.s32 $0xFFFFC000  }
0x125: {  	[tilespmem:s20], [sflag:$0x2] =	stream.indirect.gather [hbm4b:s4+s18], $0x80, s0, s18, $0xb8;
	[tilespmem:$0x1E800] =	vst v63  }
0x126: {  	_ =	swait.ge [sflag:s21], $0x4000  }
0x127: {  	[sflag:s21] =	ssyncset.done $0x0  }
0x128: {  	s31 =	sadd.s32 $0x1400, s28;
	[sflag:s21] =	ssyncadd.s32 $0xFFFFC000  }
0x129: {  	[spmem:s1] =	stream.indirect.scatter.add.f32 [tilespmem:s19], [sflag:$0x3], $0x80, s31, s18, $0xb8;
	[tilespmem:$0x1E800] =	vst v63  }
0x12a: {  	_ =	swait.ge [sflag:s16], $0x4000  }
0x12b: {  	[sflag:s16] =	ssyncset.done $0x0  }
0x12c: {  	s30 =	sadd.s32 $0x100, s28;
	[sflag:s16] =	ssyncadd.s32 $0xFFFFC000  }
0x12d: {  	[tilespmem:s19], [sflag:$0x1] =	stream.indirect.gather [hbm4b:s4+s18], $0x80, s30, s18, $0xb8;
	[tilespmem:$0x1E800] =	vst v63  }
0x12e: {  	_ =	swait.ge [sflag:s22], $0x4000  }
0x12f: {  	[sflag:s22] =	ssyncset.done $0x0  }
0x130: {  	s31 =	sadd.s32 $0x1480, s28;
	[sflag:s22] =	ssyncadd.s32 $0xFFFFC000  }
0x131: {  	[spmem:s1] =	stream.indirect.scatter.add.f32 [tilespmem:s20], [sflag:$0x3], $0x80, s31, s18, $0xb8;
	[tilespmem:$0x1E800] =	vst v63  }
0x132: {  	_ =	swait.ge [sflag:s16], $0x4000  }
0x133: {  	[sflag:s16] =	ssyncset.done $0x0  }
0x134: {  	[sflag:s16] =	ssyncadd.s32 $0xFFFFC000  }
0x135: {  	[tilespmem:s20], [sflag:$0x2] =	stream.indirect.gather [hbm4b:s4+s18], $0x80, s23, s18, $0xb8;
	[tilespmem:$0x1E800] =	vst v63  }
0x136: {  	_ =	swait.ge [sflag:s21], $0x4000  }
0x137: {  	[sflag:s21] =	ssyncset.done $0x0  }
0x138: {  	[sflag:s21] =	ssyncadd.s32 $0xFFFFC000  }
0x139: {  	[spmem:s1] =	stream.indirect.scatter.add.f32 [tilespmem:s19], [sflag:$0x3], $0x80, s24, s18, $0xb8;
	[tilespmem:$0x1E800] =	vst v63  }
0x13a: {  	_ =	swait.ge [sflag:s16], $0x4000  }
0x13b: {  	[sflag:s16] =	ssyncset.done $0x0  }
0x13c: {  	[sflag:s16] =	ssyncadd.s32 $0xFFFFC000  }
0x13d: {  	_ =	swait.ge [sflag:s22], $0x4000  }
0x13e: {  	[sflag:s22] =	ssyncset.done $0x0  }
0x13f: {  	[sflag:s22] =	ssyncadd.s32 $0xFFFFC000  }
0x140: {  	[spmem:s1] =	stream.indirect.scatter.add.f32 [tilespmem:s20], [sflag:$0x3], $0x80, s25, s18, $0xb8;
	[tilespmem:$0x1E800] =	vst v63  }
0x141: {  	_ =	swait.ge [sflag:s16], $0x4000  }
0x142: {  	[sflag:s16] =	ssyncset.done $0x0  }
0x143: {  	[sflag:s16] =	ssyncadd.s32 $0xFFFFC000  }
0x144: {  	[tilespmem:s2], [sflag:$0x3] =	stream.linear.gather [hbm4b:s9+s2], $0x1400, $0x38;
	[tilespmem:$0x1E800] =	vst v63  }
0x145: {  	_ =	swait.ge [sflag:s16], $0x1400  }
0x146: {  	[sflag:s16] =	ssyncset.done $0x0  }
0x147: {  	[sflag:s16] =	ssyncadd.s32 $0xFFFFEC00  }
0x148: {  	[tilespmem:s17], [sflag:$0x3] =	stream.linear.gather [hbm4b:s10+s2], $0x1400, $0x38;
	[tilespmem:$0x1E800] =	vst v63  }
0x149: {  	_ =	swait.ge [sflag:s16], $0x1400  }
0x14a: {  	[sflag:s16] =	ssyncset.done $0x0  }
0x14b: {  	s28 =	simm.s32 $0x70;
	[sflag:s16] =	ssyncadd.s32 $0xFFFFEC00  }
0x14c: {  	v4 =	vld [tilespmem:s28+$0xFFFFFF90]  }
0x14d: {  	v6 =	vld [tilespmem:s28+$0xFFFFFFA0]  }
0x14e: {  	v5 =	vld [tilespmem:s28+$0xFFFFFFB0]  }
0x14f: {  	v3 =	vld [tilespmem:s28+$0xFFFFFFC0]  }
0x150: {  	v2 =	vld [tilespmem:s28+$0xFFFFFFD0]  }
0x151: {  	s29 =	simm.s32 $0x3C0;
	v7 =	vadd.s32 v1, v4;
	v4 =	vld [tilespmem:s28+$0xFFFFFFE0]  }
.LBB2_14:
0x152: {  	p0 =	sne.s32 s29, $0x4FC0;
	[tilespmem:s28+$0xFFFFFF90] =	vst v7;
	v6 =	vadd.s32 v1, v6;
	v7 =	vld [tilespmem:s28+$0x0]  }
0x153: {  	s0 =	sshra.s32 s29, $0x2;
	[tilespmem:s28+$0xFFFFFFA0] =	vst v6;
	v5 =	vadd.s32 v1, v5;
	v8 =	vld [tilespmem:s28+$0xFFFFFFF0]  }
0x154: {  	v9 =	vld [tilespmem:s0+$0xFFFFFF90];
	[tilespmem:s28+$0xFFFFFFB0] =	vst v5;
	v3 =	vadd.s32 v1, v3  }
.Ltmp6:
0x155: {  	v6 =	vld [tilespmem:s0+$0xFFFFFFA0];
	[tilespmem:s28+$0xFFFFFFC0] =	vst v3;
	v2 =	vadd.s32 v1, v2;
	(pc) =	sbr.rel @p0 .LBB2_14-.Ltmp6, $4  }
0x156: {  	v5 =	vld [tilespmem:s0+$0xFFFFFFB0];
	[tilespmem:s28+$0xFFFFFFD0] =	vst v2;
	v2 =	vadd.s32 v1, v4  }
0x157: {  	v3 =	vld [tilespmem:s0+$0xFFFFFFC0];
	[tilespmem:s28+$0xFFFFFFE0] =	vst v2;
	v4 =	vadd.s32 v1, v7  }
0x158: {  	v2 =	vld [tilespmem:s0+$0xFFFFFFD0];
	v8 =	vadd.s32 v1, v8;
	[tilespmem:s28+$0x0] =	vst v4  }
0x159: {  	s29 =	sadd.s32 $0x200, s29;
	v7 =	vadd.s32 v1, v9;
	v4 =	vld [tilespmem:s0+$0xFFFFFFE0];
	[tilespmem:s28+$0xFFFFFFF0] =	vst v8;
	s28 =	smov.u32 s0  }
0x15a: {  	[tilespmem:s28+$0xFFFFFF90] =	vst v7;
	v6 =	vadd.s32 v1, v6;
	v62 =	vld [tilespmem:s28+$0x0]  }
0x15b: {  	v63 =	vld [tilespmem:s28+$0xFFFFFFF0];
	[tilespmem:s28+$0xFFFFFFA0] =	vst v6;
	v5 =	vadd.s32 v1, v5  }
0x15c: {  	[tilespmem:s28+$0xFFFFFFB0] =	vst v5;
	v3 =	vadd.s32 v1, v3  }
0x15d: {  	[tilespmem:s28+$0xFFFFFFC0] =	vst v3;
	v2 =	vadd.s32 v1, v2  }
0x15e: {  	[tilespmem:s28+$0xFFFFFFD0] =	vst v2;
	v2 =	vadd.s32 v1, v4  }
0x15f: {  	[tilespmem:s28+$0xFFFFFFE0] =	vst v2;
	v2 =	vadd.s32 v1, v62  }
0x160: {  	v3 =	vadd.s32 v1, v63;
	[tilespmem:s28+$0x0] =	vst v2  }
0x161: {  	s0 =	simm.s32 $0x0;
	[tilespmem:s28+$0xFFFFFFF0] =	vst v3  }
0x162: {  	[tilespmem:s19], [sflag:$0x1] =	stream.indirect.gather [hbm4b:s4+s18], $0x80, s0, s18, $0xb8;
	[tilespmem:$0x1E800] =	vst v63  }
0x163: {  	s30 =	simm.s32 $0x80  }
0x164: {  	[tilespmem:s20], [sflag:$0x2] =	stream.indirect.gather [hbm4b:s4+s18], $0x80, s30, s18, $0xb8;
	[tilespmem:$0x1E800] =	vst v63  }
0x165: {  	_ =	swait.ge [sflag:s21], $0x4000  }
0x166: {  	[sflag:s21] =	ssyncset.done $0x0  }
0x167: {  	s31 =	simm.s32 $0x1400;
	[sflag:s21] =	ssyncadd.s32 $0xFFFFC000  }
0x168: {  	[spmem:s1] =	stream.indirect.scatter.add.f32 [tilespmem:s19], [sflag:$0x3], $0x80, s31, s18, $0xb8;
	[tilespmem:$0x1E800] =	vst v63  }
0x169: {  	_ =	swait.ge [sflag:s16], $0x4000  }
0x16a: {  	[sflag:s16] =	ssyncset.done $0x0  }
0x16b: {  	s30 =	simm.s32 $0x100;
	[sflag:s16] =	ssyncadd.s32 $0xFFFFC000  }
0x16c: {  	[tilespmem:s19], [sflag:$0x1] =	stream.indirect.gather [hbm4b:s4+s18], $0x80, s30, s18, $0xb8;
	[tilespmem:$0x1E800] =	vst v63  }
0x16d: {  	_ =	swait.ge [sflag:s22], $0x4000  }
0x16e: {  	[sflag:s22] =	ssyncset.done $0x0  }
0x16f: {  	s31 =	simm.s32 $0x1480;
	[sflag:s22] =	ssyncadd.s32 $0xFFFFC000  }
0x170: {  	[spmem:s1] =	stream.indirect.scatter.add.f32 [tilespmem:s20], [sflag:$0x3], $0x80, s31, s18, $0xb8;
	[tilespmem:$0x1E800] =	vst v63  }
0x171: {  	_ =	swait.ge [sflag:s16], $0x4000  }
0x172: {  	s29 =	simm.s32 $0x800;
	s28 =	simm.s32 $0x100;
	[sflag:s16] =	ssyncset.done $0x0  }
.LBB2_16:
0x173: {  	s0 =	sadd.s32 $0x80, s28  }
0x174: {  	[sflag:s16] =	ssyncadd.s32 $0xFFFFC000;
	s30 =	smov.u32 s29;
	s31 =	sadd.s32 $0x400, s29  }
0x175: {  	[tilespmem:s20], [sflag:$0x2] =	stream.indirect.gather [hbm4b:s4+s18], $0x80, s0, s18, $0xb8;
	[tilespmem:$0x1E800] =	vst v63  }
0x176: {  	p0 =	sne.s32 s29, $0x4800;
	_ =	swait.ge [sflag:s21], $0x4000  }
0x177: {  	[sflag:s21] =	ssyncset.done $0x0  }
0x178: {  	s0 =	sadd.s32 $0x1400, s28;
	[sflag:s21] =	ssyncadd.s32 $0xFFFFC000  }
0x179: {  	[spmem:s1] =	stream.indirect.scatter.add.f32 [tilespmem:s19], [sflag:$0x3], $0x80, s0, s18, $0xb8;
	[tilespmem:$0x1E800] =	vst v63  }
0x17a: {  	_ =	swait.ge [sflag:s16], $0x4000  }
0x17b: {  	[sflag:s16] =	ssyncset.done $0x0  }
0x17c: {  	s0 =	sadd.s32 $0x100, s28;
	[sflag:s16] =	ssyncadd.s32 $0xFFFFC000  }
0x17d: {  	[tilespmem:s19], [sflag:$0x1] =	stream.indirect.gather [hbm4b:s4+s18], $0x80, s0, s18, $0xb8;
	[tilespmem:$0x1E800] =	vst v63  }
0x17e: {  	_ =	swait.ge [sflag:s22], $0x4000  }
.Ltmp7:
0x17f: {  	[sflag:s22] =	ssyncset.done $0x0;
	(pc) =	sbr.rel @p0 .LBB2_16-.Ltmp7, $4  }
0x180: {  	s0 =	sadd.s32 $0x1480, s28;
	[sflag:s22] =	ssyncadd.s32 $0xFFFFC000  }
0x181: {  	[spmem:s1] =	stream.indirect.scatter.add.f32 [tilespmem:s20], [sflag:$0x3], $0x80, s0, s18, $0xb8;
	[tilespmem:$0x1E800] =	vst v63  }
0x182: {  	_ =	swait.ge [sflag:s16], $0x4000  }
0x183: {  	s29 =	smov.u32 s31;
	s28 =	sshra.s32 s30, $0x2;
	[sflag:s16] =	ssyncset.done $0x0  }
0x184: {  	s0 =	sadd.s32 $0x80, s28;
	[sflag:s16] =	ssyncadd.s32 $0xFFFFC000  }
0x185: {  	[tilespmem:s20], [sflag:$0x2] =	stream.indirect.gather [hbm4b:s4+s18], $0x80, s0, s18, $0xb8;
	[tilespmem:$0x1E800] =	vst v63  }
0x186: {  	_ =	swait.ge [sflag:s21], $0x4000  }
0x187: {  	[sflag:s21] =	ssyncset.done $0x0  }
0x188: {  	s29 =	sadd.s32 $0x1400, s28;
	[sflag:s21] =	ssyncadd.s32 $0xFFFFC000  }
0x189: {  	[spmem:s1] =	stream.indirect.scatter.add.f32 [tilespmem:s19], [sflag:$0x3], $0x80, s29, s18, $0xb8;
	[tilespmem:$0x1E800] =	vst v63  }
0x18a: {  	_ =	swait.ge [sflag:s16], $0x4000  }
0x18b: {  	[sflag:s16] =	ssyncset.done $0x0  }
0x18c: {  	s30 =	sadd.s32 $0x100, s28;
	[sflag:s16] =	ssyncadd.s32 $0xFFFFC000  }
0x18d: {  	[tilespmem:s19], [sflag:$0x1] =	stream.indirect.gather [hbm4b:s4+s18], $0x80, s30, s18, $0xb8;
	[tilespmem:$0x1E800] =	vst v63  }
0x18e: {  	_ =	swait.ge [sflag:s22], $0x4000  }
0x18f: {  	[sflag:s22] =	ssyncset.done $0x0  }
0x190: {  	s31 =	sadd.s32 $0x1480, s28;
	[sflag:s22] =	ssyncadd.s32 $0xFFFFC000  }
0x191: {  	[spmem:s1] =	stream.indirect.scatter.add.f32 [tilespmem:s20], [sflag:$0x3], $0x80, s31, s18, $0xb8;
	[tilespmem:$0x1E800] =	vst v63  }
0x192: {  	_ =	swait.ge [sflag:s16], $0x4000  }
0x193: {  	[sflag:s16] =	ssyncset.done $0x0  }
0x194: {  	[sflag:s16] =	ssyncadd.s32 $0xFFFFC000  }
0x195: {  	[tilespmem:s20], [sflag:$0x2] =	stream.indirect.gather [hbm4b:s4+s18], $0x80, s23, s18, $0xb8;
	[tilespmem:$0x1E800] =	vst v63  }
0x196: {  	_ =	swait.ge [sflag:s21], $0x4000  }
0x197: {  	[sflag:s21] =	ssyncset.done $0x0  }
0x198: {  	[sflag:s21] =	ssyncadd.s32 $0xFFFFC000  }
0x199: {  	[spmem:s1] =	stream.indirect.scatter.add.f32 [tilespmem:s19], [sflag:$0x3], $0x80, s24, s18, $0xb8;
	[tilespmem:$0x1E800] =	vst v63  }
0x19a: {  	_ =	swait.ge [sflag:s16], $0x4000  }
0x19b: {  	[sflag:s16] =	ssyncset.done $0x0  }
0x19c: {  	[sflag:s16] =	ssyncadd.s32 $0xFFFFC000  }
0x19d: {  	_ =	swait.ge [sflag:s22], $0x4000  }
0x19e: {  	[sflag:s22] =	ssyncset.done $0x0  }
0x19f: {  	[sflag:s22] =	ssyncadd.s32 $0xFFFFC000  }
0x1a0: {  	[spmem:s1] =	stream.indirect.scatter.add.f32 [tilespmem:s20], [sflag:$0x3], $0x80, s25, s18, $0xb8;
	[tilespmem:$0x1E800] =	vst v63  }
0x1a1: {  	_ =	swait.ge [sflag:s16], $0x4000  }
0x1a2: {  	s26 =	sadd.s32 $0x1, s26;
	[sflag:s16] =	ssyncset.done $0x0  }
0x1a3: {  	p0 =	sne.s32 s26, s14;
	[sflag:s16] =	ssyncadd.s32 $0xFFFFC000  }
.Ltmp8:
0x1a4: {  	[bflag:$0x0] =	sbarrier.arrive $0xFFFF;
	(pc) =	sbr.rel @p0 .LBB2_1-.Ltmp8, $4  }
0x1a5: {  	[hbm:s13], [sflag:s6] =	dma.local [spmem:s15], $0x2800  }
0x1a6: {  	_ =	swait.ge [sflag:s16], $0x2800  }
0x1a7: {  	[sflag:s16] =	ssyncset.done $0x0  }
0x1a8: {  	[sflag:s16] =	ssyncadd.s32 $0xFFFFD800  }
0x1a9: {  	_ =	sfence.sel $0x180000  }
0x1aa: {  	[bflag:$0x0] =	sbarrier.arrive $0xFFFF  }
0x1ab: {  	_ =	strace $0x9000004D  }
0x1ac: {  	[bflag:$0x2] =	sbarrier.arrive $0xFFFF  }
0x1ad: {  	p0 =	sne.s32 s3, $0x0;
	s0 =	rddreg [dreg:$0x3]  }
0x1ae: {  	s0 =	sadd.s32 @!p0 $0x100000, s0  }
0x1af: {  	[sflag:s0] =	ssyncadd.tile.s32 @!p0 $0x1;
	_ =	shalt  }
.Lfunc_end2:
_tile_overlayer_lowered:
.L_overlay_start_2:
0x1b0: {  	(tag) =	ssettag $0x2  }
0x1b1: {  	s0 =	rddreg [dreg:$0x0];
	s2 =	stileid.u32  }
0x1b2: {  	s1 =	rddreg [dreg:$0x1];
	p0 =	sne.s32 s2, $0x0  }
0x1b3: {  	s3 =	rddreg [dreg:$0x2];
	[bflag:$0x3] =	sbarrier.arrive $0xFFFF;
	s2 =	simm.s32 @!p0 $0x1C03  }
0x1b4: {  	[timem:s3], [sflag:s2] =	dma.local @!p0 [hbm:s0], s1  }
0x1b5: {  	s0 =	simm.s32 @!p0 $0x3  }
0x1b6: {  	_ =	swait.ge @!p0 [sflag:s0], s1  }
0x1b7: {  	s1 =	ssub.s32 @!p0 $0x0, s1;
	[sflag:s0] =	ssyncset.done @!p0 $0x0  }
0x1b8: {  	[sflag:s0] =	ssyncadd.s32 @!p0 s1  }
0x1b9: {  	[bflag:$0x3] =	sbarrier.arrive $0xFFFF  }
0x1ba: {  	_ =	shalt  }

// kernel: kernel.19.cloned.1.call-start
scs
__scs_entry_jumppad:
0x0: {  	(pc) =	sbr.rel $0x88, $3  }
0x1: {  	(tag) =	ssettag $0x0;
	lr =	simm.s32 $0x1  }
0x2: {  	[smem:$0x3F99] =	sst lr;
	_ =	strace $0xD0000000  }
0x3: {  	_ = 	snop  }
0x4: {  	_ = 	snop  }
0x5: {  	_ = 	snop  }
0x6: {  	_ = 	snop  }
0x7: {  	_ = 	snop  }
__scs_overlays_trampoline_lowered:
0x8: {  	[smem:$0x3FA8] =	sst s0  }
0x9: {  	[smem:$0x3FA9] =	sst s1  }
0xa: {  	[smem:$0x3FAA] =	sst s2  }
0xb: {  	[smem:$0x3FAB] =	sst s3  }
0xc: {  	[smem:$0x3FAC] =	sst s4  }
0xd: {  	[smem:$0x3FAD] =	sst s5  }
0xe: {  	[smem:$0x3FAE] =	sst s6  }
0xf: {  	[smem:$0x3FAF] =	sst s7  }
0x10: {  	[smem:$0x3FB0] =	sst s8  }
0x11: {  	[smem:$0x3FB1] =	sst s9;
	s0 =	simm.s32 @!p0 $0x0  }
0x12: {  	s1 =	sld [smem:$0x3F97];
	s0 =	simm.s32 @p0 $0x1  }
0x13: {  	[smem:$0x3FB2] =	sst s0;
	s0 =	simm.s32 @!p1 $0x0  }
0x14: {  	s2 =	sld [smem:$0x3F96];
	s0 =	simm.s32 @p1 $0x1  }
0x15: {  	[smem:$0x3FB3] =	sst s0;
	s0 =	simm.s32 @!p2 $0x0  }
0x16: {  	s3 =	sld [smem:$0x3FDB];
	s0 =	simm.s32 @p2 $0x1  }
0x17: {  	s4 =	simm.s32 $0x1BF5;
	[smem:$0x3FB5] =	sst s0  }
0x18: {  	s0 =	sld [smem:$0x3F98];
	_ =	swait.ge [sflag:s4], $0x0  }
0x19: {  	s7 =	sld [smem:$0x3F99]  }
0x1a: {  	s8 =	sadd.s32 $0xFFFFE003, lr  }
0x1b: {  	s9 =	sadd.s32 $0xFFFFFEF7, lr;
	s5 =	simm.s32 $0xFFFFFFFF;
	p2 =	slt.u32 s8, $0xFFFFF086  }
0x1c: {  	p1 =	slt.u32 s9, $0xF7A;
	s5 =	simm.s32 @!p2 $0x0  }
0x1d: {  	s5 =	simm.s32 @p1 $0x1;
	p0 =	seq.s32 s7, s2  }
0x1e: {  	s7 =	smul.u32 @!p0 $0xF7A, s2;
	p2 =	seq.s32 @!p0 s5, $0x0  }
0x1f: {  	s9 =	smul.u32 $0xF7A, s1;
	s8 =	simm.s32 @!p0 $0x1BF5;
	p2 =	por !p2, p0  }
0x20: {  	[sflag:s8] =	ssyncset.s32 @!p0 $0xFFFFF086;
	s6 =	sadd.s32 @!p0 s3, s7;
	s7 =	simm.s32 @!p0 $0x108  }
0x21: {  	s3 =	sadd.s32 s3, s9;
	s6 =	sadd.s32 @!p0 $0x88, s6;
	s7 =	simm.s32 @p2 $0x1082  }
0x22: {  	[simem:s7], [sflag:s8] =	dma.local @!p0 [hbm:s6], $0xF7A  }
0x23: {  	s9 =	sor.u32 $0xD0000000, s2;
	s6 =	simm.s32 $0x108;
	_ =	swait.ge @!p0 [sflag:s8], $0x0  }
0x24: {  	s3 =	sadd.s32 $0x88, s3;
	s6 =	simm.s32 @!p1 $0x1082;
	[sflag:s4] =	ssyncset.s32 $0xFFFFF086  }
0x25: {  	[simem:s6], [sflag:s4] =	dma.local [hbm:s3], $0xF7A  }
0x26: {  	[smem:$0x3F99] =	sst s1;
	(tag) =	ssettag s2;
	_ =	strace s9  }
0x27: {  	s1 =	sld [smem:$0x3FA9]  }
0x28: {  	s2 =	sld [smem:$0x3FAA]  }
0x29: {  	s4 =	sld [smem:$0x3FAC]  }
0x2a: {  	p0 =	seq.s32 s5, $0x0;
	s5 =	sld [smem:$0x3FAD]  }
0x2b: {  	s6 =	sld [smem:$0x3FAE]  }
0x2c: {  	s7 =	sld [smem:$0x3FAF]  }
0x2d: {  	s3 =	simm.s32 $0x108;
	s8 =	sld [smem:$0x3FB0]  }
0x2e: {  	s3 =	simm.s32 @!p0 $0x1082;
	s9 =	sld [smem:$0x3FB1]  }
0x2f: {  	lr =	sadd.s32 s0, s3;
	s0 =	sld [smem:$0x3FA8]  }
0x30: {  	s3 =	sld [smem:$0x3FAB]  }
0x31: {  	[smem:$0x3FB4] =	sst s10  }
0x32: {  	s10 =	sld [smem:$0x3FB2];
	_ =	sdelay $0x3  }
0x33: {  	p0 =	seq.s32 s10, $0x1;
	s10 =	sld [smem:$0x3FB4];
	_ =	sdelay $0x3  }
0x34: {  	[smem:$0x3FB4] =	sst s10  }
0x35: {  	s10 =	sld [smem:$0x3FB3];
	_ =	sdelay $0x3  }
0x36: {  	p1 =	seq.s32 s10, $0x1;
	s10 =	sld [smem:$0x3FB4];
	_ =	sdelay $0x3  }
0x37: {  	[smem:$0x3FB4] =	sst s10  }
0x38: {  	s10 =	sld [smem:$0x3FB5]  }
0x39: {  	_ = 	snop;
	(pc) =	sbr.ind lr, $3  }
0x3a: {  	_ = 	snop  }
0x3b: {  	_ = 	snop  }
0x3c: {  	p2 =	seq.s32 s10, $0x1;
	s10 =	sld [smem:$0x3FB4]  }
0x3d: {  	_ =	shalt  }
0x3e: {  	_ =	shalt  }
0x3f: {  	_ =	shalt  }
0x40: {  	_ =	shalt  }
0x41: {  	_ =	shalt  }
0x42: {  	_ =	shalt  }
0x43: {  	_ =	shalt  }
0x44: {  	_ =	shalt  }
0x45: {  	_ =	shalt  }
0x46: {  	_ =	shalt  }
0x47: {  	_ =	shalt  }
0x48: {  	_ =	shalt  }
0x49: {  	_ =	shalt  }
0x4a: {  	_ =	shalt  }
0x4b: {  	_ =	shalt  }
0x4c: {  	_ =	shalt  }
0x4d: {  	_ =	shalt  }
0x4e: {  	_ =	shalt  }
0x4f: {  	_ =	shalt  }
0x50: {  	_ =	shalt  }
0x51: {  	_ =	shalt  }
0x52: {  	_ =	shalt  }
0x53: {  	_ =	shalt  }
0x54: {  	_ =	shalt  }
0x55: {  	_ =	shalt  }
0x56: {  	_ =	shalt  }
0x57: {  	_ =	shalt  }
0x58: {  	_ =	shalt  }
0x59: {  	_ =	shalt  }
0x5a: {  	_ =	shalt  }
0x5b: {  	_ =	shalt  }
0x5c: {  	_ =	shalt  }
0x5d: {  	_ =	shalt  }
0x5e: {  	_ =	shalt  }
0x5f: {  	_ =	shalt  }
0x60: {  	_ =	shalt  }
0x61: {  	_ =	shalt  }
0x62: {  	_ =	shalt  }
0x63: {  	_ =	shalt  }
0x64: {  	_ =	shalt  }
0x65: {  	_ =	shalt  }
0x66: {  	_ =	shalt  }
0x67: {  	_ =	shalt  }
0x68: {  	_ =	shalt  }
0x69: {  	_ =	shalt  }
0x6a: {  	_ =	shalt  }
0x6b: {  	_ =	shalt  }
0x6c: {  	_ =	shalt  }
0x6d: {  	_ =	shalt  }
0x6e: {  	_ =	shalt  }
0x6f: {  	_ =	shalt  }
0x70: {  	_ =	shalt  }
0x71: {  	_ =	shalt  }
0x72: {  	_ =	shalt  }
0x73: {  	_ =	shalt  }
0x74: {  	_ =	shalt  }
0x75: {  	_ =	shalt  }
0x76: {  	_ =	shalt  }
0x77: {  	_ =	shalt  }
0x78: {  	_ =	shalt  }
0x79: {  	_ =	shalt  }
0x7a: {  	_ =	shalt  }
0x7b: {  	_ =	shalt  }
0x7c: {  	_ =	shalt  }
0x7d: {  	_ =	shalt  }
0x7e: {  	_ =	shalt  }
0x7f: {  	_ =	shalt  }
0x80: {  	_ =	shalt  }
0x81: {  	_ =	shalt  }
0x82: {  	_ =	shalt  }
0x83: {  	_ =	shalt  }
0x84: {  	_ =	shalt  }
0x85: {  	_ =	shalt  }
0x86: {  	_ =	shalt  }
0x87: {  	_ =	shalt  }
.Lfunc_end0:
.L_simem_size_0:
called_computation.3_lowered:
.L_overlay_start_0:
0x88: {  	s2 =	sld [smem:$0x3FD9]  }
0x89: {  	s3 =	sld [smem:$0x3FFE];
	_ =	sdelay $0x1  }
0x8a: {  	s1 =	srdreg.scid  }
0x8b: {  	s0 =	sand.u32 $0x1, s1  }
0x8c: {  	s17 =	sshll.u32 s0, $0xA;
	s2 =	sadd.s32 s3, s2  }
0x8d: {  	s2 =	sadd.s32 s2, s17  }
0x8e: {  	[smem:$0x3FC0] =	sst s2  }
0x8f: {  	_ = 	snop  }
0x90: {  	s2 =	sld [smem:$0x3FD0];
	(tm) =	ssettm $0x1  }
0x91: {  	s18 =	sld [smem:$0x3FFB];
	_ =	sdelay $0x3  }
0x92: {  	_ =	strace s18  }
0x93: {  	s3 =	sld [smem:$0x3FFC];
	_ =	sdelay $0x3  }
0x94: {  	_ =	strace s3  }
0x95: {  	s3 =	sld [smem:$0x3FFD];
	_ =	sdelay $0x3  }
0x96: {  	_ =	strace s3  }
0x97: {  	_ =	strace $0x8FFFFFFF  }
0x98: {  	s19 =	sld [smem:$0x3FDB];
	_ =	sdelay $0x1  }
0x99: {  	s4 =	simm.s32 $_scs_section_size  }
0x9a: {  	s5 =	simm.s32 $_size__tile_overlayer_lowered;
	s6 =	simm.s32 $_tile_overlayer_lowered  }
0x9b: {  	s22 =	simm.s32 $0x1BFF;
	s21 =	sshll.u32 s6, $0x1;
	s3 =	sadd.s32 s4, s19  }
0x9c: {  	s7 =	simm.s32 $0x0;
	s20 =	sshll.u32 s5, $0x1;
	s5 =	sadd.s32 s21, s3  }
0x9d: {  	[timem:s7], [sflag:s22] =	dma.local [hbm:s5], s20  }
0x9e: {  	_ =	swait.ge [sflag:s22], s20  }
0x9f: {  	s4 =	ssub.s32 $0x0, s20;
	[sflag:s22] =	ssyncset.done $0x0  }
0xa0: {  	[sflag:s22] =	ssyncadd.s32 s4;
	_ =	sdelay $0x1  }
0xa1: {  	s23 =	simm.s32 $0x1B8B  }
0xa2: {  	_ =	swait.ge [sflag:s23], $0x1  }
0xa3: {  	[sflag:s23] =	ssyncset.done $0x0  }
0xa4: {  	s25 =	simm.s32 $0x1B8E;
	s24 =	sld [smem:$0x3FFE];
	[sflag:s23] =	ssyncadd.s32 $0xFFFFFFFF  }
0xa5: {  	s26 =	simm.s32 $execute0_lowered;
	[smem:$0x3FD2] =	sst s25  }
0xa6: {  	s5 =	sshll.u32 s26, $0x1;
	_ =	strace $0x8000004F;
	[dreg:$0x1] =	wrdreg $0xFFFFFFFF  }
0xa7: {  	s28 =	simm.s32 $_size_execute0_lowered;
	s3 =	sadd.s32 s3, s5;
	[dreg:$0x0] =	wrdreg $0x0  }
0xa8: {  	s5 =	sshll.u32 s28, $0x1;
	[dreg:$0x2] =	wrdreg s3  }
0xa9: {  	[dreg:$0x3] =	wrdreg s5  }
0xaa: {  	[dreg:$0x4] =	wrdreg $0xC0  }
0xab: {  	_ =	task [dreg:s7], $0x5FFFF  }
0xac: {  	[dreg:$0x1] =	wrdreg $0xFFFFFFFF  }
0xad: {  	[dreg:$0x0] =	wrdreg $0x60  }
0xae: {  	[dreg:$0x2] =	wrdreg s24  }
0xaf: {  	[dreg:$0x3] =	wrdreg s2  }
0xb0: {  	[dreg:$0x4] =	wrdreg $0xA8000  }
0xb1: {  	[dreg:$0x5] =	wrdreg $0x9  }
0xb2: {  	_ =	task.clear_ibuf [dreg:s7], $0x6FFFF;
	_ =	strace $0x9000004F  }
0xb3: {  	s29 =	simm.s32 $0x9;
	_ =	strace $0x80000051  }
0xb4: {  	_ =	swait.ge [sflag:s29], $0x1  }
0xb5: {  	[sflag:s29] =	ssyncadd.s32 $0xFFFFFFFF  }
0xb6: {  	_ =	strace $0x90000051  }
0xb7: {  	_ =	sfence  }
0xb8: {  	s30 =	sld [smem:$0x0];
	_ =	sdelay $0x2  }
0xb9: {  	s31 =	sshll.u32 s1, $0xD;
	s1 =	sshrl.u32 s1, $0x2  }
0xba: {  	s3 =	sand.u32 $0x4000, s31;
	s1 =	sadd.s32 s1, s30  }
0xbb: {  	s0 =	sor.u32 s3, s0;
	s1 =	sshll.u32 s1, $0x11  }
0xbc: {  	s0 =	sor.u32 s1, s0  }
0xbd: {  	s0 =	sadd.s32 $0x8F2B, s0  }
0xbe: {  	[sflag:s0] =	ssyncadd.remote.s32 $0x1  }
0xbf: {  	_ =	sfence.sel $0xFFFF  }
0xc0: {  	[dreg:$0x0] =	wrdreg $0xFFFFFFFF;
	(pc) =	sbr.abs _section_cstart, $3  }
0xc1: {  	[dreg:$0x1] =	wrdreg $0xFFFFFFFF  }
0xc2: {  	_ =	task.clear_ibuf [dreg:s7], $0x2FFFF;
	_ =	strace $0x9FFFFFFF  }
0xc3: {  	(tm) =	ssettm $0x7FFFFFFF  }
tec
execute0_lowered:
.L_overlay_start_1:
0x0: {  	(tag) =	ssettag $0x1  }
0x1: {  	s5 =	rddreg [dreg:$0x0]  }
0x2: {  	s6 =	rddreg [dreg:$0x1]  }
0x3: {  	s2 =	rddreg [dreg:$0x2]  }
0x4: {  	s0 =	rddreg [dreg:$0x3];
	s4 =	srdreg.scid  }
0x5: {  	s3 =	simm.s32 $0x0;
	s1 =	stileid.u32;
	s14 =	simm.s32 $0x80  }
0x6: {  	s15 =	simm.s32 $0x2800;
	s16 =	simm.s32 $0x6800;
	s17 =	simm.s32 $0x1  }
0x7: {  	s18 =	simm.s32 $0x2;
	s19 =	simm.s32 $0x1380;
	s20 =	simm.s32 $0x2700  }
0x8: {  	s21 =	simm.s32 $0x2780;
	s22 =	simm.s32 $0x0;
	s8 =	smul.u32 $0x2800, s1  }
0x9: {  	s7 =	sand.u32 $0x1, s4;
	[smem:$0x7FF] =	sst s3;
	s12 =	smul.u32 $0x50000, s1  }
0xa: {  	s31 =	sshll.u32 s1, $0x6;
	s4 =	sshll.u32 s7, $0x4;
	_ =	strace $0x80000050  }
0xb: {  	s10 =	smul.u32 $0x28000, s7;
	s7 =	ssub.s32 $0x2, s7;
	s9 =	sor.u32 s1, s4  }
0xc: {  	s4 =	sadd.s32 $0x7C00, s5;
	s11 =	sshrl.u32 s7, $0x1;
	s29 =	sshrl.u32 s12, $0x2  }
0xd: {  	s12 =	sor.u32 $0x1C03, s31;
	s9 =	smul.u32 $0x280, s9;
	s10 =	sadd.s32 s8, s10  }
0xe: {  	s11 =	ssub.s32 s7, s11;
	s30 =	sadd.s32 s29, s2;
	s7 =	sadd.s32 s4, s8  }
0xf: {  	s10 =	sadd.s32 s10, s5;
	s13 =	sadd.s32 s9, s5;
	s5 =	sadd.s32 s6, s9  }
0x10: {  	s8 =	sadd.s32 $0x2FC00, s10;
	s9 =	smax.u32 s11, $0x1;
	s10 =	simm.s32 $0x3  }
0x11: {  	s11 =	simm.s32 $0x1400;
	s6 =	sadd.s32 $0x2C00, s13;
	s13 =	sshrl.u32 s30, $0x3  }
.LBB2_1:
0x12: {  	[tilespmem:s3], [sflag:$0x3] =	stream.linear.gather [hbm4b:s5+s3], $0x1400, $0x38;
	[tilespmem:$0x1E800] =	vst v63  }
0x13: {  	_ =	swait.ge [sflag:s10], $0x1400  }
0x14: {  	[sflag:s10] =	ssyncset.done $0x0  }
0x15: {  	[sflag:s10] =	ssyncadd.s32 $0xFFFFEC00  }
0x16: {  	[tilespmem:s11], [sflag:$0x3] =	stream.linear.gather [hbm4b:s6+s3], $0x1400, $0x38;
	[tilespmem:$0x1E800] =	vst v63  }
0x17: {  	_ =	swait.ge [sflag:s10], $0x1400  }
0x18: {  	[sflag:s10] =	ssyncset.done $0x0  }
0x19: {  	[sflag:s10] =	ssyncadd.s32 $0xFFFFEC00  }
0x1a: {  	[spmem:s13], [sflag:s12] =	dma.local [hbm:s7], $0x2800  }
0x1b: {  	_ =	swait.ge [sflag:s10], $0x2800  }
0x1c: {  	[sflag:s10] =	ssyncset.done $0x0  }
0x1d: {  	[sflag:s10] =	ssyncadd.s32 $0xFFFFD800  }
0x1e: {  	[bflag:$0x0] =	sbarrier.arrive $0xFFFF  }
0x1f: {  	[tilespmem:s15], [sflag:$0x1] =	stream.indirect.gather [hbm4b:s4+s14], $0x80, s3, s14, $0xb8;
	[tilespmem:$0x1E800] =	vst v63  }
0x20: {  	s23 =	simm.s32 $0x80  }
0x21: {  	[tilespmem:s16], [sflag:$0x2] =	stream.indirect.gather [hbm4b:s4+s14], $0x80, s23, s14, $0xb8;
	[tilespmem:$0x1E800] =	vst v63  }
0x22: {  	_ =	swait.ge [sflag:s17], $0x4000  }
0x23: {  	[sflag:s17] =	ssyncset.done $0x0  }
0x24: {  	s29 =	simm.s32 $0x1400;
	[sflag:s17] =	ssyncadd.s32 $0xFFFFC000  }
0x25: {  	[spmem:s2] =	stream.indirect.scatter.add.f32 [tilespmem:s15], [sflag:$0x3], $0x80, s29, s14, $0xb8;
	[tilespmem:$0x1E800] =	vst v63  }
0x26: {  	_ =	swait.ge [sflag:s10], $0x4000  }
0x27: {  	[sflag:s10] =	ssyncset.done $0x0  }
0x28: {  	s30 =	simm.s32 $0x100;
	[sflag:s10] =	ssyncadd.s32 $0xFFFFC000  }
0x29: {  	[tilespmem:s15], [sflag:$0x1] =	stream.indirect.gather [hbm4b:s4+s14], $0x80, s30, s14, $0xb8;
	[tilespmem:$0x1E800] =	vst v63  }
0x2a: {  	_ =	swait.ge [sflag:s18], $0x4000  }
0x2b: {  	[sflag:s18] =	ssyncset.done $0x0  }
0x2c: {  	s31 =	simm.s32 $0x1480;
	[sflag:s18] =	ssyncadd.s32 $0xFFFFC000  }
0x2d: {  	[spmem:s2] =	stream.indirect.scatter.add.f32 [tilespmem:s16], [sflag:$0x3], $0x80, s31, s14, $0xb8;
	[tilespmem:$0x1E800] =	vst v63  }
0x2e: {  	_ =	swait.ge [sflag:s10], $0x4000  }
0x2f: {  	s24 =	simm.s32 $0x800;
	s23 =	simm.s32 $0x100;
	[sflag:s10] =	ssyncset.done $0x0  }
.LBB2_2:
0x30: {  	s25 =	sadd.s32 $0x80, s23  }
0x31: {  	[sflag:s10] =	ssyncadd.s32 $0xFFFFC000;
	s26 =	smov.u32 s24;
	s28 =	sadd.s32 $0x400, s24  }
0x32: {  	[tilespmem:s16], [sflag:$0x2] =	stream.indirect.gather [hbm4b:s4+s14], $0x80, s25, s14, $0xb8;
	[tilespmem:$0x1E800] =	vst v63  }
0x33: {  	p0 =	sne.s32 s24, $0x4800;
	_ =	swait.ge [sflag:s17], $0x4000  }
0x34: {  	[sflag:s17] =	ssyncset.done $0x0  }
0x35: {  	s24 =	sadd.s32 $0x1400, s23;
	[sflag:s17] =	ssyncadd.s32 $0xFFFFC000  }
0x36: {  	[spmem:s2] =	stream.indirect.scatter.add.f32 [tilespmem:s15], [sflag:$0x3], $0x80, s24, s14, $0xb8;
	[tilespmem:$0x1E800] =	vst v63  }
0x37: {  	_ =	swait.ge [sflag:s10], $0x4000  }
0x38: {  	[sflag:s10] =	ssyncset.done $0x0  }
0x39: {  	s24 =	sadd.s32 $0x100, s23;
	[sflag:s10] =	ssyncadd.s32 $0xFFFFC000  }
0x3a: {  	[tilespmem:s15], [sflag:$0x1] =	stream.indirect.gather [hbm4b:s4+s14], $0x80, s24, s14, $0xb8;
	[tilespmem:$0x1E800] =	vst v63  }
0x3b: {  	_ =	swait.ge [sflag:s18], $0x4000  }
.Ltmp0:
0x3c: {  	[sflag:s18] =	ssyncset.done $0x0;
	(pc) =	sbr.rel @p0 .LBB2_2-.Ltmp0, $4  }
0x3d: {  	s23 =	sadd.s32 $0x1480, s23;
	[sflag:s18] =	ssyncadd.s32 $0xFFFFC000  }
0x3e: {  	[spmem:s2] =	stream.indirect.scatter.add.f32 [tilespmem:s16], [sflag:$0x3], $0x80, s23, s14, $0xb8;
	[tilespmem:$0x1E800] =	vst v63  }
0x3f: {  	_ =	swait.ge [sflag:s10], $0x4000  }
0x40: {  	s24 =	smov.u32 s28;
	s23 =	sshra.s32 s26, $0x2;
	[sflag:s10] =	ssyncset.done $0x0  }
0x41: {  	s24 =	sadd.s32 $0x80, s23;
	[sflag:s10] =	ssyncadd.s32 $0xFFFFC000  }
0x42: {  	[tilespmem:s16], [sflag:$0x2] =	stream.indirect.gather [hbm4b:s4+s14], $0x80, s24, s14, $0xb8;
	[tilespmem:$0x1E800] =	vst v63  }
0x43: {  	_ =	swait.ge [sflag:s17], $0x4000  }
0x44: {  	[sflag:s17] =	ssyncset.done $0x0  }
0x45: {  	s29 =	sadd.s32 $0x1400, s23;
	[sflag:s17] =	ssyncadd.s32 $0xFFFFC000  }
0x46: {  	[spmem:s2] =	stream.indirect.scatter.add.f32 [tilespmem:s15], [sflag:$0x3], $0x80, s29, s14, $0xb8;
	[tilespmem:$0x1E800] =	vst v63  }
0x47: {  	_ =	swait.ge [sflag:s10], $0x4000  }
0x48: {  	[sflag:s10] =	ssyncset.done $0x0  }
0x49: {  	s30 =	sadd.s32 $0x100, s23;
	[sflag:s10] =	ssyncadd.s32 $0xFFFFC000  }
0x4a: {  	[tilespmem:s15], [sflag:$0x1] =	stream.indirect.gather [hbm4b:s4+s14], $0x80, s30, s14, $0xb8;
	[tilespmem:$0x1E800] =	vst v63  }
0x4b: {  	_ =	swait.ge [sflag:s18], $0x4000  }
0x4c: {  	[sflag:s18] =	ssyncset.done $0x0  }
0x4d: {  	s31 =	sadd.s32 $0x1480, s23;
	[sflag:s18] =	ssyncadd.s32 $0xFFFFC000  }
0x4e: {  	[spmem:s2] =	stream.indirect.scatter.add.f32 [tilespmem:s16], [sflag:$0x3], $0x80, s31, s14, $0xb8;
	[tilespmem:$0x1E800] =	vst v63  }
0x4f: {  	_ =	swait.ge [sflag:s10], $0x4000  }
0x50: {  	[sflag:s10] =	ssyncset.done $0x0  }
0x51: {  	[sflag:s10] =	ssyncadd.s32 $0xFFFFC000  }
0x52: {  	[tilespmem:s16], [sflag:$0x2] =	stream.indirect.gather [hbm4b:s4+s14], $0x80, s19, s14, $0xb8;
	[tilespmem:$0x1E800] =	vst v63  }
0x53: {  	_ =	swait.ge [sflag:s17], $0x4000  }
0x54: {  	[sflag:s17] =	ssyncset.done $0x0  }
0x55: {  	[sflag:s17] =	ssyncadd.s32 $0xFFFFC000  }
0x56: {  	[spmem:s2] =	stream.indirect.scatter.add.f32 [tilespmem:s15], [sflag:$0x3], $0x80, s20, s14, $0xb8;
	[tilespmem:$0x1E800] =	vst v63  }
0x57: {  	_ =	swait.ge [sflag:s10], $0x4000  }
0x58: {  	[sflag:s10] =	ssyncset.done $0x0  }
0x59: {  	[sflag:s10] =	ssyncadd.s32 $0xFFFFC000  }
0x5a: {  	_ =	swait.ge [sflag:s18], $0x4000  }
0x5b: {  	[sflag:s18] =	ssyncset.done $0x0  }
0x5c: {  	[sflag:s18] =	ssyncadd.s32 $0xFFFFC000  }
0x5d: {  	[spmem:s2] =	stream.indirect.scatter.add.f32 [tilespmem:s16], [sflag:$0x3], $0x80, s21, s14, $0xb8;
	[tilespmem:$0x1E800] =	vst v63  }
0x5e: {  	_ =	swait.ge [sflag:s10], $0x4000  }
0x5f: {  	s22 =	sadd.s32 $0x1, s22;
	[sflag:s10] =	ssyncset.done $0x0  }
0x60: {  	p0 =	sne.s32 s22, s9;
	[sflag:s10] =	ssyncadd.s32 $0xFFFFC000  }
.Ltmp1:
0x61: {  	[bflag:$0x0] =	sbarrier.arrive $0xFFFF;
	(pc) =	sbr.rel @p0 .LBB2_1-.Ltmp1, $4  }
0x62: {  	[hbm:s8], [sflag:s12] =	dma.local [spmem:s13], $0x2800  }
0x63: {  	_ =	swait.ge [sflag:s10], $0x2800  }
0x64: {  	[sflag:s10] =	ssyncset.done $0x0  }
0x65: {  	[sflag:s10] =	ssyncadd.s32 $0xFFFFD800  }
0x66: {  	_ =	sfence.sel $0x180000  }
0x67: {  	[bflag:$0x0] =	sbarrier.arrive $0xFFFF  }
0x68: {  	p0 =	sne.s32 s1, $0x0;
	_ =	strace $0x90000050  }
0x69: {  	s0 =	sadd.s32 @!p0 $0x100000, s0;
	[bflag:$0x2] =	sbarrier.arrive $0xFFFF  }
0x6a: {  	[sflag:s0] =	ssyncadd.tile.s32 @!p0 $0x1;
	_ =	shalt  }
.Lfunc_end2:
_tile_overlayer_lowered:
.L_overlay_start_2:
0x6b: {  	(tag) =	ssettag $0x2  }
0x6c: {  	s0 =	rddreg [dreg:$0x0];
	s2 =	stileid.u32  }
0x6d: {  	s1 =	rddreg [dreg:$0x1];
	p0 =	sne.s32 s2, $0x0  }
0x6e: {  	s3 =	rddreg [dreg:$0x2];
	[bflag:$0x3] =	sbarrier.arrive $0xFFFF;
	s2 =	simm.s32 @!p0 $0x1C03  }
0x6f: {  	[timem:s3], [sflag:s2] =	dma.local @!p0 [hbm:s0], s1  }
0x70: {  	s0 =	simm.s32 @!p0 $0x3  }
0x71: {  	_ =	swait.ge @!p0 [sflag:s0], s1  }
0x72: {  	s1 =	ssub.s32 @!p0 $0x0, s1;
	[sflag:s0] =	ssyncset.done @!p0 $0x0  }
0x73: {  	[sflag:s0] =	ssyncadd.s32 @!p0 s1  }
0x74: {  	[bflag:$0x3] =	sbarrier.arrive $0xFFFF  }
0x75: {  	_ =	shalt  }

</sc_bundles>
